<compile_context>
chip_gen: v7x
topology: tpu7x:2x2x1
jax: 0.10.2.dev20260603
libtpu: 0.0.44.dev20260713+nightly
codegen_flags: <defaults>
</compile_context>

<pallas_src>
import functools
import math

import jax
import jax.numpy as jnp
from jax import lax
from jax.experimental import pallas as pl
from jax.experimental.pallas import tpu as pltpu
from jax.experimental.pallas import tpu_sc as plsc

NI = 16384
NJ = 200
D = 32
N = NI * NJ
SCALE = math.sqrt(32.0)

_info = plsc.get_sparse_core_info()
NC = _info.num_cores
NS = _info.num_subcores
NW = NC * NS
L = _info.num_lanes

IB = 1024
HB = IB // 2
GATHER = 128
K = IB // GATHER
KH = K // 2
NBLK = NJ * (NI // IB)
PER_W = NBLK // NW
NPAIR = PER_W // 2
NIB = NI // IB

TROW = (KH + 1) * 8
TPITCH = 129

_mesh = plsc.VectorSubcoreMesh(core_axis_name="c", subcore_axis_name="s")


@functools.partial(
    pl.kernel,
    mesh=_mesh,
    out_type=jax.ShapeDtypeStruct((NJ, D // 8, (NI // 128) * 8, 128), jnp.float32),
    scratch_types=[
        pltpu.VMEM((K, GATHER), jnp.int32),
        pltpu.VMEM((K, GATHER), jnp.int32),
        pltpu.VMEM((IB, D), jnp.float32),
        pltpu.VMEM((IB, D), jnp.float32),
        pltpu.VMEM((4 * TROW, TPITCH), jnp.float32),
        pltpu.VMEM((4 * TROW, TPITCH), jnp.float32),
        pltpu.SemaphoreType.DMA,
        pltpu.SemaphoreType.DMA,
        pltpu.SemaphoreType.DMA,
        pltpu.SemaphoreType.DMA,
        pltpu.SemaphoreType.DMA,
        pltpu.SemaphoreType.DMA,
    ],
    compiler_params=pltpu.CompilerParams(
        use_tc_tiling_on_sc=False, needs_layout_passes=False
    ),
)
def _embed(
    xt_hbm, table_hbm, out_hbm,
    idx_a, idx_b, rows_a, rows_b, tb0, tb1,
    sem_a, sem_b, sem_o0, sem_o1, sem_ia, sem_ib,
):
    wid = lax.axis_index("s") * NC + lax.axis_index("c")
    base = wid * PER_W
    iota = lax.iota(jnp.int32, L)
    zero = iota * 0
    rowp0 = (iota // 8) * TROW + iota % 8
    rowp1 = rowp0 + 2 * TROW

    def idx_copy(b, idx_v, sem):
        j = b // NIB
        ib = b % NIB
        return pltpu.make_async_copy(
            xt_hbm.at[j, pl.ds(ib * K, K)], idx_v, sem
        )

    def gather_copies(idx_v, rows_v, sem):
        for g in range(K):
            yield pltpu.make_async_copy(
                table_hbm.at[idx_v.at[g]],
                rows_v.at[pl.ds(g * GATHER, GATHER)],
                sem,
            )

    def fire_gathers(idx_v, rows_v, sem):
        for c in gather_copies(idx_v, rows_v, sem):
            c.start()

    def wait_gathers(idx_v, rows_v, sem):
        for c in gather_copies(idx_v, rows_v, sem):
            c.wait()

    def xpose_half(rows_v, tb, h):
        for sub in range(KH):
            t0 = h * HB + sub * 128
            rv0 = rowp0 + sub * 8
            rv1 = rowp1 + sub * 8

            @plsc.parallel_loop(0, 128, 1, unroll=4)
            def _(il):
                ilv = zero + il
                t = t0 + il
                val0 = rows_v[t, pl.ds(0, L)] * SCALE
                val1 = rows_v[t, pl.ds(L, L)] * SCALE
                plsc.store_scatter(tb, [rv0, ilv], val0)
                plsc.store_scatter(tb, [rv1, ilv], val1)

    def out_copies(b, tb, h, sem):
        j = b // NIB
        ib = b % NIB
        for c4 in range(D // 8):
            yield pltpu.make_async_copy(
                tb.at[pl.ds(c4 * TROW, KH * 8), pl.ds(0, 128)],
                out_hbm.at[j, c4, pl.ds((ib * K + h * KH) * 8, KH * 8)],
                sem,
            )

    def fire_out(b, tb, h, sem):
        for c in out_copies(b, tb, h, sem):
            c.start()

    def wait_out(b, tb, h, sem):
        for c in out_copies(b, tb, h, sem):
            c.wait()

    def process(b, rows_v, first):
        @pl.when(jnp.logical_not(first))
        def _():
            wait_out(b, tb0, 0, sem_o0)

        xpose_half(rows_v, tb0, 0)
        fire_out(b, tb0, 0, sem_o0)

        @pl.when(jnp.logical_not(first))
        def _():
            wait_out(b, tb1, 1, sem_o1)

        xpose_half(rows_v, tb1, 1)
        fire_out(b, tb1, 1, sem_o1)

    idx_copy(base, idx_a, sem_ia).start()
    idx_copy(base, idx_a, sem_ia).wait()
    fire_gathers(idx_a, rows_a, sem_a)
    idx_copy(base + 1, idx_b, sem_ib).start()

    def pair_body(k, carry):
        b0 = base + 2 * k
        b1 = b0 + 1
        not_last = k + 1 < NPAIR

        idx_copy(b1, idx_b, sem_ib).wait()
        fire_gathers(idx_b, rows_b, sem_b)

        wait_gathers(idx_a, rows_a, sem_a)

        @pl.when(not_last)
        def _():
            idx_copy(b0 + 2, idx_a, sem_ia).start()

        process(b0, rows_a, k == 0)

        @pl.when(not_last)
        def _():
            idx_copy(b0 + 2, idx_a, sem_ia).wait()
            fire_gathers(idx_a, rows_a, sem_a)

        wait_gathers(idx_b, rows_b, sem_b)

        @pl.when(not_last)
        def _():
            idx_copy(b1 + 2, idx_b, sem_ib).start()

        process(b1, rows_b, False)
        return carry

    lax.fori_loop(0, NPAIR, pair_body, 0)
    wait_out(0, tb0, 0, sem_o0)
    wait_out(0, tb1, 1, sem_o1)


def kernel(x, table):
    xt = x.T.reshape(NJ, NI // 128, 128)
    o4 = _embed(xt, table)
    return (
        o4.reshape(NJ, D // 8, NI // 128, 8, 128)
        .transpose(2, 4, 0, 1, 3)
        .reshape(NI, NJ, D)
    )

# --- scband reference (transcript-rebuilt; emitter-appended) ---
"""Pipeline reference for scband-token-embeddding-29910152249428 (READ-ONLY COPY).

The authoritative reference and input builder live on the scoring server;
editing this copy changes nothing except your own understanding.
"""

import math
import jax, jax.numpy as jnp
import numpy as np

VOCAB = 1000000
EMBED_DIM = 32

def setup_inputs(seed: int = 0) -> dict:
    key = jax.random.key(seed)
    k1, k2 = jax.random.split(key)
    x = jax.random.randint(k1, (16384, 200), 0, VOCAB, dtype=jnp.int64 if jax.config.jax_enable_x64 else jnp.int32)
    table = jax.random.normal(k2, (VOCAB, EMBED_DIM), dtype=jnp.float32)
    return {"x": x, "table": table}

def reference(x, table):
    # Faithful translation: nn.Embedding lookup scaled by sqrt(embed_dim)
    emb = jnp.take(table, x, axis=0)
    return emb * math.sqrt(EMBED_DIM)

if __name__ == "__main__":
    import jax
    _d = setup_inputs()
    print(jax.jit(kernel)(*tuple(_d.values())))

</pallas_src>

<mosaic_0001>
#map = affine_map<(d0, d1) -> (0, 0, 0)>
#map1 = affine_map<(d0, d1) -> (0, 0)>
#map2 = affine_map<(d0, d1) -> (0, 0, 0, 0)>
module attributes {stable_mosaic.version = 14 : i64} {
  func.func @_embed(%arg0: i32, %arg1: i32, %arg2: memref<200x128x128xi32, #tpu.memory_space<hbm>>, %arg3: memref<1000000x32xf32, #tpu.memory_space<hbm>>, %arg4: memref<200x4x1024x128xf32, #tpu.memory_space<hbm>>, %arg5: memref<8x128xi32, #tpu.memory_space<vmem>>, %arg6: memref<8x128xi32, #tpu.memory_space<vmem>>, %arg7: memref<1024x32xf32, #tpu.memory_space<vmem>>, %arg8: memref<1024x32xf32, #tpu.memory_space<vmem>>, %arg9: memref<160x129xf32, #tpu.memory_space<vmem>>, %arg10: memref<160x129xf32, #tpu.memory_space<vmem>>, %arg11: memref<!tpu.dma_semaphore, #tpu.memory_space<semaphore_mem>>, %arg12: memref<!tpu.dma_semaphore, #tpu.memory_space<semaphore_mem>>, %arg13: memref<!tpu.dma_semaphore, #tpu.memory_space<semaphore_mem>>, %arg14: memref<!tpu.dma_semaphore, #tpu.memory_space<semaphore_mem>>, %arg15: memref<!tpu.dma_semaphore, #tpu.memory_space<semaphore_mem>>, %arg16: memref<!tpu.dma_semaphore, #tpu.memory_space<semaphore_mem>>) attributes {dimension_semantics = [#tpu.dimension_semantics<core_parallel>, #tpu.dimension_semantics<subcore_parallel>], iteration_bounds = array<i64: 2, 16>, scalar_prefetch = 0 : i64, scratch_operands = 12 : i64, tpu.core_type = #tpu.core_type<sc_vector_subcore>, window_params = [{transform_indices = #map}, {transform_indices = #map1}, {transform_indices = #map2}]} {
    %mul3A = arith.constant 2 : i32
    %mul3A_0 = arith.muli %arg1, %mul3A : i32
    %add3A = arith.addi %mul3A_0, %arg0 : i32
    %mul3A_1 = arith.constant 100 : i32
    %mul3A_2 = arith.muli %add3A, %mul3A_1 : i32
    %iota3A = tpu.iota {dimensions = array<i32: 0>} : vector<16xi32>
    %mul3A_3 = arith.constant 0 : i32
    %mul3A_4 = vector.broadcast %mul3A_3 : i32 to vector<16xi32>
    %mul3A_5 = arith.muli %iota3A, %mul3A_4 : vector<16xi32>
    %jit3A = arith.constant 8 : i32
    %div3A = vector.broadcast %jit3A : i32 to vector<16xi32>
    %div3A_6 = arith.divsi %iota3A, %div3A : vector<16xi32>
    %sign3A = arith.constant 0 : i32
    %sign3A_7 = vector.broadcast %sign3A : i32 to vector<16xi32>
    %sign3A_8 = arith.cmpi sgt, %iota3A, %sign3A_7 : vector<16xi32>
    %sign3A_9 = arith.extui %sign3A_8 : vector<16xi1> to vector<16xi32>
    %sign3A_10 = arith.constant 0 : i32
    %sign3A_11 = vector.broadcast %sign3A_10 : i32 to vector<16xi32>
    %sign3A_12 = arith.cmpi slt, %iota3A, %sign3A_11 : vector<16xi32>
    %sign3A_13 = arith.extui %sign3A_12 : vector<16xi1> to vector<16xi32>
    %sign3A_14 = arith.subi %sign3A_9, %sign3A_13 : vector<16xi32>
    %sign3A_15 = arith.constant 0 : i32
    %sign3A_16 = arith.cmpi sgt, %jit3A, %sign3A_15 : i32
    %sign3A_17 = arith.extui %sign3A_16 : i1 to i32
    %sign3A_18 = arith.constant 0 : i32
    %sign3A_19 = arith.cmpi slt, %jit3A, %sign3A_18 : i32
    %sign3A_20 = arith.extui %sign3A_19 : i1 to i32
    %sign3A_21 = arith.subi %sign3A_17, %sign3A_20 : i32
    %ne3A = vector.broadcast %sign3A_21 : i32 to vector<16xi32>
    %ne3A_22 = arith.cmpi ne, %sign3A_14, %ne3A : vector<16xi32>
    %rem3A = vector.broadcast %jit3A : i32 to vector<16xi32>
    %rem3A_23 = arith.remsi %iota3A, %rem3A : vector<16xi32>
    %ne3A_24 = arith.constant 0 : i32
    %ne3A_25 = vector.broadcast %ne3A_24 : i32 to vector<16xi32>
    %ne3A_26 = arith.cmpi ne, %rem3A_23, %ne3A_25 : vector<16xi32>
    %and3A = arith.andi %ne3A_22, %ne3A_26 : vector<16xi1>
    %sub3A = arith.constant 1 : i32
    %sub3A_27 = vector.broadcast %sub3A : i32 to vector<16xi32>
    %sub3A_28 = arith.subi %div3A_6, %sub3A_27 : vector<16xi32>
    %select_n3A = arith.select %and3A, %sub3A_28, %div3A_6 : vector<16xi1>, vector<16xi32>
    %mul3A_29 = arith.constant 40 : i32
    %mul3A_30 = vector.broadcast %mul3A_29 : i32 to vector<16xi32>
    %mul3A_31 = arith.muli %select_n3A, %mul3A_30 : vector<16xi32>
    %jit3A_32 = arith.constant 8 : i32
    %eq3A = arith.constant 0 : i32
    %eq3A_33 = arith.cmpi eq, %jit3A_32, %eq3A : i32
    %jit3A_34 = arith.constant 1 : i32
    %select_n3A_35 = arith.select %eq3A_33, %jit3A_34, %jit3A_32 : i32
    %rem3A_36 = vector.broadcast %select_n3A_35 : i32 to vector<16xi32>
    %rem3A_37 = arith.remsi %iota3A, %rem3A_36 : vector<16xi32>
    %ne3A_38 = arith.constant 0 : i32
    %ne3A_39 = vector.broadcast %ne3A_38 : i32 to vector<16xi32>
    %ne3A_40 = arith.cmpi ne, %rem3A_37, %ne3A_39 : vector<16xi32>
    %lt3A = arith.constant 0 : i32
    %lt3A_41 = vector.broadcast %lt3A : i32 to vector<16xi32>
    %lt3A_42 = arith.cmpi slt, %rem3A_37, %lt3A_41 : vector<16xi32>
    %lt3A_43 = arith.constant 0 : i32
    %lt3A_44 = arith.cmpi slt, %select_n3A_35, %lt3A_43 : i32
    %ne3A_45 = vector.broadcast %lt3A_44 : i1 to vector<16xi1>
    %ne3A_46 = vector.broadcast %ne3A_45 : vector<16xi1> to vector<16xi1>
    %ne3A_47 = arith.xori %lt3A_42, %ne3A_46 : vector<16xi1>
    %and3A_48 = arith.andi %ne3A_47, %ne3A_40 : vector<16xi1>
    %add3A_49 = vector.broadcast %select_n3A_35 : i32 to vector<16xi32>
    %add3A_50 = arith.addi %rem3A_37, %add3A_49 : vector<16xi32>
    %select_n3A_51 = arith.select %and3A_48, %add3A_50, %rem3A_37 : vector<16xi1>, vector<16xi32>
    %add3A_52 = arith.addi %mul3A_31, %select_n3A_51 : vector<16xi32>
    %add3A_53 = arith.constant 80 : i32
    %add3A_54 = vector.broadcast %add3A_53 : i32 to vector<16xi32>
    %add3A_55 = arith.addi %add3A_52, %add3A_54 : vector<16xi32>
    %jit3A_56 = arith.constant 16 : i32
    %div3A_57 = arith.divsi %mul3A_2, %jit3A_56 : i32
    %sign3A_58 = arith.constant 0 : i32
    %sign3A_59 = arith.cmpi sgt, %mul3A_2, %sign3A_58 : i32
    %sign3A_60 = arith.extui %sign3A_59 : i1 to i32
    %sign3A_61 = arith.constant 0 : i32
    %sign3A_62 = arith.cmpi slt, %mul3A_2, %sign3A_61 : i32
    %sign3A_63 = arith.extui %sign3A_62 : i1 to i32
    %sign3A_64 = arith.subi %sign3A_60, %sign3A_63 : i32
    %sign3A_65 = arith.constant 0 : i32
    %sign3A_66 = arith.cmpi sgt, %jit3A_56, %sign3A_65 : i32
    %sign3A_67 = arith.extui %sign3A_66 : i1 to i32
    %sign3A_68 = arith.constant 0 : i32
    %sign3A_69 = arith.cmpi slt, %jit3A_56, %sign3A_68 : i32
    %sign3A_70 = arith.extui %sign3A_69 : i1 to i32
    %sign3A_71 = arith.subi %sign3A_67, %sign3A_70 : i32
    %ne3A_72 = arith.cmpi ne, %sign3A_64, %sign3A_71 : i32
    %rem3A_73 = arith.remsi %mul3A_2, %jit3A_56 : i32
    %ne3A_74 = arith.constant 0 : i32
    %ne3A_75 = arith.cmpi ne, %rem3A_73, %ne3A_74 : i32
    %and3A_76 = arith.andi %ne3A_72, %ne3A_75 : i1
    %sub3A_77 = arith.constant 1 : i32
    %sub3A_78 = arith.subi %div3A_57, %sub3A_77 : i32
    %select_n3A_79 = arith.select %and3A_76, %sub3A_78, %div3A_57 : i32
    %jit3A_80 = arith.constant 16 : i32
    %eq3A_81 = arith.constant 0 : i32
    %eq3A_82 = arith.cmpi eq, %jit3A_80, %eq3A_81 : i32
    %jit3A_83 = arith.constant 1 : i32
    %select_n3A_84 = arith.select %eq3A_82, %jit3A_83, %jit3A_80 : i32
    %rem3A_85 = arith.remsi %mul3A_2, %select_n3A_84 : i32
    %ne3A_86 = arith.constant 0 : i32
    %ne3A_87 = arith.cmpi ne, %rem3A_85, %ne3A_86 : i32
    %lt3A_88 = arith.constant 0 : i32
    %lt3A_89 = arith.cmpi slt, %rem3A_85, %lt3A_88 : i32
    %lt3A_90 = arith.constant 0 : i32
    %lt3A_91 = arith.cmpi slt, %select_n3A_84, %lt3A_90 : i32
    %ne3A_92 = arith.xori %lt3A_89, %lt3A_91 : i1
    %and3A_93 = arith.andi %ne3A_92, %ne3A_87 : i1
    %add3A_94 = arith.addi %rem3A_85, %select_n3A_84 : i32
    %select_n3A_95 = arith.select %and3A_93, %add3A_94, %rem3A_85 : i32
    %mul3A_96 = arith.constant 8 : i32
    %mul3A_97 = arith.muli %select_n3A_95, %mul3A_96 : i32
    %dma_start3A = arith.constant 0 : i32
    %dma_start3A_98 = tpu.memref_slice %arg2[%select_n3A_79, %mul3A_97, %dma_start3A] : memref<200x128x128xi32, #tpu.memory_space<hbm>> -> memref<1x8x128xi32, #tpu.memory_space<hbm>>
    %dma_start3A_99 = tpu.memref_squeeze %dma_start3A_98 : memref<1x8x128xi32, #tpu.memory_space<hbm>> -> memref<8x128xi32, #tpu.memory_space<hbm>>
    %dma_start3A_100 = arith.constant 0 : i32
    %dma_start3A_101 = tpu.memref_slice %arg2[%select_n3A_79, %mul3A_97, %dma_start3A_100] : memref<200x128x128xi32, #tpu.memory_space<hbm>> -> memref<1x8x128xi32, #tpu.memory_space<hbm>>
    %dma_start3A_102 = tpu.memref_squeeze %dma_start3A_101 : memref<1x8x128xi32, #tpu.memory_space<hbm>> -> memref<8x128xi32, #tpu.memory_space<hbm>>
    tpu.enqueue_dma source(%dma_start3A_102 : memref<8x128xi32, #tpu.memory_space<hbm>>) target(%arg5 : memref<8x128xi32, #tpu.memory_space<vmem>>) target_semaphore(%arg15 : memref<!tpu.dma_semaphore, #tpu.memory_space<semaphore_mem>>)
    %jit3A_103 = arith.constant 16 : i32
    %div3A_104 = arith.divsi %mul3A_2, %jit3A_103 : i32
    %sign3A_105 = arith.constant 0 : i32
    %sign3A_106 = arith.cmpi sgt, %mul3A_2, %sign3A_105 : i32
    %sign3A_107 = arith.extui %sign3A_106 : i1 to i32
    %sign3A_108 = arith.constant 0 : i32
    %sign3A_109 = arith.cmpi slt, %mul3A_2, %sign3A_108 : i32
    %sign3A_110 = arith.extui %sign3A_109 : i1 to i32
    %sign3A_111 = arith.subi %sign3A_107, %sign3A_110 : i32
    %sign3A_112 = arith.constant 0 : i32
    %sign3A_113 = arith.cmpi sgt, %jit3A_103, %sign3A_112 : i32
    %sign3A_114 = arith.extui %sign3A_113 : i1 to i32
    %sign3A_115 = arith.constant 0 : i32
    %sign3A_116 = arith.cmpi slt, %jit3A_103, %sign3A_115 : i32
    %sign3A_117 = arith.extui %sign3A_116 : i1 to i32
    %sign3A_118 = arith.subi %sign3A_114, %sign3A_117 : i32
    %ne3A_119 = arith.cmpi ne, %sign3A_111, %sign3A_118 : i32
    %rem3A_120 = arith.remsi %mul3A_2, %jit3A_103 : i32
    %ne3A_121 = arith.constant 0 : i32
    %ne3A_122 = arith.cmpi ne, %rem3A_120, %ne3A_121 : i32
    %and3A_123 = arith.andi %ne3A_119, %ne3A_122 : i1
    %sub3A_124 = arith.constant 1 : i32
    %sub3A_125 = arith.subi %div3A_104, %sub3A_124 : i32
    %select_n3A_126 = arith.select %and3A_123, %sub3A_125, %div3A_104 : i32
    %jit3A_127 = arith.constant 16 : i32
    %eq3A_128 = arith.constant 0 : i32
    %eq3A_129 = arith.cmpi eq, %jit3A_127, %eq3A_128 : i32
    %jit3A_130 = arith.constant 1 : i32
    %select_n3A_131 = arith.select %eq3A_129, %jit3A_130, %jit3A_127 : i32
    %rem3A_132 = arith.remsi %mul3A_2, %select_n3A_131 : i32
    %ne3A_133 = arith.constant 0 : i32
    %ne3A_134 = arith.cmpi ne, %rem3A_132, %ne3A_133 : i32
    %lt3A_135 = arith.constant 0 : i32
    %lt3A_136 = arith.cmpi slt, %rem3A_132, %lt3A_135 : i32
    %lt3A_137 = arith.constant 0 : i32
    %lt3A_138 = arith.cmpi slt, %select_n3A_131, %lt3A_137 : i32
    %ne3A_139 = arith.xori %lt3A_136, %lt3A_138 : i1
    %and3A_140 = arith.andi %ne3A_139, %ne3A_134 : i1
    %add3A_141 = arith.addi %rem3A_132, %select_n3A_131 : i32
    %select_n3A_142 = arith.select %and3A_140, %add3A_141, %rem3A_132 : i32
    %mul3A_143 = arith.constant 8 : i32
    %mul3A_144 = arith.muli %select_n3A_142, %mul3A_143 : i32
    %dma_wait3A = arith.constant 0 : i32
    %dma_wait3A_145 = tpu.memref_slice %arg2[%select_n3A_126, %mul3A_144, %dma_wait3A] : memref<200x128x128xi32, #tpu.memory_space<hbm>> -> memref<1x8x128xi32, #tpu.memory_space<hbm>>
    %dma_wait3A_146 = tpu.memref_squeeze %dma_wait3A_145 : memref<1x8x128xi32, #tpu.memory_space<hbm>> -> memref<8x128xi32, #tpu.memory_space<hbm>>
    %dma_wait3A_147 = arith.constant 0 : i32
    %dma_wait3A_148 = tpu.memref_slice %arg2[%select_n3A_126, %mul3A_144, %dma_wait3A_147] : memref<200x128x128xi32, #tpu.memory_space<hbm>> -> memref<1x8x128xi32, #tpu.memory_space<hbm>>
    %dma_wait3A_149 = tpu.memref_squeeze %dma_wait3A_148 : memref<1x8x128xi32, #tpu.memory_space<hbm>> -> memref<8x128xi32, #tpu.memory_space<hbm>>
    tpu.wait_dma2 semaphore(%arg15 : memref<!tpu.dma_semaphore, #tpu.memory_space<semaphore_mem>>) src(%dma_wait3A_149 : memref<8x128xi32, #tpu.memory_space<hbm>>) dst(%arg5 : memref<8x128xi32, #tpu.memory_space<vmem>>)
    %dma_start3A_150 = arith.constant 0 : i32
    %dma_start3A_151 = arith.constant 0 : i32
    %dma_start3A_152 = arith.constant 0 : i32
    %dma_start3A_153 = tpu.memref_slice %arg7[%dma_start3A_151, %dma_start3A_152] : memref<1024x32xf32, #tpu.memory_space<vmem>> -> memref<128x32xf32, #tpu.memory_space<vmem>>
    %dma_start3A_154 = arith.constant 0 : i32
    %dma_start3A_155 = tpu.memref_slice %arg5[%dma_start3A_150, %dma_start3A_154] : memref<8x128xi32, #tpu.memory_space<vmem>> -> memref<1x128xi32, #tpu.memory_space<vmem>>
    %dma_start3A_156 = tpu.memref_squeeze %dma_start3A_155 : memref<1x128xi32, #tpu.memory_space<vmem>> -> memref<128xi32, #tpu.memory_space<vmem>>
    %dma_start3A_157 = arith.constant 0 : i32
    %dma_start3A_158 = arith.constant 0 : i32
    %dma_start3A_159 = tpu.memref_slice %arg3[%dma_start3A_157, %dma_start3A_158] : memref<1000000x32xf32, #tpu.memory_space<hbm>> -> memref<1000000x32xf32, #tpu.memory_space<hbm>>
    tpu.enqueue_indirect_dma source(%dma_start3A_159 : memref<1000000x32xf32, #tpu.memory_space<hbm>>) target(%dma_start3A_153 : memref<128x32xf32, #tpu.memory_space<vmem>>) offsets(%dma_start3A_156 : memref<128xi32, #tpu.memory_space<vmem>>) semaphore(%arg11 : memref<!tpu.dma_semaphore, #tpu.memory_space<semaphore_mem>>)
    %dma_start3A_160 = arith.constant 1 : i32
    %dma_start3A_161 = arith.constant 128 : i32
    %dma_start3A_162 = arith.constant 0 : i32
    %dma_start3A_163 = tpu.memref_slice %arg7[%dma_start3A_161, %dma_start3A_162] : memref<1024x32xf32, #tpu.memory_space<vmem>> -> memref<128x32xf32, #tpu.memory_space<vmem>>
    %dma_start3A_164 = arith.constant 0 : i32
    %dma_start3A_165 = tpu.memref_slice %arg5[%dma_start3A_160, %dma_start3A_164] : memref<8x128xi32, #tpu.memory_space<vmem>> -> memref<1x128xi32, #tpu.memory_space<vmem>>
    %dma_start3A_166 = tpu.memref_squeeze %dma_start3A_165 : memref<1x128xi32, #tpu.memory_space<vmem>> -> memref<128xi32, #tpu.memory_space<vmem>>
    %dma_start3A_167 = arith.constant 0 : i32
    %dma_start3A_168 = arith.constant 0 : i32
    %dma_start3A_169 = tpu.memref_slice %arg3[%dma_start3A_167, %dma_start3A_168] : memref<1000000x32xf32, #tpu.memory_space<hbm>> -> memref<1000000x32xf32, #tpu.memory_space<hbm>>
    tpu.enqueue_indirect_dma source(%dma_start3A_169 : memref<1000000x32xf32, #tpu.memory_space<hbm>>) target(%dma_start3A_163 : memref<128x32xf32, #tpu.memory_space<vmem>>) offsets(%dma_start3A_166 : memref<128xi32, #tpu.memory_space<vmem>>) semaphore(%arg11 : memref<!tpu.dma_semaphore, #tpu.memory_space<semaphore_mem>>)
    %dma_start3A_170 = arith.constant 2 : i32
    %dma_start3A_171 = arith.constant 256 : i32
    %dma_start3A_172 = arith.constant 0 : i32
    %dma_start3A_173 = tpu.memref_slice %arg7[%dma_start3A_171, %dma_start3A_172] : memref<1024x32xf32, #tpu.memory_space<vmem>> -> memref<128x32xf32, #tpu.memory_space<vmem>>
    %dma_start3A_174 = arith.constant 0 : i32
    %dma_start3A_175 = tpu.memref_slice %arg5[%dma_start3A_170, %dma_start3A_174] : memref<8x128xi32, #tpu.memory_space<vmem>> -> memref<1x128xi32, #tpu.memory_space<vmem>>
    %dma_start3A_176 = tpu.memref_squeeze %dma_start3A_175 : memref<1x128xi32, #tpu.memory_space<vmem>> -> memref<128xi32, #tpu.memory_space<vmem>>
    %dma_start3A_177 = arith.constant 0 : i32
    %dma_start3A_178 = arith.constant 0 : i32
    %dma_start3A_179 = tpu.memref_slice %arg3[%dma_start3A_177, %dma_start3A_178] : memref<1000000x32xf32, #tpu.memory_space<hbm>> -> memref<1000000x32xf32, #tpu.memory_space<hbm>>
    tpu.enqueue_indirect_dma source(%dma_start3A_179 : memref<1000000x32xf32, #tpu.memory_space<hbm>>) target(%dma_start3A_173 : memref<128x32xf32, #tpu.memory_space<vmem>>) offsets(%dma_start3A_176 : memref<128xi32, #tpu.memory_space<vmem>>) semaphore(%arg11 : memref<!tpu.dma_semaphore, #tpu.memory_space<semaphore_mem>>)
    %dma_start3A_180 = arith.constant 3 : i32
    %dma_start3A_181 = arith.constant 384 : i32
    %dma_start3A_182 = arith.constant 0 : i32
    %dma_start3A_183 = tpu.memref_slice %arg7[%dma_start3A_181, %dma_start3A_182] : memref<1024x32xf32, #tpu.memory_space<vmem>> -> memref<128x32xf32, #tpu.memory_space<vmem>>
    %dma_start3A_184 = arith.constant 0 : i32
    %dma_start3A_185 = tpu.memref_slice %arg5[%dma_start3A_180, %dma_start3A_184] : memref<8x128xi32, #tpu.memory_space<vmem>> -> memref<1x128xi32, #tpu.memory_space<vmem>>
    %dma_start3A_186 = tpu.memref_squeeze %dma_start3A_185 : memref<1x128xi32, #tpu.memory_space<vmem>> -> memref<128xi32, #tpu.memory_space<vmem>>
    %dma_start3A_187 = arith.constant 0 : i32
    %dma_start3A_188 = arith.constant 0 : i32
    %dma_start3A_189 = tpu.memref_slice %arg3[%dma_start3A_187, %dma_start3A_188] : memref<1000000x32xf32, #tpu.memory_space<hbm>> -> memref<1000000x32xf32, #tpu.memory_space<hbm>>
    tpu.enqueue_indirect_dma source(%dma_start3A_189 : memref<1000000x32xf32, #tpu.memory_space<hbm>>) target(%dma_start3A_183 : memref<128x32xf32, #tpu.memory_space<vmem>>) offsets(%dma_start3A_186 : memref<128xi32, #tpu.memory_space<vmem>>) semaphore(%arg11 : memref<!tpu.dma_semaphore, #tpu.memory_space<semaphore_mem>>)
    %dma_start3A_190 = arith.constant 4 : i32
    %dma_start3A_191 = arith.constant 512 : i32
    %dma_start3A_192 = arith.constant 0 : i32
    %dma_start3A_193 = tpu.memref_slice %arg7[%dma_start3A_191, %dma_start3A_192] : memref<1024x32xf32, #tpu.memory_space<vmem>> -> memref<128x32xf32, #tpu.memory_space<vmem>>
    %dma_start3A_194 = arith.constant 0 : i32
    %dma_start3A_195 = tpu.memref_slice %arg5[%dma_start3A_190, %dma_start3A_194] : memref<8x128xi32, #tpu.memory_space<vmem>> -> memref<1x128xi32, #tpu.memory_space<vmem>>
    %dma_start3A_196 = tpu.memref_squeeze %dma_start3A_195 : memref<1x128xi32, #tpu.memory_space<vmem>> -> memref<128xi32, #tpu.memory_space<vmem>>
    %dma_start3A_197 = arith.constant 0 : i32
    %dma_start3A_198 = arith.constant 0 : i32
    %dma_start3A_199 = tpu.memref_slice %arg3[%dma_start3A_197, %dma_start3A_198] : memref<1000000x32xf32, #tpu.memory_space<hbm>> -> memref<1000000x32xf32, #tpu.memory_space<hbm>>
    tpu.enqueue_indirect_dma source(%dma_start3A_199 : memref<1000000x32xf32, #tpu.memory_space<hbm>>) target(%dma_start3A_193 : memref<128x32xf32, #tpu.memory_space<vmem>>) offsets(%dma_start3A_196 : memref<128xi32, #tpu.memory_space<vmem>>) semaphore(%arg11 : memref<!tpu.dma_semaphore, #tpu.memory_space<semaphore_mem>>)
    %dma_start3A_200 = arith.constant 5 : i32
    %dma_start3A_201 = arith.constant 640 : i32
    %dma_start3A_202 = arith.constant 0 : i32
    %dma_start3A_203 = tpu.memref_slice %arg7[%dma_start3A_201, %dma_start3A_202] : memref<1024x32xf32, #tpu.memory_space<vmem>> -> memref<128x32xf32, #tpu.memory_space<vmem>>
    %dma_start3A_204 = arith.constant 0 : i32
    %dma_start3A_205 = tpu.memref_slice %arg5[%dma_start3A_200, %dma_start3A_204] : memref<8x128xi32, #tpu.memory_space<vmem>> -> memref<1x128xi32, #tpu.memory_space<vmem>>
    %dma_start3A_206 = tpu.memref_squeeze %dma_start3A_205 : memref<1x128xi32, #tpu.memory_space<vmem>> -> memref<128xi32, #tpu.memory_space<vmem>>
    %dma_start3A_207 = arith.constant 0 : i32
    %dma_start3A_208 = arith.constant 0 : i32
    %dma_start3A_209 = tpu.memref_slice %arg3[%dma_start3A_207, %dma_start3A_208] : memref<1000000x32xf32, #tpu.memory_space<hbm>> -> memref<1000000x32xf32, #tpu.memory_space<hbm>>
    tpu.enqueue_indirect_dma source(%dma_start3A_209 : memref<1000000x32xf32, #tpu.memory_space<hbm>>) target(%dma_start3A_203 : memref<128x32xf32, #tpu.memory_space<vmem>>) offsets(%dma_start3A_206 : memref<128xi32, #tpu.memory_space<vmem>>) semaphore(%arg11 : memref<!tpu.dma_semaphore, #tpu.memory_space<semaphore_mem>>)
    %dma_start3A_210 = arith.constant 6 : i32
    %dma_start3A_211 = arith.constant 768 : i32
    %dma_start3A_212 = arith.constant 0 : i32
    %dma_start3A_213 = tpu.memref_slice %arg7[%dma_start3A_211, %dma_start3A_212] : memref<1024x32xf32, #tpu.memory_space<vmem>> -> memref<128x32xf32, #tpu.memory_space<vmem>>
    %dma_start3A_214 = arith.constant 0 : i32
    %dma_start3A_215 = tpu.memref_slice %arg5[%dma_start3A_210, %dma_start3A_214] : memref<8x128xi32, #tpu.memory_space<vmem>> -> memref<1x128xi32, #tpu.memory_space<vmem>>
    %dma_start3A_216 = tpu.memref_squeeze %dma_start3A_215 : memref<1x128xi32, #tpu.memory_space<vmem>> -> memref<128xi32, #tpu.memory_space<vmem>>
    %dma_start3A_217 = arith.constant 0 : i32
    %dma_start3A_218 = arith.constant 0 : i32
    %dma_start3A_219 = tpu.memref_slice %arg3[%dma_start3A_217, %dma_start3A_218] : memref<1000000x32xf32, #tpu.memory_space<hbm>> -> memref<1000000x32xf32, #tpu.memory_space<hbm>>
    tpu.enqueue_indirect_dma source(%dma_start3A_219 : memref<1000000x32xf32, #tpu.memory_space<hbm>>) target(%dma_start3A_213 : memref<128x32xf32, #tpu.memory_space<vmem>>) offsets(%dma_start3A_216 : memref<128xi32, #tpu.memory_space<vmem>>) semaphore(%arg11 : memref<!tpu.dma_semaphore, #tpu.memory_space<semaphore_mem>>)
    %dma_start3A_220 = arith.constant 7 : i32
    %dma_start3A_221 = arith.constant 896 : i32
    %dma_start3A_222 = arith.constant 0 : i32
    %dma_start3A_223 = tpu.memref_slice %arg7[%dma_start3A_221, %dma_start3A_222] : memref<1024x32xf32, #tpu.memory_space<vmem>> -> memref<128x32xf32, #tpu.memory_space<vmem>>
    %dma_start3A_224 = arith.constant 0 : i32
    %dma_start3A_225 = tpu.memref_slice %arg5[%dma_start3A_220, %dma_start3A_224] : memref<8x128xi32, #tpu.memory_space<vmem>> -> memref<1x128xi32, #tpu.memory_space<vmem>>
    %dma_start3A_226 = tpu.memref_squeeze %dma_start3A_225 : memref<1x128xi32, #tpu.memory_space<vmem>> -> memref<128xi32, #tpu.memory_space<vmem>>
    %dma_start3A_227 = arith.constant 0 : i32
    %dma_start3A_228 = arith.constant 0 : i32
    %dma_start3A_229 = tpu.memref_slice %arg3[%dma_start3A_227, %dma_start3A_228] : memref<1000000x32xf32, #tpu.memory_space<hbm>> -> memref<1000000x32xf32, #tpu.memory_space<hbm>>
    tpu.enqueue_indirect_dma source(%dma_start3A_229 : memref<1000000x32xf32, #tpu.memory_space<hbm>>) target(%dma_start3A_223 : memref<128x32xf32, #tpu.memory_space<vmem>>) offsets(%dma_start3A_226 : memref<128xi32, #tpu.memory_space<vmem>>) semaphore(%arg11 : memref<!tpu.dma_semaphore, #tpu.memory_space<semaphore_mem>>)
    %add3A_230 = arith.constant 1 : i32
    %add3A_231 = arith.addi %mul3A_2, %add3A_230 : i32
    %jit3A_232 = arith.constant 16 : i32
    %div3A_233 = arith.divsi %add3A_231, %jit3A_232 : i32
    %sign3A_234 = arith.constant 0 : i32
    %sign3A_235 = arith.cmpi sgt, %add3A_231, %sign3A_234 : i32
    %sign3A_236 = arith.extui %sign3A_235 : i1 to i32
    %sign3A_237 = arith.constant 0 : i32
    %sign3A_238 = arith.cmpi slt, %add3A_231, %sign3A_237 : i32
    %sign3A_239 = arith.extui %sign3A_238 : i1 to i32
    %sign3A_240 = arith.subi %sign3A_236, %sign3A_239 : i32
    %sign3A_241 = arith.constant 0 : i32
    %sign3A_242 = arith.cmpi sgt, %jit3A_232, %sign3A_241 : i32
    %sign3A_243 = arith.extui %sign3A_242 : i1 to i32
    %sign3A_244 = arith.constant 0 : i32
    %sign3A_245 = arith.cmpi slt, %jit3A_232, %sign3A_244 : i32
    %sign3A_246 = arith.extui %sign3A_245 : i1 to i32
    %sign3A_247 = arith.subi %sign3A_243, %sign3A_246 : i32
    %ne3A_248 = arith.cmpi ne, %sign3A_240, %sign3A_247 : i32
    %rem3A_249 = arith.remsi %add3A_231, %jit3A_232 : i32
    %ne3A_250 = arith.constant 0 : i32
    %ne3A_251 = arith.cmpi ne, %rem3A_249, %ne3A_250 : i32
    %and3A_252 = arith.andi %ne3A_248, %ne3A_251 : i1
    %sub3A_253 = arith.constant 1 : i32
    %sub3A_254 = arith.subi %div3A_233, %sub3A_253 : i32
    %select_n3A_255 = arith.select %and3A_252, %sub3A_254, %div3A_233 : i32
    %jit3A_256 = arith.constant 16 : i32
    %eq3A_257 = arith.constant 0 : i32
    %eq3A_258 = arith.cmpi eq, %jit3A_256, %eq3A_257 : i32
    %jit3A_259 = arith.constant 1 : i32
    %select_n3A_260 = arith.select %eq3A_258, %jit3A_259, %jit3A_256 : i32
    %rem3A_261 = arith.remsi %add3A_231, %select_n3A_260 : i32
    %ne3A_262 = arith.constant 0 : i32
    %ne3A_263 = arith.cmpi ne, %rem3A_261, %ne3A_262 : i32
    %lt3A_264 = arith.constant 0 : i32
    %lt3A_265 = arith.cmpi slt, %rem3A_261, %lt3A_264 : i32
    %lt3A_266 = arith.constant 0 : i32
    %lt3A_267 = arith.cmpi slt, %select_n3A_260, %lt3A_266 : i32
    %ne3A_268 = arith.xori %lt3A_265, %lt3A_267 : i1
    %and3A_269 = arith.andi %ne3A_268, %ne3A_263 : i1
    %add3A_270 = arith.addi %rem3A_261, %select_n3A_260 : i32
    %select_n3A_271 = arith.select %and3A_269, %add3A_270, %rem3A_261 : i32
    %mul3A_272 = arith.constant 8 : i32
    %mul3A_273 = arith.muli %select_n3A_271, %mul3A_272 : i32
    %dma_start3A_274 = arith.constant 0 : i32
    %dma_start3A_275 = tpu.memref_slice %arg2[%select_n3A_255, %mul3A_273, %dma_start3A_274] : memref<200x128x128xi32, #tpu.memory_space<hbm>> -> memref<1x8x128xi32, #tpu.memory_space<hbm>>
    %dma_start3A_276 = tpu.memref_squeeze %dma_start3A_275 : memref<1x8x128xi32, #tpu.memory_space<hbm>> -> memref<8x128xi32, #tpu.memory_space<hbm>>
    %dma_start3A_277 = arith.constant 0 : i32
    %dma_start3A_278 = tpu.memref_slice %arg2[%select_n3A_255, %mul3A_273, %dma_start3A_277] : memref<200x128x128xi32, #tpu.memory_space<hbm>> -> memref<1x8x128xi32, #tpu.memory_space<hbm>>
    %dma_start3A_279 = tpu.memref_squeeze %dma_start3A_278 : memref<1x8x128xi32, #tpu.memory_space<hbm>> -> memref<8x128xi32, #tpu.memory_space<hbm>>
    tpu.enqueue_dma source(%dma_start3A_279 : memref<8x128xi32, #tpu.memory_space<hbm>>) target(%arg6 : memref<8x128xi32, #tpu.memory_space<vmem>>) target_semaphore(%arg16 : memref<!tpu.dma_semaphore, #tpu.memory_space<semaphore_mem>>)
    %scan3A = arith.constant 0 : i32
    %scan3A_280 = arith.constant 0 : i32
    %scan3A_281 = arith.constant 50 : i32
    %scan3A_282 = arith.addi %scan3A_280, %scan3A_281 : i32
    %scan3A_283 = arith.constant 1 : i32
    scf.for %scan3A_413 = %scan3A_280 to %scan3A_282 step %scan3A_283  : i32 {
      %mul3A_414 = arith.constant 2 : i32
      %mul3A_415 = arith.muli %mul3A_414, %scan3A_413 : i32
      %add3A_416 = arith.addi %mul3A_2, %mul3A_415 : i32
      %add3A_417 = arith.constant 1 : i32
      %add3A_418 = arith.addi %add3A_416, %add3A_417 : i32
      %add3A_419 = arith.constant 1 : i32
      %add3A_420 = arith.addi %scan3A_413, %add3A_419 : i32
      %lt3A_421 = arith.constant 50 : i32
      %lt3A_422 = arith.cmpi slt, %add3A_420, %lt3A_421 : i32
      %jit3A_423 = arith.constant 16 : i32
      %div3A_424 = arith.divsi %add3A_418, %jit3A_423 : i32
      %sign3A_425 = arith.constant 0 : i32
      %sign3A_426 = arith.cmpi sgt, %add3A_418, %sign3A_425 : i32
      %sign3A_427 = arith.extui %sign3A_426 : i1 to i32
      %sign3A_428 = arith.constant 0 : i32
      %sign3A_429 = arith.cmpi slt, %add3A_418, %sign3A_428 : i32
      %sign3A_430 = arith.extui %sign3A_429 : i1 to i32
      %sign3A_431 = arith.subi %sign3A_427, %sign3A_430 : i32
      %sign3A_432 = arith.constant 0 : i32
      %sign3A_433 = arith.cmpi sgt, %jit3A_423, %sign3A_432 : i32
      %sign3A_434 = arith.extui %sign3A_433 : i1 to i32
      %sign3A_435 = arith.constant 0 : i32
      %sign3A_436 = arith.cmpi slt, %jit3A_423, %sign3A_435 : i32
      %sign3A_437 = arith.extui %sign3A_436 : i1 to i32
      %sign3A_438 = arith.subi %sign3A_434, %sign3A_437 : i32
      %ne3A_439 = arith.cmpi ne, %sign3A_431, %sign3A_438 : i32
      %rem3A_440 = arith.remsi %add3A_418, %jit3A_423 : i32
      %ne3A_441 = arith.constant 0 : i32
      %ne3A_442 = arith.cmpi ne, %rem3A_440, %ne3A_441 : i32
      %and3A_443 = arith.andi %ne3A_439, %ne3A_442 : i1
      %sub3A_444 = arith.constant 1 : i32
      %sub3A_445 = arith.subi %div3A_424, %sub3A_444 : i32
      %select_n3A_446 = arith.select %and3A_443, %sub3A_445, %div3A_424 : i32
      %jit3A_447 = arith.constant 16 : i32
      %eq3A_448 = arith.constant 0 : i32
      %eq3A_449 = arith.cmpi eq, %jit3A_447, %eq3A_448 : i32
      %jit3A_450 = arith.constant 1 : i32
      %select_n3A_451 = arith.select %eq3A_449, %jit3A_450, %jit3A_447 : i32
      %rem3A_452 = arith.remsi %add3A_418, %select_n3A_451 : i32
      %ne3A_453 = arith.constant 0 : i32
      %ne3A_454 = arith.cmpi ne, %rem3A_452, %ne3A_453 : i32
      %lt3A_455 = arith.constant 0 : i32
      %lt3A_456 = arith.cmpi slt, %rem3A_452, %lt3A_455 : i32
      %lt3A_457 = arith.constant 0 : i32
      %lt3A_458 = arith.cmpi slt, %select_n3A_451, %lt3A_457 : i32
      %ne3A_459 = arith.xori %lt3A_456, %lt3A_458 : i1
      %and3A_460 = arith.andi %ne3A_459, %ne3A_454 : i1
      %add3A_461 = arith.addi %rem3A_452, %select_n3A_451 : i32
      %select_n3A_462 = arith.select %and3A_460, %add3A_461, %rem3A_452 : i32
      %mul3A_463 = arith.constant 8 : i32
      %mul3A_464 = arith.muli %select_n3A_462, %mul3A_463 : i32
      %dma_wait3A_465 = arith.constant 0 : i32
      %dma_wait3A_466 = tpu.memref_slice %arg2[%select_n3A_446, %mul3A_464, %dma_wait3A_465] : memref<200x128x128xi32, #tpu.memory_space<hbm>> -> memref<1x8x128xi32, #tpu.memory_space<hbm>>
      %dma_wait3A_467 = tpu.memref_squeeze %dma_wait3A_466 : memref<1x8x128xi32, #tpu.memory_space<hbm>> -> memref<8x128xi32, #tpu.memory_space<hbm>>
      %dma_wait3A_468 = arith.constant 0 : i32
      %dma_wait3A_469 = tpu.memref_slice %arg2[%select_n3A_446, %mul3A_464, %dma_wait3A_468] : memref<200x128x128xi32, #tpu.memory_space<hbm>> -> memref<1x8x128xi32, #tpu.memory_space<hbm>>
      %dma_wait3A_470 = tpu.memref_squeeze %dma_wait3A_469 : memref<1x8x128xi32, #tpu.memory_space<hbm>> -> memref<8x128xi32, #tpu.memory_space<hbm>>
      tpu.wait_dma2 semaphore(%arg16 : memref<!tpu.dma_semaphore, #tpu.memory_space<semaphore_mem>>) src(%dma_wait3A_470 : memref<8x128xi32, #tpu.memory_space<hbm>>) dst(%arg6 : memref<8x128xi32, #tpu.memory_space<vmem>>)
      %dma_start3A_471 = arith.constant 0 : i32
      %dma_start3A_472 = arith.constant 0 : i32
      %dma_start3A_473 = arith.constant 0 : i32
      %dma_start3A_474 = tpu.memref_slice %arg8[%dma_start3A_472, %dma_start3A_473] : memref<1024x32xf32, #tpu.memory_space<vmem>> -> memref<128x32xf32, #tpu.memory_space<vmem>>
      %dma_start3A_475 = arith.constant 0 : i32
      %dma_start3A_476 = tpu.memref_slice %arg6[%dma_start3A_471, %dma_start3A_475] : memref<8x128xi32, #tpu.memory_space<vmem>> -> memref<1x128xi32, #tpu.memory_space<vmem>>
      %dma_start3A_477 = tpu.memref_squeeze %dma_start3A_476 : memref<1x128xi32, #tpu.memory_space<vmem>> -> memref<128xi32, #tpu.memory_space<vmem>>
      %dma_start3A_478 = arith.constant 0 : i32
      %dma_start3A_479 = arith.constant 0 : i32
      %dma_start3A_480 = tpu.memref_slice %arg3[%dma_start3A_478, %dma_start3A_479] : memref<1000000x32xf32, #tpu.memory_space<hbm>> -> memref<1000000x32xf32, #tpu.memory_space<hbm>>
      tpu.enqueue_indirect_dma source(%dma_start3A_480 : memref<1000000x32xf32, #tpu.memory_space<hbm>>) target(%dma_start3A_474 : memref<128x32xf32, #tpu.memory_space<vmem>>) offsets(%dma_start3A_477 : memref<128xi32, #tpu.memory_space<vmem>>) semaphore(%arg12 : memref<!tpu.dma_semaphore, #tpu.memory_space<semaphore_mem>>)
      %dma_start3A_481 = arith.constant 1 : i32
      %dma_start3A_482 = arith.constant 128 : i32
      %dma_start3A_483 = arith.constant 0 : i32
      %dma_start3A_484 = tpu.memref_slice %arg8[%dma_start3A_482, %dma_start3A_483] : memref<1024x32xf32, #tpu.memory_space<vmem>> -> memref<128x32xf32, #tpu.memory_space<vmem>>
      %dma_start3A_485 = arith.constant 0 : i32
      %dma_start3A_486 = tpu.memref_slice %arg6[%dma_start3A_481, %dma_start3A_485] : memref<8x128xi32, #tpu.memory_space<vmem>> -> memref<1x128xi32, #tpu.memory_space<vmem>>
      %dma_start3A_487 = tpu.memref_squeeze %dma_start3A_486 : memref<1x128xi32, #tpu.memory_space<vmem>> -> memref<128xi32, #tpu.memory_space<vmem>>
      %dma_start3A_488 = arith.constant 0 : i32
      %dma_start3A_489 = arith.constant 0 : i32
      %dma_start3A_490 = tpu.memref_slice %arg3[%dma_start3A_488, %dma_start3A_489] : memref<1000000x32xf32, #tpu.memory_space<hbm>> -> memref<1000000x32xf32, #tpu.memory_space<hbm>>
      tpu.enqueue_indirect_dma source(%dma_start3A_490 : memref<1000000x32xf32, #tpu.memory_space<hbm>>) target(%dma_start3A_484 : memref<128x32xf32, #tpu.memory_space<vmem>>) offsets(%dma_start3A_487 : memref<128xi32, #tpu.memory_space<vmem>>) semaphore(%arg12 : memref<!tpu.dma_semaphore, #tpu.memory_space<semaphore_mem>>)
      %dma_start3A_491 = arith.constant 2 : i32
      %dma_start3A_492 = arith.constant 256 : i32
      %dma_start3A_493 = arith.constant 0 : i32
      %dma_start3A_494 = tpu.memref_slice %arg8[%dma_start3A_492, %dma_start3A_493] : memref<1024x32xf32, #tpu.memory_space<vmem>> -> memref<128x32xf32, #tpu.memory_space<vmem>>
      %dma_start3A_495 = arith.constant 0 : i32
      %dma_start3A_496 = tpu.memref_slice %arg6[%dma_start3A_491, %dma_start3A_495] : memref<8x128xi32, #tpu.memory_space<vmem>> -> memref<1x128xi32, #tpu.memory_space<vmem>>
      %dma_start3A_497 = tpu.memref_squeeze %dma_start3A_496 : memref<1x128xi32, #tpu.memory_space<vmem>> -> memref<128xi32, #tpu.memory_space<vmem>>
      %dma_start3A_498 = arith.constant 0 : i32
      %dma_start3A_499 = arith.constant 0 : i32
      %dma_start3A_500 = tpu.memref_slice %arg3[%dma_start3A_498, %dma_start3A_499] : memref<1000000x32xf32, #tpu.memory_space<hbm>> -> memref<1000000x32xf32, #tpu.memory_space<hbm>>
      tpu.enqueue_indirect_dma source(%dma_start3A_500 : memref<1000000x32xf32, #tpu.memory_space<hbm>>) target(%dma_start3A_494 : memref<128x32xf32, #tpu.memory_space<vmem>>) offsets(%dma_start3A_497 : memref<128xi32, #tpu.memory_space<vmem>>) semaphore(%arg12 : memref<!tpu.dma_semaphore, #tpu.memory_space<semaphore_mem>>)
      %dma_start3A_501 = arith.constant 3 : i32
      %dma_start3A_502 = arith.constant 384 : i32
      %dma_start3A_503 = arith.constant 0 : i32
      %dma_start3A_504 = tpu.memref_slice %arg8[%dma_start3A_502, %dma_start3A_503] : memref<1024x32xf32, #tpu.memory_space<vmem>> -> memref<128x32xf32, #tpu.memory_space<vmem>>
      %dma_start3A_505 = arith.constant 0 : i32
      %dma_start3A_506 = tpu.memref_slice %arg6[%dma_start3A_501, %dma_start3A_505] : memref<8x128xi32, #tpu.memory_space<vmem>> -> memref<1x128xi32, #tpu.memory_space<vmem>>
      %dma_start3A_507 = tpu.memref_squeeze %dma_start3A_506 : memref<1x128xi32, #tpu.memory_space<vmem>> -> memref<128xi32, #tpu.memory_space<vmem>>
      %dma_start3A_508 = arith.constant 0 : i32
      %dma_start3A_509 = arith.constant 0 : i32
      %dma_start3A_510 = tpu.memref_slice %arg3[%dma_start3A_508, %dma_start3A_509] : memref<1000000x32xf32, #tpu.memory_space<hbm>> -> memref<1000000x32xf32, #tpu.memory_space<hbm>>
      tpu.enqueue_indirect_dma source(%dma_start3A_510 : memref<1000000x32xf32, #tpu.memory_space<hbm>>) target(%dma_start3A_504 : memref<128x32xf32, #tpu.memory_space<vmem>>) offsets(%dma_start3A_507 : memref<128xi32, #tpu.memory_space<vmem>>) semaphore(%arg12 : memref<!tpu.dma_semaphore, #tpu.memory_space<semaphore_mem>>)
      %dma_start3A_511 = arith.constant 4 : i32
      %dma_start3A_512 = arith.constant 512 : i32
      %dma_start3A_513 = arith.constant 0 : i32
      %dma_start3A_514 = tpu.memref_slice %arg8[%dma_start3A_512, %dma_start3A_513] : memref<1024x32xf32, #tpu.memory_space<vmem>> -> memref<128x32xf32, #tpu.memory_space<vmem>>
      %dma_start3A_515 = arith.constant 0 : i32
      %dma_start3A_516 = tpu.memref_slice %arg6[%dma_start3A_511, %dma_start3A_515] : memref<8x128xi32, #tpu.memory_space<vmem>> -> memref<1x128xi32, #tpu.memory_space<vmem>>
      %dma_start3A_517 = tpu.memref_squeeze %dma_start3A_516 : memref<1x128xi32, #tpu.memory_space<vmem>> -> memref<128xi32, #tpu.memory_space<vmem>>
      %dma_start3A_518 = arith.constant 0 : i32
      %dma_start3A_519 = arith.constant 0 : i32
      %dma_start3A_520 = tpu.memref_slice %arg3[%dma_start3A_518, %dma_start3A_519] : memref<1000000x32xf32, #tpu.memory_space<hbm>> -> memref<1000000x32xf32, #tpu.memory_space<hbm>>
      tpu.enqueue_indirect_dma source(%dma_start3A_520 : memref<1000000x32xf32, #tpu.memory_space<hbm>>) target(%dma_start3A_514 : memref<128x32xf32, #tpu.memory_space<vmem>>) offsets(%dma_start3A_517 : memref<128xi32, #tpu.memory_space<vmem>>) semaphore(%arg12 : memref<!tpu.dma_semaphore, #tpu.memory_space<semaphore_mem>>)
      %dma_start3A_521 = arith.constant 5 : i32
      %dma_start3A_522 = arith.constant 640 : i32
      %dma_start3A_523 = arith.constant 0 : i32
      %dma_start3A_524 = tpu.memref_slice %arg8[%dma_start3A_522, %dma_start3A_523] : memref<1024x32xf32, #tpu.memory_space<vmem>> -> memref<128x32xf32, #tpu.memory_space<vmem>>
      %dma_start3A_525 = arith.constant 0 : i32
      %dma_start3A_526 = tpu.memref_slice %arg6[%dma_start3A_521, %dma_start3A_525] : memref<8x128xi32, #tpu.memory_space<vmem>> -> memref<1x128xi32, #tpu.memory_space<vmem>>
      %dma_start3A_527 = tpu.memref_squeeze %dma_start3A_526 : memref<1x128xi32, #tpu.memory_space<vmem>> -> memref<128xi32, #tpu.memory_space<vmem>>
      %dma_start3A_528 = arith.constant 0 : i32
      %dma_start3A_529 = arith.constant 0 : i32
      %dma_start3A_530 = tpu.memref_slice %arg3[%dma_start3A_528, %dma_start3A_529] : memref<1000000x32xf32, #tpu.memory_space<hbm>> -> memref<1000000x32xf32, #tpu.memory_space<hbm>>
      tpu.enqueue_indirect_dma source(%dma_start3A_530 : memref<1000000x32xf32, #tpu.memory_space<hbm>>) target(%dma_start3A_524 : memref<128x32xf32, #tpu.memory_space<vmem>>) offsets(%dma_start3A_527 : memref<128xi32, #tpu.memory_space<vmem>>) semaphore(%arg12 : memref<!tpu.dma_semaphore, #tpu.memory_space<semaphore_mem>>)
      %dma_start3A_531 = arith.constant 6 : i32
      %dma_start3A_532 = arith.constant 768 : i32
      %dma_start3A_533 = arith.constant 0 : i32
      %dma_start3A_534 = tpu.memref_slice %arg8[%dma_start3A_532, %dma_start3A_533] : memref<1024x32xf32, #tpu.memory_space<vmem>> -> memref<128x32xf32, #tpu.memory_space<vmem>>
      %dma_start3A_535 = arith.constant 0 : i32
      %dma_start3A_536 = tpu.memref_slice %arg6[%dma_start3A_531, %dma_start3A_535] : memref<8x128xi32, #tpu.memory_space<vmem>> -> memref<1x128xi32, #tpu.memory_space<vmem>>
      %dma_start3A_537 = tpu.memref_squeeze %dma_start3A_536 : memref<1x128xi32, #tpu.memory_space<vmem>> -> memref<128xi32, #tpu.memory_space<vmem>>
      %dma_start3A_538 = arith.constant 0 : i32
      %dma_start3A_539 = arith.constant 0 : i32
      %dma_start3A_540 = tpu.memref_slice %arg3[%dma_start3A_538, %dma_start3A_539] : memref<1000000x32xf32, #tpu.memory_space<hbm>> -> memref<1000000x32xf32, #tpu.memory_space<hbm>>
      tpu.enqueue_indirect_dma source(%dma_start3A_540 : memref<1000000x32xf32, #tpu.memory_space<hbm>>) target(%dma_start3A_534 : memref<128x32xf32, #tpu.memory_space<vmem>>) offsets(%dma_start3A_537 : memref<128xi32, #tpu.memory_space<vmem>>) semaphore(%arg12 : memref<!tpu.dma_semaphore, #tpu.memory_space<semaphore_mem>>)
      %dma_start3A_541 = arith.constant 7 : i32
      %dma_start3A_542 = arith.constant 896 : i32
      %dma_start3A_543 = arith.constant 0 : i32
      %dma_start3A_544 = tpu.memref_slice %arg8[%dma_start3A_542, %dma_start3A_543] : memref<1024x32xf32, #tpu.memory_space<vmem>> -> memref<128x32xf32, #tpu.memory_space<vmem>>
      %dma_start3A_545 = arith.constant 0 : i32
      %dma_start3A_546 = tpu.memref_slice %arg6[%dma_start3A_541, %dma_start3A_545] : memref<8x128xi32, #tpu.memory_space<vmem>> -> memref<1x128xi32, #tpu.memory_space<vmem>>
      %dma_start3A_547 = tpu.memref_squeeze %dma_start3A_546 : memref<1x128xi32, #tpu.memory_space<vmem>> -> memref<128xi32, #tpu.memory_space<vmem>>
      %dma_start3A_548 = arith.constant 0 : i32
      %dma_start3A_549 = arith.constant 0 : i32
      %dma_start3A_550 = tpu.memref_slice %arg3[%dma_start3A_548, %dma_start3A_549] : memref<1000000x32xf32, #tpu.memory_space<hbm>> -> memref<1000000x32xf32, #tpu.memory_space<hbm>>
      tpu.enqueue_indirect_dma source(%dma_start3A_550 : memref<1000000x32xf32, #tpu.memory_space<hbm>>) target(%dma_start3A_544 : memref<128x32xf32, #tpu.memory_space<vmem>>) offsets(%dma_start3A_547 : memref<128xi32, #tpu.memory_space<vmem>>) semaphore(%arg12 : memref<!tpu.dma_semaphore, #tpu.memory_space<semaphore_mem>>)
      %dma_wait3A_551 = arith.constant 0 : i32
      %dma_wait3A_552 = arith.constant 0 : i32
      %dma_wait3A_553 = arith.constant 0 : i32
      %dma_wait3A_554 = tpu.memref_slice %arg7[%dma_wait3A_552, %dma_wait3A_553] : memref<1024x32xf32, #tpu.memory_space<vmem>> -> memref<128x32xf32, #tpu.memory_space<vmem>>
      %dma_wait3A_555 = arith.constant 0 : i32
      %dma_wait3A_556 = tpu.memref_slice %arg5[%dma_wait3A_551, %dma_wait3A_555] : memref<8x128xi32, #tpu.memory_space<vmem>> -> memref<1x128xi32, #tpu.memory_space<vmem>>
      %dma_wait3A_557 = tpu.memref_squeeze %dma_wait3A_556 : memref<1x128xi32, #tpu.memory_space<vmem>> -> memref<128xi32, #tpu.memory_space<vmem>>
      %dma_wait3A_558 = arith.constant 0 : i32
      %dma_wait3A_559 = arith.constant 0 : i32
      %dma_wait3A_560 = tpu.memref_slice %arg3[%dma_wait3A_558, %dma_wait3A_559] : memref<1000000x32xf32, #tpu.memory_space<hbm>> -> memref<1000000x32xf32, #tpu.memory_space<hbm>>
      tpu.wait_indirect_dma semaphore(%arg11 : memref<!tpu.dma_semaphore, #tpu.memory_space<semaphore_mem>>) src(%dma_wait3A_560 : memref<1000000x32xf32, #tpu.memory_space<hbm>>) dst(%dma_wait3A_554 : memref<128x32xf32, #tpu.memory_space<vmem>>)
      %dma_wait3A_561 = arith.constant 1 : i32
      %dma_wait3A_562 = arith.constant 128 : i32
      %dma_wait3A_563 = arith.constant 0 : i32
      %dma_wait3A_564 = tpu.memref_slice %arg7[%dma_wait3A_562, %dma_wait3A_563] : memref<1024x32xf32, #tpu.memory_space<vmem>> -> memref<128x32xf32, #tpu.memory_space<vmem>>
      %dma_wait3A_565 = arith.constant 0 : i32
      %dma_wait3A_566 = tpu.memref_slice %arg5[%dma_wait3A_561, %dma_wait3A_565] : memref<8x128xi32, #tpu.memory_space<vmem>> -> memref<1x128xi32, #tpu.memory_space<vmem>>
      %dma_wait3A_567 = tpu.memref_squeeze %dma_wait3A_566 : memref<1x128xi32, #tpu.memory_space<vmem>> -> memref<128xi32, #tpu.memory_space<vmem>>
      %dma_wait3A_568 = arith.constant 0 : i32
      %dma_wait3A_569 = arith.constant 0 : i32
      %dma_wait3A_570 = tpu.memref_slice %arg3[%dma_wait3A_568, %dma_wait3A_569] : memref<1000000x32xf32, #tpu.memory_space<hbm>> -> memref<1000000x32xf32, #tpu.memory_space<hbm>>
      tpu.wait_indirect_dma semaphore(%arg11 : memref<!tpu.dma_semaphore, #tpu.memory_space<semaphore_mem>>) src(%dma_wait3A_570 : memref<1000000x32xf32, #tpu.memory_space<hbm>>) dst(%dma_wait3A_564 : memref<128x32xf32, #tpu.memory_space<vmem>>)
      %dma_wait3A_571 = arith.constant 2 : i32
      %dma_wait3A_572 = arith.constant 256 : i32
      %dma_wait3A_573 = arith.constant 0 : i32
      %dma_wait3A_574 = tpu.memref_slice %arg7[%dma_wait3A_572, %dma_wait3A_573] : memref<1024x32xf32, #tpu.memory_space<vmem>> -> memref<128x32xf32, #tpu.memory_space<vmem>>
      %dma_wait3A_575 = arith.constant 0 : i32
      %dma_wait3A_576 = tpu.memref_slice %arg5[%dma_wait3A_571, %dma_wait3A_575] : memref<8x128xi32, #tpu.memory_space<vmem>> -> memref<1x128xi32, #tpu.memory_space<vmem>>
      %dma_wait3A_577 = tpu.memref_squeeze %dma_wait3A_576 : memref<1x128xi32, #tpu.memory_space<vmem>> -> memref<128xi32, #tpu.memory_space<vmem>>
      %dma_wait3A_578 = arith.constant 0 : i32
      %dma_wait3A_579 = arith.constant 0 : i32
      %dma_wait3A_580 = tpu.memref_slice %arg3[%dma_wait3A_578, %dma_wait3A_579] : memref<1000000x32xf32, #tpu.memory_space<hbm>> -> memref<1000000x32xf32, #tpu.memory_space<hbm>>
      tpu.wait_indirect_dma semaphore(%arg11 : memref<!tpu.dma_semaphore, #tpu.memory_space<semaphore_mem>>) src(%dma_wait3A_580 : memref<1000000x32xf32, #tpu.memory_space<hbm>>) dst(%dma_wait3A_574 : memref<128x32xf32, #tpu.memory_space<vmem>>)
      %dma_wait3A_581 = arith.constant 3 : i32
      %dma_wait3A_582 = arith.constant 384 : i32
      %dma_wait3A_583 = arith.constant 0 : i32
      %dma_wait3A_584 = tpu.memref_slice %arg7[%dma_wait3A_582, %dma_wait3A_583] : memref<1024x32xf32, #tpu.memory_space<vmem>> -> memref<128x32xf32, #tpu.memory_space<vmem>>
      %dma_wait3A_585 = arith.constant 0 : i32
      %dma_wait3A_586 = tpu.memref_slice %arg5[%dma_wait3A_581, %dma_wait3A_585] : memref<8x128xi32, #tpu.memory_space<vmem>> -> memref<1x128xi32, #tpu.memory_space<vmem>>
      %dma_wait3A_587 = tpu.memref_squeeze %dma_wait3A_586 : memref<1x128xi32, #tpu.memory_space<vmem>> -> memref<128xi32, #tpu.memory_space<vmem>>
      %dma_wait3A_588 = arith.constant 0 : i32
      %dma_wait3A_589 = arith.constant 0 : i32
      %dma_wait3A_590 = tpu.memref_slice %arg3[%dma_wait3A_588, %dma_wait3A_589] : memref<1000000x32xf32, #tpu.memory_space<hbm>> -> memref<1000000x32xf32, #tpu.memory_space<hbm>>
      tpu.wait_indirect_dma semaphore(%arg11 : memref<!tpu.dma_semaphore, #tpu.memory_space<semaphore_mem>>) src(%dma_wait3A_590 : memref<1000000x32xf32, #tpu.memory_space<hbm>>) dst(%dma_wait3A_584 : memref<128x32xf32, #tpu.memory_space<vmem>>)
      %dma_wait3A_591 = arith.constant 4 : i32
      %dma_wait3A_592 = arith.constant 512 : i32
      %dma_wait3A_593 = arith.constant 0 : i32
      %dma_wait3A_594 = tpu.memref_slice %arg7[%dma_wait3A_592, %dma_wait3A_593] : memref<1024x32xf32, #tpu.memory_space<vmem>> -> memref<128x32xf32, #tpu.memory_space<vmem>>
      %dma_wait3A_595 = arith.constant 0 : i32
      %dma_wait3A_596 = tpu.memref_slice %arg5[%dma_wait3A_591, %dma_wait3A_595] : memref<8x128xi32, #tpu.memory_space<vmem>> -> memref<1x128xi32, #tpu.memory_space<vmem>>
      %dma_wait3A_597 = tpu.memref_squeeze %dma_wait3A_596 : memref<1x128xi32, #tpu.memory_space<vmem>> -> memref<128xi32, #tpu.memory_space<vmem>>
      %dma_wait3A_598 = arith.constant 0 : i32
      %dma_wait3A_599 = arith.constant 0 : i32
      %dma_wait3A_600 = tpu.memref_slice %arg3[%dma_wait3A_598, %dma_wait3A_599] : memref<1000000x32xf32, #tpu.memory_space<hbm>> -> memref<1000000x32xf32, #tpu.memory_space<hbm>>
      tpu.wait_indirect_dma semaphore(%arg11 : memref<!tpu.dma_semaphore, #tpu.memory_space<semaphore_mem>>) src(%dma_wait3A_600 : memref<1000000x32xf32, #tpu.memory_space<hbm>>) dst(%dma_wait3A_594 : memref<128x32xf32, #tpu.memory_space<vmem>>)
      %dma_wait3A_601 = arith.constant 5 : i32
      %dma_wait3A_602 = arith.constant 640 : i32
      %dma_wait3A_603 = arith.constant 0 : i32
      %dma_wait3A_604 = tpu.memref_slice %arg7[%dma_wait3A_602, %dma_wait3A_603] : memref<1024x32xf32, #tpu.memory_space<vmem>> -> memref<128x32xf32, #tpu.memory_space<vmem>>
      %dma_wait3A_605 = arith.constant 0 : i32
      %dma_wait3A_606 = tpu.memref_slice %arg5[%dma_wait3A_601, %dma_wait3A_605] : memref<8x128xi32, #tpu.memory_space<vmem>> -> memref<1x128xi32, #tpu.memory_space<vmem>>
      %dma_wait3A_607 = tpu.memref_squeeze %dma_wait3A_606 : memref<1x128xi32, #tpu.memory_space<vmem>> -> memref<128xi32, #tpu.memory_space<vmem>>
      %dma_wait3A_608 = arith.constant 0 : i32
      %dma_wait3A_609 = arith.constant 0 : i32
      %dma_wait3A_610 = tpu.memref_slice %arg3[%dma_wait3A_608, %dma_wait3A_609] : memref<1000000x32xf32, #tpu.memory_space<hbm>> -> memref<1000000x32xf32, #tpu.memory_space<hbm>>
      tpu.wait_indirect_dma semaphore(%arg11 : memref<!tpu.dma_semaphore, #tpu.memory_space<semaphore_mem>>) src(%dma_wait3A_610 : memref<1000000x32xf32, #tpu.memory_space<hbm>>) dst(%dma_wait3A_604 : memref<128x32xf32, #tpu.memory_space<vmem>>)
      %dma_wait3A_611 = arith.constant 6 : i32
      %dma_wait3A_612 = arith.constant 768 : i32
      %dma_wait3A_613 = arith.constant 0 : i32
      %dma_wait3A_614 = tpu.memref_slice %arg7[%dma_wait3A_612, %dma_wait3A_613] : memref<1024x32xf32, #tpu.memory_space<vmem>> -> memref<128x32xf32, #tpu.memory_space<vmem>>
      %dma_wait3A_615 = arith.constant 0 : i32
      %dma_wait3A_616 = tpu.memref_slice %arg5[%dma_wait3A_611, %dma_wait3A_615] : memref<8x128xi32, #tpu.memory_space<vmem>> -> memref<1x128xi32, #tpu.memory_space<vmem>>
      %dma_wait3A_617 = tpu.memref_squeeze %dma_wait3A_616 : memref<1x128xi32, #tpu.memory_space<vmem>> -> memref<128xi32, #tpu.memory_space<vmem>>
      %dma_wait3A_618 = arith.constant 0 : i32
      %dma_wait3A_619 = arith.constant 0 : i32
      %dma_wait3A_620 = tpu.memref_slice %arg3[%dma_wait3A_618, %dma_wait3A_619] : memref<1000000x32xf32, #tpu.memory_space<hbm>> -> memref<1000000x32xf32, #tpu.memory_space<hbm>>
      tpu.wait_indirect_dma semaphore(%arg11 : memref<!tpu.dma_semaphore, #tpu.memory_space<semaphore_mem>>) src(%dma_wait3A_620 : memref<1000000x32xf32, #tpu.memory_space<hbm>>) dst(%dma_wait3A_614 : memref<128x32xf32, #tpu.memory_space<vmem>>)
      %dma_wait3A_621 = arith.constant 7 : i32
      %dma_wait3A_622 = arith.constant 896 : i32
      %dma_wait3A_623 = arith.constant 0 : i32
      %dma_wait3A_624 = tpu.memref_slice %arg7[%dma_wait3A_622, %dma_wait3A_623] : memref<1024x32xf32, #tpu.memory_space<vmem>> -> memref<128x32xf32, #tpu.memory_space<vmem>>
      %dma_wait3A_625 = arith.constant 0 : i32
      %dma_wait3A_626 = tpu.memref_slice %arg5[%dma_wait3A_621, %dma_wait3A_625] : memref<8x128xi32, #tpu.memory_space<vmem>> -> memref<1x128xi32, #tpu.memory_space<vmem>>
      %dma_wait3A_627 = tpu.memref_squeeze %dma_wait3A_626 : memref<1x128xi32, #tpu.memory_space<vmem>> -> memref<128xi32, #tpu.memory_space<vmem>>
      %dma_wait3A_628 = arith.constant 0 : i32
      %dma_wait3A_629 = arith.constant 0 : i32
      %dma_wait3A_630 = tpu.memref_slice %arg3[%dma_wait3A_628, %dma_wait3A_629] : memref<1000000x32xf32, #tpu.memory_space<hbm>> -> memref<1000000x32xf32, #tpu.memory_space<hbm>>
      tpu.wait_indirect_dma semaphore(%arg11 : memref<!tpu.dma_semaphore, #tpu.memory_space<semaphore_mem>>) src(%dma_wait3A_630 : memref<1000000x32xf32, #tpu.memory_space<hbm>>) dst(%dma_wait3A_624 : memref<128x32xf32, #tpu.memory_space<vmem>>)
      %convert_element_type3A = arith.extui %lt3A_422 : i1 to i32
      %cond3A = arith.constant 0 : i32
      %cond3A_631 = arith.cmpi ne, %convert_element_type3A, %cond3A : i32
      scf.if %cond3A_631 {
        %add3A_1348 = arith.constant 2 : i32
        %add3A_1349 = arith.addi %add3A_416, %add3A_1348 : i32
        %jit3A_1350 = arith.constant 16 : i32
        %div3A_1351 = arith.divsi %add3A_1349, %jit3A_1350 : i32
        %sign3A_1352 = arith.constant 0 : i32
        %sign3A_1353 = arith.cmpi sgt, %add3A_1349, %sign3A_1352 : i32
        %sign3A_1354 = arith.extui %sign3A_1353 : i1 to i32
        %sign3A_1355 = arith.constant 0 : i32
        %sign3A_1356 = arith.cmpi slt, %add3A_1349, %sign3A_1355 : i32
        %sign3A_1357 = arith.extui %sign3A_1356 : i1 to i32
        %sign3A_1358 = arith.subi %sign3A_1354, %sign3A_1357 : i32
        %sign3A_1359 = arith.constant 0 : i32
        %sign3A_1360 = arith.cmpi sgt, %jit3A_1350, %sign3A_1359 : i32
        %sign3A_1361 = arith.extui %sign3A_1360 : i1 to i32
        %sign3A_1362 = arith.constant 0 : i32
        %sign3A_1363 = arith.cmpi slt, %jit3A_1350, %sign3A_1362 : i32
        %sign3A_1364 = arith.extui %sign3A_1363 : i1 to i32
        %sign3A_1365 = arith.subi %sign3A_1361, %sign3A_1364 : i32
        %ne3A_1366 = arith.cmpi ne, %sign3A_1358, %sign3A_1365 : i32
        %rem3A_1367 = arith.remsi %add3A_1349, %jit3A_1350 : i32
        %ne3A_1368 = arith.constant 0 : i32
        %ne3A_1369 = arith.cmpi ne, %rem3A_1367, %ne3A_1368 : i32
        %and3A_1370 = arith.andi %ne3A_1366, %ne3A_1369 : i1
        %sub3A_1371 = arith.constant 1 : i32
        %sub3A_1372 = arith.subi %div3A_1351, %sub3A_1371 : i32
        %select_n3A_1373 = arith.select %and3A_1370, %sub3A_1372, %div3A_1351 : i32
        %jit3A_1374 = arith.constant 16 : i32
        %eq3A_1375 = arith.constant 0 : i32
        %eq3A_1376 = arith.cmpi eq, %jit3A_1374, %eq3A_1375 : i32
        %jit3A_1377 = arith.constant 1 : i32
        %select_n3A_1378 = arith.select %eq3A_1376, %jit3A_1377, %jit3A_1374 : i32
        %rem3A_1379 = arith.remsi %add3A_1349, %select_n3A_1378 : i32
        %ne3A_1380 = arith.constant 0 : i32
        %ne3A_1381 = arith.cmpi ne, %rem3A_1379, %ne3A_1380 : i32
        %lt3A_1382 = arith.constant 0 : i32
        %lt3A_1383 = arith.cmpi slt, %rem3A_1379, %lt3A_1382 : i32
        %lt3A_1384 = arith.constant 0 : i32
        %lt3A_1385 = arith.cmpi slt, %select_n3A_1378, %lt3A_1384 : i32
        %ne3A_1386 = arith.xori %lt3A_1383, %lt3A_1385 : i1
        %and3A_1387 = arith.andi %ne3A_1386, %ne3A_1381 : i1
        %add3A_1388 = arith.addi %rem3A_1379, %select_n3A_1378 : i32
        %select_n3A_1389 = arith.select %and3A_1387, %add3A_1388, %rem3A_1379 : i32
        %mul3A_1390 = arith.constant 8 : i32
        %mul3A_1391 = arith.muli %select_n3A_1389, %mul3A_1390 : i32
        %dma_start3A_1392 = arith.constant 0 : i32
        %dma_start3A_1393 = tpu.memref_slice %arg2[%select_n3A_1373, %mul3A_1391, %dma_start3A_1392] : memref<200x128x128xi32, #tpu.memory_space<hbm>> -> memref<1x8x128xi32, #tpu.memory_space<hbm>>
        %dma_start3A_1394 = tpu.memref_squeeze %dma_start3A_1393 : memref<1x8x128xi32, #tpu.memory_space<hbm>> -> memref<8x128xi32, #tpu.memory_space<hbm>>
        %dma_start3A_1395 = arith.constant 0 : i32
        %dma_start3A_1396 = tpu.memref_slice %arg2[%select_n3A_1373, %mul3A_1391, %dma_start3A_1395] : memref<200x128x128xi32, #tpu.memory_space<hbm>> -> memref<1x8x128xi32, #tpu.memory_space<hbm>>
        %dma_start3A_1397 = tpu.memref_squeeze %dma_start3A_1396 : memref<1x8x128xi32, #tpu.memory_space<hbm>> -> memref<8x128xi32, #tpu.memory_space<hbm>>
        tpu.enqueue_dma source(%dma_start3A_1397 : memref<8x128xi32, #tpu.memory_space<hbm>>) target(%arg5 : memref<8x128xi32, #tpu.memory_space<vmem>>) target_semaphore(%arg15 : memref<!tpu.dma_semaphore, #tpu.memory_space<semaphore_mem>>)
      } else {
      }
      %eq3A_632 = arith.constant 0 : i32
      %eq3A_633 = arith.cmpi eq, %scan3A_413, %eq3A_632 : i32
      %not3A = arith.constant true
      %not3A_634 = arith.xori %eq3A_633, %not3A : i1
      %convert_element_type3A_635 = arith.extui %not3A_634 : i1 to i32
      %cond3A_636 = arith.constant 0 : i32
      %cond3A_637 = arith.cmpi ne, %convert_element_type3A_635, %cond3A_636 : i32
      scf.if %cond3A_637 {
        %jit3A_1348 = arith.constant 16 : i32
        %div3A_1349 = arith.divsi %add3A_416, %jit3A_1348 : i32
        %sign3A_1350 = arith.constant 0 : i32
        %sign3A_1351 = arith.cmpi sgt, %add3A_416, %sign3A_1350 : i32
        %sign3A_1352 = arith.extui %sign3A_1351 : i1 to i32
        %sign3A_1353 = arith.constant 0 : i32
        %sign3A_1354 = arith.cmpi slt, %add3A_416, %sign3A_1353 : i32
        %sign3A_1355 = arith.extui %sign3A_1354 : i1 to i32
        %sign3A_1356 = arith.subi %sign3A_1352, %sign3A_1355 : i32
        %sign3A_1357 = arith.constant 0 : i32
        %sign3A_1358 = arith.cmpi sgt, %jit3A_1348, %sign3A_1357 : i32
        %sign3A_1359 = arith.extui %sign3A_1358 : i1 to i32
        %sign3A_1360 = arith.constant 0 : i32
        %sign3A_1361 = arith.cmpi slt, %jit3A_1348, %sign3A_1360 : i32
        %sign3A_1362 = arith.extui %sign3A_1361 : i1 to i32
        %sign3A_1363 = arith.subi %sign3A_1359, %sign3A_1362 : i32
        %ne3A_1364 = arith.cmpi ne, %sign3A_1356, %sign3A_1363 : i32
        %rem3A_1365 = arith.remsi %add3A_416, %jit3A_1348 : i32
        %ne3A_1366 = arith.constant 0 : i32
        %ne3A_1367 = arith.cmpi ne, %rem3A_1365, %ne3A_1366 : i32
        %and3A_1368 = arith.andi %ne3A_1364, %ne3A_1367 : i1
        %sub3A_1369 = arith.constant 1 : i32
        %sub3A_1370 = arith.subi %div3A_1349, %sub3A_1369 : i32
        %select_n3A_1371 = arith.select %and3A_1368, %sub3A_1370, %div3A_1349 : i32
        %jit3A_1372 = arith.constant 16 : i32
        %eq3A_1373 = arith.constant 0 : i32
        %eq3A_1374 = arith.cmpi eq, %jit3A_1372, %eq3A_1373 : i32
        %jit3A_1375 = arith.constant 1 : i32
        %select_n3A_1376 = arith.select %eq3A_1374, %jit3A_1375, %jit3A_1372 : i32
        %rem3A_1377 = arith.remsi %add3A_416, %select_n3A_1376 : i32
        %ne3A_1378 = arith.constant 0 : i32
        %ne3A_1379 = arith.cmpi ne, %rem3A_1377, %ne3A_1378 : i32
        %lt3A_1380 = arith.constant 0 : i32
        %lt3A_1381 = arith.cmpi slt, %rem3A_1377, %lt3A_1380 : i32
        %lt3A_1382 = arith.constant 0 : i32
        %lt3A_1383 = arith.cmpi slt, %select_n3A_1376, %lt3A_1382 : i32
        %ne3A_1384 = arith.xori %lt3A_1381, %lt3A_1383 : i1
        %and3A_1385 = arith.andi %ne3A_1384, %ne3A_1379 : i1
        %add3A_1386 = arith.addi %rem3A_1377, %select_n3A_1376 : i32
        %select_n3A_1387 = arith.select %and3A_1385, %add3A_1386, %rem3A_1377 : i32
        %mul3A_1388 = arith.constant 8 : i32
        %mul3A_1389 = arith.muli %select_n3A_1387, %mul3A_1388 : i32
        %add3A_1390 = arith.constant 0 : i32
        %add3A_1391 = arith.addi %mul3A_1389, %add3A_1390 : i32
        %mul3A_1392 = arith.constant 8 : i32
        %mul3A_1393 = arith.muli %add3A_1391, %mul3A_1392 : i32
        %dma_wait3A_1394 = arith.constant 0 : i32
        %dma_wait3A_1395 = arith.constant 0 : i32
        %dma_wait3A_1396 = arith.constant 0 : i32
        %dma_wait3A_1397 = tpu.memref_slice %arg9[%dma_wait3A_1395, %dma_wait3A_1396] : memref<160x129xf32, #tpu.memory_space<vmem>> -> memref<32x128xf32, #tpu.memory_space<vmem>>
        %dma_wait3A_1398 = arith.constant 0 : i32
        %dma_wait3A_1399 = tpu.memref_slice %arg4[%select_n3A_1371, %dma_wait3A_1394, %mul3A_1393, %dma_wait3A_1398] : memref<200x4x1024x128xf32, #tpu.memory_space<hbm>> -> memref<1x1x32x128xf32, #tpu.memory_space<hbm>>
        %dma_wait3A_1400 = tpu.memref_squeeze %dma_wait3A_1399 : memref<1x1x32x128xf32, #tpu.memory_space<hbm>> -> memref<32x128xf32, #tpu.memory_space<hbm>>
        %dma_wait3A_1401 = arith.constant 0 : i32
        %dma_wait3A_1402 = tpu.memref_slice %arg4[%select_n3A_1371, %dma_wait3A_1394, %mul3A_1393, %dma_wait3A_1401] : memref<200x4x1024x128xf32, #tpu.memory_space<hbm>> -> memref<1x1x32x128xf32, #tpu.memory_space<hbm>>
        %dma_wait3A_1403 = tpu.memref_squeeze %dma_wait3A_1402 : memref<1x1x32x128xf32, #tpu.memory_space<hbm>> -> memref<32x128xf32, #tpu.memory_space<hbm>>
        %dma_wait3A_1404 = arith.constant 0 : i32
        %dma_wait3A_1405 = arith.constant 0 : i32
        %dma_wait3A_1406 = tpu.memref_slice %arg9[%dma_wait3A_1404, %dma_wait3A_1405] : memref<160x129xf32, #tpu.memory_space<vmem>> -> memref<32x128xf32, #tpu.memory_space<vmem>>
        tpu.wait_dma2 semaphore(%arg13 : memref<!tpu.dma_semaphore, #tpu.memory_space<semaphore_mem>>) src(%dma_wait3A_1406 : memref<32x128xf32, #tpu.memory_space<vmem>>) dst(%dma_wait3A_1403 : memref<32x128xf32, #tpu.memory_space<hbm>>)
        %mul3A_1407 = arith.constant 8 : i32
        %mul3A_1408 = arith.muli %select_n3A_1387, %mul3A_1407 : i32
        %add3A_1409 = arith.constant 0 : i32
        %add3A_1410 = arith.addi %mul3A_1408, %add3A_1409 : i32
        %mul3A_1411 = arith.constant 8 : i32
        %mul3A_1412 = arith.muli %add3A_1410, %mul3A_1411 : i32
        %dma_wait3A_1413 = arith.constant 1 : i32
        %dma_wait3A_1414 = arith.constant 40 : i32
        %dma_wait3A_1415 = arith.constant 0 : i32
        %dma_wait3A_1416 = tpu.memref_slice %arg9[%dma_wait3A_1414, %dma_wait3A_1415] : memref<160x129xf32, #tpu.memory_space<vmem>> -> memref<32x128xf32, #tpu.memory_space<vmem>>
        %dma_wait3A_1417 = arith.constant 0 : i32
        %dma_wait3A_1418 = tpu.memref_slice %arg4[%select_n3A_1371, %dma_wait3A_1413, %mul3A_1412, %dma_wait3A_1417] : memref<200x4x1024x128xf32, #tpu.memory_space<hbm>> -> memref<1x1x32x128xf32, #tpu.memory_space<hbm>>
        %dma_wait3A_1419 = tpu.memref_squeeze %dma_wait3A_1418 : memref<1x1x32x128xf32, #tpu.memory_space<hbm>> -> memref<32x128xf32, #tpu.memory_space<hbm>>
        %dma_wait3A_1420 = arith.constant 0 : i32
        %dma_wait3A_1421 = tpu.memref_slice %arg4[%select_n3A_1371, %dma_wait3A_1413, %mul3A_1412, %dma_wait3A_1420] : memref<200x4x1024x128xf32, #tpu.memory_space<hbm>> -> memref<1x1x32x128xf32, #tpu.memory_space<hbm>>
        %dma_wait3A_1422 = tpu.memref_squeeze %dma_wait3A_1421 : memref<1x1x32x128xf32, #tpu.memory_space<hbm>> -> memref<32x128xf32, #tpu.memory_space<hbm>>
        %dma_wait3A_1423 = arith.constant 40 : i32
        %dma_wait3A_1424 = arith.constant 0 : i32
        %dma_wait3A_1425 = tpu.memref_slice %arg9[%dma_wait3A_1423, %dma_wait3A_1424] : memref<160x129xf32, #tpu.memory_space<vmem>> -> memref<32x128xf32, #tpu.memory_space<vmem>>
        tpu.wait_dma2 semaphore(%arg13 : memref<!tpu.dma_semaphore, #tpu.memory_space<semaphore_mem>>) src(%dma_wait3A_1425 : memref<32x128xf32, #tpu.memory_space<vmem>>) dst(%dma_wait3A_1422 : memref<32x128xf32, #tpu.memory_space<hbm>>)
        %mul3A_1426 = arith.constant 8 : i32
        %mul3A_1427 = arith.muli %select_n3A_1387, %mul3A_1426 : i32
        %add3A_1428 = arith.constant 0 : i32
        %add3A_1429 = arith.addi %mul3A_1427, %add3A_1428 : i32
        %mul3A_1430 = arith.constant 8 : i32
        %mul3A_1431 = arith.muli %add3A_1429, %mul3A_1430 : i32
        %dma_wait3A_1432 = arith.constant 2 : i32
        %dma_wait3A_1433 = arith.constant 80 : i32
        %dma_wait3A_1434 = arith.constant 0 : i32
        %dma_wait3A_1435 = tpu.memref_slice %arg9[%dma_wait3A_1433, %dma_wait3A_1434] : memref<160x129xf32, #tpu.memory_space<vmem>> -> memref<32x128xf32, #tpu.memory_space<vmem>>
        %dma_wait3A_1436 = arith.constant 0 : i32
        %dma_wait3A_1437 = tpu.memref_slice %arg4[%select_n3A_1371, %dma_wait3A_1432, %mul3A_1431, %dma_wait3A_1436] : memref<200x4x1024x128xf32, #tpu.memory_space<hbm>> -> memref<1x1x32x128xf32, #tpu.memory_space<hbm>>
        %dma_wait3A_1438 = tpu.memref_squeeze %dma_wait3A_1437 : memref<1x1x32x128xf32, #tpu.memory_space<hbm>> -> memref<32x128xf32, #tpu.memory_space<hbm>>
        %dma_wait3A_1439 = arith.constant 0 : i32
        %dma_wait3A_1440 = tpu.memref_slice %arg4[%select_n3A_1371, %dma_wait3A_1432, %mul3A_1431, %dma_wait3A_1439] : memref<200x4x1024x128xf32, #tpu.memory_space<hbm>> -> memref<1x1x32x128xf32, #tpu.memory_space<hbm>>
        %dma_wait3A_1441 = tpu.memref_squeeze %dma_wait3A_1440 : memref<1x1x32x128xf32, #tpu.memory_space<hbm>> -> memref<32x128xf32, #tpu.memory_space<hbm>>
        %dma_wait3A_1442 = arith.constant 80 : i32
        %dma_wait3A_1443 = arith.constant 0 : i32
        %dma_wait3A_1444 = tpu.memref_slice %arg9[%dma_wait3A_1442, %dma_wait3A_1443] : memref<160x129xf32, #tpu.memory_space<vmem>> -> memref<32x128xf32, #tpu.memory_space<vmem>>
        tpu.wait_dma2 semaphore(%arg13 : memref<!tpu.dma_semaphore, #tpu.memory_space<semaphore_mem>>) src(%dma_wait3A_1444 : memref<32x128xf32, #tpu.memory_space<vmem>>) dst(%dma_wait3A_1441 : memref<32x128xf32, #tpu.memory_space<hbm>>)
        %mul3A_1445 = arith.constant 8 : i32
        %mul3A_1446 = arith.muli %select_n3A_1387, %mul3A_1445 : i32
        %add3A_1447 = arith.constant 0 : i32
        %add3A_1448 = arith.addi %mul3A_1446, %add3A_1447 : i32
        %mul3A_1449 = arith.constant 8 : i32
        %mul3A_1450 = arith.muli %add3A_1448, %mul3A_1449 : i32
        %dma_wait3A_1451 = arith.constant 3 : i32
        %dma_wait3A_1452 = arith.constant 120 : i32
        %dma_wait3A_1453 = arith.constant 0 : i32
        %dma_wait3A_1454 = tpu.memref_slice %arg9[%dma_wait3A_1452, %dma_wait3A_1453] : memref<160x129xf32, #tpu.memory_space<vmem>> -> memref<32x128xf32, #tpu.memory_space<vmem>>
        %dma_wait3A_1455 = arith.constant 0 : i32
        %dma_wait3A_1456 = tpu.memref_slice %arg4[%select_n3A_1371, %dma_wait3A_1451, %mul3A_1450, %dma_wait3A_1455] : memref<200x4x1024x128xf32, #tpu.memory_space<hbm>> -> memref<1x1x32x128xf32, #tpu.memory_space<hbm>>
        %dma_wait3A_1457 = tpu.memref_squeeze %dma_wait3A_1456 : memref<1x1x32x128xf32, #tpu.memory_space<hbm>> -> memref<32x128xf32, #tpu.memory_space<hbm>>
        %dma_wait3A_1458 = arith.constant 0 : i32
        %dma_wait3A_1459 = tpu.memref_slice %arg4[%select_n3A_1371, %dma_wait3A_1451, %mul3A_1450, %dma_wait3A_1458] : memref<200x4x1024x128xf32, #tpu.memory_space<hbm>> -> memref<1x1x32x128xf32, #tpu.memory_space<hbm>>
        %dma_wait3A_1460 = tpu.memref_squeeze %dma_wait3A_1459 : memref<1x1x32x128xf32, #tpu.memory_space<hbm>> -> memref<32x128xf32, #tpu.memory_space<hbm>>
        %dma_wait3A_1461 = arith.constant 120 : i32
        %dma_wait3A_1462 = arith.constant 0 : i32
        %dma_wait3A_1463 = tpu.memref_slice %arg9[%dma_wait3A_1461, %dma_wait3A_1462] : memref<160x129xf32, #tpu.memory_space<vmem>> -> memref<32x128xf32, #tpu.memory_space<vmem>>
        tpu.wait_dma2 semaphore(%arg13 : memref<!tpu.dma_semaphore, #tpu.memory_space<semaphore_mem>>) src(%dma_wait3A_1463 : memref<32x128xf32, #tpu.memory_space<vmem>>) dst(%dma_wait3A_1460 : memref<32x128xf32, #tpu.memory_space<hbm>>)
      } else {
      }
      %add3A_638 = arith.constant 0 : i32
      %add3A_639 = vector.broadcast %add3A_638 : i32 to vector<16xi32>
      %add3A_640 = arith.addi %add3A_52, %add3A_639 : vector<16xi32>
      %add3A_641 = arith.constant 0 : i32
      %add3A_642 = vector.broadcast %add3A_641 : i32 to vector<16xi32>
      %add3A_643 = arith.addi %add3A_55, %add3A_642 : vector<16xi32>
      %parallel_loop3A = arith.constant 0 : i32
      %parallel_loop3A_644 = arith.constant 128 : i32
      %parallel_loop3A_645 = arith.constant 1 : i32
      scf.for %parallel_loop3A_1348 = %parallel_loop3A to %parallel_loop3A_644 step %parallel_loop3A_645  : i32 {
        %parallel_loop3A_1349 = vector.broadcast %parallel_loop3A_1348 : i32 to vector<16xi32>
        %parallel_loop3A_1350 = arith.addi %mul3A_5, %parallel_loop3A_1349 : vector<16xi32>
        %parallel_loop3A_1351 = arith.constant 0 : i32
        %parallel_loop3A_1352 = arith.addi %parallel_loop3A_1351, %parallel_loop3A_1348 : i32
        %parallel_loop3A_1353 = arith.index_cast %parallel_loop3A_1352 : i32 to index
        %parallel_loop3A_1354 = arith.constant 0 : index
        %parallel_loop3A_1355 = tpu.vector_load %arg7[%parallel_loop3A_1353, %parallel_loop3A_1354] {strides = array<i32>} : memref<1024x32xf32, #tpu.memory_space<vmem>>, vector<16xf32>,
        %parallel_loop3A_1356 = arith.constant 5.65685415 : f32
        %parallel_loop3A_1357 = vector.broadcast %parallel_loop3A_1356 : f32 to vector<16xf32>
        %parallel_loop3A_1358 = arith.mulf %parallel_loop3A_1355, %parallel_loop3A_1357 : vector<16xf32>
        %parallel_loop3A_1359 = arith.index_cast %parallel_loop3A_1352 : i32 to index
        %parallel_loop3A_1360 = arith.constant 16 : index
        %parallel_loop3A_1361 = tpu.vector_load %arg7[%parallel_loop3A_1359, %parallel_loop3A_1360] {strides = array<i32>} : memref<1024x32xf32, #tpu.memory_space<vmem>>, vector<16xf32>,
        %parallel_loop3A_1362 = arith.constant 5.65685415 : f32
        %parallel_loop3A_1363 = vector.broadcast %parallel_loop3A_1362 : f32 to vector<16xf32>
        %parallel_loop3A_1364 = arith.mulf %parallel_loop3A_1361, %parallel_loop3A_1363 : vector<16xf32>
        tpu.vector_store_idx %arg9[%add3A_640, %parallel_loop3A_1350], %parallel_loop3A_1358 : memref<160x129xf32, #tpu.memory_space<vmem>>[vector<16xi32>, vector<16xi32>], vector<16xf32>,
        tpu.vector_store_idx %arg9[%add3A_643, %parallel_loop3A_1350], %parallel_loop3A_1364 : memref<160x129xf32, #tpu.memory_space<vmem>>[vector<16xi32>, vector<16xi32>], vector<16xf32>,
      } {sc.loop_unroll_factor = 4 : i64, sc.parallel_access}
      %add3A_646 = arith.constant 8 : i32
      %add3A_647 = vector.broadcast %add3A_646 : i32 to vector<16xi32>
      %add3A_648 = arith.addi %add3A_52, %add3A_647 : vector<16xi32>
      %add3A_649 = arith.constant 8 : i32
      %add3A_650 = vector.broadcast %add3A_649 : i32 to vector<16xi32>
      %add3A_651 = arith.addi %add3A_55, %add3A_650 : vector<16xi32>
      %parallel_loop3A_652 = arith.constant 0 : i32
      %parallel_loop3A_653 = arith.constant 128 : i32
      %parallel_loop3A_654 = arith.constant 1 : i32
      scf.for %parallel_loop3A_1348 = %parallel_loop3A_652 to %parallel_loop3A_653 step %parallel_loop3A_654  : i32 {
        %parallel_loop3A_1349 = vector.broadcast %parallel_loop3A_1348 : i32 to vector<16xi32>
        %parallel_loop3A_1350 = arith.addi %mul3A_5, %parallel_loop3A_1349 : vector<16xi32>
        %parallel_loop3A_1351 = arith.constant 128 : i32
        %parallel_loop3A_1352 = arith.addi %parallel_loop3A_1351, %parallel_loop3A_1348 : i32
        %parallel_loop3A_1353 = arith.index_cast %parallel_loop3A_1352 : i32 to index
        %parallel_loop3A_1354 = arith.constant 0 : index
        %parallel_loop3A_1355 = tpu.vector_load %arg7[%parallel_loop3A_1353, %parallel_loop3A_1354] {strides = array<i32>} : memref<1024x32xf32, #tpu.memory_space<vmem>>, vector<16xf32>,
        %parallel_loop3A_1356 = arith.constant 5.65685415 : f32
        %parallel_loop3A_1357 = vector.broadcast %parallel_loop3A_1356 : f32 to vector<16xf32>
        %parallel_loop3A_1358 = arith.mulf %parallel_loop3A_1355, %parallel_loop3A_1357 : vector<16xf32>
        %parallel_loop3A_1359 = arith.index_cast %parallel_loop3A_1352 : i32 to index
        %parallel_loop3A_1360 = arith.constant 16 : index
        %parallel_loop3A_1361 = tpu.vector_load %arg7[%parallel_loop3A_1359, %parallel_loop3A_1360] {strides = array<i32>} : memref<1024x32xf32, #tpu.memory_space<vmem>>, vector<16xf32>,
        %parallel_loop3A_1362 = arith.constant 5.65685415 : f32
        %parallel_loop3A_1363 = vector.broadcast %parallel_loop3A_1362 : f32 to vector<16xf32>
        %parallel_loop3A_1364 = arith.mulf %parallel_loop3A_1361, %parallel_loop3A_1363 : vector<16xf32>
        tpu.vector_store_idx %arg9[%add3A_648, %parallel_loop3A_1350], %parallel_loop3A_1358 : memref<160x129xf32, #tpu.memory_space<vmem>>[vector<16xi32>, vector<16xi32>], vector<16xf32>,
        tpu.vector_store_idx %arg9[%add3A_651, %parallel_loop3A_1350], %parallel_loop3A_1364 : memref<160x129xf32, #tpu.memory_space<vmem>>[vector<16xi32>, vector<16xi32>], vector<16xf32>,
      } {sc.loop_unroll_factor = 4 : i64, sc.parallel_access}
      %add3A_655 = arith.constant 16 : i32
      %add3A_656 = vector.broadcast %add3A_655 : i32 to vector<16xi32>
      %add3A_657 = arith.addi %add3A_52, %add3A_656 : vector<16xi32>
      %add3A_658 = arith.constant 16 : i32
      %add3A_659 = vector.broadcast %add3A_658 : i32 to vector<16xi32>
      %add3A_660 = arith.addi %add3A_55, %add3A_659 : vector<16xi32>
      %parallel_loop3A_661 = arith.constant 0 : i32
      %parallel_loop3A_662 = arith.constant 128 : i32
      %parallel_loop3A_663 = arith.constant 1 : i32
      scf.for %parallel_loop3A_1348 = %parallel_loop3A_661 to %parallel_loop3A_662 step %parallel_loop3A_663  : i32 {
        %parallel_loop3A_1349 = vector.broadcast %parallel_loop3A_1348 : i32 to vector<16xi32>
        %parallel_loop3A_1350 = arith.addi %mul3A_5, %parallel_loop3A_1349 : vector<16xi32>
        %parallel_loop3A_1351 = arith.constant 256 : i32
        %parallel_loop3A_1352 = arith.addi %parallel_loop3A_1351, %parallel_loop3A_1348 : i32
        %parallel_loop3A_1353 = arith.index_cast %parallel_loop3A_1352 : i32 to index
        %parallel_loop3A_1354 = arith.constant 0 : index
        %parallel_loop3A_1355 = tpu.vector_load %arg7[%parallel_loop3A_1353, %parallel_loop3A_1354] {strides = array<i32>} : memref<1024x32xf32, #tpu.memory_space<vmem>>, vector<16xf32>,
        %parallel_loop3A_1356 = arith.constant 5.65685415 : f32
        %parallel_loop3A_1357 = vector.broadcast %parallel_loop3A_1356 : f32 to vector<16xf32>
        %parallel_loop3A_1358 = arith.mulf %parallel_loop3A_1355, %parallel_loop3A_1357 : vector<16xf32>
        %parallel_loop3A_1359 = arith.index_cast %parallel_loop3A_1352 : i32 to index
        %parallel_loop3A_1360 = arith.constant 16 : index
        %parallel_loop3A_1361 = tpu.vector_load %arg7[%parallel_loop3A_1359, %parallel_loop3A_1360] {strides = array<i32>} : memref<1024x32xf32, #tpu.memory_space<vmem>>, vector<16xf32>,
        %parallel_loop3A_1362 = arith.constant 5.65685415 : f32
        %parallel_loop3A_1363 = vector.broadcast %parallel_loop3A_1362 : f32 to vector<16xf32>
        %parallel_loop3A_1364 = arith.mulf %parallel_loop3A_1361, %parallel_loop3A_1363 : vector<16xf32>
        tpu.vector_store_idx %arg9[%add3A_657, %parallel_loop3A_1350], %parallel_loop3A_1358 : memref<160x129xf32, #tpu.memory_space<vmem>>[vector<16xi32>, vector<16xi32>], vector<16xf32>,
        tpu.vector_store_idx %arg9[%add3A_660, %parallel_loop3A_1350], %parallel_loop3A_1364 : memref<160x129xf32, #tpu.memory_space<vmem>>[vector<16xi32>, vector<16xi32>], vector<16xf32>,
      } {sc.loop_unroll_factor = 4 : i64, sc.parallel_access}
      %add3A_664 = arith.constant 24 : i32
      %add3A_665 = vector.broadcast %add3A_664 : i32 to vector<16xi32>
      %add3A_666 = arith.addi %add3A_52, %add3A_665 : vector<16xi32>
      %add3A_667 = arith.constant 24 : i32
      %add3A_668 = vector.broadcast %add3A_667 : i32 to vector<16xi32>
      %add3A_669 = arith.addi %add3A_55, %add3A_668 : vector<16xi32>
      %parallel_loop3A_670 = arith.constant 0 : i32
      %parallel_loop3A_671 = arith.constant 128 : i32
      %parallel_loop3A_672 = arith.constant 1 : i32
      scf.for %parallel_loop3A_1348 = %parallel_loop3A_670 to %parallel_loop3A_671 step %parallel_loop3A_672  : i32 {
        %parallel_loop3A_1349 = vector.broadcast %parallel_loop3A_1348 : i32 to vector<16xi32>
        %parallel_loop3A_1350 = arith.addi %mul3A_5, %parallel_loop3A_1349 : vector<16xi32>
        %parallel_loop3A_1351 = arith.constant 384 : i32
        %parallel_loop3A_1352 = arith.addi %parallel_loop3A_1351, %parallel_loop3A_1348 : i32
        %parallel_loop3A_1353 = arith.index_cast %parallel_loop3A_1352 : i32 to index
        %parallel_loop3A_1354 = arith.constant 0 : index
        %parallel_loop3A_1355 = tpu.vector_load %arg7[%parallel_loop3A_1353, %parallel_loop3A_1354] {strides = array<i32>} : memref<1024x32xf32, #tpu.memory_space<vmem>>, vector<16xf32>,
        %parallel_loop3A_1356 = arith.constant 5.65685415 : f32
        %parallel_loop3A_1357 = vector.broadcast %parallel_loop3A_1356 : f32 to vector<16xf32>
        %parallel_loop3A_1358 = arith.mulf %parallel_loop3A_1355, %parallel_loop3A_1357 : vector<16xf32>
        %parallel_loop3A_1359 = arith.index_cast %parallel_loop3A_1352 : i32 to index
        %parallel_loop3A_1360 = arith.constant 16 : index
        %parallel_loop3A_1361 = tpu.vector_load %arg7[%parallel_loop3A_1359, %parallel_loop3A_1360] {strides = array<i32>} : memref<1024x32xf32, #tpu.memory_space<vmem>>, vector<16xf32>,
        %parallel_loop3A_1362 = arith.constant 5.65685415 : f32
        %parallel_loop3A_1363 = vector.broadcast %parallel_loop3A_1362 : f32 to vector<16xf32>
        %parallel_loop3A_1364 = arith.mulf %parallel_loop3A_1361, %parallel_loop3A_1363 : vector<16xf32>
        tpu.vector_store_idx %arg9[%add3A_666, %parallel_loop3A_1350], %parallel_loop3A_1358 : memref<160x129xf32, #tpu.memory_space<vmem>>[vector<16xi32>, vector<16xi32>], vector<16xf32>,
        tpu.vector_store_idx %arg9[%add3A_669, %parallel_loop3A_1350], %parallel_loop3A_1364 : memref<160x129xf32, #tpu.memory_space<vmem>>[vector<16xi32>, vector<16xi32>], vector<16xf32>,
      } {sc.loop_unroll_factor = 4 : i64, sc.parallel_access}
      %jit3A_673 = arith.constant 16 : i32
      %div3A_674 = arith.divsi %add3A_416, %jit3A_673 : i32
      %sign3A_675 = arith.constant 0 : i32
      %sign3A_676 = arith.cmpi sgt, %add3A_416, %sign3A_675 : i32
      %sign3A_677 = arith.extui %sign3A_676 : i1 to i32
      %sign3A_678 = arith.constant 0 : i32
      %sign3A_679 = arith.cmpi slt, %add3A_416, %sign3A_678 : i32
      %sign3A_680 = arith.extui %sign3A_679 : i1 to i32
      %sign3A_681 = arith.subi %sign3A_677, %sign3A_680 : i32
      %sign3A_682 = arith.constant 0 : i32
      %sign3A_683 = arith.cmpi sgt, %jit3A_673, %sign3A_682 : i32
      %sign3A_684 = arith.extui %sign3A_683 : i1 to i32
      %sign3A_685 = arith.constant 0 : i32
      %sign3A_686 = arith.cmpi slt, %jit3A_673, %sign3A_685 : i32
      %sign3A_687 = arith.extui %sign3A_686 : i1 to i32
      %sign3A_688 = arith.subi %sign3A_684, %sign3A_687 : i32
      %ne3A_689 = arith.cmpi ne, %sign3A_681, %sign3A_688 : i32
      %rem3A_690 = arith.remsi %add3A_416, %jit3A_673 : i32
      %ne3A_691 = arith.constant 0 : i32
      %ne3A_692 = arith.cmpi ne, %rem3A_690, %ne3A_691 : i32
      %and3A_693 = arith.andi %ne3A_689, %ne3A_692 : i1
      %sub3A_694 = arith.constant 1 : i32
      %sub3A_695 = arith.subi %div3A_674, %sub3A_694 : i32
      %select_n3A_696 = arith.select %and3A_693, %sub3A_695, %div3A_674 : i32
      %jit3A_697 = arith.constant 16 : i32
      %eq3A_698 = arith.constant 0 : i32
      %eq3A_699 = arith.cmpi eq, %jit3A_697, %eq3A_698 : i32
      %jit3A_700 = arith.constant 1 : i32
      %select_n3A_701 = arith.select %eq3A_699, %jit3A_700, %jit3A_697 : i32
      %rem3A_702 = arith.remsi %add3A_416, %select_n3A_701 : i32
      %ne3A_703 = arith.constant 0 : i32
      %ne3A_704 = arith.cmpi ne, %rem3A_702, %ne3A_703 : i32
      %lt3A_705 = arith.constant 0 : i32
      %lt3A_706 = arith.cmpi slt, %rem3A_702, %lt3A_705 : i32
      %lt3A_707 = arith.constant 0 : i32
      %lt3A_708 = arith.cmpi slt, %select_n3A_701, %lt3A_707 : i32
      %ne3A_709 = arith.xori %lt3A_706, %lt3A_708 : i1
      %and3A_710 = arith.andi %ne3A_709, %ne3A_704 : i1
      %add3A_711 = arith.addi %rem3A_702, %select_n3A_701 : i32
      %select_n3A_712 = arith.select %and3A_710, %add3A_711, %rem3A_702 : i32
      %mul3A_713 = arith.constant 8 : i32
      %mul3A_714 = arith.muli %select_n3A_712, %mul3A_713 : i32
      %add3A_715 = arith.constant 0 : i32
      %add3A_716 = arith.addi %mul3A_714, %add3A_715 : i32
      %mul3A_717 = arith.constant 8 : i32
      %mul3A_718 = arith.muli %add3A_716, %mul3A_717 : i32
      %dma_start3A_719 = arith.constant 0 : i32
      %dma_start3A_720 = arith.constant 0 : i32
      %dma_start3A_721 = arith.constant 0 : i32
      %dma_start3A_722 = tpu.memref_slice %arg9[%dma_start3A_720, %dma_start3A_721] : memref<160x129xf32, #tpu.memory_space<vmem>> -> memref<32x128xf32, #tpu.memory_space<vmem>>
      %dma_start3A_723 = arith.constant 0 : i32
      %dma_start3A_724 = tpu.memref_slice %arg4[%select_n3A_696, %dma_start3A_719, %mul3A_718, %dma_start3A_723] : memref<200x4x1024x128xf32, #tpu.memory_space<hbm>> -> memref<1x1x32x128xf32, #tpu.memory_space<hbm>>
      %dma_start3A_725 = tpu.memref_squeeze %dma_start3A_724 : memref<1x1x32x128xf32, #tpu.memory_space<hbm>> -> memref<32x128xf32, #tpu.memory_space<hbm>>
      %dma_start3A_726 = arith.constant 0 : i32
      %dma_start3A_727 = tpu.memref_slice %arg4[%select_n3A_696, %dma_start3A_719, %mul3A_718, %dma_start3A_726] : memref<200x4x1024x128xf32, #tpu.memory_space<hbm>> -> memref<1x1x32x128xf32, #tpu.memory_space<hbm>>
      %dma_start3A_728 = tpu.memref_squeeze %dma_start3A_727 : memref<1x1x32x128xf32, #tpu.memory_space<hbm>> -> memref<32x128xf32, #tpu.memory_space<hbm>>
      %dma_start3A_729 = arith.constant 0 : i32
      %dma_start3A_730 = arith.constant 0 : i32
      %dma_start3A_731 = tpu.memref_slice %arg9[%dma_start3A_729, %dma_start3A_730] : memref<160x129xf32, #tpu.memory_space<vmem>> -> memref<32x128xf32, #tpu.memory_space<vmem>>
      tpu.enqueue_dma source(%dma_start3A_731 : memref<32x128xf32, #tpu.memory_space<vmem>>) target(%dma_start3A_728 : memref<32x128xf32, #tpu.memory_space<hbm>>) target_semaphore(%arg13 : memref<!tpu.dma_semaphore, #tpu.memory_space<semaphore_mem>>)
      %mul3A_732 = arith.constant 8 : i32
      %mul3A_733 = arith.muli %select_n3A_712, %mul3A_732 : i32
      %add3A_734 = arith.constant 0 : i32
      %add3A_735 = arith.addi %mul3A_733, %add3A_734 : i32
      %mul3A_736 = arith.constant 8 : i32
      %mul3A_737 = arith.muli %add3A_735, %mul3A_736 : i32
      %dma_start3A_738 = arith.constant 1 : i32
      %dma_start3A_739 = arith.constant 40 : i32
      %dma_start3A_740 = arith.constant 0 : i32
      %dma_start3A_741 = tpu.memref_slice %arg9[%dma_start3A_739, %dma_start3A_740] : memref<160x129xf32, #tpu.memory_space<vmem>> -> memref<32x128xf32, #tpu.memory_space<vmem>>
      %dma_start3A_742 = arith.constant 0 : i32
      %dma_start3A_743 = tpu.memref_slice %arg4[%select_n3A_696, %dma_start3A_738, %mul3A_737, %dma_start3A_742] : memref<200x4x1024x128xf32, #tpu.memory_space<hbm>> -> memref<1x1x32x128xf32, #tpu.memory_space<hbm>>
      %dma_start3A_744 = tpu.memref_squeeze %dma_start3A_743 : memref<1x1x32x128xf32, #tpu.memory_space<hbm>> -> memref<32x128xf32, #tpu.memory_space<hbm>>
      %dma_start3A_745 = arith.constant 0 : i32
      %dma_start3A_746 = tpu.memref_slice %arg4[%select_n3A_696, %dma_start3A_738, %mul3A_737, %dma_start3A_745] : memref<200x4x1024x128xf32, #tpu.memory_space<hbm>> -> memref<1x1x32x128xf32, #tpu.memory_space<hbm>>
      %dma_start3A_747 = tpu.memref_squeeze %dma_start3A_746 : memref<1x1x32x128xf32, #tpu.memory_space<hbm>> -> memref<32x128xf32, #tpu.memory_space<hbm>>
      %dma_start3A_748 = arith.constant 40 : i32
      %dma_start3A_749 = arith.constant 0 : i32
      %dma_start3A_750 = tpu.memref_slice %arg9[%dma_start3A_748, %dma_start3A_749] : memref<160x129xf32, #tpu.memory_space<vmem>> -> memref<32x128xf32, #tpu.memory_space<vmem>>
      tpu.enqueue_dma source(%dma_start3A_750 : memref<32x128xf32, #tpu.memory_space<vmem>>) target(%dma_start3A_747 : memref<32x128xf32, #tpu.memory_space<hbm>>) target_semaphore(%arg13 : memref<!tpu.dma_semaphore, #tpu.memory_space<semaphore_mem>>)
      %mul3A_751 = arith.constant 8 : i32
      %mul3A_752 = arith.muli %select_n3A_712, %mul3A_751 : i32
      %add3A_753 = arith.constant 0 : i32
      %add3A_754 = arith.addi %mul3A_752, %add3A_753 : i32
      %mul3A_755 = arith.constant 8 : i32
      %mul3A_756 = arith.muli %add3A_754, %mul3A_755 : i32
      %dma_start3A_757 = arith.constant 2 : i32
      %dma_start3A_758 = arith.constant 80 : i32
      %dma_start3A_759 = arith.constant 0 : i32
      %dma_start3A_760 = tpu.memref_slice %arg9[%dma_start3A_758, %dma_start3A_759] : memref<160x129xf32, #tpu.memory_space<vmem>> -> memref<32x128xf32, #tpu.memory_space<vmem>>
      %dma_start3A_761 = arith.constant 0 : i32
      %dma_start3A_762 = tpu.memref_slice %arg4[%select_n3A_696, %dma_start3A_757, %mul3A_756, %dma_start3A_761] : memref<200x4x1024x128xf32, #tpu.memory_space<hbm>> -> memref<1x1x32x128xf32, #tpu.memory_space<hbm>>
      %dma_start3A_763 = tpu.memref_squeeze %dma_start3A_762 : memref<1x1x32x128xf32, #tpu.memory_space<hbm>> -> memref<32x128xf32, #tpu.memory_space<hbm>>
      %dma_start3A_764 = arith.constant 0 : i32
      %dma_start3A_765 = tpu.memref_slice %arg4[%select_n3A_696, %dma_start3A_757, %mul3A_756, %dma_start3A_764] : memref<200x4x1024x128xf32, #tpu.memory_space<hbm>> -> memref<1x1x32x128xf32, #tpu.memory_space<hbm>>
      %dma_start3A_766 = tpu.memref_squeeze %dma_start3A_765 : memref<1x1x32x128xf32, #tpu.memory_space<hbm>> -> memref<32x128xf32, #tpu.memory_space<hbm>>
      %dma_start3A_767 = arith.constant 80 : i32
      %dma_start3A_768 = arith.constant 0 : i32
      %dma_start3A_769 = tpu.memref_slice %arg9[%dma_start3A_767, %dma_start3A_768] : memref<160x129xf32, #tpu.memory_space<vmem>> -> memref<32x128xf32, #tpu.memory_space<vmem>>
      tpu.enqueue_dma source(%dma_start3A_769 : memref<32x128xf32, #tpu.memory_space<vmem>>) target(%dma_start3A_766 : memref<32x128xf32, #tpu.memory_space<hbm>>) target_semaphore(%arg13 : memref<!tpu.dma_semaphore, #tpu.memory_space<semaphore_mem>>)
      %mul3A_770 = arith.constant 8 : i32
      %mul3A_771 = arith.muli %select_n3A_712, %mul3A_770 : i32
      %add3A_772 = arith.constant 0 : i32
      %add3A_773 = arith.addi %mul3A_771, %add3A_772 : i32
      %mul3A_774 = arith.constant 8 : i32
      %mul3A_775 = arith.muli %add3A_773, %mul3A_774 : i32
      %dma_start3A_776 = arith.constant 3 : i32
      %dma_start3A_777 = arith.constant 120 : i32
      %dma_start3A_778 = arith.constant 0 : i32
      %dma_start3A_779 = tpu.memref_slice %arg9[%dma_start3A_777, %dma_start3A_778] : memref<160x129xf32, #tpu.memory_space<vmem>> -> memref<32x128xf32, #tpu.memory_space<vmem>>
      %dma_start3A_780 = arith.constant 0 : i32
      %dma_start3A_781 = tpu.memref_slice %arg4[%select_n3A_696, %dma_start3A_776, %mul3A_775, %dma_start3A_780] : memref<200x4x1024x128xf32, #tpu.memory_space<hbm>> -> memref<1x1x32x128xf32, #tpu.memory_space<hbm>>
      %dma_start3A_782 = tpu.memref_squeeze %dma_start3A_781 : memref<1x1x32x128xf32, #tpu.memory_space<hbm>> -> memref<32x128xf32, #tpu.memory_space<hbm>>
      %dma_start3A_783 = arith.constant 0 : i32
      %dma_start3A_784 = tpu.memref_slice %arg4[%select_n3A_696, %dma_start3A_776, %mul3A_775, %dma_start3A_783] : memref<200x4x1024x128xf32, #tpu.memory_space<hbm>> -> memref<1x1x32x128xf32, #tpu.memory_space<hbm>>
      %dma_start3A_785 = tpu.memref_squeeze %dma_start3A_784 : memref<1x1x32x128xf32, #tpu.memory_space<hbm>> -> memref<32x128xf32, #tpu.memory_space<hbm>>
      %dma_start3A_786 = arith.constant 120 : i32
      %dma_start3A_787 = arith.constant 0 : i32
      %dma_start3A_788 = tpu.memref_slice %arg9[%dma_start3A_786, %dma_start3A_787] : memref<160x129xf32, #tpu.memory_space<vmem>> -> memref<32x128xf32, #tpu.memory_space<vmem>>
      tpu.enqueue_dma source(%dma_start3A_788 : memref<32x128xf32, #tpu.memory_space<vmem>>) target(%dma_start3A_785 : memref<32x128xf32, #tpu.memory_space<hbm>>) target_semaphore(%arg13 : memref<!tpu.dma_semaphore, #tpu.memory_space<semaphore_mem>>)
      %not3A_789 = arith.constant true
      %not3A_790 = arith.xori %eq3A_633, %not3A_789 : i1
      %convert_element_type3A_791 = arith.extui %not3A_790 : i1 to i32
      %cond3A_792 = arith.constant 0 : i32
      %cond3A_793 = arith.cmpi ne, %convert_element_type3A_791, %cond3A_792 : i32
      scf.if %cond3A_793 {
        %jit3A_1348 = arith.constant 16 : i32
        %div3A_1349 = arith.divsi %add3A_416, %jit3A_1348 : i32
        %sign3A_1350 = arith.constant 0 : i32
        %sign3A_1351 = arith.cmpi sgt, %add3A_416, %sign3A_1350 : i32
        %sign3A_1352 = arith.extui %sign3A_1351 : i1 to i32
        %sign3A_1353 = arith.constant 0 : i32
        %sign3A_1354 = arith.cmpi slt, %add3A_416, %sign3A_1353 : i32
        %sign3A_1355 = arith.extui %sign3A_1354 : i1 to i32
        %sign3A_1356 = arith.subi %sign3A_1352, %sign3A_1355 : i32
        %sign3A_1357 = arith.constant 0 : i32
        %sign3A_1358 = arith.cmpi sgt, %jit3A_1348, %sign3A_1357 : i32
        %sign3A_1359 = arith.extui %sign3A_1358 : i1 to i32
        %sign3A_1360 = arith.constant 0 : i32
        %sign3A_1361 = arith.cmpi slt, %jit3A_1348, %sign3A_1360 : i32
        %sign3A_1362 = arith.extui %sign3A_1361 : i1 to i32
        %sign3A_1363 = arith.subi %sign3A_1359, %sign3A_1362 : i32
        %ne3A_1364 = arith.cmpi ne, %sign3A_1356, %sign3A_1363 : i32
        %rem3A_1365 = arith.remsi %add3A_416, %jit3A_1348 : i32
        %ne3A_1366 = arith.constant 0 : i32
        %ne3A_1367 = arith.cmpi ne, %rem3A_1365, %ne3A_1366 : i32
        %and3A_1368 = arith.andi %ne3A_1364, %ne3A_1367 : i1
        %sub3A_1369 = arith.constant 1 : i32
        %sub3A_1370 = arith.subi %div3A_1349, %sub3A_1369 : i32
        %select_n3A_1371 = arith.select %and3A_1368, %sub3A_1370, %div3A_1349 : i32
        %jit3A_1372 = arith.constant 16 : i32
        %eq3A_1373 = arith.constant 0 : i32
        %eq3A_1374 = arith.cmpi eq, %jit3A_1372, %eq3A_1373 : i32
        %jit3A_1375 = arith.constant 1 : i32
        %select_n3A_1376 = arith.select %eq3A_1374, %jit3A_1375, %jit3A_1372 : i32
        %rem3A_1377 = arith.remsi %add3A_416, %select_n3A_1376 : i32
        %ne3A_1378 = arith.constant 0 : i32
        %ne3A_1379 = arith.cmpi ne, %rem3A_1377, %ne3A_1378 : i32
        %lt3A_1380 = arith.constant 0 : i32
        %lt3A_1381 = arith.cmpi slt, %rem3A_1377, %lt3A_1380 : i32
        %lt3A_1382 = arith.constant 0 : i32
        %lt3A_1383 = arith.cmpi slt, %select_n3A_1376, %lt3A_1382 : i32
        %ne3A_1384 = arith.xori %lt3A_1381, %lt3A_1383 : i1
        %and3A_1385 = arith.andi %ne3A_1384, %ne3A_1379 : i1
        %add3A_1386 = arith.addi %rem3A_1377, %select_n3A_1376 : i32
        %select_n3A_1387 = arith.select %and3A_1385, %add3A_1386, %rem3A_1377 : i32
        %mul3A_1388 = arith.constant 8 : i32
        %mul3A_1389 = arith.muli %select_n3A_1387, %mul3A_1388 : i32
        %add3A_1390 = arith.constant 4 : i32
        %add3A_1391 = arith.addi %mul3A_1389, %add3A_1390 : i32
        %mul3A_1392 = arith.constant 8 : i32
        %mul3A_1393 = arith.muli %add3A_1391, %mul3A_1392 : i32
        %dma_wait3A_1394 = arith.constant 0 : i32
        %dma_wait3A_1395 = arith.constant 0 : i32
        %dma_wait3A_1396 = arith.constant 0 : i32
        %dma_wait3A_1397 = tpu.memref_slice %arg10[%dma_wait3A_1395, %dma_wait3A_1396] : memref<160x129xf32, #tpu.memory_space<vmem>> -> memref<32x128xf32, #tpu.memory_space<vmem>>
        %dma_wait3A_1398 = arith.constant 0 : i32
        %dma_wait3A_1399 = tpu.memref_slice %arg4[%select_n3A_1371, %dma_wait3A_1394, %mul3A_1393, %dma_wait3A_1398] : memref<200x4x1024x128xf32, #tpu.memory_space<hbm>> -> memref<1x1x32x128xf32, #tpu.memory_space<hbm>>
        %dma_wait3A_1400 = tpu.memref_squeeze %dma_wait3A_1399 : memref<1x1x32x128xf32, #tpu.memory_space<hbm>> -> memref<32x128xf32, #tpu.memory_space<hbm>>
        %dma_wait3A_1401 = arith.constant 0 : i32
        %dma_wait3A_1402 = tpu.memref_slice %arg4[%select_n3A_1371, %dma_wait3A_1394, %mul3A_1393, %dma_wait3A_1401] : memref<200x4x1024x128xf32, #tpu.memory_space<hbm>> -> memref<1x1x32x128xf32, #tpu.memory_space<hbm>>
        %dma_wait3A_1403 = tpu.memref_squeeze %dma_wait3A_1402 : memref<1x1x32x128xf32, #tpu.memory_space<hbm>> -> memref<32x128xf32, #tpu.memory_space<hbm>>
        %dma_wait3A_1404 = arith.constant 0 : i32
        %dma_wait3A_1405 = arith.constant 0 : i32
        %dma_wait3A_1406 = tpu.memref_slice %arg10[%dma_wait3A_1404, %dma_wait3A_1405] : memref<160x129xf32, #tpu.memory_space<vmem>> -> memref<32x128xf32, #tpu.memory_space<vmem>>
        tpu.wait_dma2 semaphore(%arg14 : memref<!tpu.dma_semaphore, #tpu.memory_space<semaphore_mem>>) src(%dma_wait3A_1406 : memref<32x128xf32, #tpu.memory_space<vmem>>) dst(%dma_wait3A_1403 : memref<32x128xf32, #tpu.memory_space<hbm>>)
        %mul3A_1407 = arith.constant 8 : i32
        %mul3A_1408 = arith.muli %select_n3A_1387, %mul3A_1407 : i32
        %add3A_1409 = arith.constant 4 : i32
        %add3A_1410 = arith.addi %mul3A_1408, %add3A_1409 : i32
        %mul3A_1411 = arith.constant 8 : i32
        %mul3A_1412 = arith.muli %add3A_1410, %mul3A_1411 : i32
        %dma_wait3A_1413 = arith.constant 1 : i32
        %dma_wait3A_1414 = arith.constant 40 : i32
        %dma_wait3A_1415 = arith.constant 0 : i32
        %dma_wait3A_1416 = tpu.memref_slice %arg10[%dma_wait3A_1414, %dma_wait3A_1415] : memref<160x129xf32, #tpu.memory_space<vmem>> -> memref<32x128xf32, #tpu.memory_space<vmem>>
        %dma_wait3A_1417 = arith.constant 0 : i32
        %dma_wait3A_1418 = tpu.memref_slice %arg4[%select_n3A_1371, %dma_wait3A_1413, %mul3A_1412, %dma_wait3A_1417] : memref<200x4x1024x128xf32, #tpu.memory_space<hbm>> -> memref<1x1x32x128xf32, #tpu.memory_space<hbm>>
        %dma_wait3A_1419 = tpu.memref_squeeze %dma_wait3A_1418 : memref<1x1x32x128xf32, #tpu.memory_space<hbm>> -> memref<32x128xf32, #tpu.memory_space<hbm>>
        %dma_wait3A_1420 = arith.constant 0 : i32
        %dma_wait3A_1421 = tpu.memref_slice %arg4[%select_n3A_1371, %dma_wait3A_1413, %mul3A_1412, %dma_wait3A_1420] : memref<200x4x1024x128xf32, #tpu.memory_space<hbm>> -> memref<1x1x32x128xf32, #tpu.memory_space<hbm>>
        %dma_wait3A_1422 = tpu.memref_squeeze %dma_wait3A_1421 : memref<1x1x32x128xf32, #tpu.memory_space<hbm>> -> memref<32x128xf32, #tpu.memory_space<hbm>>
        %dma_wait3A_1423 = arith.constant 40 : i32
        %dma_wait3A_1424 = arith.constant 0 : i32
        %dma_wait3A_1425 = tpu.memref_slice %arg10[%dma_wait3A_1423, %dma_wait3A_1424] : memref<160x129xf32, #tpu.memory_space<vmem>> -> memref<32x128xf32, #tpu.memory_space<vmem>>
        tpu.wait_dma2 semaphore(%arg14 : memref<!tpu.dma_semaphore, #tpu.memory_space<semaphore_mem>>) src(%dma_wait3A_1425 : memref<32x128xf32, #tpu.memory_space<vmem>>) dst(%dma_wait3A_1422 : memref<32x128xf32, #tpu.memory_space<hbm>>)
        %mul3A_1426 = arith.constant 8 : i32
        %mul3A_1427 = arith.muli %select_n3A_1387, %mul3A_1426 : i32
        %add3A_1428 = arith.constant 4 : i32
        %add3A_1429 = arith.addi %mul3A_1427, %add3A_1428 : i32
        %mul3A_1430 = arith.constant 8 : i32
        %mul3A_1431 = arith.muli %add3A_1429, %mul3A_1430 : i32
        %dma_wait3A_1432 = arith.constant 2 : i32
        %dma_wait3A_1433 = arith.constant 80 : i32
        %dma_wait3A_1434 = arith.constant 0 : i32
        %dma_wait3A_1435 = tpu.memref_slice %arg10[%dma_wait3A_1433, %dma_wait3A_1434] : memref<160x129xf32, #tpu.memory_space<vmem>> -> memref<32x128xf32, #tpu.memory_space<vmem>>
        %dma_wait3A_1436 = arith.constant 0 : i32
        %dma_wait3A_1437 = tpu.memref_slice %arg4[%select_n3A_1371, %dma_wait3A_1432, %mul3A_1431, %dma_wait3A_1436] : memref<200x4x1024x128xf32, #tpu.memory_space<hbm>> -> memref<1x1x32x128xf32, #tpu.memory_space<hbm>>
        %dma_wait3A_1438 = tpu.memref_squeeze %dma_wait3A_1437 : memref<1x1x32x128xf32, #tpu.memory_space<hbm>> -> memref<32x128xf32, #tpu.memory_space<hbm>>
        %dma_wait3A_1439 = arith.constant 0 : i32
        %dma_wait3A_1440 = tpu.memref_slice %arg4[%select_n3A_1371, %dma_wait3A_1432, %mul3A_1431, %dma_wait3A_1439] : memref<200x4x1024x128xf32, #tpu.memory_space<hbm>> -> memref<1x1x32x128xf32, #tpu.memory_space<hbm>>
        %dma_wait3A_1441 = tpu.memref_squeeze %dma_wait3A_1440 : memref<1x1x32x128xf32, #tpu.memory_space<hbm>> -> memref<32x128xf32, #tpu.memory_space<hbm>>
        %dma_wait3A_1442 = arith.constant 80 : i32
        %dma_wait3A_1443 = arith.constant 0 : i32
        %dma_wait3A_1444 = tpu.memref_slice %arg10[%dma_wait3A_1442, %dma_wait3A_1443] : memref<160x129xf32, #tpu.memory_space<vmem>> -> memref<32x128xf32, #tpu.memory_space<vmem>>
        tpu.wait_dma2 semaphore(%arg14 : memref<!tpu.dma_semaphore, #tpu.memory_space<semaphore_mem>>) src(%dma_wait3A_1444 : memref<32x128xf32, #tpu.memory_space<vmem>>) dst(%dma_wait3A_1441 : memref<32x128xf32, #tpu.memory_space<hbm>>)
        %mul3A_1445 = arith.constant 8 : i32
        %mul3A_1446 = arith.muli %select_n3A_1387, %mul3A_1445 : i32
        %add3A_1447 = arith.constant 4 : i32
        %add3A_1448 = arith.addi %mul3A_1446, %add3A_1447 : i32
        %mul3A_1449 = arith.constant 8 : i32
        %mul3A_1450 = arith.muli %add3A_1448, %mul3A_1449 : i32
        %dma_wait3A_1451 = arith.constant 3 : i32
        %dma_wait3A_1452 = arith.constant 120 : i32
        %dma_wait3A_1453 = arith.constant 0 : i32
        %dma_wait3A_1454 = tpu.memref_slice %arg10[%dma_wait3A_1452, %dma_wait3A_1453] : memref<160x129xf32, #tpu.memory_space<vmem>> -> memref<32x128xf32, #tpu.memory_space<vmem>>
        %dma_wait3A_1455 = arith.constant 0 : i32
        %dma_wait3A_1456 = tpu.memref_slice %arg4[%select_n3A_1371, %dma_wait3A_1451, %mul3A_1450, %dma_wait3A_1455] : memref<200x4x1024x128xf32, #tpu.memory_space<hbm>> -> memref<1x1x32x128xf32, #tpu.memory_space<hbm>>
        %dma_wait3A_1457 = tpu.memref_squeeze %dma_wait3A_1456 : memref<1x1x32x128xf32, #tpu.memory_space<hbm>> -> memref<32x128xf32, #tpu.memory_space<hbm>>
        %dma_wait3A_1458 = arith.constant 0 : i32
        %dma_wait3A_1459 = tpu.memref_slice %arg4[%select_n3A_1371, %dma_wait3A_1451, %mul3A_1450, %dma_wait3A_1458] : memref<200x4x1024x128xf32, #tpu.memory_space<hbm>> -> memref<1x1x32x128xf32, #tpu.memory_space<hbm>>
        %dma_wait3A_1460 = tpu.memref_squeeze %dma_wait3A_1459 : memref<1x1x32x128xf32, #tpu.memory_space<hbm>> -> memref<32x128xf32, #tpu.memory_space<hbm>>
        %dma_wait3A_1461 = arith.constant 120 : i32
        %dma_wait3A_1462 = arith.constant 0 : i32
        %dma_wait3A_1463 = tpu.memref_slice %arg10[%dma_wait3A_1461, %dma_wait3A_1462] : memref<160x129xf32, #tpu.memory_space<vmem>> -> memref<32x128xf32, #tpu.memory_space<vmem>>
        tpu.wait_dma2 semaphore(%arg14 : memref<!tpu.dma_semaphore, #tpu.memory_space<semaphore_mem>>) src(%dma_wait3A_1463 : memref<32x128xf32, #tpu.memory_space<vmem>>) dst(%dma_wait3A_1460 : memref<32x128xf32, #tpu.memory_space<hbm>>)
      } else {
      }
      %add3A_794 = arith.constant 0 : i32
      %add3A_795 = vector.broadcast %add3A_794 : i32 to vector<16xi32>
      %add3A_796 = arith.addi %add3A_52, %add3A_795 : vector<16xi32>
      %add3A_797 = arith.constant 0 : i32
      %add3A_798 = vector.broadcast %add3A_797 : i32 to vector<16xi32>
      %add3A_799 = arith.addi %add3A_55, %add3A_798 : vector<16xi32>
      %parallel_loop3A_800 = arith.constant 0 : i32
      %parallel_loop3A_801 = arith.constant 128 : i32
      %parallel_loop3A_802 = arith.constant 1 : i32
      scf.for %parallel_loop3A_1348 = %parallel_loop3A_800 to %parallel_loop3A_801 step %parallel_loop3A_802  : i32 {
        %parallel_loop3A_1349 = vector.broadcast %parallel_loop3A_1348 : i32 to vector<16xi32>
        %parallel_loop3A_1350 = arith.addi %mul3A_5, %parallel_loop3A_1349 : vector<16xi32>
        %parallel_loop3A_1351 = arith.constant 512 : i32
        %parallel_loop3A_1352 = arith.addi %parallel_loop3A_1351, %parallel_loop3A_1348 : i32
        %parallel_loop3A_1353 = arith.index_cast %parallel_loop3A_1352 : i32 to index
        %parallel_loop3A_1354 = arith.constant 0 : index
        %parallel_loop3A_1355 = tpu.vector_load %arg7[%parallel_loop3A_1353, %parallel_loop3A_1354] {strides = array<i32>} : memref<1024x32xf32, #tpu.memory_space<vmem>>, vector<16xf32>,
        %parallel_loop3A_1356 = arith.constant 5.65685415 : f32
        %parallel_loop3A_1357 = vector.broadcast %parallel_loop3A_1356 : f32 to vector<16xf32>
        %parallel_loop3A_1358 = arith.mulf %parallel_loop3A_1355, %parallel_loop3A_1357 : vector<16xf32>
        %parallel_loop3A_1359 = arith.index_cast %parallel_loop3A_1352 : i32 to index
        %parallel_loop3A_1360 = arith.constant 16 : index
        %parallel_loop3A_1361 = tpu.vector_load %arg7[%parallel_loop3A_1359, %parallel_loop3A_1360] {strides = array<i32>} : memref<1024x32xf32, #tpu.memory_space<vmem>>, vector<16xf32>,
        %parallel_loop3A_1362 = arith.constant 5.65685415 : f32
        %parallel_loop3A_1363 = vector.broadcast %parallel_loop3A_1362 : f32 to vector<16xf32>
        %parallel_loop3A_1364 = arith.mulf %parallel_loop3A_1361, %parallel_loop3A_1363 : vector<16xf32>
        tpu.vector_store_idx %arg10[%add3A_796, %parallel_loop3A_1350], %parallel_loop3A_1358 : memref<160x129xf32, #tpu.memory_space<vmem>>[vector<16xi32>, vector<16xi32>], vector<16xf32>,
        tpu.vector_store_idx %arg10[%add3A_799, %parallel_loop3A_1350], %parallel_loop3A_1364 : memref<160x129xf32, #tpu.memory_space<vmem>>[vector<16xi32>, vector<16xi32>], vector<16xf32>,
      } {sc.loop_unroll_factor = 4 : i64, sc.parallel_access}
      %add3A_803 = arith.constant 8 : i32
      %add3A_804 = vector.broadcast %add3A_803 : i32 to vector<16xi32>
      %add3A_805 = arith.addi %add3A_52, %add3A_804 : vector<16xi32>
      %add3A_806 = arith.constant 8 : i32
      %add3A_807 = vector.broadcast %add3A_806 : i32 to vector<16xi32>
      %add3A_808 = arith.addi %add3A_55, %add3A_807 : vector<16xi32>
      %parallel_loop3A_809 = arith.constant 0 : i32
      %parallel_loop3A_810 = arith.constant 128 : i32
      %parallel_loop3A_811 = arith.constant 1 : i32
      scf.for %parallel_loop3A_1348 = %parallel_loop3A_809 to %parallel_loop3A_810 step %parallel_loop3A_811  : i32 {
        %parallel_loop3A_1349 = vector.broadcast %parallel_loop3A_1348 : i32 to vector<16xi32>
        %parallel_loop3A_1350 = arith.addi %mul3A_5, %parallel_loop3A_1349 : vector<16xi32>
        %parallel_loop3A_1351 = arith.constant 640 : i32
        %parallel_loop3A_1352 = arith.addi %parallel_loop3A_1351, %parallel_loop3A_1348 : i32
        %parallel_loop3A_1353 = arith.index_cast %parallel_loop3A_1352 : i32 to index
        %parallel_loop3A_1354 = arith.constant 0 : index
        %parallel_loop3A_1355 = tpu.vector_load %arg7[%parallel_loop3A_1353, %parallel_loop3A_1354] {strides = array<i32>} : memref<1024x32xf32, #tpu.memory_space<vmem>>, vector<16xf32>,
        %parallel_loop3A_1356 = arith.constant 5.65685415 : f32
        %parallel_loop3A_1357 = vector.broadcast %parallel_loop3A_1356 : f32 to vector<16xf32>
        %parallel_loop3A_1358 = arith.mulf %parallel_loop3A_1355, %parallel_loop3A_1357 : vector<16xf32>
        %parallel_loop3A_1359 = arith.index_cast %parallel_loop3A_1352 : i32 to index
        %parallel_loop3A_1360 = arith.constant 16 : index
        %parallel_loop3A_1361 = tpu.vector_load %arg7[%parallel_loop3A_1359, %parallel_loop3A_1360] {strides = array<i32>} : memref<1024x32xf32, #tpu.memory_space<vmem>>, vector<16xf32>,
        %parallel_loop3A_1362 = arith.constant 5.65685415 : f32
        %parallel_loop3A_1363 = vector.broadcast %parallel_loop3A_1362 : f32 to vector<16xf32>
        %parallel_loop3A_1364 = arith.mulf %parallel_loop3A_1361, %parallel_loop3A_1363 : vector<16xf32>
        tpu.vector_store_idx %arg10[%add3A_805, %parallel_loop3A_1350], %parallel_loop3A_1358 : memref<160x129xf32, #tpu.memory_space<vmem>>[vector<16xi32>, vector<16xi32>], vector<16xf32>,
        tpu.vector_store_idx %arg10[%add3A_808, %parallel_loop3A_1350], %parallel_loop3A_1364 : memref<160x129xf32, #tpu.memory_space<vmem>>[vector<16xi32>, vector<16xi32>], vector<16xf32>,
      } {sc.loop_unroll_factor = 4 : i64, sc.parallel_access}
      %add3A_812 = arith.constant 16 : i32
      %add3A_813 = vector.broadcast %add3A_812 : i32 to vector<16xi32>
      %add3A_814 = arith.addi %add3A_52, %add3A_813 : vector<16xi32>
      %add3A_815 = arith.constant 16 : i32
      %add3A_816 = vector.broadcast %add3A_815 : i32 to vector<16xi32>
      %add3A_817 = arith.addi %add3A_55, %add3A_816 : vector<16xi32>
      %parallel_loop3A_818 = arith.constant 0 : i32
      %parallel_loop3A_819 = arith.constant 128 : i32
      %parallel_loop3A_820 = arith.constant 1 : i32
      scf.for %parallel_loop3A_1348 = %parallel_loop3A_818 to %parallel_loop3A_819 step %parallel_loop3A_820  : i32 {
        %parallel_loop3A_1349 = vector.broadcast %parallel_loop3A_1348 : i32 to vector<16xi32>
        %parallel_loop3A_1350 = arith.addi %mul3A_5, %parallel_loop3A_1349 : vector<16xi32>
        %parallel_loop3A_1351 = arith.constant 768 : i32
        %parallel_loop3A_1352 = arith.addi %parallel_loop3A_1351, %parallel_loop3A_1348 : i32
        %parallel_loop3A_1353 = arith.index_cast %parallel_loop3A_1352 : i32 to index
        %parallel_loop3A_1354 = arith.constant 0 : index
        %parallel_loop3A_1355 = tpu.vector_load %arg7[%parallel_loop3A_1353, %parallel_loop3A_1354] {strides = array<i32>} : memref<1024x32xf32, #tpu.memory_space<vmem>>, vector<16xf32>,
        %parallel_loop3A_1356 = arith.constant 5.65685415 : f32
        %parallel_loop3A_1357 = vector.broadcast %parallel_loop3A_1356 : f32 to vector<16xf32>
        %parallel_loop3A_1358 = arith.mulf %parallel_loop3A_1355, %parallel_loop3A_1357 : vector<16xf32>
        %parallel_loop3A_1359 = arith.index_cast %parallel_loop3A_1352 : i32 to index
        %parallel_loop3A_1360 = arith.constant 16 : index
        %parallel_loop3A_1361 = tpu.vector_load %arg7[%parallel_loop3A_1359, %parallel_loop3A_1360] {strides = array<i32>} : memref<1024x32xf32, #tpu.memory_space<vmem>>, vector<16xf32>,
        %parallel_loop3A_1362 = arith.constant 5.65685415 : f32
        %parallel_loop3A_1363 = vector.broadcast %parallel_loop3A_1362 : f32 to vector<16xf32>
        %parallel_loop3A_1364 = arith.mulf %parallel_loop3A_1361, %parallel_loop3A_1363 : vector<16xf32>
        tpu.vector_store_idx %arg10[%add3A_814, %parallel_loop3A_1350], %parallel_loop3A_1358 : memref<160x129xf32, #tpu.memory_space<vmem>>[vector<16xi32>, vector<16xi32>], vector<16xf32>,
        tpu.vector_store_idx %arg10[%add3A_817, %parallel_loop3A_1350], %parallel_loop3A_1364 : memref<160x129xf32, #tpu.memory_space<vmem>>[vector<16xi32>, vector<16xi32>], vector<16xf32>,
      } {sc.loop_unroll_factor = 4 : i64, sc.parallel_access}
      %add3A_821 = arith.constant 24 : i32
      %add3A_822 = vector.broadcast %add3A_821 : i32 to vector<16xi32>
      %add3A_823 = arith.addi %add3A_52, %add3A_822 : vector<16xi32>
      %add3A_824 = arith.constant 24 : i32
      %add3A_825 = vector.broadcast %add3A_824 : i32 to vector<16xi32>
      %add3A_826 = arith.addi %add3A_55, %add3A_825 : vector<16xi32>
      %parallel_loop3A_827 = arith.constant 0 : i32
      %parallel_loop3A_828 = arith.constant 128 : i32
      %parallel_loop3A_829 = arith.constant 1 : i32
      scf.for %parallel_loop3A_1348 = %parallel_loop3A_827 to %parallel_loop3A_828 step %parallel_loop3A_829  : i32 {
        %parallel_loop3A_1349 = vector.broadcast %parallel_loop3A_1348 : i32 to vector<16xi32>
        %parallel_loop3A_1350 = arith.addi %mul3A_5, %parallel_loop3A_1349 : vector<16xi32>
        %parallel_loop3A_1351 = arith.constant 896 : i32
        %parallel_loop3A_1352 = arith.addi %parallel_loop3A_1351, %parallel_loop3A_1348 : i32
        %parallel_loop3A_1353 = arith.index_cast %parallel_loop3A_1352 : i32 to index
        %parallel_loop3A_1354 = arith.constant 0 : index
        %parallel_loop3A_1355 = tpu.vector_load %arg7[%parallel_loop3A_1353, %parallel_loop3A_1354] {strides = array<i32>} : memref<1024x32xf32, #tpu.memory_space<vmem>>, vector<16xf32>,
        %parallel_loop3A_1356 = arith.constant 5.65685415 : f32
        %parallel_loop3A_1357 = vector.broadcast %parallel_loop3A_1356 : f32 to vector<16xf32>
        %parallel_loop3A_1358 = arith.mulf %parallel_loop3A_1355, %parallel_loop3A_1357 : vector<16xf32>
        %parallel_loop3A_1359 = arith.index_cast %parallel_loop3A_1352 : i32 to index
        %parallel_loop3A_1360 = arith.constant 16 : index
        %parallel_loop3A_1361 = tpu.vector_load %arg7[%parallel_loop3A_1359, %parallel_loop3A_1360] {strides = array<i32>} : memref<1024x32xf32, #tpu.memory_space<vmem>>, vector<16xf32>,
        %parallel_loop3A_1362 = arith.constant 5.65685415 : f32
        %parallel_loop3A_1363 = vector.broadcast %parallel_loop3A_1362 : f32 to vector<16xf32>
        %parallel_loop3A_1364 = arith.mulf %parallel_loop3A_1361, %parallel_loop3A_1363 : vector<16xf32>
        tpu.vector_store_idx %arg10[%add3A_823, %parallel_loop3A_1350], %parallel_loop3A_1358 : memref<160x129xf32, #tpu.memory_space<vmem>>[vector<16xi32>, vector<16xi32>], vector<16xf32>,
        tpu.vector_store_idx %arg10[%add3A_826, %parallel_loop3A_1350], %parallel_loop3A_1364 : memref<160x129xf32, #tpu.memory_space<vmem>>[vector<16xi32>, vector<16xi32>], vector<16xf32>,
      } {sc.loop_unroll_factor = 4 : i64, sc.parallel_access}
      %jit3A_830 = arith.constant 16 : i32
      %div3A_831 = arith.divsi %add3A_416, %jit3A_830 : i32
      %sign3A_832 = arith.constant 0 : i32
      %sign3A_833 = arith.cmpi sgt, %add3A_416, %sign3A_832 : i32
      %sign3A_834 = arith.extui %sign3A_833 : i1 to i32
      %sign3A_835 = arith.constant 0 : i32
      %sign3A_836 = arith.cmpi slt, %add3A_416, %sign3A_835 : i32
      %sign3A_837 = arith.extui %sign3A_836 : i1 to i32
      %sign3A_838 = arith.subi %sign3A_834, %sign3A_837 : i32
      %sign3A_839 = arith.constant 0 : i32
      %sign3A_840 = arith.cmpi sgt, %jit3A_830, %sign3A_839 : i32
      %sign3A_841 = arith.extui %sign3A_840 : i1 to i32
      %sign3A_842 = arith.constant 0 : i32
      %sign3A_843 = arith.cmpi slt, %jit3A_830, %sign3A_842 : i32
      %sign3A_844 = arith.extui %sign3A_843 : i1 to i32
      %sign3A_845 = arith.subi %sign3A_841, %sign3A_844 : i32
      %ne3A_846 = arith.cmpi ne, %sign3A_838, %sign3A_845 : i32
      %rem3A_847 = arith.remsi %add3A_416, %jit3A_830 : i32
      %ne3A_848 = arith.constant 0 : i32
      %ne3A_849 = arith.cmpi ne, %rem3A_847, %ne3A_848 : i32
      %and3A_850 = arith.andi %ne3A_846, %ne3A_849 : i1
      %sub3A_851 = arith.constant 1 : i32
      %sub3A_852 = arith.subi %div3A_831, %sub3A_851 : i32
      %select_n3A_853 = arith.select %and3A_850, %sub3A_852, %div3A_831 : i32
      %jit3A_854 = arith.constant 16 : i32
      %eq3A_855 = arith.constant 0 : i32
      %eq3A_856 = arith.cmpi eq, %jit3A_854, %eq3A_855 : i32
      %jit3A_857 = arith.constant 1 : i32
      %select_n3A_858 = arith.select %eq3A_856, %jit3A_857, %jit3A_854 : i32
      %rem3A_859 = arith.remsi %add3A_416, %select_n3A_858 : i32
      %ne3A_860 = arith.constant 0 : i32
      %ne3A_861 = arith.cmpi ne, %rem3A_859, %ne3A_860 : i32
      %lt3A_862 = arith.constant 0 : i32
      %lt3A_863 = arith.cmpi slt, %rem3A_859, %lt3A_862 : i32
      %lt3A_864 = arith.constant 0 : i32
      %lt3A_865 = arith.cmpi slt, %select_n3A_858, %lt3A_864 : i32
      %ne3A_866 = arith.xori %lt3A_863, %lt3A_865 : i1
      %and3A_867 = arith.andi %ne3A_866, %ne3A_861 : i1
      %add3A_868 = arith.addi %rem3A_859, %select_n3A_858 : i32
      %select_n3A_869 = arith.select %and3A_867, %add3A_868, %rem3A_859 : i32
      %mul3A_870 = arith.constant 8 : i32
      %mul3A_871 = arith.muli %select_n3A_869, %mul3A_870 : i32
      %add3A_872 = arith.constant 4 : i32
      %add3A_873 = arith.addi %mul3A_871, %add3A_872 : i32
      %mul3A_874 = arith.constant 8 : i32
      %mul3A_875 = arith.muli %add3A_873, %mul3A_874 : i32
      %dma_start3A_876 = arith.constant 0 : i32
      %dma_start3A_877 = arith.constant 0 : i32
      %dma_start3A_878 = arith.constant 0 : i32
      %dma_start3A_879 = tpu.memref_slice %arg10[%dma_start3A_877, %dma_start3A_878] : memref<160x129xf32, #tpu.memory_space<vmem>> -> memref<32x128xf32, #tpu.memory_space<vmem>>
      %dma_start3A_880 = arith.constant 0 : i32
      %dma_start3A_881 = tpu.memref_slice %arg4[%select_n3A_853, %dma_start3A_876, %mul3A_875, %dma_start3A_880] : memref<200x4x1024x128xf32, #tpu.memory_space<hbm>> -> memref<1x1x32x128xf32, #tpu.memory_space<hbm>>
      %dma_start3A_882 = tpu.memref_squeeze %dma_start3A_881 : memref<1x1x32x128xf32, #tpu.memory_space<hbm>> -> memref<32x128xf32, #tpu.memory_space<hbm>>
      %dma_start3A_883 = arith.constant 0 : i32
      %dma_start3A_884 = tpu.memref_slice %arg4[%select_n3A_853, %dma_start3A_876, %mul3A_875, %dma_start3A_883] : memref<200x4x1024x128xf32, #tpu.memory_space<hbm>> -> memref<1x1x32x128xf32, #tpu.memory_space<hbm>>
      %dma_start3A_885 = tpu.memref_squeeze %dma_start3A_884 : memref<1x1x32x128xf32, #tpu.memory_space<hbm>> -> memref<32x128xf32, #tpu.memory_space<hbm>>
      %dma_start3A_886 = arith.constant 0 : i32
      %dma_start3A_887 = arith.constant 0 : i32
      %dma_start3A_888 = tpu.memref_slice %arg10[%dma_start3A_886, %dma_start3A_887] : memref<160x129xf32, #tpu.memory_space<vmem>> -> memref<32x128xf32, #tpu.memory_space<vmem>>
      tpu.enqueue_dma source(%dma_start3A_888 : memref<32x128xf32, #tpu.memory_space<vmem>>) target(%dma_start3A_885 : memref<32x128xf32, #tpu.memory_space<hbm>>) target_semaphore(%arg14 : memref<!tpu.dma_semaphore, #tpu.memory_space<semaphore_mem>>)
      %mul3A_889 = arith.constant 8 : i32
      %mul3A_890 = arith.muli %select_n3A_869, %mul3A_889 : i32
      %add3A_891 = arith.constant 4 : i32
      %add3A_892 = arith.addi %mul3A_890, %add3A_891 : i32
      %mul3A_893 = arith.constant 8 : i32
      %mul3A_894 = arith.muli %add3A_892, %mul3A_893 : i32
      %dma_start3A_895 = arith.constant 1 : i32
      %dma_start3A_896 = arith.constant 40 : i32
      %dma_start3A_897 = arith.constant 0 : i32
      %dma_start3A_898 = tpu.memref_slice %arg10[%dma_start3A_896, %dma_start3A_897] : memref<160x129xf32, #tpu.memory_space<vmem>> -> memref<32x128xf32, #tpu.memory_space<vmem>>
      %dma_start3A_899 = arith.constant 0 : i32
      %dma_start3A_900 = tpu.memref_slice %arg4[%select_n3A_853, %dma_start3A_895, %mul3A_894, %dma_start3A_899] : memref<200x4x1024x128xf32, #tpu.memory_space<hbm>> -> memref<1x1x32x128xf32, #tpu.memory_space<hbm>>
      %dma_start3A_901 = tpu.memref_squeeze %dma_start3A_900 : memref<1x1x32x128xf32, #tpu.memory_space<hbm>> -> memref<32x128xf32, #tpu.memory_space<hbm>>
      %dma_start3A_902 = arith.constant 0 : i32
      %dma_start3A_903 = tpu.memref_slice %arg4[%select_n3A_853, %dma_start3A_895, %mul3A_894, %dma_start3A_902] : memref<200x4x1024x128xf32, #tpu.memory_space<hbm>> -> memref<1x1x32x128xf32, #tpu.memory_space<hbm>>
      %dma_start3A_904 = tpu.memref_squeeze %dma_start3A_903 : memref<1x1x32x128xf32, #tpu.memory_space<hbm>> -> memref<32x128xf32, #tpu.memory_space<hbm>>
      %dma_start3A_905 = arith.constant 40 : i32
      %dma_start3A_906 = arith.constant 0 : i32
      %dma_start3A_907 = tpu.memref_slice %arg10[%dma_start3A_905, %dma_start3A_906] : memref<160x129xf32, #tpu.memory_space<vmem>> -> memref<32x128xf32, #tpu.memory_space<vmem>>
      tpu.enqueue_dma source(%dma_start3A_907 : memref<32x128xf32, #tpu.memory_space<vmem>>) target(%dma_start3A_904 : memref<32x128xf32, #tpu.memory_space<hbm>>) target_semaphore(%arg14 : memref<!tpu.dma_semaphore, #tpu.memory_space<semaphore_mem>>)
      %mul3A_908 = arith.constant 8 : i32
      %mul3A_909 = arith.muli %select_n3A_869, %mul3A_908 : i32
      %add3A_910 = arith.constant 4 : i32
      %add3A_911 = arith.addi %mul3A_909, %add3A_910 : i32
      %mul3A_912 = arith.constant 8 : i32
      %mul3A_913 = arith.muli %add3A_911, %mul3A_912 : i32
      %dma_start3A_914 = arith.constant 2 : i32
      %dma_start3A_915 = arith.constant 80 : i32
      %dma_start3A_916 = arith.constant 0 : i32
      %dma_start3A_917 = tpu.memref_slice %arg10[%dma_start3A_915, %dma_start3A_916] : memref<160x129xf32, #tpu.memory_space<vmem>> -> memref<32x128xf32, #tpu.memory_space<vmem>>
      %dma_start3A_918 = arith.constant 0 : i32
      %dma_start3A_919 = tpu.memref_slice %arg4[%select_n3A_853, %dma_start3A_914, %mul3A_913, %dma_start3A_918] : memref<200x4x1024x128xf32, #tpu.memory_space<hbm>> -> memref<1x1x32x128xf32, #tpu.memory_space<hbm>>
      %dma_start3A_920 = tpu.memref_squeeze %dma_start3A_919 : memref<1x1x32x128xf32, #tpu.memory_space<hbm>> -> memref<32x128xf32, #tpu.memory_space<hbm>>
      %dma_start3A_921 = arith.constant 0 : i32
      %dma_start3A_922 = tpu.memref_slice %arg4[%select_n3A_853, %dma_start3A_914, %mul3A_913, %dma_start3A_921] : memref<200x4x1024x128xf32, #tpu.memory_space<hbm>> -> memref<1x1x32x128xf32, #tpu.memory_space<hbm>>
      %dma_start3A_923 = tpu.memref_squeeze %dma_start3A_922 : memref<1x1x32x128xf32, #tpu.memory_space<hbm>> -> memref<32x128xf32, #tpu.memory_space<hbm>>
      %dma_start3A_924 = arith.constant 80 : i32
      %dma_start3A_925 = arith.constant 0 : i32
      %dma_start3A_926 = tpu.memref_slice %arg10[%dma_start3A_924, %dma_start3A_925] : memref<160x129xf32, #tpu.memory_space<vmem>> -> memref<32x128xf32, #tpu.memory_space<vmem>>
      tpu.enqueue_dma source(%dma_start3A_926 : memref<32x128xf32, #tpu.memory_space<vmem>>) target(%dma_start3A_923 : memref<32x128xf32, #tpu.memory_space<hbm>>) target_semaphore(%arg14 : memref<!tpu.dma_semaphore, #tpu.memory_space<semaphore_mem>>)
      %mul3A_927 = arith.constant 8 : i32
      %mul3A_928 = arith.muli %select_n3A_869, %mul3A_927 : i32
      %add3A_929 = arith.constant 4 : i32
      %add3A_930 = arith.addi %mul3A_928, %add3A_929 : i32
      %mul3A_931 = arith.constant 8 : i32
      %mul3A_932 = arith.muli %add3A_930, %mul3A_931 : i32
      %dma_start3A_933 = arith.constant 3 : i32
      %dma_start3A_934 = arith.constant 120 : i32
      %dma_start3A_935 = arith.constant 0 : i32
      %dma_start3A_936 = tpu.memref_slice %arg10[%dma_start3A_934, %dma_start3A_935] : memref<160x129xf32, #tpu.memory_space<vmem>> -> memref<32x128xf32, #tpu.memory_space<vmem>>
      %dma_start3A_937 = arith.constant 0 : i32
      %dma_start3A_938 = tpu.memref_slice %arg4[%select_n3A_853, %dma_start3A_933, %mul3A_932, %dma_start3A_937] : memref<200x4x1024x128xf32, #tpu.memory_space<hbm>> -> memref<1x1x32x128xf32, #tpu.memory_space<hbm>>
      %dma_start3A_939 = tpu.memref_squeeze %dma_start3A_938 : memref<1x1x32x128xf32, #tpu.memory_space<hbm>> -> memref<32x128xf32, #tpu.memory_space<hbm>>
      %dma_start3A_940 = arith.constant 0 : i32
      %dma_start3A_941 = tpu.memref_slice %arg4[%select_n3A_853, %dma_start3A_933, %mul3A_932, %dma_start3A_940] : memref<200x4x1024x128xf32, #tpu.memory_space<hbm>> -> memref<1x1x32x128xf32, #tpu.memory_space<hbm>>
      %dma_start3A_942 = tpu.memref_squeeze %dma_start3A_941 : memref<1x1x32x128xf32, #tpu.memory_space<hbm>> -> memref<32x128xf32, #tpu.memory_space<hbm>>
      %dma_start3A_943 = arith.constant 120 : i32
      %dma_start3A_944 = arith.constant 0 : i32
      %dma_start3A_945 = tpu.memref_slice %arg10[%dma_start3A_943, %dma_start3A_944] : memref<160x129xf32, #tpu.memory_space<vmem>> -> memref<32x128xf32, #tpu.memory_space<vmem>>
      tpu.enqueue_dma source(%dma_start3A_945 : memref<32x128xf32, #tpu.memory_space<vmem>>) target(%dma_start3A_942 : memref<32x128xf32, #tpu.memory_space<hbm>>) target_semaphore(%arg14 : memref<!tpu.dma_semaphore, #tpu.memory_space<semaphore_mem>>)
      %convert_element_type3A_946 = arith.extui %lt3A_422 : i1 to i32
      %cond3A_947 = arith.constant 0 : i32
      %cond3A_948 = arith.cmpi ne, %convert_element_type3A_946, %cond3A_947 : i32
      scf.if %cond3A_948 {
        %add3A_1348 = arith.constant 2 : i32
        %add3A_1349 = arith.addi %add3A_416, %add3A_1348 : i32
        %jit3A_1350 = arith.constant 16 : i32
        %div3A_1351 = arith.divsi %add3A_1349, %jit3A_1350 : i32
        %sign3A_1352 = arith.constant 0 : i32
        %sign3A_1353 = arith.cmpi sgt, %add3A_1349, %sign3A_1352 : i32
        %sign3A_1354 = arith.extui %sign3A_1353 : i1 to i32
        %sign3A_1355 = arith.constant 0 : i32
        %sign3A_1356 = arith.cmpi slt, %add3A_1349, %sign3A_1355 : i32
        %sign3A_1357 = arith.extui %sign3A_1356 : i1 to i32
        %sign3A_1358 = arith.subi %sign3A_1354, %sign3A_1357 : i32
        %sign3A_1359 = arith.constant 0 : i32
        %sign3A_1360 = arith.cmpi sgt, %jit3A_1350, %sign3A_1359 : i32
        %sign3A_1361 = arith.extui %sign3A_1360 : i1 to i32
        %sign3A_1362 = arith.constant 0 : i32
        %sign3A_1363 = arith.cmpi slt, %jit3A_1350, %sign3A_1362 : i32
        %sign3A_1364 = arith.extui %sign3A_1363 : i1 to i32
        %sign3A_1365 = arith.subi %sign3A_1361, %sign3A_1364 : i32
        %ne3A_1366 = arith.cmpi ne, %sign3A_1358, %sign3A_1365 : i32
        %rem3A_1367 = arith.remsi %add3A_1349, %jit3A_1350 : i32
        %ne3A_1368 = arith.constant 0 : i32
        %ne3A_1369 = arith.cmpi ne, %rem3A_1367, %ne3A_1368 : i32
        %and3A_1370 = arith.andi %ne3A_1366, %ne3A_1369 : i1
        %sub3A_1371 = arith.constant 1 : i32
        %sub3A_1372 = arith.subi %div3A_1351, %sub3A_1371 : i32
        %select_n3A_1373 = arith.select %and3A_1370, %sub3A_1372, %div3A_1351 : i32
        %jit3A_1374 = arith.constant 16 : i32
        %eq3A_1375 = arith.constant 0 : i32
        %eq3A_1376 = arith.cmpi eq, %jit3A_1374, %eq3A_1375 : i32
        %jit3A_1377 = arith.constant 1 : i32
        %select_n3A_1378 = arith.select %eq3A_1376, %jit3A_1377, %jit3A_1374 : i32
        %rem3A_1379 = arith.remsi %add3A_1349, %select_n3A_1378 : i32
        %ne3A_1380 = arith.constant 0 : i32
        %ne3A_1381 = arith.cmpi ne, %rem3A_1379, %ne3A_1380 : i32
        %lt3A_1382 = arith.constant 0 : i32
        %lt3A_1383 = arith.cmpi slt, %rem3A_1379, %lt3A_1382 : i32
        %lt3A_1384 = arith.constant 0 : i32
        %lt3A_1385 = arith.cmpi slt, %select_n3A_1378, %lt3A_1384 : i32
        %ne3A_1386 = arith.xori %lt3A_1383, %lt3A_1385 : i1
        %and3A_1387 = arith.andi %ne3A_1386, %ne3A_1381 : i1
        %add3A_1388 = arith.addi %rem3A_1379, %select_n3A_1378 : i32
        %select_n3A_1389 = arith.select %and3A_1387, %add3A_1388, %rem3A_1379 : i32
        %mul3A_1390 = arith.constant 8 : i32
        %mul3A_1391 = arith.muli %select_n3A_1389, %mul3A_1390 : i32
        %dma_wait3A_1392 = arith.constant 0 : i32
        %dma_wait3A_1393 = tpu.memref_slice %arg2[%select_n3A_1373, %mul3A_1391, %dma_wait3A_1392] : memref<200x128x128xi32, #tpu.memory_space<hbm>> -> memref<1x8x128xi32, #tpu.memory_space<hbm>>
        %dma_wait3A_1394 = tpu.memref_squeeze %dma_wait3A_1393 : memref<1x8x128xi32, #tpu.memory_space<hbm>> -> memref<8x128xi32, #tpu.memory_space<hbm>>
        %dma_wait3A_1395 = arith.constant 0 : i32
        %dma_wait3A_1396 = tpu.memref_slice %arg2[%select_n3A_1373, %mul3A_1391, %dma_wait3A_1395] : memref<200x128x128xi32, #tpu.memory_space<hbm>> -> memref<1x8x128xi32, #tpu.memory_space<hbm>>
        %dma_wait3A_1397 = tpu.memref_squeeze %dma_wait3A_1396 : memref<1x8x128xi32, #tpu.memory_space<hbm>> -> memref<8x128xi32, #tpu.memory_space<hbm>>
        tpu.wait_dma2 semaphore(%arg15 : memref<!tpu.dma_semaphore, #tpu.memory_space<semaphore_mem>>) src(%dma_wait3A_1397 : memref<8x128xi32, #tpu.memory_space<hbm>>) dst(%arg5 : memref<8x128xi32, #tpu.memory_space<vmem>>)
        %dma_start3A_1398 = arith.constant 0 : i32
        %dma_start3A_1399 = arith.constant 0 : i32
        %dma_start3A_1400 = arith.constant 0 : i32
        %dma_start3A_1401 = tpu.memref_slice %arg7[%dma_start3A_1399, %dma_start3A_1400] : memref<1024x32xf32, #tpu.memory_space<vmem>> -> memref<128x32xf32, #tpu.memory_space<vmem>>
        %dma_start3A_1402 = arith.constant 0 : i32
        %dma_start3A_1403 = tpu.memref_slice %arg5[%dma_start3A_1398, %dma_start3A_1402] : memref<8x128xi32, #tpu.memory_space<vmem>> -> memref<1x128xi32, #tpu.memory_space<vmem>>
        %dma_start3A_1404 = tpu.memref_squeeze %dma_start3A_1403 : memref<1x128xi32, #tpu.memory_space<vmem>> -> memref<128xi32, #tpu.memory_space<vmem>>
        %dma_start3A_1405 = arith.constant 0 : i32
        %dma_start3A_1406 = arith.constant 0 : i32
        %dma_start3A_1407 = tpu.memref_slice %arg3[%dma_start3A_1405, %dma_start3A_1406] : memref<1000000x32xf32, #tpu.memory_space<hbm>> -> memref<1000000x32xf32, #tpu.memory_space<hbm>>
        tpu.enqueue_indirect_dma source(%dma_start3A_1407 : memref<1000000x32xf32, #tpu.memory_space<hbm>>) target(%dma_start3A_1401 : memref<128x32xf32, #tpu.memory_space<vmem>>) offsets(%dma_start3A_1404 : memref<128xi32, #tpu.memory_space<vmem>>) semaphore(%arg11 : memref<!tpu.dma_semaphore, #tpu.memory_space<semaphore_mem>>)
        %dma_start3A_1408 = arith.constant 1 : i32
        %dma_start3A_1409 = arith.constant 128 : i32
        %dma_start3A_1410 = arith.constant 0 : i32
        %dma_start3A_1411 = tpu.memref_slice %arg7[%dma_start3A_1409, %dma_start3A_1410] : memref<1024x32xf32, #tpu.memory_space<vmem>> -> memref<128x32xf32, #tpu.memory_space<vmem>>
        %dma_start3A_1412 = arith.constant 0 : i32
        %dma_start3A_1413 = tpu.memref_slice %arg5[%dma_start3A_1408, %dma_start3A_1412] : memref<8x128xi32, #tpu.memory_space<vmem>> -> memref<1x128xi32, #tpu.memory_space<vmem>>
        %dma_start3A_1414 = tpu.memref_squeeze %dma_start3A_1413 : memref<1x128xi32, #tpu.memory_space<vmem>> -> memref<128xi32, #tpu.memory_space<vmem>>
        %dma_start3A_1415 = arith.constant 0 : i32
        %dma_start3A_1416 = arith.constant 0 : i32
        %dma_start3A_1417 = tpu.memref_slice %arg3[%dma_start3A_1415, %dma_start3A_1416] : memref<1000000x32xf32, #tpu.memory_space<hbm>> -> memref<1000000x32xf32, #tpu.memory_space<hbm>>
        tpu.enqueue_indirect_dma source(%dma_start3A_1417 : memref<1000000x32xf32, #tpu.memory_space<hbm>>) target(%dma_start3A_1411 : memref<128x32xf32, #tpu.memory_space<vmem>>) offsets(%dma_start3A_1414 : memref<128xi32, #tpu.memory_space<vmem>>) semaphore(%arg11 : memref<!tpu.dma_semaphore, #tpu.memory_space<semaphore_mem>>)
        %dma_start3A_1418 = arith.constant 2 : i32
        %dma_start3A_1419 = arith.constant 256 : i32
        %dma_start3A_1420 = arith.constant 0 : i32
        %dma_start3A_1421 = tpu.memref_slice %arg7[%dma_start3A_1419, %dma_start3A_1420] : memref<1024x32xf32, #tpu.memory_space<vmem>> -> memref<128x32xf32, #tpu.memory_space<vmem>>
        %dma_start3A_1422 = arith.constant 0 : i32
        %dma_start3A_1423 = tpu.memref_slice %arg5[%dma_start3A_1418, %dma_start3A_1422] : memref<8x128xi32, #tpu.memory_space<vmem>> -> memref<1x128xi32, #tpu.memory_space<vmem>>
        %dma_start3A_1424 = tpu.memref_squeeze %dma_start3A_1423 : memref<1x128xi32, #tpu.memory_space<vmem>> -> memref<128xi32, #tpu.memory_space<vmem>>
        %dma_start3A_1425 = arith.constant 0 : i32
        %dma_start3A_1426 = arith.constant 0 : i32
        %dma_start3A_1427 = tpu.memref_slice %arg3[%dma_start3A_1425, %dma_start3A_1426] : memref<1000000x32xf32, #tpu.memory_space<hbm>> -> memref<1000000x32xf32, #tpu.memory_space<hbm>>
        tpu.enqueue_indirect_dma source(%dma_start3A_1427 : memref<1000000x32xf32, #tpu.memory_space<hbm>>) target(%dma_start3A_1421 : memref<128x32xf32, #tpu.memory_space<vmem>>) offsets(%dma_start3A_1424 : memref<128xi32, #tpu.memory_space<vmem>>) semaphore(%arg11 : memref<!tpu.dma_semaphore, #tpu.memory_space<semaphore_mem>>)
        %dma_start3A_1428 = arith.constant 3 : i32
        %dma_start3A_1429 = arith.constant 384 : i32
        %dma_start3A_1430 = arith.constant 0 : i32
        %dma_start3A_1431 = tpu.memref_slice %arg7[%dma_start3A_1429, %dma_start3A_1430] : memref<1024x32xf32, #tpu.memory_space<vmem>> -> memref<128x32xf32, #tpu.memory_space<vmem>>
        %dma_start3A_1432 = arith.constant 0 : i32
        %dma_start3A_1433 = tpu.memref_slice %arg5[%dma_start3A_1428, %dma_start3A_1432] : memref<8x128xi32, #tpu.memory_space<vmem>> -> memref<1x128xi32, #tpu.memory_space<vmem>>
        %dma_start3A_1434 = tpu.memref_squeeze %dma_start3A_1433 : memref<1x128xi32, #tpu.memory_space<vmem>> -> memref<128xi32, #tpu.memory_space<vmem>>
        %dma_start3A_1435 = arith.constant 0 : i32
        %dma_start3A_1436 = arith.constant 0 : i32
        %dma_start3A_1437 = tpu.memref_slice %arg3[%dma_start3A_1435, %dma_start3A_1436] : memref<1000000x32xf32, #tpu.memory_space<hbm>> -> memref<1000000x32xf32, #tpu.memory_space<hbm>>
        tpu.enqueue_indirect_dma source(%dma_start3A_1437 : memref<1000000x32xf32, #tpu.memory_space<hbm>>) target(%dma_start3A_1431 : memref<128x32xf32, #tpu.memory_space<vmem>>) offsets(%dma_start3A_1434 : memref<128xi32, #tpu.memory_space<vmem>>) semaphore(%arg11 : memref<!tpu.dma_semaphore, #tpu.memory_space<semaphore_mem>>)
        %dma_start3A_1438 = arith.constant 4 : i32
        %dma_start3A_1439 = arith.constant 512 : i32
        %dma_start3A_1440 = arith.constant 0 : i32
        %dma_start3A_1441 = tpu.memref_slice %arg7[%dma_start3A_1439, %dma_start3A_1440] : memref<1024x32xf32, #tpu.memory_space<vmem>> -> memref<128x32xf32, #tpu.memory_space<vmem>>
        %dma_start3A_1442 = arith.constant 0 : i32
        %dma_start3A_1443 = tpu.memref_slice %arg5[%dma_start3A_1438, %dma_start3A_1442] : memref<8x128xi32, #tpu.memory_space<vmem>> -> memref<1x128xi32, #tpu.memory_space<vmem>>
        %dma_start3A_1444 = tpu.memref_squeeze %dma_start3A_1443 : memref<1x128xi32, #tpu.memory_space<vmem>> -> memref<128xi32, #tpu.memory_space<vmem>>
        %dma_start3A_1445 = arith.constant 0 : i32
        %dma_start3A_1446 = arith.constant 0 : i32
        %dma_start3A_1447 = tpu.memref_slice %arg3[%dma_start3A_1445, %dma_start3A_1446] : memref<1000000x32xf32, #tpu.memory_space<hbm>> -> memref<1000000x32xf32, #tpu.memory_space<hbm>>
        tpu.enqueue_indirect_dma source(%dma_start3A_1447 : memref<1000000x32xf32, #tpu.memory_space<hbm>>) target(%dma_start3A_1441 : memref<128x32xf32, #tpu.memory_space<vmem>>) offsets(%dma_start3A_1444 : memref<128xi32, #tpu.memory_space<vmem>>) semaphore(%arg11 : memref<!tpu.dma_semaphore, #tpu.memory_space<semaphore_mem>>)
        %dma_start3A_1448 = arith.constant 5 : i32
        %dma_start3A_1449 = arith.constant 640 : i32
        %dma_start3A_1450 = arith.constant 0 : i32
        %dma_start3A_1451 = tpu.memref_slice %arg7[%dma_start3A_1449, %dma_start3A_1450] : memref<1024x32xf32, #tpu.memory_space<vmem>> -> memref<128x32xf32, #tpu.memory_space<vmem>>
        %dma_start3A_1452 = arith.constant 0 : i32
        %dma_start3A_1453 = tpu.memref_slice %arg5[%dma_start3A_1448, %dma_start3A_1452] : memref<8x128xi32, #tpu.memory_space<vmem>> -> memref<1x128xi32, #tpu.memory_space<vmem>>
        %dma_start3A_1454 = tpu.memref_squeeze %dma_start3A_1453 : memref<1x128xi32, #tpu.memory_space<vmem>> -> memref<128xi32, #tpu.memory_space<vmem>>
        %dma_start3A_1455 = arith.constant 0 : i32
        %dma_start3A_1456 = arith.constant 0 : i32
        %dma_start3A_1457 = tpu.memref_slice %arg3[%dma_start3A_1455, %dma_start3A_1456] : memref<1000000x32xf32, #tpu.memory_space<hbm>> -> memref<1000000x32xf32, #tpu.memory_space<hbm>>
        tpu.enqueue_indirect_dma source(%dma_start3A_1457 : memref<1000000x32xf32, #tpu.memory_space<hbm>>) target(%dma_start3A_1451 : memref<128x32xf32, #tpu.memory_space<vmem>>) offsets(%dma_start3A_1454 : memref<128xi32, #tpu.memory_space<vmem>>) semaphore(%arg11 : memref<!tpu.dma_semaphore, #tpu.memory_space<semaphore_mem>>)
        %dma_start3A_1458 = arith.constant 6 : i32
        %dma_start3A_1459 = arith.constant 768 : i32
        %dma_start3A_1460 = arith.constant 0 : i32
        %dma_start3A_1461 = tpu.memref_slice %arg7[%dma_start3A_1459, %dma_start3A_1460] : memref<1024x32xf32, #tpu.memory_space<vmem>> -> memref<128x32xf32, #tpu.memory_space<vmem>>
        %dma_start3A_1462 = arith.constant 0 : i32
        %dma_start3A_1463 = tpu.memref_slice %arg5[%dma_start3A_1458, %dma_start3A_1462] : memref<8x128xi32, #tpu.memory_space<vmem>> -> memref<1x128xi32, #tpu.memory_space<vmem>>
        %dma_start3A_1464 = tpu.memref_squeeze %dma_start3A_1463 : memref<1x128xi32, #tpu.memory_space<vmem>> -> memref<128xi32, #tpu.memory_space<vmem>>
        %dma_start3A_1465 = arith.constant 0 : i32
        %dma_start3A_1466 = arith.constant 0 : i32
        %dma_start3A_1467 = tpu.memref_slice %arg3[%dma_start3A_1465, %dma_start3A_1466] : memref<1000000x32xf32, #tpu.memory_space<hbm>> -> memref<1000000x32xf32, #tpu.memory_space<hbm>>
        tpu.enqueue_indirect_dma source(%dma_start3A_1467 : memref<1000000x32xf32, #tpu.memory_space<hbm>>) target(%dma_start3A_1461 : memref<128x32xf32, #tpu.memory_space<vmem>>) offsets(%dma_start3A_1464 : memref<128xi32, #tpu.memory_space<vmem>>) semaphore(%arg11 : memref<!tpu.dma_semaphore, #tpu.memory_space<semaphore_mem>>)
        %dma_start3A_1468 = arith.constant 7 : i32
        %dma_start3A_1469 = arith.constant 896 : i32
        %dma_start3A_1470 = arith.constant 0 : i32
        %dma_start3A_1471 = tpu.memref_slice %arg7[%dma_start3A_1469, %dma_start3A_1470] : memref<1024x32xf32, #tpu.memory_space<vmem>> -> memref<128x32xf32, #tpu.memory_space<vmem>>
        %dma_start3A_1472 = arith.constant 0 : i32
        %dma_start3A_1473 = tpu.memref_slice %arg5[%dma_start3A_1468, %dma_start3A_1472] : memref<8x128xi32, #tpu.memory_space<vmem>> -> memref<1x128xi32, #tpu.memory_space<vmem>>
        %dma_start3A_1474 = tpu.memref_squeeze %dma_start3A_1473 : memref<1x128xi32, #tpu.memory_space<vmem>> -> memref<128xi32, #tpu.memory_space<vmem>>
        %dma_start3A_1475 = arith.constant 0 : i32
        %dma_start3A_1476 = arith.constant 0 : i32
        %dma_start3A_1477 = tpu.memref_slice %arg3[%dma_start3A_1475, %dma_start3A_1476] : memref<1000000x32xf32, #tpu.memory_space<hbm>> -> memref<1000000x32xf32, #tpu.memory_space<hbm>>
        tpu.enqueue_indirect_dma source(%dma_start3A_1477 : memref<1000000x32xf32, #tpu.memory_space<hbm>>) target(%dma_start3A_1471 : memref<128x32xf32, #tpu.memory_space<vmem>>) offsets(%dma_start3A_1474 : memref<128xi32, #tpu.memory_space<vmem>>) semaphore(%arg11 : memref<!tpu.dma_semaphore, #tpu.memory_space<semaphore_mem>>)
      } else {
      }
      %dma_wait3A_949 = arith.constant 0 : i32
      %dma_wait3A_950 = arith.constant 0 : i32
      %dma_wait3A_951 = arith.constant 0 : i32
      %dma_wait3A_952 = tpu.memref_slice %arg8[%dma_wait3A_950, %dma_wait3A_951] : memref<1024x32xf32, #tpu.memory_space<vmem>> -> memref<128x32xf32, #tpu.memory_space<vmem>>
      %dma_wait3A_953 = arith.constant 0 : i32
      %dma_wait3A_954 = tpu.memref_slice %arg6[%dma_wait3A_949, %dma_wait3A_953] : memref<8x128xi32, #tpu.memory_space<vmem>> -> memref<1x128xi32, #tpu.memory_space<vmem>>
      %dma_wait3A_955 = tpu.memref_squeeze %dma_wait3A_954 : memref<1x128xi32, #tpu.memory_space<vmem>> -> memref<128xi32, #tpu.memory_space<vmem>>
      %dma_wait3A_956 = arith.constant 0 : i32
      %dma_wait3A_957 = arith.constant 0 : i32
      %dma_wait3A_958 = tpu.memref_slice %arg3[%dma_wait3A_956, %dma_wait3A_957] : memref<1000000x32xf32, #tpu.memory_space<hbm>> -> memref<1000000x32xf32, #tpu.memory_space<hbm>>
      tpu.wait_indirect_dma semaphore(%arg12 : memref<!tpu.dma_semaphore, #tpu.memory_space<semaphore_mem>>) src(%dma_wait3A_958 : memref<1000000x32xf32, #tpu.memory_space<hbm>>) dst(%dma_wait3A_952 : memref<128x32xf32, #tpu.memory_space<vmem>>)
      %dma_wait3A_959 = arith.constant 1 : i32
      %dma_wait3A_960 = arith.constant 128 : i32
      %dma_wait3A_961 = arith.constant 0 : i32
      %dma_wait3A_962 = tpu.memref_slice %arg8[%dma_wait3A_960, %dma_wait3A_961] : memref<1024x32xf32, #tpu.memory_space<vmem>> -> memref<128x32xf32, #tpu.memory_space<vmem>>
      %dma_wait3A_963 = arith.constant 0 : i32
      %dma_wait3A_964 = tpu.memref_slice %arg6[%dma_wait3A_959, %dma_wait3A_963] : memref<8x128xi32, #tpu.memory_space<vmem>> -> memref<1x128xi32, #tpu.memory_space<vmem>>
      %dma_wait3A_965 = tpu.memref_squeeze %dma_wait3A_964 : memref<1x128xi32, #tpu.memory_space<vmem>> -> memref<128xi32, #tpu.memory_space<vmem>>
      %dma_wait3A_966 = arith.constant 0 : i32
      %dma_wait3A_967 = arith.constant 0 : i32
      %dma_wait3A_968 = tpu.memref_slice %arg3[%dma_wait3A_966, %dma_wait3A_967] : memref<1000000x32xf32, #tpu.memory_space<hbm>> -> memref<1000000x32xf32, #tpu.memory_space<hbm>>
      tpu.wait_indirect_dma semaphore(%arg12 : memref<!tpu.dma_semaphore, #tpu.memory_space<semaphore_mem>>) src(%dma_wait3A_968 : memref<1000000x32xf32, #tpu.memory_space<hbm>>) dst(%dma_wait3A_962 : memref<128x32xf32, #tpu.memory_space<vmem>>)
      %dma_wait3A_969 = arith.constant 2 : i32
      %dma_wait3A_970 = arith.constant 256 : i32
      %dma_wait3A_971 = arith.constant 0 : i32
      %dma_wait3A_972 = tpu.memref_slice %arg8[%dma_wait3A_970, %dma_wait3A_971] : memref<1024x32xf32, #tpu.memory_space<vmem>> -> memref<128x32xf32, #tpu.memory_space<vmem>>
      %dma_wait3A_973 = arith.constant 0 : i32
      %dma_wait3A_974 = tpu.memref_slice %arg6[%dma_wait3A_969, %dma_wait3A_973] : memref<8x128xi32, #tpu.memory_space<vmem>> -> memref<1x128xi32, #tpu.memory_space<vmem>>
      %dma_wait3A_975 = tpu.memref_squeeze %dma_wait3A_974 : memref<1x128xi32, #tpu.memory_space<vmem>> -> memref<128xi32, #tpu.memory_space<vmem>>
      %dma_wait3A_976 = arith.constant 0 : i32
      %dma_wait3A_977 = arith.constant 0 : i32
      %dma_wait3A_978 = tpu.memref_slice %arg3[%dma_wait3A_976, %dma_wait3A_977] : memref<1000000x32xf32, #tpu.memory_space<hbm>> -> memref<1000000x32xf32, #tpu.memory_space<hbm>>
      tpu.wait_indirect_dma semaphore(%arg12 : memref<!tpu.dma_semaphore, #tpu.memory_space<semaphore_mem>>) src(%dma_wait3A_978 : memref<1000000x32xf32, #tpu.memory_space<hbm>>) dst(%dma_wait3A_972 : memref<128x32xf32, #tpu.memory_space<vmem>>)
      %dma_wait3A_979 = arith.constant 3 : i32
      %dma_wait3A_980 = arith.constant 384 : i32
      %dma_wait3A_981 = arith.constant 0 : i32
      %dma_wait3A_982 = tpu.memref_slice %arg8[%dma_wait3A_980, %dma_wait3A_981] : memref<1024x32xf32, #tpu.memory_space<vmem>> -> memref<128x32xf32, #tpu.memory_space<vmem>>
      %dma_wait3A_983 = arith.constant 0 : i32
      %dma_wait3A_984 = tpu.memref_slice %arg6[%dma_wait3A_979, %dma_wait3A_983] : memref<8x128xi32, #tpu.memory_space<vmem>> -> memref<1x128xi32, #tpu.memory_space<vmem>>
      %dma_wait3A_985 = tpu.memref_squeeze %dma_wait3A_984 : memref<1x128xi32, #tpu.memory_space<vmem>> -> memref<128xi32, #tpu.memory_space<vmem>>
      %dma_wait3A_986 = arith.constant 0 : i32
      %dma_wait3A_987 = arith.constant 0 : i32
      %dma_wait3A_988 = tpu.memref_slice %arg3[%dma_wait3A_986, %dma_wait3A_987] : memref<1000000x32xf32, #tpu.memory_space<hbm>> -> memref<1000000x32xf32, #tpu.memory_space<hbm>>
      tpu.wait_indirect_dma semaphore(%arg12 : memref<!tpu.dma_semaphore, #tpu.memory_space<semaphore_mem>>) src(%dma_wait3A_988 : memref<1000000x32xf32, #tpu.memory_space<hbm>>) dst(%dma_wait3A_982 : memref<128x32xf32, #tpu.memory_space<vmem>>)
      %dma_wait3A_989 = arith.constant 4 : i32
      %dma_wait3A_990 = arith.constant 512 : i32
      %dma_wait3A_991 = arith.constant 0 : i32
      %dma_wait3A_992 = tpu.memref_slice %arg8[%dma_wait3A_990, %dma_wait3A_991] : memref<1024x32xf32, #tpu.memory_space<vmem>> -> memref<128x32xf32, #tpu.memory_space<vmem>>
      %dma_wait3A_993 = arith.constant 0 : i32
      %dma_wait3A_994 = tpu.memref_slice %arg6[%dma_wait3A_989, %dma_wait3A_993] : memref<8x128xi32, #tpu.memory_space<vmem>> -> memref<1x128xi32, #tpu.memory_space<vmem>>
      %dma_wait3A_995 = tpu.memref_squeeze %dma_wait3A_994 : memref<1x128xi32, #tpu.memory_space<vmem>> -> memref<128xi32, #tpu.memory_space<vmem>>
      %dma_wait3A_996 = arith.constant 0 : i32
      %dma_wait3A_997 = arith.constant 0 : i32
      %dma_wait3A_998 = tpu.memref_slice %arg3[%dma_wait3A_996, %dma_wait3A_997] : memref<1000000x32xf32, #tpu.memory_space<hbm>> -> memref<1000000x32xf32, #tpu.memory_space<hbm>>
      tpu.wait_indirect_dma semaphore(%arg12 : memref<!tpu.dma_semaphore, #tpu.memory_space<semaphore_mem>>) src(%dma_wait3A_998 : memref<1000000x32xf32, #tpu.memory_space<hbm>>) dst(%dma_wait3A_992 : memref<128x32xf32, #tpu.memory_space<vmem>>)
      %dma_wait3A_999 = arith.constant 5 : i32
      %dma_wait3A_1000 = arith.constant 640 : i32
      %dma_wait3A_1001 = arith.constant 0 : i32
      %dma_wait3A_1002 = tpu.memref_slice %arg8[%dma_wait3A_1000, %dma_wait3A_1001] : memref<1024x32xf32, #tpu.memory_space<vmem>> -> memref<128x32xf32, #tpu.memory_space<vmem>>
      %dma_wait3A_1003 = arith.constant 0 : i32
      %dma_wait3A_1004 = tpu.memref_slice %arg6[%dma_wait3A_999, %dma_wait3A_1003] : memref<8x128xi32, #tpu.memory_space<vmem>> -> memref<1x128xi32, #tpu.memory_space<vmem>>
      %dma_wait3A_1005 = tpu.memref_squeeze %dma_wait3A_1004 : memref<1x128xi32, #tpu.memory_space<vmem>> -> memref<128xi32, #tpu.memory_space<vmem>>
      %dma_wait3A_1006 = arith.constant 0 : i32
      %dma_wait3A_1007 = arith.constant 0 : i32
      %dma_wait3A_1008 = tpu.memref_slice %arg3[%dma_wait3A_1006, %dma_wait3A_1007] : memref<1000000x32xf32, #tpu.memory_space<hbm>> -> memref<1000000x32xf32, #tpu.memory_space<hbm>>
      tpu.wait_indirect_dma semaphore(%arg12 : memref<!tpu.dma_semaphore, #tpu.memory_space<semaphore_mem>>) src(%dma_wait3A_1008 : memref<1000000x32xf32, #tpu.memory_space<hbm>>) dst(%dma_wait3A_1002 : memref<128x32xf32, #tpu.memory_space<vmem>>)
      %dma_wait3A_1009 = arith.constant 6 : i32
      %dma_wait3A_1010 = arith.constant 768 : i32
      %dma_wait3A_1011 = arith.constant 0 : i32
      %dma_wait3A_1012 = tpu.memref_slice %arg8[%dma_wait3A_1010, %dma_wait3A_1011] : memref<1024x32xf32, #tpu.memory_space<vmem>> -> memref<128x32xf32, #tpu.memory_space<vmem>>
      %dma_wait3A_1013 = arith.constant 0 : i32
      %dma_wait3A_1014 = tpu.memref_slice %arg6[%dma_wait3A_1009, %dma_wait3A_1013] : memref<8x128xi32, #tpu.memory_space<vmem>> -> memref<1x128xi32, #tpu.memory_space<vmem>>
      %dma_wait3A_1015 = tpu.memref_squeeze %dma_wait3A_1014 : memref<1x128xi32, #tpu.memory_space<vmem>> -> memref<128xi32, #tpu.memory_space<vmem>>
      %dma_wait3A_1016 = arith.constant 0 : i32
      %dma_wait3A_1017 = arith.constant 0 : i32
      %dma_wait3A_1018 = tpu.memref_slice %arg3[%dma_wait3A_1016, %dma_wait3A_1017] : memref<1000000x32xf32, #tpu.memory_space<hbm>> -> memref<1000000x32xf32, #tpu.memory_space<hbm>>
      tpu.wait_indirect_dma semaphore(%arg12 : memref<!tpu.dma_semaphore, #tpu.memory_space<semaphore_mem>>) src(%dma_wait3A_1018 : memref<1000000x32xf32, #tpu.memory_space<hbm>>) dst(%dma_wait3A_1012 : memref<128x32xf32, #tpu.memory_space<vmem>>)
      %dma_wait3A_1019 = arith.constant 7 : i32
      %dma_wait3A_1020 = arith.constant 896 : i32
      %dma_wait3A_1021 = arith.constant 0 : i32
      %dma_wait3A_1022 = tpu.memref_slice %arg8[%dma_wait3A_1020, %dma_wait3A_1021] : memref<1024x32xf32, #tpu.memory_space<vmem>> -> memref<128x32xf32, #tpu.memory_space<vmem>>
      %dma_wait3A_1023 = arith.constant 0 : i32
      %dma_wait3A_1024 = tpu.memref_slice %arg6[%dma_wait3A_1019, %dma_wait3A_1023] : memref<8x128xi32, #tpu.memory_space<vmem>> -> memref<1x128xi32, #tpu.memory_space<vmem>>
      %dma_wait3A_1025 = tpu.memref_squeeze %dma_wait3A_1024 : memref<1x128xi32, #tpu.memory_space<vmem>> -> memref<128xi32, #tpu.memory_space<vmem>>
      %dma_wait3A_1026 = arith.constant 0 : i32
      %dma_wait3A_1027 = arith.constant 0 : i32
      %dma_wait3A_1028 = tpu.memref_slice %arg3[%dma_wait3A_1026, %dma_wait3A_1027] : memref<1000000x32xf32, #tpu.memory_space<hbm>> -> memref<1000000x32xf32, #tpu.memory_space<hbm>>
      tpu.wait_indirect_dma semaphore(%arg12 : memref<!tpu.dma_semaphore, #tpu.memory_space<semaphore_mem>>) src(%dma_wait3A_1028 : memref<1000000x32xf32, #tpu.memory_space<hbm>>) dst(%dma_wait3A_1022 : memref<128x32xf32, #tpu.memory_space<vmem>>)
      %convert_element_type3A_1029 = arith.extui %lt3A_422 : i1 to i32
      %cond3A_1030 = arith.constant 0 : i32
      %cond3A_1031 = arith.cmpi ne, %convert_element_type3A_1029, %cond3A_1030 : i32
      scf.if %cond3A_1031 {
        %add3A_1348 = arith.constant 2 : i32
        %add3A_1349 = arith.addi %add3A_418, %add3A_1348 : i32
        %jit3A_1350 = arith.constant 16 : i32
        %div3A_1351 = arith.divsi %add3A_1349, %jit3A_1350 : i32
        %sign3A_1352 = arith.constant 0 : i32
        %sign3A_1353 = arith.cmpi sgt, %add3A_1349, %sign3A_1352 : i32
        %sign3A_1354 = arith.extui %sign3A_1353 : i1 to i32
        %sign3A_1355 = arith.constant 0 : i32
        %sign3A_1356 = arith.cmpi slt, %add3A_1349, %sign3A_1355 : i32
        %sign3A_1357 = arith.extui %sign3A_1356 : i1 to i32
        %sign3A_1358 = arith.subi %sign3A_1354, %sign3A_1357 : i32
        %sign3A_1359 = arith.constant 0 : i32
        %sign3A_1360 = arith.cmpi sgt, %jit3A_1350, %sign3A_1359 : i32
        %sign3A_1361 = arith.extui %sign3A_1360 : i1 to i32
        %sign3A_1362 = arith.constant 0 : i32
        %sign3A_1363 = arith.cmpi slt, %jit3A_1350, %sign3A_1362 : i32
        %sign3A_1364 = arith.extui %sign3A_1363 : i1 to i32
        %sign3A_1365 = arith.subi %sign3A_1361, %sign3A_1364 : i32
        %ne3A_1366 = arith.cmpi ne, %sign3A_1358, %sign3A_1365 : i32
        %rem3A_1367 = arith.remsi %add3A_1349, %jit3A_1350 : i32
        %ne3A_1368 = arith.constant 0 : i32
        %ne3A_1369 = arith.cmpi ne, %rem3A_1367, %ne3A_1368 : i32
        %and3A_1370 = arith.andi %ne3A_1366, %ne3A_1369 : i1
        %sub3A_1371 = arith.constant 1 : i32
        %sub3A_1372 = arith.subi %div3A_1351, %sub3A_1371 : i32
        %select_n3A_1373 = arith.select %and3A_1370, %sub3A_1372, %div3A_1351 : i32
        %jit3A_1374 = arith.constant 16 : i32
        %eq3A_1375 = arith.constant 0 : i32
        %eq3A_1376 = arith.cmpi eq, %jit3A_1374, %eq3A_1375 : i32
        %jit3A_1377 = arith.constant 1 : i32
        %select_n3A_1378 = arith.select %eq3A_1376, %jit3A_1377, %jit3A_1374 : i32
        %rem3A_1379 = arith.remsi %add3A_1349, %select_n3A_1378 : i32
        %ne3A_1380 = arith.constant 0 : i32
        %ne3A_1381 = arith.cmpi ne, %rem3A_1379, %ne3A_1380 : i32
        %lt3A_1382 = arith.constant 0 : i32
        %lt3A_1383 = arith.cmpi slt, %rem3A_1379, %lt3A_1382 : i32
        %lt3A_1384 = arith.constant 0 : i32
        %lt3A_1385 = arith.cmpi slt, %select_n3A_1378, %lt3A_1384 : i32
        %ne3A_1386 = arith.xori %lt3A_1383, %lt3A_1385 : i1
        %and3A_1387 = arith.andi %ne3A_1386, %ne3A_1381 : i1
        %add3A_1388 = arith.addi %rem3A_1379, %select_n3A_1378 : i32
        %select_n3A_1389 = arith.select %and3A_1387, %add3A_1388, %rem3A_1379 : i32
        %mul3A_1390 = arith.constant 8 : i32
        %mul3A_1391 = arith.muli %select_n3A_1389, %mul3A_1390 : i32
        %dma_start3A_1392 = arith.constant 0 : i32
        %dma_start3A_1393 = tpu.memref_slice %arg2[%select_n3A_1373, %mul3A_1391, %dma_start3A_1392] : memref<200x128x128xi32, #tpu.memory_space<hbm>> -> memref<1x8x128xi32, #tpu.memory_space<hbm>>
        %dma_start3A_1394 = tpu.memref_squeeze %dma_start3A_1393 : memref<1x8x128xi32, #tpu.memory_space<hbm>> -> memref<8x128xi32, #tpu.memory_space<hbm>>
        %dma_start3A_1395 = arith.constant 0 : i32
        %dma_start3A_1396 = tpu.memref_slice %arg2[%select_n3A_1373, %mul3A_1391, %dma_start3A_1395] : memref<200x128x128xi32, #tpu.memory_space<hbm>> -> memref<1x8x128xi32, #tpu.memory_space<hbm>>
        %dma_start3A_1397 = tpu.memref_squeeze %dma_start3A_1396 : memref<1x8x128xi32, #tpu.memory_space<hbm>> -> memref<8x128xi32, #tpu.memory_space<hbm>>
        tpu.enqueue_dma source(%dma_start3A_1397 : memref<8x128xi32, #tpu.memory_space<hbm>>) target(%arg6 : memref<8x128xi32, #tpu.memory_space<vmem>>) target_semaphore(%arg16 : memref<!tpu.dma_semaphore, #tpu.memory_space<semaphore_mem>>)
      } else {
      }
      %not3A_1032 = arith.constant false
      %not3A_1033 = arith.constant true
      %not3A_1034 = arith.xori %not3A_1032, %not3A_1033 : i1
      %convert_element_type3A_1035 = arith.extui %not3A_1034 : i1 to i32
      %cond3A_1036 = arith.constant 0 : i32
      %cond3A_1037 = arith.cmpi ne, %convert_element_type3A_1035, %cond3A_1036 : i32
      scf.if %cond3A_1037 {
        %jit3A_1348 = arith.constant 16 : i32
        %div3A_1349 = arith.divsi %add3A_418, %jit3A_1348 : i32
        %sign3A_1350 = arith.constant 0 : i32
        %sign3A_1351 = arith.cmpi sgt, %add3A_418, %sign3A_1350 : i32
        %sign3A_1352 = arith.extui %sign3A_1351 : i1 to i32
        %sign3A_1353 = arith.constant 0 : i32
        %sign3A_1354 = arith.cmpi slt, %add3A_418, %sign3A_1353 : i32
        %sign3A_1355 = arith.extui %sign3A_1354 : i1 to i32
        %sign3A_1356 = arith.subi %sign3A_1352, %sign3A_1355 : i32
        %sign3A_1357 = arith.constant 0 : i32
        %sign3A_1358 = arith.cmpi sgt, %jit3A_1348, %sign3A_1357 : i32
        %sign3A_1359 = arith.extui %sign3A_1358 : i1 to i32
        %sign3A_1360 = arith.constant 0 : i32
        %sign3A_1361 = arith.cmpi slt, %jit3A_1348, %sign3A_1360 : i32
        %sign3A_1362 = arith.extui %sign3A_1361 : i1 to i32
        %sign3A_1363 = arith.subi %sign3A_1359, %sign3A_1362 : i32
        %ne3A_1364 = arith.cmpi ne, %sign3A_1356, %sign3A_1363 : i32
        %rem3A_1365 = arith.remsi %add3A_418, %jit3A_1348 : i32
        %ne3A_1366 = arith.constant 0 : i32
        %ne3A_1367 = arith.cmpi ne, %rem3A_1365, %ne3A_1366 : i32
        %and3A_1368 = arith.andi %ne3A_1364, %ne3A_1367 : i1
        %sub3A_1369 = arith.constant 1 : i32
        %sub3A_1370 = arith.subi %div3A_1349, %sub3A_1369 : i32
        %select_n3A_1371 = arith.select %and3A_1368, %sub3A_1370, %div3A_1349 : i32
        %jit3A_1372 = arith.constant 16 : i32
        %eq3A_1373 = arith.constant 0 : i32
        %eq3A_1374 = arith.cmpi eq, %jit3A_1372, %eq3A_1373 : i32
        %jit3A_1375 = arith.constant 1 : i32
        %select_n3A_1376 = arith.select %eq3A_1374, %jit3A_1375, %jit3A_1372 : i32
        %rem3A_1377 = arith.remsi %add3A_418, %select_n3A_1376 : i32
        %ne3A_1378 = arith.constant 0 : i32
        %ne3A_1379 = arith.cmpi ne, %rem3A_1377, %ne3A_1378 : i32
        %lt3A_1380 = arith.constant 0 : i32
        %lt3A_1381 = arith.cmpi slt, %rem3A_1377, %lt3A_1380 : i32
        %lt3A_1382 = arith.constant 0 : i32
        %lt3A_1383 = arith.cmpi slt, %select_n3A_1376, %lt3A_1382 : i32
        %ne3A_1384 = arith.xori %lt3A_1381, %lt3A_1383 : i1
        %and3A_1385 = arith.andi %ne3A_1384, %ne3A_1379 : i1
        %add3A_1386 = arith.addi %rem3A_1377, %select_n3A_1376 : i32
        %select_n3A_1387 = arith.select %and3A_1385, %add3A_1386, %rem3A_1377 : i32
        %mul3A_1388 = arith.constant 8 : i32
        %mul3A_1389 = arith.muli %select_n3A_1387, %mul3A_1388 : i32
        %add3A_1390 = arith.constant 0 : i32
        %add3A_1391 = arith.addi %mul3A_1389, %add3A_1390 : i32
        %mul3A_1392 = arith.constant 8 : i32
        %mul3A_1393 = arith.muli %add3A_1391, %mul3A_1392 : i32
        %dma_wait3A_1394 = arith.constant 0 : i32
        %dma_wait3A_1395 = arith.constant 0 : i32
        %dma_wait3A_1396 = arith.constant 0 : i32
        %dma_wait3A_1397 = tpu.memref_slice %arg9[%dma_wait3A_1395, %dma_wait3A_1396] : memref<160x129xf32, #tpu.memory_space<vmem>> -> memref<32x128xf32, #tpu.memory_space<vmem>>
        %dma_wait3A_1398 = arith.constant 0 : i32
        %dma_wait3A_1399 = tpu.memref_slice %arg4[%select_n3A_1371, %dma_wait3A_1394, %mul3A_1393, %dma_wait3A_1398] : memref<200x4x1024x128xf32, #tpu.memory_space<hbm>> -> memref<1x1x32x128xf32, #tpu.memory_space<hbm>>
        %dma_wait3A_1400 = tpu.memref_squeeze %dma_wait3A_1399 : memref<1x1x32x128xf32, #tpu.memory_space<hbm>> -> memref<32x128xf32, #tpu.memory_space<hbm>>
        %dma_wait3A_1401 = arith.constant 0 : i32
        %dma_wait3A_1402 = tpu.memref_slice %arg4[%select_n3A_1371, %dma_wait3A_1394, %mul3A_1393, %dma_wait3A_1401] : memref<200x4x1024x128xf32, #tpu.memory_space<hbm>> -> memref<1x1x32x128xf32, #tpu.memory_space<hbm>>
        %dma_wait3A_1403 = tpu.memref_squeeze %dma_wait3A_1402 : memref<1x1x32x128xf32, #tpu.memory_space<hbm>> -> memref<32x128xf32, #tpu.memory_space<hbm>>
        %dma_wait3A_1404 = arith.constant 0 : i32
        %dma_wait3A_1405 = arith.constant 0 : i32
        %dma_wait3A_1406 = tpu.memref_slice %arg9[%dma_wait3A_1404, %dma_wait3A_1405] : memref<160x129xf32, #tpu.memory_space<vmem>> -> memref<32x128xf32, #tpu.memory_space<vmem>>
        tpu.wait_dma2 semaphore(%arg13 : memref<!tpu.dma_semaphore, #tpu.memory_space<semaphore_mem>>) src(%dma_wait3A_1406 : memref<32x128xf32, #tpu.memory_space<vmem>>) dst(%dma_wait3A_1403 : memref<32x128xf32, #tpu.memory_space<hbm>>)
        %mul3A_1407 = arith.constant 8 : i32
        %mul3A_1408 = arith.muli %select_n3A_1387, %mul3A_1407 : i32
        %add3A_1409 = arith.constant 0 : i32
        %add3A_1410 = arith.addi %mul3A_1408, %add3A_1409 : i32
        %mul3A_1411 = arith.constant 8 : i32
        %mul3A_1412 = arith.muli %add3A_1410, %mul3A_1411 : i32
        %dma_wait3A_1413 = arith.constant 1 : i32
        %dma_wait3A_1414 = arith.constant 40 : i32
        %dma_wait3A_1415 = arith.constant 0 : i32
        %dma_wait3A_1416 = tpu.memref_slice %arg9[%dma_wait3A_1414, %dma_wait3A_1415] : memref<160x129xf32, #tpu.memory_space<vmem>> -> memref<32x128xf32, #tpu.memory_space<vmem>>
        %dma_wait3A_1417 = arith.constant 0 : i32
        %dma_wait3A_1418 = tpu.memref_slice %arg4[%select_n3A_1371, %dma_wait3A_1413, %mul3A_1412, %dma_wait3A_1417] : memref<200x4x1024x128xf32, #tpu.memory_space<hbm>> -> memref<1x1x32x128xf32, #tpu.memory_space<hbm>>
        %dma_wait3A_1419 = tpu.memref_squeeze %dma_wait3A_1418 : memref<1x1x32x128xf32, #tpu.memory_space<hbm>> -> memref<32x128xf32, #tpu.memory_space<hbm>>
        %dma_wait3A_1420 = arith.constant 0 : i32
        %dma_wait3A_1421 = tpu.memref_slice %arg4[%select_n3A_1371, %dma_wait3A_1413, %mul3A_1412, %dma_wait3A_1420] : memref<200x4x1024x128xf32, #tpu.memory_space<hbm>> -> memref<1x1x32x128xf32, #tpu.memory_space<hbm>>
        %dma_wait3A_1422 = tpu.memref_squeeze %dma_wait3A_1421 : memref<1x1x32x128xf32, #tpu.memory_space<hbm>> -> memref<32x128xf32, #tpu.memory_space<hbm>>
        %dma_wait3A_1423 = arith.constant 40 : i32
        %dma_wait3A_1424 = arith.constant 0 : i32
        %dma_wait3A_1425 = tpu.memref_slice %arg9[%dma_wait3A_1423, %dma_wait3A_1424] : memref<160x129xf32, #tpu.memory_space<vmem>> -> memref<32x128xf32, #tpu.memory_space<vmem>>
        tpu.wait_dma2 semaphore(%arg13 : memref<!tpu.dma_semaphore, #tpu.memory_space<semaphore_mem>>) src(%dma_wait3A_1425 : memref<32x128xf32, #tpu.memory_space<vmem>>) dst(%dma_wait3A_1422 : memref<32x128xf32, #tpu.memory_space<hbm>>)
        %mul3A_1426 = arith.constant 8 : i32
        %mul3A_1427 = arith.muli %select_n3A_1387, %mul3A_1426 : i32
        %add3A_1428 = arith.constant 0 : i32
        %add3A_1429 = arith.addi %mul3A_1427, %add3A_1428 : i32
        %mul3A_1430 = arith.constant 8 : i32
        %mul3A_1431 = arith.muli %add3A_1429, %mul3A_1430 : i32
        %dma_wait3A_1432 = arith.constant 2 : i32
        %dma_wait3A_1433 = arith.constant 80 : i32
        %dma_wait3A_1434 = arith.constant 0 : i32
        %dma_wait3A_1435 = tpu.memref_slice %arg9[%dma_wait3A_1433, %dma_wait3A_1434] : memref<160x129xf32, #tpu.memory_space<vmem>> -> memref<32x128xf32, #tpu.memory_space<vmem>>
        %dma_wait3A_1436 = arith.constant 0 : i32
        %dma_wait3A_1437 = tpu.memref_slice %arg4[%select_n3A_1371, %dma_wait3A_1432, %mul3A_1431, %dma_wait3A_1436] : memref<200x4x1024x128xf32, #tpu.memory_space<hbm>> -> memref<1x1x32x128xf32, #tpu.memory_space<hbm>>
        %dma_wait3A_1438 = tpu.memref_squeeze %dma_wait3A_1437 : memref<1x1x32x128xf32, #tpu.memory_space<hbm>> -> memref<32x128xf32, #tpu.memory_space<hbm>>
        %dma_wait3A_1439 = arith.constant 0 : i32
        %dma_wait3A_1440 = tpu.memref_slice %arg4[%select_n3A_1371, %dma_wait3A_1432, %mul3A_1431, %dma_wait3A_1439] : memref<200x4x1024x128xf32, #tpu.memory_space<hbm>> -> memref<1x1x32x128xf32, #tpu.memory_space<hbm>>
        %dma_wait3A_1441 = tpu.memref_squeeze %dma_wait3A_1440 : memref<1x1x32x128xf32, #tpu.memory_space<hbm>> -> memref<32x128xf32, #tpu.memory_space<hbm>>
        %dma_wait3A_1442 = arith.constant 80 : i32
        %dma_wait3A_1443 = arith.constant 0 : i32
        %dma_wait3A_1444 = tpu.memref_slice %arg9[%dma_wait3A_1442, %dma_wait3A_1443] : memref<160x129xf32, #tpu.memory_space<vmem>> -> memref<32x128xf32, #tpu.memory_space<vmem>>
        tpu.wait_dma2 semaphore(%arg13 : memref<!tpu.dma_semaphore, #tpu.memory_space<semaphore_mem>>) src(%dma_wait3A_1444 : memref<32x128xf32, #tpu.memory_space<vmem>>) dst(%dma_wait3A_1441 : memref<32x128xf32, #tpu.memory_space<hbm>>)
        %mul3A_1445 = arith.constant 8 : i32
        %mul3A_1446 = arith.muli %select_n3A_1387, %mul3A_1445 : i32
        %add3A_1447 = arith.constant 0 : i32
        %add3A_1448 = arith.addi %mul3A_1446, %add3A_1447 : i32
        %mul3A_1449 = arith.constant 8 : i32
        %mul3A_1450 = arith.muli %add3A_1448, %mul3A_1449 : i32
        %dma_wait3A_1451 = arith.constant 3 : i32
        %dma_wait3A_1452 = arith.constant 120 : i32
        %dma_wait3A_1453 = arith.constant 0 : i32
        %dma_wait3A_1454 = tpu.memref_slice %arg9[%dma_wait3A_1452, %dma_wait3A_1453] : memref<160x129xf32, #tpu.memory_space<vmem>> -> memref<32x128xf32, #tpu.memory_space<vmem>>
        %dma_wait3A_1455 = arith.constant 0 : i32
        %dma_wait3A_1456 = tpu.memref_slice %arg4[%select_n3A_1371, %dma_wait3A_1451, %mul3A_1450, %dma_wait3A_1455] : memref<200x4x1024x128xf32, #tpu.memory_space<hbm>> -> memref<1x1x32x128xf32, #tpu.memory_space<hbm>>
        %dma_wait3A_1457 = tpu.memref_squeeze %dma_wait3A_1456 : memref<1x1x32x128xf32, #tpu.memory_space<hbm>> -> memref<32x128xf32, #tpu.memory_space<hbm>>
        %dma_wait3A_1458 = arith.constant 0 : i32
        %dma_wait3A_1459 = tpu.memref_slice %arg4[%select_n3A_1371, %dma_wait3A_1451, %mul3A_1450, %dma_wait3A_1458] : memref<200x4x1024x128xf32, #tpu.memory_space<hbm>> -> memref<1x1x32x128xf32, #tpu.memory_space<hbm>>
        %dma_wait3A_1460 = tpu.memref_squeeze %dma_wait3A_1459 : memref<1x1x32x128xf32, #tpu.memory_space<hbm>> -> memref<32x128xf32, #tpu.memory_space<hbm>>
        %dma_wait3A_1461 = arith.constant 120 : i32
        %dma_wait3A_1462 = arith.constant 0 : i32
        %dma_wait3A_1463 = tpu.memref_slice %arg9[%dma_wait3A_1461, %dma_wait3A_1462] : memref<160x129xf32, #tpu.memory_space<vmem>> -> memref<32x128xf32, #tpu.memory_space<vmem>>
        tpu.wait_dma2 semaphore(%arg13 : memref<!tpu.dma_semaphore, #tpu.memory_space<semaphore_mem>>) src(%dma_wait3A_1463 : memref<32x128xf32, #tpu.memory_space<vmem>>) dst(%dma_wait3A_1460 : memref<32x128xf32, #tpu.memory_space<hbm>>)
      } else {
      }
      %add3A_1038 = arith.constant 0 : i32
      %add3A_1039 = vector.broadcast %add3A_1038 : i32 to vector<16xi32>
      %add3A_1040 = arith.addi %add3A_52, %add3A_1039 : vector<16xi32>
      %add3A_1041 = arith.constant 0 : i32
      %add3A_1042 = vector.broadcast %add3A_1041 : i32 to vector<16xi32>
      %add3A_1043 = arith.addi %add3A_55, %add3A_1042 : vector<16xi32>
      %parallel_loop3A_1044 = arith.constant 0 : i32
      %parallel_loop3A_1045 = arith.constant 128 : i32
      %parallel_loop3A_1046 = arith.constant 1 : i32
      scf.for %parallel_loop3A_1348 = %parallel_loop3A_1044 to %parallel_loop3A_1045 step %parallel_loop3A_1046  : i32 {
        %parallel_loop3A_1349 = vector.broadcast %parallel_loop3A_1348 : i32 to vector<16xi32>
        %parallel_loop3A_1350 = arith.addi %mul3A_5, %parallel_loop3A_1349 : vector<16xi32>
        %parallel_loop3A_1351 = arith.constant 0 : i32
        %parallel_loop3A_1352 = arith.addi %parallel_loop3A_1351, %parallel_loop3A_1348 : i32
        %parallel_loop3A_1353 = arith.index_cast %parallel_loop3A_1352 : i32 to index
        %parallel_loop3A_1354 = arith.constant 0 : index
        %parallel_loop3A_1355 = tpu.vector_load %arg8[%parallel_loop3A_1353, %parallel_loop3A_1354] {strides = array<i32>} : memref<1024x32xf32, #tpu.memory_space<vmem>>, vector<16xf32>,
        %parallel_loop3A_1356 = arith.constant 5.65685415 : f32
        %parallel_loop3A_1357 = vector.broadcast %parallel_loop3A_1356 : f32 to vector<16xf32>
        %parallel_loop3A_1358 = arith.mulf %parallel_loop3A_1355, %parallel_loop3A_1357 : vector<16xf32>
        %parallel_loop3A_1359 = arith.index_cast %parallel_loop3A_1352 : i32 to index
        %parallel_loop3A_1360 = arith.constant 16 : index
        %parallel_loop3A_1361 = tpu.vector_load %arg8[%parallel_loop3A_1359, %parallel_loop3A_1360] {strides = array<i32>} : memref<1024x32xf32, #tpu.memory_space<vmem>>, vector<16xf32>,
        %parallel_loop3A_1362 = arith.constant 5.65685415 : f32
        %parallel_loop3A_1363 = vector.broadcast %parallel_loop3A_1362 : f32 to vector<16xf32>
        %parallel_loop3A_1364 = arith.mulf %parallel_loop3A_1361, %parallel_loop3A_1363 : vector<16xf32>
        tpu.vector_store_idx %arg9[%add3A_1040, %parallel_loop3A_1350], %parallel_loop3A_1358 : memref<160x129xf32, #tpu.memory_space<vmem>>[vector<16xi32>, vector<16xi32>], vector<16xf32>,
        tpu.vector_store_idx %arg9[%add3A_1043, %parallel_loop3A_1350], %parallel_loop3A_1364 : memref<160x129xf32, #tpu.memory_space<vmem>>[vector<16xi32>, vector<16xi32>], vector<16xf32>,
      } {sc.loop_unroll_factor = 4 : i64, sc.parallel_access}
      %add3A_1047 = arith.constant 8 : i32
      %add3A_1048 = vector.broadcast %add3A_1047 : i32 to vector<16xi32>
      %add3A_1049 = arith.addi %add3A_52, %add3A_1048 : vector<16xi32>
      %add3A_1050 = arith.constant 8 : i32
      %add3A_1051 = vector.broadcast %add3A_1050 : i32 to vector<16xi32>
      %add3A_1052 = arith.addi %add3A_55, %add3A_1051 : vector<16xi32>
      %parallel_loop3A_1053 = arith.constant 0 : i32
      %parallel_loop3A_1054 = arith.constant 128 : i32
      %parallel_loop3A_1055 = arith.constant 1 : i32
      scf.for %parallel_loop3A_1348 = %parallel_loop3A_1053 to %parallel_loop3A_1054 step %parallel_loop3A_1055  : i32 {
        %parallel_loop3A_1349 = vector.broadcast %parallel_loop3A_1348 : i32 to vector<16xi32>
        %parallel_loop3A_1350 = arith.addi %mul3A_5, %parallel_loop3A_1349 : vector<16xi32>
        %parallel_loop3A_1351 = arith.constant 128 : i32
        %parallel_loop3A_1352 = arith.addi %parallel_loop3A_1351, %parallel_loop3A_1348 : i32
        %parallel_loop3A_1353 = arith.index_cast %parallel_loop3A_1352 : i32 to index
        %parallel_loop3A_1354 = arith.constant 0 : index
        %parallel_loop3A_1355 = tpu.vector_load %arg8[%parallel_loop3A_1353, %parallel_loop3A_1354] {strides = array<i32>} : memref<1024x32xf32, #tpu.memory_space<vmem>>, vector<16xf32>,
        %parallel_loop3A_1356 = arith.constant 5.65685415 : f32
        %parallel_loop3A_1357 = vector.broadcast %parallel_loop3A_1356 : f32 to vector<16xf32>
        %parallel_loop3A_1358 = arith.mulf %parallel_loop3A_1355, %parallel_loop3A_1357 : vector<16xf32>
        %parallel_loop3A_1359 = arith.index_cast %parallel_loop3A_1352 : i32 to index
        %parallel_loop3A_1360 = arith.constant 16 : index
        %parallel_loop3A_1361 = tpu.vector_load %arg8[%parallel_loop3A_1359, %parallel_loop3A_1360] {strides = array<i32>} : memref<1024x32xf32, #tpu.memory_space<vmem>>, vector<16xf32>,
        %parallel_loop3A_1362 = arith.constant 5.65685415 : f32
        %parallel_loop3A_1363 = vector.broadcast %parallel_loop3A_1362 : f32 to vector<16xf32>
        %parallel_loop3A_1364 = arith.mulf %parallel_loop3A_1361, %parallel_loop3A_1363 : vector<16xf32>
        tpu.vector_store_idx %arg9[%add3A_1049, %parallel_loop3A_1350], %parallel_loop3A_1358 : memref<160x129xf32, #tpu.memory_space<vmem>>[vector<16xi32>, vector<16xi32>], vector<16xf32>,
        tpu.vector_store_idx %arg9[%add3A_1052, %parallel_loop3A_1350], %parallel_loop3A_1364 : memref<160x129xf32, #tpu.memory_space<vmem>>[vector<16xi32>, vector<16xi32>], vector<16xf32>,
      } {sc.loop_unroll_factor = 4 : i64, sc.parallel_access}
      %add3A_1056 = arith.constant 16 : i32
      %add3A_1057 = vector.broadcast %add3A_1056 : i32 to vector<16xi32>
      %add3A_1058 = arith.addi %add3A_52, %add3A_1057 : vector<16xi32>
      %add3A_1059 = arith.constant 16 : i32
      %add3A_1060 = vector.broadcast %add3A_1059 : i32 to vector<16xi32>
      %add3A_1061 = arith.addi %add3A_55, %add3A_1060 : vector<16xi32>
      %parallel_loop3A_1062 = arith.constant 0 : i32
      %parallel_loop3A_1063 = arith.constant 128 : i32
      %parallel_loop3A_1064 = arith.constant 1 : i32
      scf.for %parallel_loop3A_1348 = %parallel_loop3A_1062 to %parallel_loop3A_1063 step %parallel_loop3A_1064  : i32 {
        %parallel_loop3A_1349 = vector.broadcast %parallel_loop3A_1348 : i32 to vector<16xi32>
        %parallel_loop3A_1350 = arith.addi %mul3A_5, %parallel_loop3A_1349 : vector<16xi32>
        %parallel_loop3A_1351 = arith.constant 256 : i32
        %parallel_loop3A_1352 = arith.addi %parallel_loop3A_1351, %parallel_loop3A_1348 : i32
        %parallel_loop3A_1353 = arith.index_cast %parallel_loop3A_1352 : i32 to index
        %parallel_loop3A_1354 = arith.constant 0 : index
        %parallel_loop3A_1355 = tpu.vector_load %arg8[%parallel_loop3A_1353, %parallel_loop3A_1354] {strides = array<i32>} : memref<1024x32xf32, #tpu.memory_space<vmem>>, vector<16xf32>,
        %parallel_loop3A_1356 = arith.constant 5.65685415 : f32
        %parallel_loop3A_1357 = vector.broadcast %parallel_loop3A_1356 : f32 to vector<16xf32>
        %parallel_loop3A_1358 = arith.mulf %parallel_loop3A_1355, %parallel_loop3A_1357 : vector<16xf32>
        %parallel_loop3A_1359 = arith.index_cast %parallel_loop3A_1352 : i32 to index
        %parallel_loop3A_1360 = arith.constant 16 : index
        %parallel_loop3A_1361 = tpu.vector_load %arg8[%parallel_loop3A_1359, %parallel_loop3A_1360] {strides = array<i32>} : memref<1024x32xf32, #tpu.memory_space<vmem>>, vector<16xf32>,
        %parallel_loop3A_1362 = arith.constant 5.65685415 : f32
        %parallel_loop3A_1363 = vector.broadcast %parallel_loop3A_1362 : f32 to vector<16xf32>
        %parallel_loop3A_1364 = arith.mulf %parallel_loop3A_1361, %parallel_loop3A_1363 : vector<16xf32>
        tpu.vector_store_idx %arg9[%add3A_1058, %parallel_loop3A_1350], %parallel_loop3A_1358 : memref<160x129xf32, #tpu.memory_space<vmem>>[vector<16xi32>, vector<16xi32>], vector<16xf32>,
        tpu.vector_store_idx %arg9[%add3A_1061, %parallel_loop3A_1350], %parallel_loop3A_1364 : memref<160x129xf32, #tpu.memory_space<vmem>>[vector<16xi32>, vector<16xi32>], vector<16xf32>,
      } {sc.loop_unroll_factor = 4 : i64, sc.parallel_access}
      %add3A_1065 = arith.constant 24 : i32
      %add3A_1066 = vector.broadcast %add3A_1065 : i32 to vector<16xi32>
      %add3A_1067 = arith.addi %add3A_52, %add3A_1066 : vector<16xi32>
      %add3A_1068 = arith.constant 24 : i32
      %add3A_1069 = vector.broadcast %add3A_1068 : i32 to vector<16xi32>
      %add3A_1070 = arith.addi %add3A_55, %add3A_1069 : vector<16xi32>
      %parallel_loop3A_1071 = arith.constant 0 : i32
      %parallel_loop3A_1072 = arith.constant 128 : i32
      %parallel_loop3A_1073 = arith.constant 1 : i32
      scf.for %parallel_loop3A_1348 = %parallel_loop3A_1071 to %parallel_loop3A_1072 step %parallel_loop3A_1073  : i32 {
        %parallel_loop3A_1349 = vector.broadcast %parallel_loop3A_1348 : i32 to vector<16xi32>
        %parallel_loop3A_1350 = arith.addi %mul3A_5, %parallel_loop3A_1349 : vector<16xi32>
        %parallel_loop3A_1351 = arith.constant 384 : i32
        %parallel_loop3A_1352 = arith.addi %parallel_loop3A_1351, %parallel_loop3A_1348 : i32
        %parallel_loop3A_1353 = arith.index_cast %parallel_loop3A_1352 : i32 to index
        %parallel_loop3A_1354 = arith.constant 0 : index
        %parallel_loop3A_1355 = tpu.vector_load %arg8[%parallel_loop3A_1353, %parallel_loop3A_1354] {strides = array<i32>} : memref<1024x32xf32, #tpu.memory_space<vmem>>, vector<16xf32>,
        %parallel_loop3A_1356 = arith.constant 5.65685415 : f32
        %parallel_loop3A_1357 = vector.broadcast %parallel_loop3A_1356 : f32 to vector<16xf32>
        %parallel_loop3A_1358 = arith.mulf %parallel_loop3A_1355, %parallel_loop3A_1357 : vector<16xf32>
        %parallel_loop3A_1359 = arith.index_cast %parallel_loop3A_1352 : i32 to index
        %parallel_loop3A_1360 = arith.constant 16 : index
        %parallel_loop3A_1361 = tpu.vector_load %arg8[%parallel_loop3A_1359, %parallel_loop3A_1360] {strides = array<i32>} : memref<1024x32xf32, #tpu.memory_space<vmem>>, vector<16xf32>,
        %parallel_loop3A_1362 = arith.constant 5.65685415 : f32
        %parallel_loop3A_1363 = vector.broadcast %parallel_loop3A_1362 : f32 to vector<16xf32>
        %parallel_loop3A_1364 = arith.mulf %parallel_loop3A_1361, %parallel_loop3A_1363 : vector<16xf32>
        tpu.vector_store_idx %arg9[%add3A_1067, %parallel_loop3A_1350], %parallel_loop3A_1358 : memref<160x129xf32, #tpu.memory_space<vmem>>[vector<16xi32>, vector<16xi32>], vector<16xf32>,
        tpu.vector_store_idx %arg9[%add3A_1070, %parallel_loop3A_1350], %parallel_loop3A_1364 : memref<160x129xf32, #tpu.memory_space<vmem>>[vector<16xi32>, vector<16xi32>], vector<16xf32>,
      } {sc.loop_unroll_factor = 4 : i64, sc.parallel_access}
      %jit3A_1074 = arith.constant 16 : i32
      %div3A_1075 = arith.divsi %add3A_418, %jit3A_1074 : i32
      %sign3A_1076 = arith.constant 0 : i32
      %sign3A_1077 = arith.cmpi sgt, %add3A_418, %sign3A_1076 : i32
      %sign3A_1078 = arith.extui %sign3A_1077 : i1 to i32
      %sign3A_1079 = arith.constant 0 : i32
      %sign3A_1080 = arith.cmpi slt, %add3A_418, %sign3A_1079 : i32
      %sign3A_1081 = arith.extui %sign3A_1080 : i1 to i32
      %sign3A_1082 = arith.subi %sign3A_1078, %sign3A_1081 : i32
      %sign3A_1083 = arith.constant 0 : i32
      %sign3A_1084 = arith.cmpi sgt, %jit3A_1074, %sign3A_1083 : i32
      %sign3A_1085 = arith.extui %sign3A_1084 : i1 to i32
      %sign3A_1086 = arith.constant 0 : i32
      %sign3A_1087 = arith.cmpi slt, %jit3A_1074, %sign3A_1086 : i32
      %sign3A_1088 = arith.extui %sign3A_1087 : i1 to i32
      %sign3A_1089 = arith.subi %sign3A_1085, %sign3A_1088 : i32
      %ne3A_1090 = arith.cmpi ne, %sign3A_1082, %sign3A_1089 : i32
      %rem3A_1091 = arith.remsi %add3A_418, %jit3A_1074 : i32
      %ne3A_1092 = arith.constant 0 : i32
      %ne3A_1093 = arith.cmpi ne, %rem3A_1091, %ne3A_1092 : i32
      %and3A_1094 = arith.andi %ne3A_1090, %ne3A_1093 : i1
      %sub3A_1095 = arith.constant 1 : i32
      %sub3A_1096 = arith.subi %div3A_1075, %sub3A_1095 : i32
      %select_n3A_1097 = arith.select %and3A_1094, %sub3A_1096, %div3A_1075 : i32
      %jit3A_1098 = arith.constant 16 : i32
      %eq3A_1099 = arith.constant 0 : i32
      %eq3A_1100 = arith.cmpi eq, %jit3A_1098, %eq3A_1099 : i32
      %jit3A_1101 = arith.constant 1 : i32
      %select_n3A_1102 = arith.select %eq3A_1100, %jit3A_1101, %jit3A_1098 : i32
      %rem3A_1103 = arith.remsi %add3A_418, %select_n3A_1102 : i32
      %ne3A_1104 = arith.constant 0 : i32
      %ne3A_1105 = arith.cmpi ne, %rem3A_1103, %ne3A_1104 : i32
      %lt3A_1106 = arith.constant 0 : i32
      %lt3A_1107 = arith.cmpi slt, %rem3A_1103, %lt3A_1106 : i32
      %lt3A_1108 = arith.constant 0 : i32
      %lt3A_1109 = arith.cmpi slt, %select_n3A_1102, %lt3A_1108 : i32
      %ne3A_1110 = arith.xori %lt3A_1107, %lt3A_1109 : i1
      %and3A_1111 = arith.andi %ne3A_1110, %ne3A_1105 : i1
      %add3A_1112 = arith.addi %rem3A_1103, %select_n3A_1102 : i32
      %select_n3A_1113 = arith.select %and3A_1111, %add3A_1112, %rem3A_1103 : i32
      %mul3A_1114 = arith.constant 8 : i32
      %mul3A_1115 = arith.muli %select_n3A_1113, %mul3A_1114 : i32
      %add3A_1116 = arith.constant 0 : i32
      %add3A_1117 = arith.addi %mul3A_1115, %add3A_1116 : i32
      %mul3A_1118 = arith.constant 8 : i32
      %mul3A_1119 = arith.muli %add3A_1117, %mul3A_1118 : i32
      %dma_start3A_1120 = arith.constant 0 : i32
      %dma_start3A_1121 = arith.constant 0 : i32
      %dma_start3A_1122 = arith.constant 0 : i32
      %dma_start3A_1123 = tpu.memref_slice %arg9[%dma_start3A_1121, %dma_start3A_1122] : memref<160x129xf32, #tpu.memory_space<vmem>> -> memref<32x128xf32, #tpu.memory_space<vmem>>
      %dma_start3A_1124 = arith.constant 0 : i32
      %dma_start3A_1125 = tpu.memref_slice %arg4[%select_n3A_1097, %dma_start3A_1120, %mul3A_1119, %dma_start3A_1124] : memref<200x4x1024x128xf32, #tpu.memory_space<hbm>> -> memref<1x1x32x128xf32, #tpu.memory_space<hbm>>
      %dma_start3A_1126 = tpu.memref_squeeze %dma_start3A_1125 : memref<1x1x32x128xf32, #tpu.memory_space<hbm>> -> memref<32x128xf32, #tpu.memory_space<hbm>>
      %dma_start3A_1127 = arith.constant 0 : i32
      %dma_start3A_1128 = tpu.memref_slice %arg4[%select_n3A_1097, %dma_start3A_1120, %mul3A_1119, %dma_start3A_1127] : memref<200x4x1024x128xf32, #tpu.memory_space<hbm>> -> memref<1x1x32x128xf32, #tpu.memory_space<hbm>>
      %dma_start3A_1129 = tpu.memref_squeeze %dma_start3A_1128 : memref<1x1x32x128xf32, #tpu.memory_space<hbm>> -> memref<32x128xf32, #tpu.memory_space<hbm>>
      %dma_start3A_1130 = arith.constant 0 : i32
      %dma_start3A_1131 = arith.constant 0 : i32
      %dma_start3A_1132 = tpu.memref_slice %arg9[%dma_start3A_1130, %dma_start3A_1131] : memref<160x129xf32, #tpu.memory_space<vmem>> -> memref<32x128xf32, #tpu.memory_space<vmem>>
      tpu.enqueue_dma source(%dma_start3A_1132 : memref<32x128xf32, #tpu.memory_space<vmem>>) target(%dma_start3A_1129 : memref<32x128xf32, #tpu.memory_space<hbm>>) target_semaphore(%arg13 : memref<!tpu.dma_semaphore, #tpu.memory_space<semaphore_mem>>)
      %mul3A_1133 = arith.constant 8 : i32
      %mul3A_1134 = arith.muli %select_n3A_1113, %mul3A_1133 : i32
      %add3A_1135 = arith.constant 0 : i32
      %add3A_1136 = arith.addi %mul3A_1134, %add3A_1135 : i32
      %mul3A_1137 = arith.constant 8 : i32
      %mul3A_1138 = arith.muli %add3A_1136, %mul3A_1137 : i32
      %dma_start3A_1139 = arith.constant 1 : i32
      %dma_start3A_1140 = arith.constant 40 : i32
      %dma_start3A_1141 = arith.constant 0 : i32
      %dma_start3A_1142 = tpu.memref_slice %arg9[%dma_start3A_1140, %dma_start3A_1141] : memref<160x129xf32, #tpu.memory_space<vmem>> -> memref<32x128xf32, #tpu.memory_space<vmem>>
      %dma_start3A_1143 = arith.constant 0 : i32
      %dma_start3A_1144 = tpu.memref_slice %arg4[%select_n3A_1097, %dma_start3A_1139, %mul3A_1138, %dma_start3A_1143] : memref<200x4x1024x128xf32, #tpu.memory_space<hbm>> -> memref<1x1x32x128xf32, #tpu.memory_space<hbm>>
      %dma_start3A_1145 = tpu.memref_squeeze %dma_start3A_1144 : memref<1x1x32x128xf32, #tpu.memory_space<hbm>> -> memref<32x128xf32, #tpu.memory_space<hbm>>
      %dma_start3A_1146 = arith.constant 0 : i32
      %dma_start3A_1147 = tpu.memref_slice %arg4[%select_n3A_1097, %dma_start3A_1139, %mul3A_1138, %dma_start3A_1146] : memref<200x4x1024x128xf32, #tpu.memory_space<hbm>> -> memref<1x1x32x128xf32, #tpu.memory_space<hbm>>
      %dma_start3A_1148 = tpu.memref_squeeze %dma_start3A_1147 : memref<1x1x32x128xf32, #tpu.memory_space<hbm>> -> memref<32x128xf32, #tpu.memory_space<hbm>>
      %dma_start3A_1149 = arith.constant 40 : i32
      %dma_start3A_1150 = arith.constant 0 : i32
      %dma_start3A_1151 = tpu.memref_slice %arg9[%dma_start3A_1149, %dma_start3A_1150] : memref<160x129xf32, #tpu.memory_space<vmem>> -> memref<32x128xf32, #tpu.memory_space<vmem>>
      tpu.enqueue_dma source(%dma_start3A_1151 : memref<32x128xf32, #tpu.memory_space<vmem>>) target(%dma_start3A_1148 : memref<32x128xf32, #tpu.memory_space<hbm>>) target_semaphore(%arg13 : memref<!tpu.dma_semaphore, #tpu.memory_space<semaphore_mem>>)
      %mul3A_1152 = arith.constant 8 : i32
      %mul3A_1153 = arith.muli %select_n3A_1113, %mul3A_1152 : i32
      %add3A_1154 = arith.constant 0 : i32
      %add3A_1155 = arith.addi %mul3A_1153, %add3A_1154 : i32
      %mul3A_1156 = arith.constant 8 : i32
      %mul3A_1157 = arith.muli %add3A_1155, %mul3A_1156 : i32
      %dma_start3A_1158 = arith.constant 2 : i32
      %dma_start3A_1159 = arith.constant 80 : i32
      %dma_start3A_1160 = arith.constant 0 : i32
      %dma_start3A_1161 = tpu.memref_slice %arg9[%dma_start3A_1159, %dma_start3A_1160] : memref<160x129xf32, #tpu.memory_space<vmem>> -> memref<32x128xf32, #tpu.memory_space<vmem>>
      %dma_start3A_1162 = arith.constant 0 : i32
      %dma_start3A_1163 = tpu.memref_slice %arg4[%select_n3A_1097, %dma_start3A_1158, %mul3A_1157, %dma_start3A_1162] : memref<200x4x1024x128xf32, #tpu.memory_space<hbm>> -> memref<1x1x32x128xf32, #tpu.memory_space<hbm>>
      %dma_start3A_1164 = tpu.memref_squeeze %dma_start3A_1163 : memref<1x1x32x128xf32, #tpu.memory_space<hbm>> -> memref<32x128xf32, #tpu.memory_space<hbm>>
      %dma_start3A_1165 = arith.constant 0 : i32
      %dma_start3A_1166 = tpu.memref_slice %arg4[%select_n3A_1097, %dma_start3A_1158, %mul3A_1157, %dma_start3A_1165] : memref<200x4x1024x128xf32, #tpu.memory_space<hbm>> -> memref<1x1x32x128xf32, #tpu.memory_space<hbm>>
      %dma_start3A_1167 = tpu.memref_squeeze %dma_start3A_1166 : memref<1x1x32x128xf32, #tpu.memory_space<hbm>> -> memref<32x128xf32, #tpu.memory_space<hbm>>
      %dma_start3A_1168 = arith.constant 80 : i32
      %dma_start3A_1169 = arith.constant 0 : i32
      %dma_start3A_1170 = tpu.memref_slice %arg9[%dma_start3A_1168, %dma_start3A_1169] : memref<160x129xf32, #tpu.memory_space<vmem>> -> memref<32x128xf32, #tpu.memory_space<vmem>>
      tpu.enqueue_dma source(%dma_start3A_1170 : memref<32x128xf32, #tpu.memory_space<vmem>>) target(%dma_start3A_1167 : memref<32x128xf32, #tpu.memory_space<hbm>>) target_semaphore(%arg13 : memref<!tpu.dma_semaphore, #tpu.memory_space<semaphore_mem>>)
      %mul3A_1171 = arith.constant 8 : i32
      %mul3A_1172 = arith.muli %select_n3A_1113, %mul3A_1171 : i32
      %add3A_1173 = arith.constant 0 : i32
      %add3A_1174 = arith.addi %mul3A_1172, %add3A_1173 : i32
      %mul3A_1175 = arith.constant 8 : i32
      %mul3A_1176 = arith.muli %add3A_1174, %mul3A_1175 : i32
      %dma_start3A_1177 = arith.constant 3 : i32
      %dma_start3A_1178 = arith.constant 120 : i32
      %dma_start3A_1179 = arith.constant 0 : i32
      %dma_start3A_1180 = tpu.memref_slice %arg9[%dma_start3A_1178, %dma_start3A_1179] : memref<160x129xf32, #tpu.memory_space<vmem>> -> memref<32x128xf32, #tpu.memory_space<vmem>>
      %dma_start3A_1181 = arith.constant 0 : i32
      %dma_start3A_1182 = tpu.memref_slice %arg4[%select_n3A_1097, %dma_start3A_1177, %mul3A_1176, %dma_start3A_1181] : memref<200x4x1024x128xf32, #tpu.memory_space<hbm>> -> memref<1x1x32x128xf32, #tpu.memory_space<hbm>>
      %dma_start3A_1183 = tpu.memref_squeeze %dma_start3A_1182 : memref<1x1x32x128xf32, #tpu.memory_space<hbm>> -> memref<32x128xf32, #tpu.memory_space<hbm>>
      %dma_start3A_1184 = arith.constant 0 : i32
      %dma_start3A_1185 = tpu.memref_slice %arg4[%select_n3A_1097, %dma_start3A_1177, %mul3A_1176, %dma_start3A_1184] : memref<200x4x1024x128xf32, #tpu.memory_space<hbm>> -> memref<1x1x32x128xf32, #tpu.memory_space<hbm>>
      %dma_start3A_1186 = tpu.memref_squeeze %dma_start3A_1185 : memref<1x1x32x128xf32, #tpu.memory_space<hbm>> -> memref<32x128xf32, #tpu.memory_space<hbm>>
      %dma_start3A_1187 = arith.constant 120 : i32
      %dma_start3A_1188 = arith.constant 0 : i32
      %dma_start3A_1189 = tpu.memref_slice %arg9[%dma_start3A_1187, %dma_start3A_1188] : memref<160x129xf32, #tpu.memory_space<vmem>> -> memref<32x128xf32, #tpu.memory_space<vmem>>
      tpu.enqueue_dma source(%dma_start3A_1189 : memref<32x128xf32, #tpu.memory_space<vmem>>) target(%dma_start3A_1186 : memref<32x128xf32, #tpu.memory_space<hbm>>) target_semaphore(%arg13 : memref<!tpu.dma_semaphore, #tpu.memory_space<semaphore_mem>>)
      %not3A_1190 = arith.constant false
      %not3A_1191 = arith.constant true
      %not3A_1192 = arith.xori %not3A_1190, %not3A_1191 : i1
      %convert_element_type3A_1193 = arith.extui %not3A_1192 : i1 to i32
      %cond3A_1194 = arith.constant 0 : i32
      %cond3A_1195 = arith.cmpi ne, %convert_element_type3A_1193, %cond3A_1194 : i32
      scf.if %cond3A_1195 {
        %jit3A_1348 = arith.constant 16 : i32
        %div3A_1349 = arith.divsi %add3A_418, %jit3A_1348 : i32
        %sign3A_1350 = arith.constant 0 : i32
        %sign3A_1351 = arith.cmpi sgt, %add3A_418, %sign3A_1350 : i32
        %sign3A_1352 = arith.extui %sign3A_1351 : i1 to i32
        %sign3A_1353 = arith.constant 0 : i32
        %sign3A_1354 = arith.cmpi slt, %add3A_418, %sign3A_1353 : i32
        %sign3A_1355 = arith.extui %sign3A_1354 : i1 to i32
        %sign3A_1356 = arith.subi %sign3A_1352, %sign3A_1355 : i32
        %sign3A_1357 = arith.constant 0 : i32
        %sign3A_1358 = arith.cmpi sgt, %jit3A_1348, %sign3A_1357 : i32
        %sign3A_1359 = arith.extui %sign3A_1358 : i1 to i32
        %sign3A_1360 = arith.constant 0 : i32
        %sign3A_1361 = arith.cmpi slt, %jit3A_1348, %sign3A_1360 : i32
        %sign3A_1362 = arith.extui %sign3A_1361 : i1 to i32
        %sign3A_1363 = arith.subi %sign3A_1359, %sign3A_1362 : i32
        %ne3A_1364 = arith.cmpi ne, %sign3A_1356, %sign3A_1363 : i32
        %rem3A_1365 = arith.remsi %add3A_418, %jit3A_1348 : i32
        %ne3A_1366 = arith.constant 0 : i32
        %ne3A_1367 = arith.cmpi ne, %rem3A_1365, %ne3A_1366 : i32
        %and3A_1368 = arith.andi %ne3A_1364, %ne3A_1367 : i1
        %sub3A_1369 = arith.constant 1 : i32
        %sub3A_1370 = arith.subi %div3A_1349, %sub3A_1369 : i32
        %select_n3A_1371 = arith.select %and3A_1368, %sub3A_1370, %div3A_1349 : i32
        %jit3A_1372 = arith.constant 16 : i32
        %eq3A_1373 = arith.constant 0 : i32
        %eq3A_1374 = arith.cmpi eq, %jit3A_1372, %eq3A_1373 : i32
        %jit3A_1375 = arith.constant 1 : i32
        %select_n3A_1376 = arith.select %eq3A_1374, %jit3A_1375, %jit3A_1372 : i32
        %rem3A_1377 = arith.remsi %add3A_418, %select_n3A_1376 : i32
        %ne3A_1378 = arith.constant 0 : i32
        %ne3A_1379 = arith.cmpi ne, %rem3A_1377, %ne3A_1378 : i32
        %lt3A_1380 = arith.constant 0 : i32
        %lt3A_1381 = arith.cmpi slt, %rem3A_1377, %lt3A_1380 : i32
        %lt3A_1382 = arith.constant 0 : i32
        %lt3A_1383 = arith.cmpi slt, %select_n3A_1376, %lt3A_1382 : i32
        %ne3A_1384 = arith.xori %lt3A_1381, %lt3A_1383 : i1
        %and3A_1385 = arith.andi %ne3A_1384, %ne3A_1379 : i1
        %add3A_1386 = arith.addi %rem3A_1377, %select_n3A_1376 : i32
        %select_n3A_1387 = arith.select %and3A_1385, %add3A_1386, %rem3A_1377 : i32
        %mul3A_1388 = arith.constant 8 : i32
        %mul3A_1389 = arith.muli %select_n3A_1387, %mul3A_1388 : i32
        %add3A_1390 = arith.constant 4 : i32
        %add3A_1391 = arith.addi %mul3A_1389, %add3A_1390 : i32
        %mul3A_1392 = arith.constant 8 : i32
        %mul3A_1393 = arith.muli %add3A_1391, %mul3A_1392 : i32
        %dma_wait3A_1394 = arith.constant 0 : i32
        %dma_wait3A_1395 = arith.constant 0 : i32
        %dma_wait3A_1396 = arith.constant 0 : i32
        %dma_wait3A_1397 = tpu.memref_slice %arg10[%dma_wait3A_1395, %dma_wait3A_1396] : memref<160x129xf32, #tpu.memory_space<vmem>> -> memref<32x128xf32, #tpu.memory_space<vmem>>
        %dma_wait3A_1398 = arith.constant 0 : i32
        %dma_wait3A_1399 = tpu.memref_slice %arg4[%select_n3A_1371, %dma_wait3A_1394, %mul3A_1393, %dma_wait3A_1398] : memref<200x4x1024x128xf32, #tpu.memory_space<hbm>> -> memref<1x1x32x128xf32, #tpu.memory_space<hbm>>
        %dma_wait3A_1400 = tpu.memref_squeeze %dma_wait3A_1399 : memref<1x1x32x128xf32, #tpu.memory_space<hbm>> -> memref<32x128xf32, #tpu.memory_space<hbm>>
        %dma_wait3A_1401 = arith.constant 0 : i32
        %dma_wait3A_1402 = tpu.memref_slice %arg4[%select_n3A_1371, %dma_wait3A_1394, %mul3A_1393, %dma_wait3A_1401] : memref<200x4x1024x128xf32, #tpu.memory_space<hbm>> -> memref<1x1x32x128xf32, #tpu.memory_space<hbm>>
        %dma_wait3A_1403 = tpu.memref_squeeze %dma_wait3A_1402 : memref<1x1x32x128xf32, #tpu.memory_space<hbm>> -> memref<32x128xf32, #tpu.memory_space<hbm>>
        %dma_wait3A_1404 = arith.constant 0 : i32
        %dma_wait3A_1405 = arith.constant 0 : i32
        %dma_wait3A_1406 = tpu.memref_slice %arg10[%dma_wait3A_1404, %dma_wait3A_1405] : memref<160x129xf32, #tpu.memory_space<vmem>> -> memref<32x128xf32, #tpu.memory_space<vmem>>
        tpu.wait_dma2 semaphore(%arg14 : memref<!tpu.dma_semaphore, #tpu.memory_space<semaphore_mem>>) src(%dma_wait3A_1406 : memref<32x128xf32, #tpu.memory_space<vmem>>) dst(%dma_wait3A_1403 : memref<32x128xf32, #tpu.memory_space<hbm>>)
        %mul3A_1407 = arith.constant 8 : i32
        %mul3A_1408 = arith.muli %select_n3A_1387, %mul3A_1407 : i32
        %add3A_1409 = arith.constant 4 : i32
        %add3A_1410 = arith.addi %mul3A_1408, %add3A_1409 : i32
        %mul3A_1411 = arith.constant 8 : i32
        %mul3A_1412 = arith.muli %add3A_1410, %mul3A_1411 : i32
        %dma_wait3A_1413 = arith.constant 1 : i32
        %dma_wait3A_1414 = arith.constant 40 : i32
        %dma_wait3A_1415 = arith.constant 0 : i32
        %dma_wait3A_1416 = tpu.memref_slice %arg10[%dma_wait3A_1414, %dma_wait3A_1415] : memref<160x129xf32, #tpu.memory_space<vmem>> -> memref<32x128xf32, #tpu.memory_space<vmem>>
        %dma_wait3A_1417 = arith.constant 0 : i32
        %dma_wait3A_1418 = tpu.memref_slice %arg4[%select_n3A_1371, %dma_wait3A_1413, %mul3A_1412, %dma_wait3A_1417] : memref<200x4x1024x128xf32, #tpu.memory_space<hbm>> -> memref<1x1x32x128xf32, #tpu.memory_space<hbm>>
        %dma_wait3A_1419 = tpu.memref_squeeze %dma_wait3A_1418 : memref<1x1x32x128xf32, #tpu.memory_space<hbm>> -> memref<32x128xf32, #tpu.memory_space<hbm>>
        %dma_wait3A_1420 = arith.constant 0 : i32
        %dma_wait3A_1421 = tpu.memref_slice %arg4[%select_n3A_1371, %dma_wait3A_1413, %mul3A_1412, %dma_wait3A_1420] : memref<200x4x1024x128xf32, #tpu.memory_space<hbm>> -> memref<1x1x32x128xf32, #tpu.memory_space<hbm>>
        %dma_wait3A_1422 = tpu.memref_squeeze %dma_wait3A_1421 : memref<1x1x32x128xf32, #tpu.memory_space<hbm>> -> memref<32x128xf32, #tpu.memory_space<hbm>>
        %dma_wait3A_1423 = arith.constant 40 : i32
        %dma_wait3A_1424 = arith.constant 0 : i32
        %dma_wait3A_1425 = tpu.memref_slice %arg10[%dma_wait3A_1423, %dma_wait3A_1424] : memref<160x129xf32, #tpu.memory_space<vmem>> -> memref<32x128xf32, #tpu.memory_space<vmem>>
        tpu.wait_dma2 semaphore(%arg14 : memref<!tpu.dma_semaphore, #tpu.memory_space<semaphore_mem>>) src(%dma_wait3A_1425 : memref<32x128xf32, #tpu.memory_space<vmem>>) dst(%dma_wait3A_1422 : memref<32x128xf32, #tpu.memory_space<hbm>>)
        %mul3A_1426 = arith.constant 8 : i32
        %mul3A_1427 = arith.muli %select_n3A_1387, %mul3A_1426 : i32
        %add3A_1428 = arith.constant 4 : i32
        %add3A_1429 = arith.addi %mul3A_1427, %add3A_1428 : i32
        %mul3A_1430 = arith.constant 8 : i32
        %mul3A_1431 = arith.muli %add3A_1429, %mul3A_1430 : i32
        %dma_wait3A_1432 = arith.constant 2 : i32
        %dma_wait3A_1433 = arith.constant 80 : i32
        %dma_wait3A_1434 = arith.constant 0 : i32
        %dma_wait3A_1435 = tpu.memref_slice %arg10[%dma_wait3A_1433, %dma_wait3A_1434] : memref<160x129xf32, #tpu.memory_space<vmem>> -> memref<32x128xf32, #tpu.memory_space<vmem>>
        %dma_wait3A_1436 = arith.constant 0 : i32
        %dma_wait3A_1437 = tpu.memref_slice %arg4[%select_n3A_1371, %dma_wait3A_1432, %mul3A_1431, %dma_wait3A_1436] : memref<200x4x1024x128xf32, #tpu.memory_space<hbm>> -> memref<1x1x32x128xf32, #tpu.memory_space<hbm>>
        %dma_wait3A_1438 = tpu.memref_squeeze %dma_wait3A_1437 : memref<1x1x32x128xf32, #tpu.memory_space<hbm>> -> memref<32x128xf32, #tpu.memory_space<hbm>>
        %dma_wait3A_1439 = arith.constant 0 : i32
        %dma_wait3A_1440 = tpu.memref_slice %arg4[%select_n3A_1371, %dma_wait3A_1432, %mul3A_1431, %dma_wait3A_1439] : memref<200x4x1024x128xf32, #tpu.memory_space<hbm>> -> memref<1x1x32x128xf32, #tpu.memory_space<hbm>>
        %dma_wait3A_1441 = tpu.memref_squeeze %dma_wait3A_1440 : memref<1x1x32x128xf32, #tpu.memory_space<hbm>> -> memref<32x128xf32, #tpu.memory_space<hbm>>
        %dma_wait3A_1442 = arith.constant 80 : i32
        %dma_wait3A_1443 = arith.constant 0 : i32
        %dma_wait3A_1444 = tpu.memref_slice %arg10[%dma_wait3A_1442, %dma_wait3A_1443] : memref<160x129xf32, #tpu.memory_space<vmem>> -> memref<32x128xf32, #tpu.memory_space<vmem>>
        tpu.wait_dma2 semaphore(%arg14 : memref<!tpu.dma_semaphore, #tpu.memory_space<semaphore_mem>>) src(%dma_wait3A_1444 : memref<32x128xf32, #tpu.memory_space<vmem>>) dst(%dma_wait3A_1441 : memref<32x128xf32, #tpu.memory_space<hbm>>)
        %mul3A_1445 = arith.constant 8 : i32
        %mul3A_1446 = arith.muli %select_n3A_1387, %mul3A_1445 : i32
        %add3A_1447 = arith.constant 4 : i32
        %add3A_1448 = arith.addi %mul3A_1446, %add3A_1447 : i32
        %mul3A_1449 = arith.constant 8 : i32
        %mul3A_1450 = arith.muli %add3A_1448, %mul3A_1449 : i32
        %dma_wait3A_1451 = arith.constant 3 : i32
        %dma_wait3A_1452 = arith.constant 120 : i32
        %dma_wait3A_1453 = arith.constant 0 : i32
        %dma_wait3A_1454 = tpu.memref_slice %arg10[%dma_wait3A_1452, %dma_wait3A_1453] : memref<160x129xf32, #tpu.memory_space<vmem>> -> memref<32x128xf32, #tpu.memory_space<vmem>>
        %dma_wait3A_1455 = arith.constant 0 : i32
        %dma_wait3A_1456 = tpu.memref_slice %arg4[%select_n3A_1371, %dma_wait3A_1451, %mul3A_1450, %dma_wait3A_1455] : memref<200x4x1024x128xf32, #tpu.memory_space<hbm>> -> memref<1x1x32x128xf32, #tpu.memory_space<hbm>>
        %dma_wait3A_1457 = tpu.memref_squeeze %dma_wait3A_1456 : memref<1x1x32x128xf32, #tpu.memory_space<hbm>> -> memref<32x128xf32, #tpu.memory_space<hbm>>
        %dma_wait3A_1458 = arith.constant 0 : i32
        %dma_wait3A_1459 = tpu.memref_slice %arg4[%select_n3A_1371, %dma_wait3A_1451, %mul3A_1450, %dma_wait3A_1458] : memref<200x4x1024x128xf32, #tpu.memory_space<hbm>> -> memref<1x1x32x128xf32, #tpu.memory_space<hbm>>
        %dma_wait3A_1460 = tpu.memref_squeeze %dma_wait3A_1459 : memref<1x1x32x128xf32, #tpu.memory_space<hbm>> -> memref<32x128xf32, #tpu.memory_space<hbm>>
        %dma_wait3A_1461 = arith.constant 120 : i32
        %dma_wait3A_1462 = arith.constant 0 : i32
        %dma_wait3A_1463 = tpu.memref_slice %arg10[%dma_wait3A_1461, %dma_wait3A_1462] : memref<160x129xf32, #tpu.memory_space<vmem>> -> memref<32x128xf32, #tpu.memory_space<vmem>>
        tpu.wait_dma2 semaphore(%arg14 : memref<!tpu.dma_semaphore, #tpu.memory_space<semaphore_mem>>) src(%dma_wait3A_1463 : memref<32x128xf32, #tpu.memory_space<vmem>>) dst(%dma_wait3A_1460 : memref<32x128xf32, #tpu.memory_space<hbm>>)
      } else {
      }
      %add3A_1196 = arith.constant 0 : i32
      %add3A_1197 = vector.broadcast %add3A_1196 : i32 to vector<16xi32>
      %add3A_1198 = arith.addi %add3A_52, %add3A_1197 : vector<16xi32>
      %add3A_1199 = arith.constant 0 : i32
      %add3A_1200 = vector.broadcast %add3A_1199 : i32 to vector<16xi32>
      %add3A_1201 = arith.addi %add3A_55, %add3A_1200 : vector<16xi32>
      %parallel_loop3A_1202 = arith.constant 0 : i32
      %parallel_loop3A_1203 = arith.constant 128 : i32
      %parallel_loop3A_1204 = arith.constant 1 : i32
      scf.for %parallel_loop3A_1348 = %parallel_loop3A_1202 to %parallel_loop3A_1203 step %parallel_loop3A_1204  : i32 {
        %parallel_loop3A_1349 = vector.broadcast %parallel_loop3A_1348 : i32 to vector<16xi32>
        %parallel_loop3A_1350 = arith.addi %mul3A_5, %parallel_loop3A_1349 : vector<16xi32>
        %parallel_loop3A_1351 = arith.constant 512 : i32
        %parallel_loop3A_1352 = arith.addi %parallel_loop3A_1351, %parallel_loop3A_1348 : i32
        %parallel_loop3A_1353 = arith.index_cast %parallel_loop3A_1352 : i32 to index
        %parallel_loop3A_1354 = arith.constant 0 : index
        %parallel_loop3A_1355 = tpu.vector_load %arg8[%parallel_loop3A_1353, %parallel_loop3A_1354] {strides = array<i32>} : memref<1024x32xf32, #tpu.memory_space<vmem>>, vector<16xf32>,
        %parallel_loop3A_1356 = arith.constant 5.65685415 : f32
        %parallel_loop3A_1357 = vector.broadcast %parallel_loop3A_1356 : f32 to vector<16xf32>
        %parallel_loop3A_1358 = arith.mulf %parallel_loop3A_1355, %parallel_loop3A_1357 : vector<16xf32>
        %parallel_loop3A_1359 = arith.index_cast %parallel_loop3A_1352 : i32 to index
        %parallel_loop3A_1360 = arith.constant 16 : index
        %parallel_loop3A_1361 = tpu.vector_load %arg8[%parallel_loop3A_1359, %parallel_loop3A_1360] {strides = array<i32>} : memref<1024x32xf32, #tpu.memory_space<vmem>>, vector<16xf32>,
        %parallel_loop3A_1362 = arith.constant 5.65685415 : f32
        %parallel_loop3A_1363 = vector.broadcast %parallel_loop3A_1362 : f32 to vector<16xf32>
        %parallel_loop3A_1364 = arith.mulf %parallel_loop3A_1361, %parallel_loop3A_1363 : vector<16xf32>
        tpu.vector_store_idx %arg10[%add3A_1198, %parallel_loop3A_1350], %parallel_loop3A_1358 : memref<160x129xf32, #tpu.memory_space<vmem>>[vector<16xi32>, vector<16xi32>], vector<16xf32>,
        tpu.vector_store_idx %arg10[%add3A_1201, %parallel_loop3A_1350], %parallel_loop3A_1364 : memref<160x129xf32, #tpu.memory_space<vmem>>[vector<16xi32>, vector<16xi32>], vector<16xf32>,
      } {sc.loop_unroll_factor = 4 : i64, sc.parallel_access}
      %add3A_1205 = arith.constant 8 : i32
      %add3A_1206 = vector.broadcast %add3A_1205 : i32 to vector<16xi32>
      %add3A_1207 = arith.addi %add3A_52, %add3A_1206 : vector<16xi32>
      %add3A_1208 = arith.constant 8 : i32
      %add3A_1209 = vector.broadcast %add3A_1208 : i32 to vector<16xi32>
      %add3A_1210 = arith.addi %add3A_55, %add3A_1209 : vector<16xi32>
      %parallel_loop3A_1211 = arith.constant 0 : i32
      %parallel_loop3A_1212 = arith.constant 128 : i32
      %parallel_loop3A_1213 = arith.constant 1 : i32
      scf.for %parallel_loop3A_1348 = %parallel_loop3A_1211 to %parallel_loop3A_1212 step %parallel_loop3A_1213  : i32 {
        %parallel_loop3A_1349 = vector.broadcast %parallel_loop3A_1348 : i32 to vector<16xi32>
        %parallel_loop3A_1350 = arith.addi %mul3A_5, %parallel_loop3A_1349 : vector<16xi32>
        %parallel_loop3A_1351 = arith.constant 640 : i32
        %parallel_loop3A_1352 = arith.addi %parallel_loop3A_1351, %parallel_loop3A_1348 : i32
        %parallel_loop3A_1353 = arith.index_cast %parallel_loop3A_1352 : i32 to index
        %parallel_loop3A_1354 = arith.constant 0 : index
        %parallel_loop3A_1355 = tpu.vector_load %arg8[%parallel_loop3A_1353, %parallel_loop3A_1354] {strides = array<i32>} : memref<1024x32xf32, #tpu.memory_space<vmem>>, vector<16xf32>,
        %parallel_loop3A_1356 = arith.constant 5.65685415 : f32
        %parallel_loop3A_1357 = vector.broadcast %parallel_loop3A_1356 : f32 to vector<16xf32>
        %parallel_loop3A_1358 = arith.mulf %parallel_loop3A_1355, %parallel_loop3A_1357 : vector<16xf32>
        %parallel_loop3A_1359 = arith.index_cast %parallel_loop3A_1352 : i32 to index
        %parallel_loop3A_1360 = arith.constant 16 : index
        %parallel_loop3A_1361 = tpu.vector_load %arg8[%parallel_loop3A_1359, %parallel_loop3A_1360] {strides = array<i32>} : memref<1024x32xf32, #tpu.memory_space<vmem>>, vector<16xf32>,
        %parallel_loop3A_1362 = arith.constant 5.65685415 : f32
        %parallel_loop3A_1363 = vector.broadcast %parallel_loop3A_1362 : f32 to vector<16xf32>
        %parallel_loop3A_1364 = arith.mulf %parallel_loop3A_1361, %parallel_loop3A_1363 : vector<16xf32>
        tpu.vector_store_idx %arg10[%add3A_1207, %parallel_loop3A_1350], %parallel_loop3A_1358 : memref<160x129xf32, #tpu.memory_space<vmem>>[vector<16xi32>, vector<16xi32>], vector<16xf32>,
        tpu.vector_store_idx %arg10[%add3A_1210, %parallel_loop3A_1350], %parallel_loop3A_1364 : memref<160x129xf32, #tpu.memory_space<vmem>>[vector<16xi32>, vector<16xi32>], vector<16xf32>,
      } {sc.loop_unroll_factor = 4 : i64, sc.parallel_access}
      %add3A_1214 = arith.constant 16 : i32
      %add3A_1215 = vector.broadcast %add3A_1214 : i32 to vector<16xi32>
      %add3A_1216 = arith.addi %add3A_52, %add3A_1215 : vector<16xi32>
      %add3A_1217 = arith.constant 16 : i32
      %add3A_1218 = vector.broadcast %add3A_1217 : i32 to vector<16xi32>
      %add3A_1219 = arith.addi %add3A_55, %add3A_1218 : vector<16xi32>
      %parallel_loop3A_1220 = arith.constant 0 : i32
      %parallel_loop3A_1221 = arith.constant 128 : i32
      %parallel_loop3A_1222 = arith.constant 1 : i32
      scf.for %parallel_loop3A_1348 = %parallel_loop3A_1220 to %parallel_loop3A_1221 step %parallel_loop3A_1222  : i32 {
        %parallel_loop3A_1349 = vector.broadcast %parallel_loop3A_1348 : i32 to vector<16xi32>
        %parallel_loop3A_1350 = arith.addi %mul3A_5, %parallel_loop3A_1349 : vector<16xi32>
        %parallel_loop3A_1351 = arith.constant 768 : i32
        %parallel_loop3A_1352 = arith.addi %parallel_loop3A_1351, %parallel_loop3A_1348 : i32
        %parallel_loop3A_1353 = arith.index_cast %parallel_loop3A_1352 : i32 to index
        %parallel_loop3A_1354 = arith.constant 0 : index
        %parallel_loop3A_1355 = tpu.vector_load %arg8[%parallel_loop3A_1353, %parallel_loop3A_1354] {strides = array<i32>} : memref<1024x32xf32, #tpu.memory_space<vmem>>, vector<16xf32>,
        %parallel_loop3A_1356 = arith.constant 5.65685415 : f32
        %parallel_loop3A_1357 = vector.broadcast %parallel_loop3A_1356 : f32 to vector<16xf32>
        %parallel_loop3A_1358 = arith.mulf %parallel_loop3A_1355, %parallel_loop3A_1357 : vector<16xf32>
        %parallel_loop3A_1359 = arith.index_cast %parallel_loop3A_1352 : i32 to index
        %parallel_loop3A_1360 = arith.constant 16 : index
        %parallel_loop3A_1361 = tpu.vector_load %arg8[%parallel_loop3A_1359, %parallel_loop3A_1360] {strides = array<i32>} : memref<1024x32xf32, #tpu.memory_space<vmem>>, vector<16xf32>,
        %parallel_loop3A_1362 = arith.constant 5.65685415 : f32
        %parallel_loop3A_1363 = vector.broadcast %parallel_loop3A_1362 : f32 to vector<16xf32>
        %parallel_loop3A_1364 = arith.mulf %parallel_loop3A_1361, %parallel_loop3A_1363 : vector<16xf32>
        tpu.vector_store_idx %arg10[%add3A_1216, %parallel_loop3A_1350], %parallel_loop3A_1358 : memref<160x129xf32, #tpu.memory_space<vmem>>[vector<16xi32>, vector<16xi32>], vector<16xf32>,
        tpu.vector_store_idx %arg10[%add3A_1219, %parallel_loop3A_1350], %parallel_loop3A_1364 : memref<160x129xf32, #tpu.memory_space<vmem>>[vector<16xi32>, vector<16xi32>], vector<16xf32>,
      } {sc.loop_unroll_factor = 4 : i64, sc.parallel_access}
      %add3A_1223 = arith.constant 24 : i32
      %add3A_1224 = vector.broadcast %add3A_1223 : i32 to vector<16xi32>
      %add3A_1225 = arith.addi %add3A_52, %add3A_1224 : vector<16xi32>
      %add3A_1226 = arith.constant 24 : i32
      %add3A_1227 = vector.broadcast %add3A_1226 : i32 to vector<16xi32>
      %add3A_1228 = arith.addi %add3A_55, %add3A_1227 : vector<16xi32>
      %parallel_loop3A_1229 = arith.constant 0 : i32
      %parallel_loop3A_1230 = arith.constant 128 : i32
      %parallel_loop3A_1231 = arith.constant 1 : i32
      scf.for %parallel_loop3A_1348 = %parallel_loop3A_1229 to %parallel_loop3A_1230 step %parallel_loop3A_1231  : i32 {
        %parallel_loop3A_1349 = vector.broadcast %parallel_loop3A_1348 : i32 to vector<16xi32>
        %parallel_loop3A_1350 = arith.addi %mul3A_5, %parallel_loop3A_1349 : vector<16xi32>
        %parallel_loop3A_1351 = arith.constant 896 : i32
        %parallel_loop3A_1352 = arith.addi %parallel_loop3A_1351, %parallel_loop3A_1348 : i32
        %parallel_loop3A_1353 = arith.index_cast %parallel_loop3A_1352 : i32 to index
        %parallel_loop3A_1354 = arith.constant 0 : index
        %parallel_loop3A_1355 = tpu.vector_load %arg8[%parallel_loop3A_1353, %parallel_loop3A_1354] {strides = array<i32>} : memref<1024x32xf32, #tpu.memory_space<vmem>>, vector<16xf32>,
        %parallel_loop3A_1356 = arith.constant 5.65685415 : f32
        %parallel_loop3A_1357 = vector.broadcast %parallel_loop3A_1356 : f32 to vector<16xf32>
        %parallel_loop3A_1358 = arith.mulf %parallel_loop3A_1355, %parallel_loop3A_1357 : vector<16xf32>
        %parallel_loop3A_1359 = arith.index_cast %parallel_loop3A_1352 : i32 to index
        %parallel_loop3A_1360 = arith.constant 16 : index
        %parallel_loop3A_1361 = tpu.vector_load %arg8[%parallel_loop3A_1359, %parallel_loop3A_1360] {strides = array<i32>} : memref<1024x32xf32, #tpu.memory_space<vmem>>, vector<16xf32>,
        %parallel_loop3A_1362 = arith.constant 5.65685415 : f32
        %parallel_loop3A_1363 = vector.broadcast %parallel_loop3A_1362 : f32 to vector<16xf32>
        %parallel_loop3A_1364 = arith.mulf %parallel_loop3A_1361, %parallel_loop3A_1363 : vector<16xf32>
        tpu.vector_store_idx %arg10[%add3A_1225, %parallel_loop3A_1350], %parallel_loop3A_1358 : memref<160x129xf32, #tpu.memory_space<vmem>>[vector<16xi32>, vector<16xi32>], vector<16xf32>,
        tpu.vector_store_idx %arg10[%add3A_1228, %parallel_loop3A_1350], %parallel_loop3A_1364 : memref<160x129xf32, #tpu.memory_space<vmem>>[vector<16xi32>, vector<16xi32>], vector<16xf32>,
      } {sc.loop_unroll_factor = 4 : i64, sc.parallel_access}
      %jit3A_1232 = arith.constant 16 : i32
      %div3A_1233 = arith.divsi %add3A_418, %jit3A_1232 : i32
      %sign3A_1234 = arith.constant 0 : i32
      %sign3A_1235 = arith.cmpi sgt, %add3A_418, %sign3A_1234 : i32
      %sign3A_1236 = arith.extui %sign3A_1235 : i1 to i32
      %sign3A_1237 = arith.constant 0 : i32
      %sign3A_1238 = arith.cmpi slt, %add3A_418, %sign3A_1237 : i32
      %sign3A_1239 = arith.extui %sign3A_1238 : i1 to i32
      %sign3A_1240 = arith.subi %sign3A_1236, %sign3A_1239 : i32
      %sign3A_1241 = arith.constant 0 : i32
      %sign3A_1242 = arith.cmpi sgt, %jit3A_1232, %sign3A_1241 : i32
      %sign3A_1243 = arith.extui %sign3A_1242 : i1 to i32
      %sign3A_1244 = arith.constant 0 : i32
      %sign3A_1245 = arith.cmpi slt, %jit3A_1232, %sign3A_1244 : i32
      %sign3A_1246 = arith.extui %sign3A_1245 : i1 to i32
      %sign3A_1247 = arith.subi %sign3A_1243, %sign3A_1246 : i32
      %ne3A_1248 = arith.cmpi ne, %sign3A_1240, %sign3A_1247 : i32
      %rem3A_1249 = arith.remsi %add3A_418, %jit3A_1232 : i32
      %ne3A_1250 = arith.constant 0 : i32
      %ne3A_1251 = arith.cmpi ne, %rem3A_1249, %ne3A_1250 : i32
      %and3A_1252 = arith.andi %ne3A_1248, %ne3A_1251 : i1
      %sub3A_1253 = arith.constant 1 : i32
      %sub3A_1254 = arith.subi %div3A_1233, %sub3A_1253 : i32
      %select_n3A_1255 = arith.select %and3A_1252, %sub3A_1254, %div3A_1233 : i32
      %jit3A_1256 = arith.constant 16 : i32
      %eq3A_1257 = arith.constant 0 : i32
      %eq3A_1258 = arith.cmpi eq, %jit3A_1256, %eq3A_1257 : i32
      %jit3A_1259 = arith.constant 1 : i32
      %select_n3A_1260 = arith.select %eq3A_1258, %jit3A_1259, %jit3A_1256 : i32
      %rem3A_1261 = arith.remsi %add3A_418, %select_n3A_1260 : i32
      %ne3A_1262 = arith.constant 0 : i32
      %ne3A_1263 = arith.cmpi ne, %rem3A_1261, %ne3A_1262 : i32
      %lt3A_1264 = arith.constant 0 : i32
      %lt3A_1265 = arith.cmpi slt, %rem3A_1261, %lt3A_1264 : i32
      %lt3A_1266 = arith.constant 0 : i32
      %lt3A_1267 = arith.cmpi slt, %select_n3A_1260, %lt3A_1266 : i32
      %ne3A_1268 = arith.xori %lt3A_1265, %lt3A_1267 : i1
      %and3A_1269 = arith.andi %ne3A_1268, %ne3A_1263 : i1
      %add3A_1270 = arith.addi %rem3A_1261, %select_n3A_1260 : i32
      %select_n3A_1271 = arith.select %and3A_1269, %add3A_1270, %rem3A_1261 : i32
      %mul3A_1272 = arith.constant 8 : i32
      %mul3A_1273 = arith.muli %select_n3A_1271, %mul3A_1272 : i32
      %add3A_1274 = arith.constant 4 : i32
      %add3A_1275 = arith.addi %mul3A_1273, %add3A_1274 : i32
      %mul3A_1276 = arith.constant 8 : i32
      %mul3A_1277 = arith.muli %add3A_1275, %mul3A_1276 : i32
      %dma_start3A_1278 = arith.constant 0 : i32
      %dma_start3A_1279 = arith.constant 0 : i32
      %dma_start3A_1280 = arith.constant 0 : i32
      %dma_start3A_1281 = tpu.memref_slice %arg10[%dma_start3A_1279, %dma_start3A_1280] : memref<160x129xf32, #tpu.memory_space<vmem>> -> memref<32x128xf32, #tpu.memory_space<vmem>>
      %dma_start3A_1282 = arith.constant 0 : i32
      %dma_start3A_1283 = tpu.memref_slice %arg4[%select_n3A_1255, %dma_start3A_1278, %mul3A_1277, %dma_start3A_1282] : memref<200x4x1024x128xf32, #tpu.memory_space<hbm>> -> memref<1x1x32x128xf32, #tpu.memory_space<hbm>>
      %dma_start3A_1284 = tpu.memref_squeeze %dma_start3A_1283 : memref<1x1x32x128xf32, #tpu.memory_space<hbm>> -> memref<32x128xf32, #tpu.memory_space<hbm>>
      %dma_start3A_1285 = arith.constant 0 : i32
      %dma_start3A_1286 = tpu.memref_slice %arg4[%select_n3A_1255, %dma_start3A_1278, %mul3A_1277, %dma_start3A_1285] : memref<200x4x1024x128xf32, #tpu.memory_space<hbm>> -> memref<1x1x32x128xf32, #tpu.memory_space<hbm>>
      %dma_start3A_1287 = tpu.memref_squeeze %dma_start3A_1286 : memref<1x1x32x128xf32, #tpu.memory_space<hbm>> -> memref<32x128xf32, #tpu.memory_space<hbm>>
      %dma_start3A_1288 = arith.constant 0 : i32
      %dma_start3A_1289 = arith.constant 0 : i32
      %dma_start3A_1290 = tpu.memref_slice %arg10[%dma_start3A_1288, %dma_start3A_1289] : memref<160x129xf32, #tpu.memory_space<vmem>> -> memref<32x128xf32, #tpu.memory_space<vmem>>
      tpu.enqueue_dma source(%dma_start3A_1290 : memref<32x128xf32, #tpu.memory_space<vmem>>) target(%dma_start3A_1287 : memref<32x128xf32, #tpu.memory_space<hbm>>) target_semaphore(%arg14 : memref<!tpu.dma_semaphore, #tpu.memory_space<semaphore_mem>>)
      %mul3A_1291 = arith.constant 8 : i32
      %mul3A_1292 = arith.muli %select_n3A_1271, %mul3A_1291 : i32
      %add3A_1293 = arith.constant 4 : i32
      %add3A_1294 = arith.addi %mul3A_1292, %add3A_1293 : i32
      %mul3A_1295 = arith.constant 8 : i32
      %mul3A_1296 = arith.muli %add3A_1294, %mul3A_1295 : i32
      %dma_start3A_1297 = arith.constant 1 : i32
      %dma_start3A_1298 = arith.constant 40 : i32
      %dma_start3A_1299 = arith.constant 0 : i32
      %dma_start3A_1300 = tpu.memref_slice %arg10[%dma_start3A_1298, %dma_start3A_1299] : memref<160x129xf32, #tpu.memory_space<vmem>> -> memref<32x128xf32, #tpu.memory_space<vmem>>
      %dma_start3A_1301 = arith.constant 0 : i32
      %dma_start3A_1302 = tpu.memref_slice %arg4[%select_n3A_1255, %dma_start3A_1297, %mul3A_1296, %dma_start3A_1301] : memref<200x4x1024x128xf32, #tpu.memory_space<hbm>> -> memref<1x1x32x128xf32, #tpu.memory_space<hbm>>
      %dma_start3A_1303 = tpu.memref_squeeze %dma_start3A_1302 : memref<1x1x32x128xf32, #tpu.memory_space<hbm>> -> memref<32x128xf32, #tpu.memory_space<hbm>>
      %dma_start3A_1304 = arith.constant 0 : i32
      %dma_start3A_1305 = tpu.memref_slice %arg4[%select_n3A_1255, %dma_start3A_1297, %mul3A_1296, %dma_start3A_1304] : memref<200x4x1024x128xf32, #tpu.memory_space<hbm>> -> memref<1x1x32x128xf32, #tpu.memory_space<hbm>>
      %dma_start3A_1306 = tpu.memref_squeeze %dma_start3A_1305 : memref<1x1x32x128xf32, #tpu.memory_space<hbm>> -> memref<32x128xf32, #tpu.memory_space<hbm>>
      %dma_start3A_1307 = arith.constant 40 : i32
      %dma_start3A_1308 = arith.constant 0 : i32
      %dma_start3A_1309 = tpu.memref_slice %arg10[%dma_start3A_1307, %dma_start3A_1308] : memref<160x129xf32, #tpu.memory_space<vmem>> -> memref<32x128xf32, #tpu.memory_space<vmem>>
      tpu.enqueue_dma source(%dma_start3A_1309 : memref<32x128xf32, #tpu.memory_space<vmem>>) target(%dma_start3A_1306 : memref<32x128xf32, #tpu.memory_space<hbm>>) target_semaphore(%arg14 : memref<!tpu.dma_semaphore, #tpu.memory_space<semaphore_mem>>)
      %mul3A_1310 = arith.constant 8 : i32
      %mul3A_1311 = arith.muli %select_n3A_1271, %mul3A_1310 : i32
      %add3A_1312 = arith.constant 4 : i32
      %add3A_1313 = arith.addi %mul3A_1311, %add3A_1312 : i32
      %mul3A_1314 = arith.constant 8 : i32
      %mul3A_1315 = arith.muli %add3A_1313, %mul3A_1314 : i32
      %dma_start3A_1316 = arith.constant 2 : i32
      %dma_start3A_1317 = arith.constant 80 : i32
      %dma_start3A_1318 = arith.constant 0 : i32
      %dma_start3A_1319 = tpu.memref_slice %arg10[%dma_start3A_1317, %dma_start3A_1318] : memref<160x129xf32, #tpu.memory_space<vmem>> -> memref<32x128xf32, #tpu.memory_space<vmem>>
      %dma_start3A_1320 = arith.constant 0 : i32
      %dma_start3A_1321 = tpu.memref_slice %arg4[%select_n3A_1255, %dma_start3A_1316, %mul3A_1315, %dma_start3A_1320] : memref<200x4x1024x128xf32, #tpu.memory_space<hbm>> -> memref<1x1x32x128xf32, #tpu.memory_space<hbm>>
      %dma_start3A_1322 = tpu.memref_squeeze %dma_start3A_1321 : memref<1x1x32x128xf32, #tpu.memory_space<hbm>> -> memref<32x128xf32, #tpu.memory_space<hbm>>
      %dma_start3A_1323 = arith.constant 0 : i32
      %dma_start3A_1324 = tpu.memref_slice %arg4[%select_n3A_1255, %dma_start3A_1316, %mul3A_1315, %dma_start3A_1323] : memref<200x4x1024x128xf32, #tpu.memory_space<hbm>> -> memref<1x1x32x128xf32, #tpu.memory_space<hbm>>
      %dma_start3A_1325 = tpu.memref_squeeze %dma_start3A_1324 : memref<1x1x32x128xf32, #tpu.memory_space<hbm>> -> memref<32x128xf32, #tpu.memory_space<hbm>>
      %dma_start3A_1326 = arith.constant 80 : i32
      %dma_start3A_1327 = arith.constant 0 : i32
      %dma_start3A_1328 = tpu.memref_slice %arg10[%dma_start3A_1326, %dma_start3A_1327] : memref<160x129xf32, #tpu.memory_space<vmem>> -> memref<32x128xf32, #tpu.memory_space<vmem>>
      tpu.enqueue_dma source(%dma_start3A_1328 : memref<32x128xf32, #tpu.memory_space<vmem>>) target(%dma_start3A_1325 : memref<32x128xf32, #tpu.memory_space<hbm>>) target_semaphore(%arg14 : memref<!tpu.dma_semaphore, #tpu.memory_space<semaphore_mem>>)
      %mul3A_1329 = arith.constant 8 : i32
      %mul3A_1330 = arith.muli %select_n3A_1271, %mul3A_1329 : i32
      %add3A_1331 = arith.constant 4 : i32
      %add3A_1332 = arith.addi %mul3A_1330, %add3A_1331 : i32
      %mul3A_1333 = arith.constant 8 : i32
      %mul3A_1334 = arith.muli %add3A_1332, %mul3A_1333 : i32
      %dma_start3A_1335 = arith.constant 3 : i32
      %dma_start3A_1336 = arith.constant 120 : i32
      %dma_start3A_1337 = arith.constant 0 : i32
      %dma_start3A_1338 = tpu.memref_slice %arg10[%dma_start3A_1336, %dma_start3A_1337] : memref<160x129xf32, #tpu.memory_space<vmem>> -> memref<32x128xf32, #tpu.memory_space<vmem>>
      %dma_start3A_1339 = arith.constant 0 : i32
      %dma_start3A_1340 = tpu.memref_slice %arg4[%select_n3A_1255, %dma_start3A_1335, %mul3A_1334, %dma_start3A_1339] : memref<200x4x1024x128xf32, #tpu.memory_space<hbm>> -> memref<1x1x32x128xf32, #tpu.memory_space<hbm>>
      %dma_start3A_1341 = tpu.memref_squeeze %dma_start3A_1340 : memref<1x1x32x128xf32, #tpu.memory_space<hbm>> -> memref<32x128xf32, #tpu.memory_space<hbm>>
      %dma_start3A_1342 = arith.constant 0 : i32
      %dma_start3A_1343 = tpu.memref_slice %arg4[%select_n3A_1255, %dma_start3A_1335, %mul3A_1334, %dma_start3A_1342] : memref<200x4x1024x128xf32, #tpu.memory_space<hbm>> -> memref<1x1x32x128xf32, #tpu.memory_space<hbm>>
      %dma_start3A_1344 = tpu.memref_squeeze %dma_start3A_1343 : memref<1x1x32x128xf32, #tpu.memory_space<hbm>> -> memref<32x128xf32, #tpu.memory_space<hbm>>
      %dma_start3A_1345 = arith.constant 120 : i32
      %dma_start3A_1346 = arith.constant 0 : i32
      %dma_start3A_1347 = tpu.memref_slice %arg10[%dma_start3A_1345, %dma_start3A_1346] : memref<160x129xf32, #tpu.memory_space<vmem>> -> memref<32x128xf32, #tpu.memory_space<vmem>>
      tpu.enqueue_dma source(%dma_start3A_1347 : memref<32x128xf32, #tpu.memory_space<vmem>>) target(%dma_start3A_1344 : memref<32x128xf32, #tpu.memory_space<hbm>>) target_semaphore(%arg14 : memref<!tpu.dma_semaphore, #tpu.memory_space<semaphore_mem>>)
    }
    %scan3A_284 = arith.constant 50 : i32
    %dma_wait3A_285 = arith.constant 0 : i32
    %dma_wait3A_286 = arith.constant 0 : i32
    %dma_wait3A_287 = arith.constant 0 : i32
    %dma_wait3A_288 = arith.constant 0 : i32
    %dma_wait3A_289 = tpu.memref_slice %arg9[%dma_wait3A_287, %dma_wait3A_288] : memref<160x129xf32, #tpu.memory_space<vmem>> -> memref<32x128xf32, #tpu.memory_space<vmem>>
    %dma_wait3A_290 = arith.constant 0 : i32
    %dma_wait3A_291 = arith.constant 0 : i32
    %dma_wait3A_292 = tpu.memref_slice %arg4[%dma_wait3A_285, %dma_wait3A_286, %dma_wait3A_290, %dma_wait3A_291] : memref<200x4x1024x128xf32, #tpu.memory_space<hbm>> -> memref<1x1x32x128xf32, #tpu.memory_space<hbm>>
    %dma_wait3A_293 = tpu.memref_squeeze %dma_wait3A_292 : memref<1x1x32x128xf32, #tpu.memory_space<hbm>> -> memref<32x128xf32, #tpu.memory_space<hbm>>
    %dma_wait3A_294 = arith.constant 0 : i32
    %dma_wait3A_295 = arith.constant 0 : i32
    %dma_wait3A_296 = tpu.memref_slice %arg4[%dma_wait3A_285, %dma_wait3A_286, %dma_wait3A_294, %dma_wait3A_295] : memref<200x4x1024x128xf32, #tpu.memory_space<hbm>> -> memref<1x1x32x128xf32, #tpu.memory_space<hbm>>
    %dma_wait3A_297 = tpu.memref_squeeze %dma_wait3A_296 : memref<1x1x32x128xf32, #tpu.memory_space<hbm>> -> memref<32x128xf32, #tpu.memory_space<hbm>>
    %dma_wait3A_298 = arith.constant 0 : i32
    %dma_wait3A_299 = arith.constant 0 : i32
    %dma_wait3A_300 = tpu.memref_slice %arg9[%dma_wait3A_298, %dma_wait3A_299] : memref<160x129xf32, #tpu.memory_space<vmem>> -> memref<32x128xf32, #tpu.memory_space<vmem>>
    tpu.wait_dma2 semaphore(%arg13 : memref<!tpu.dma_semaphore, #tpu.memory_space<semaphore_mem>>) src(%dma_wait3A_300 : memref<32x128xf32, #tpu.memory_space<vmem>>) dst(%dma_wait3A_297 : memref<32x128xf32, #tpu.memory_space<hbm>>)
    %dma_wait3A_301 = arith.constant 0 : i32
    %dma_wait3A_302 = arith.constant 1 : i32
    %dma_wait3A_303 = arith.constant 40 : i32
    %dma_wait3A_304 = arith.constant 0 : i32
    %dma_wait3A_305 = tpu.memref_slice %arg9[%dma_wait3A_303, %dma_wait3A_304] : memref<160x129xf32, #tpu.memory_space<vmem>> -> memref<32x128xf32, #tpu.memory_space<vmem>>
    %dma_wait3A_306 = arith.constant 0 : i32
    %dma_wait3A_307 = arith.constant 0 : i32
    %dma_wait3A_308 = tpu.memref_slice %arg4[%dma_wait3A_301, %dma_wait3A_302, %dma_wait3A_306, %dma_wait3A_307] : memref<200x4x1024x128xf32, #tpu.memory_space<hbm>> -> memref<1x1x32x128xf32, #tpu.memory_space<hbm>>
    %dma_wait3A_309 = tpu.memref_squeeze %dma_wait3A_308 : memref<1x1x32x128xf32, #tpu.memory_space<hbm>> -> memref<32x128xf32, #tpu.memory_space<hbm>>
    %dma_wait3A_310 = arith.constant 0 : i32
    %dma_wait3A_311 = arith.constant 0 : i32
    %dma_wait3A_312 = tpu.memref_slice %arg4[%dma_wait3A_301, %dma_wait3A_302, %dma_wait3A_310, %dma_wait3A_311] : memref<200x4x1024x128xf32, #tpu.memory_space<hbm>> -> memref<1x1x32x128xf32, #tpu.memory_space<hbm>>
    %dma_wait3A_313 = tpu.memref_squeeze %dma_wait3A_312 : memref<1x1x32x128xf32, #tpu.memory_space<hbm>> -> memref<32x128xf32, #tpu.memory_space<hbm>>
    %dma_wait3A_314 = arith.constant 40 : i32
    %dma_wait3A_315 = arith.constant 0 : i32
    %dma_wait3A_316 = tpu.memref_slice %arg9[%dma_wait3A_314, %dma_wait3A_315] : memref<160x129xf32, #tpu.memory_space<vmem>> -> memref<32x128xf32, #tpu.memory_space<vmem>>
    tpu.wait_dma2 semaphore(%arg13 : memref<!tpu.dma_semaphore, #tpu.memory_space<semaphore_mem>>) src(%dma_wait3A_316 : memref<32x128xf32, #tpu.memory_space<vmem>>) dst(%dma_wait3A_313 : memref<32x128xf32, #tpu.memory_space<hbm>>)
    %dma_wait3A_317 = arith.constant 0 : i32
    %dma_wait3A_318 = arith.constant 2 : i32
    %dma_wait3A_319 = arith.constant 80 : i32
    %dma_wait3A_320 = arith.constant 0 : i32
    %dma_wait3A_321 = tpu.memref_slice %arg9[%dma_wait3A_319, %dma_wait3A_320] : memref<160x129xf32, #tpu.memory_space<vmem>> -> memref<32x128xf32, #tpu.memory_space<vmem>>
    %dma_wait3A_322 = arith.constant 0 : i32
    %dma_wait3A_323 = arith.constant 0 : i32
    %dma_wait3A_324 = tpu.memref_slice %arg4[%dma_wait3A_317, %dma_wait3A_318, %dma_wait3A_322, %dma_wait3A_323] : memref<200x4x1024x128xf32, #tpu.memory_space<hbm>> -> memref<1x1x32x128xf32, #tpu.memory_space<hbm>>
    %dma_wait3A_325 = tpu.memref_squeeze %dma_wait3A_324 : memref<1x1x32x128xf32, #tpu.memory_space<hbm>> -> memref<32x128xf32, #tpu.memory_space<hbm>>
    %dma_wait3A_326 = arith.constant 0 : i32
    %dma_wait3A_327 = arith.constant 0 : i32
    %dma_wait3A_328 = tpu.memref_slice %arg4[%dma_wait3A_317, %dma_wait3A_318, %dma_wait3A_326, %dma_wait3A_327] : memref<200x4x1024x128xf32, #tpu.memory_space<hbm>> -> memref<1x1x32x128xf32, #tpu.memory_space<hbm>>
    %dma_wait3A_329 = tpu.memref_squeeze %dma_wait3A_328 : memref<1x1x32x128xf32, #tpu.memory_space<hbm>> -> memref<32x128xf32, #tpu.memory_space<hbm>>
    %dma_wait3A_330 = arith.constant 80 : i32
    %dma_wait3A_331 = arith.constant 0 : i32
    %dma_wait3A_332 = tpu.memref_slice %arg9[%dma_wait3A_330, %dma_wait3A_331] : memref<160x129xf32, #tpu.memory_space<vmem>> -> memref<32x128xf32, #tpu.memory_space<vmem>>
    tpu.wait_dma2 semaphore(%arg13 : memref<!tpu.dma_semaphore, #tpu.memory_space<semaphore_mem>>) src(%dma_wait3A_332 : memref<32x128xf32, #tpu.memory_space<vmem>>) dst(%dma_wait3A_329 : memref<32x128xf32, #tpu.memory_space<hbm>>)
    %dma_wait3A_333 = arith.constant 0 : i32
    %dma_wait3A_334 = arith.constant 3 : i32
    %dma_wait3A_335 = arith.constant 120 : i32
    %dma_wait3A_336 = arith.constant 0 : i32
    %dma_wait3A_337 = tpu.memref_slice %arg9[%dma_wait3A_335, %dma_wait3A_336] : memref<160x129xf32, #tpu.memory_space<vmem>> -> memref<32x128xf32, #tpu.memory_space<vmem>>
    %dma_wait3A_338 = arith.constant 0 : i32
    %dma_wait3A_339 = arith.constant 0 : i32
    %dma_wait3A_340 = tpu.memref_slice %arg4[%dma_wait3A_333, %dma_wait3A_334, %dma_wait3A_338, %dma_wait3A_339] : memref<200x4x1024x128xf32, #tpu.memory_space<hbm>> -> memref<1x1x32x128xf32, #tpu.memory_space<hbm>>
    %dma_wait3A_341 = tpu.memref_squeeze %dma_wait3A_340 : memref<1x1x32x128xf32, #tpu.memory_space<hbm>> -> memref<32x128xf32, #tpu.memory_space<hbm>>
    %dma_wait3A_342 = arith.constant 0 : i32
    %dma_wait3A_343 = arith.constant 0 : i32
    %dma_wait3A_344 = tpu.memref_slice %arg4[%dma_wait3A_333, %dma_wait3A_334, %dma_wait3A_342, %dma_wait3A_343] : memref<200x4x1024x128xf32, #tpu.memory_space<hbm>> -> memref<1x1x32x128xf32, #tpu.memory_space<hbm>>
    %dma_wait3A_345 = tpu.memref_squeeze %dma_wait3A_344 : memref<1x1x32x128xf32, #tpu.memory_space<hbm>> -> memref<32x128xf32, #tpu.memory_space<hbm>>
    %dma_wait3A_346 = arith.constant 120 : i32
    %dma_wait3A_347 = arith.constant 0 : i32
    %dma_wait3A_348 = tpu.memref_slice %arg9[%dma_wait3A_346, %dma_wait3A_347] : memref<160x129xf32, #tpu.memory_space<vmem>> -> memref<32x128xf32, #tpu.memory_space<vmem>>
    tpu.wait_dma2 semaphore(%arg13 : memref<!tpu.dma_semaphore, #tpu.memory_space<semaphore_mem>>) src(%dma_wait3A_348 : memref<32x128xf32, #tpu.memory_space<vmem>>) dst(%dma_wait3A_345 : memref<32x128xf32, #tpu.memory_space<hbm>>)
    %dma_wait3A_349 = arith.constant 0 : i32
    %dma_wait3A_350 = arith.constant 0 : i32
    %dma_wait3A_351 = arith.constant 0 : i32
    %dma_wait3A_352 = arith.constant 0 : i32
    %dma_wait3A_353 = tpu.memref_slice %arg10[%dma_wait3A_351, %dma_wait3A_352] : memref<160x129xf32, #tpu.memory_space<vmem>> -> memref<32x128xf32, #tpu.memory_space<vmem>>
    %dma_wait3A_354 = arith.constant 32 : i32
    %dma_wait3A_355 = arith.constant 0 : i32
    %dma_wait3A_356 = tpu.memref_slice %arg4[%dma_wait3A_349, %dma_wait3A_350, %dma_wait3A_354, %dma_wait3A_355] : memref<200x4x1024x128xf32, #tpu.memory_space<hbm>> -> memref<1x1x32x128xf32, #tpu.memory_space<hbm>>
    %dma_wait3A_357 = tpu.memref_squeeze %dma_wait3A_356 : memref<1x1x32x128xf32, #tpu.memory_space<hbm>> -> memref<32x128xf32, #tpu.memory_space<hbm>>
    %dma_wait3A_358 = arith.constant 32 : i32
    %dma_wait3A_359 = arith.constant 0 : i32
    %dma_wait3A_360 = tpu.memref_slice %arg4[%dma_wait3A_349, %dma_wait3A_350, %dma_wait3A_358, %dma_wait3A_359] : memref<200x4x1024x128xf32, #tpu.memory_space<hbm>> -> memref<1x1x32x128xf32, #tpu.memory_space<hbm>>
    %dma_wait3A_361 = tpu.memref_squeeze %dma_wait3A_360 : memref<1x1x32x128xf32, #tpu.memory_space<hbm>> -> memref<32x128xf32, #tpu.memory_space<hbm>>
    %dma_wait3A_362 = arith.constant 0 : i32
    %dma_wait3A_363 = arith.constant 0 : i32
    %dma_wait3A_364 = tpu.memref_slice %arg10[%dma_wait3A_362, %dma_wait3A_363] : memref<160x129xf32, #tpu.memory_space<vmem>> -> memref<32x128xf32, #tpu.memory_space<vmem>>
    tpu.wait_dma2 semaphore(%arg14 : memref<!tpu.dma_semaphore, #tpu.memory_space<semaphore_mem>>) src(%dma_wait3A_364 : memref<32x128xf32, #tpu.memory_space<vmem>>) dst(%dma_wait3A_361 : memref<32x128xf32, #tpu.memory_space<hbm>>)
    %dma_wait3A_365 = arith.constant 0 : i32
    %dma_wait3A_366 = arith.constant 1 : i32
    %dma_wait3A_367 = arith.constant 40 : i32
    %dma_wait3A_368 = arith.constant 0 : i32
    %dma_wait3A_369 = tpu.memref_slice %arg10[%dma_wait3A_367, %dma_wait3A_368] : memref<160x129xf32, #tpu.memory_space<vmem>> -> memref<32x128xf32, #tpu.memory_space<vmem>>
    %dma_wait3A_370 = arith.constant 32 : i32
    %dma_wait3A_371 = arith.constant 0 : i32
    %dma_wait3A_372 = tpu.memref_slice %arg4[%dma_wait3A_365, %dma_wait3A_366, %dma_wait3A_370, %dma_wait3A_371] : memref<200x4x1024x128xf32, #tpu.memory_space<hbm>> -> memref<1x1x32x128xf32, #tpu.memory_space<hbm>>
    %dma_wait3A_373 = tpu.memref_squeeze %dma_wait3A_372 : memref<1x1x32x128xf32, #tpu.memory_space<hbm>> -> memref<32x128xf32, #tpu.memory_space<hbm>>
    %dma_wait3A_374 = arith.constant 32 : i32
    %dma_wait3A_375 = arith.constant 0 : i32
    %dma_wait3A_376 = tpu.memref_slice %arg4[%dma_wait3A_365, %dma_wait3A_366, %dma_wait3A_374, %dma_wait3A_375] : memref<200x4x1024x128xf32, #tpu.memory_space<hbm>> -> memref<1x1x32x128xf32, #tpu.memory_space<hbm>>
    %dma_wait3A_377 = tpu.memref_squeeze %dma_wait3A_376 : memref<1x1x32x128xf32, #tpu.memory_space<hbm>> -> memref<32x128xf32, #tpu.memory_space<hbm>>
    %dma_wait3A_378 = arith.constant 40 : i32
    %dma_wait3A_379 = arith.constant 0 : i32
    %dma_wait3A_380 = tpu.memref_slice %arg10[%dma_wait3A_378, %dma_wait3A_379] : memref<160x129xf32, #tpu.memory_space<vmem>> -> memref<32x128xf32, #tpu.memory_space<vmem>>
    tpu.wait_dma2 semaphore(%arg14 : memref<!tpu.dma_semaphore, #tpu.memory_space<semaphore_mem>>) src(%dma_wait3A_380 : memref<32x128xf32, #tpu.memory_space<vmem>>) dst(%dma_wait3A_377 : memref<32x128xf32, #tpu.memory_space<hbm>>)
    %dma_wait3A_381 = arith.constant 0 : i32
    %dma_wait3A_382 = arith.constant 2 : i32
    %dma_wait3A_383 = arith.constant 80 : i32
    %dma_wait3A_384 = arith.constant 0 : i32
    %dma_wait3A_385 = tpu.memref_slice %arg10[%dma_wait3A_383, %dma_wait3A_384] : memref<160x129xf32, #tpu.memory_space<vmem>> -> memref<32x128xf32, #tpu.memory_space<vmem>>
    %dma_wait3A_386 = arith.constant 32 : i32
    %dma_wait3A_387 = arith.constant 0 : i32
    %dma_wait3A_388 = tpu.memref_slice %arg4[%dma_wait3A_381, %dma_wait3A_382, %dma_wait3A_386, %dma_wait3A_387] : memref<200x4x1024x128xf32, #tpu.memory_space<hbm>> -> memref<1x1x32x128xf32, #tpu.memory_space<hbm>>
    %dma_wait3A_389 = tpu.memref_squeeze %dma_wait3A_388 : memref<1x1x32x128xf32, #tpu.memory_space<hbm>> -> memref<32x128xf32, #tpu.memory_space<hbm>>
    %dma_wait3A_390 = arith.constant 32 : i32
    %dma_wait3A_391 = arith.constant 0 : i32
    %dma_wait3A_392 = tpu.memref_slice %arg4[%dma_wait3A_381, %dma_wait3A_382, %dma_wait3A_390, %dma_wait3A_391] : memref<200x4x1024x128xf32, #tpu.memory_space<hbm>> -> memref<1x1x32x128xf32, #tpu.memory_space<hbm>>
    %dma_wait3A_393 = tpu.memref_squeeze %dma_wait3A_392 : memref<1x1x32x128xf32, #tpu.memory_space<hbm>> -> memref<32x128xf32, #tpu.memory_space<hbm>>
    %dma_wait3A_394 = arith.constant 80 : i32
    %dma_wait3A_395 = arith.constant 0 : i32
    %dma_wait3A_396 = tpu.memref_slice %arg10[%dma_wait3A_394, %dma_wait3A_395] : memref<160x129xf32, #tpu.memory_space<vmem>> -> memref<32x128xf32, #tpu.memory_space<vmem>>
    tpu.wait_dma2 semaphore(%arg14 : memref<!tpu.dma_semaphore, #tpu.memory_space<semaphore_mem>>) src(%dma_wait3A_396 : memref<32x128xf32, #tpu.memory_space<vmem>>) dst(%dma_wait3A_393 : memref<32x128xf32, #tpu.memory_space<hbm>>)
    %dma_wait3A_397 = arith.constant 0 : i32
    %dma_wait3A_398 = arith.constant 3 : i32
    %dma_wait3A_399 = arith.constant 120 : i32
    %dma_wait3A_400 = arith.constant 0 : i32
    %dma_wait3A_401 = tpu.memref_slice %arg10[%dma_wait3A_399, %dma_wait3A_400] : memref<160x129xf32, #tpu.memory_space<vmem>> -> memref<32x128xf32, #tpu.memory_space<vmem>>
    %dma_wait3A_402 = arith.constant 32 : i32
    %dma_wait3A_403 = arith.constant 0 : i32
    %dma_wait3A_404 = tpu.memref_slice %arg4[%dma_wait3A_397, %dma_wait3A_398, %dma_wait3A_402, %dma_wait3A_403] : memref<200x4x1024x128xf32, #tpu.memory_space<hbm>> -> memref<1x1x32x128xf32, #tpu.memory_space<hbm>>
    %dma_wait3A_405 = tpu.memref_squeeze %dma_wait3A_404 : memref<1x1x32x128xf32, #tpu.memory_space<hbm>> -> memref<32x128xf32, #tpu.memory_space<hbm>>
    %dma_wait3A_406 = arith.constant 32 : i32
    %dma_wait3A_407 = arith.constant 0 : i32
    %dma_wait3A_408 = tpu.memref_slice %arg4[%dma_wait3A_397, %dma_wait3A_398, %dma_wait3A_406, %dma_wait3A_407] : memref<200x4x1024x128xf32, #tpu.memory_space<hbm>> -> memref<1x1x32x128xf32, #tpu.memory_space<hbm>>
    %dma_wait3A_409 = tpu.memref_squeeze %dma_wait3A_408 : memref<1x1x32x128xf32, #tpu.memory_space<hbm>> -> memref<32x128xf32, #tpu.memory_space<hbm>>
    %dma_wait3A_410 = arith.constant 120 : i32
    %dma_wait3A_411 = arith.constant 0 : i32
    %dma_wait3A_412 = tpu.memref_slice %arg10[%dma_wait3A_410, %dma_wait3A_411] : memref<160x129xf32, #tpu.memory_space<vmem>> -> memref<32x128xf32, #tpu.memory_space<vmem>>
    tpu.wait_dma2 semaphore(%arg14 : memref<!tpu.dma_semaphore, #tpu.memory_space<semaphore_mem>>) src(%dma_wait3A_412 : memref<32x128xf32, #tpu.memory_space<vmem>>) dst(%dma_wait3A_409 : memref<32x128xf32, #tpu.memory_space<hbm>>)
    return
  }
}

</mosaic_0001>

<sc_bundles>
// kernel: kernel.3.cloned.1.call-start
scs
__scs_entry_jumppad:
0x0: {  	(pc) =	sbr.rel $0x88, $3  }
0x1: {  	(tag) =	ssettag $0x0;
	lr =	simm.s32 $0x1  }
0x2: {  	[smem:$0x3F9F] =	sst lr;
	_ =	strace $0xD0000000  }
0x3: {  	_ = 	snop  }
0x4: {  	_ = 	snop  }
0x5: {  	_ = 	snop  }
0x6: {  	_ = 	snop  }
0x7: {  	_ = 	snop  }
__scs_overlays_trampoline_lowered:
0x8: {  	[smem:$0x3FAE] =	sst s0  }
0x9: {  	[smem:$0x3FAF] =	sst s1  }
0xa: {  	[smem:$0x3FB0] =	sst s2  }
0xb: {  	[smem:$0x3FB1] =	sst s3  }
0xc: {  	[smem:$0x3FB2] =	sst s4  }
0xd: {  	[smem:$0x3FB3] =	sst s5  }
0xe: {  	[smem:$0x3FB4] =	sst s6  }
0xf: {  	[smem:$0x3FB5] =	sst s7  }
0x10: {  	[smem:$0x3FB6] =	sst s8  }
0x11: {  	[smem:$0x3FB7] =	sst s9;
	s0 =	simm.s32 @!p0 $0x0  }
0x12: {  	s1 =	sld [smem:$0x3F9D];
	s0 =	simm.s32 @p0 $0x1  }
0x13: {  	[smem:$0x3FB8] =	sst s0;
	s0 =	simm.s32 @!p1 $0x0  }
0x14: {  	s2 =	sld [smem:$0x3F9C];
	s0 =	simm.s32 @p1 $0x1  }
0x15: {  	[smem:$0x3FB9] =	sst s0;
	s0 =	simm.s32 @!p2 $0x0  }
0x16: {  	s3 =	sld [smem:$0x3FDB];
	s0 =	simm.s32 @p2 $0x1  }
0x17: {  	s4 =	simm.s32 $0x1BF5;
	[smem:$0x3FBB] =	sst s0  }
0x18: {  	s0 =	sld [smem:$0x3F9E];
	_ =	swait.ge [sflag:s4], $0x0  }
0x19: {  	s7 =	sld [smem:$0x3F9F]  }
0x1a: {  	s8 =	sadd.s32 $0xFFFFE003, lr  }
0x1b: {  	s9 =	sadd.s32 $0xFFFFFEF7, lr;
	s5 =	simm.s32 $0xFFFFFFFF;
	p2 =	slt.u32 s8, $0xFFFFF086  }
0x1c: {  	p1 =	slt.u32 s9, $0xF7A;
	s5 =	simm.s32 @!p2 $0x0  }
0x1d: {  	s5 =	simm.s32 @p1 $0x1;
	p0 =	seq.s32 s7, s2  }
0x1e: {  	s7 =	smul.u32 @!p0 $0xF7A, s2;
	p2 =	seq.s32 @!p0 s5, $0x0  }
0x1f: {  	s9 =	smul.u32 $0xF7A, s1;
	s8 =	simm.s32 @!p0 $0x1BF5;
	p2 =	por !p2, p0  }
0x20: {  	[sflag:s8] =	ssyncset.s32 @!p0 $0xFFFFF086;
	s6 =	sadd.s32 @!p0 s3, s7;
	s7 =	simm.s32 @!p0 $0x108  }
0x21: {  	s3 =	sadd.s32 s3, s9;
	s6 =	sadd.s32 @!p0 $0x88, s6;
	s7 =	simm.s32 @p2 $0x1082  }
0x22: {  	[simem:s7], [sflag:s8] =	dma.local @!p0 [hbm:s6], $0xF7A  }
0x23: {  	s9 =	sor.u32 $0xD0000000, s2;
	s6 =	simm.s32 $0x108;
	_ =	swait.ge @!p0 [sflag:s8], $0x0  }
0x24: {  	s3 =	sadd.s32 $0x88, s3;
	s6 =	simm.s32 @!p1 $0x1082;
	[sflag:s4] =	ssyncset.s32 $0xFFFFF086  }
0x25: {  	[simem:s6], [sflag:s4] =	dma.local [hbm:s3], $0xF7A  }
0x26: {  	[smem:$0x3F9F] =	sst s1;
	(tag) =	ssettag s2;
	_ =	strace s9  }
0x27: {  	s1 =	sld [smem:$0x3FAF]  }
0x28: {  	s2 =	sld [smem:$0x3FB0]  }
0x29: {  	s4 =	sld [smem:$0x3FB2]  }
0x2a: {  	p0 =	seq.s32 s5, $0x0;
	s5 =	sld [smem:$0x3FB3]  }
0x2b: {  	s6 =	sld [smem:$0x3FB4]  }
0x2c: {  	s7 =	sld [smem:$0x3FB5]  }
0x2d: {  	s3 =	simm.s32 $0x108;
	s8 =	sld [smem:$0x3FB6]  }
0x2e: {  	s3 =	simm.s32 @!p0 $0x1082;
	s9 =	sld [smem:$0x3FB7]  }
0x2f: {  	lr =	sadd.s32 s0, s3;
	s0 =	sld [smem:$0x3FAE]  }
0x30: {  	s3 =	sld [smem:$0x3FB1]  }
0x31: {  	[smem:$0x3FBA] =	sst s10  }
0x32: {  	s10 =	sld [smem:$0x3FB8];
	_ =	sdelay $0x3  }
0x33: {  	p0 =	seq.s32 s10, $0x1;
	s10 =	sld [smem:$0x3FBA];
	_ =	sdelay $0x3  }
0x34: {  	[smem:$0x3FBA] =	sst s10  }
0x35: {  	s10 =	sld [smem:$0x3FB9];
	_ =	sdelay $0x3  }
0x36: {  	p1 =	seq.s32 s10, $0x1;
	s10 =	sld [smem:$0x3FBA];
	_ =	sdelay $0x3  }
0x37: {  	[smem:$0x3FBA] =	sst s10  }
0x38: {  	s10 =	sld [smem:$0x3FBB]  }
0x39: {  	_ = 	snop;
	(pc) =	sbr.ind lr, $3  }
0x3a: {  	_ = 	snop  }
0x3b: {  	_ = 	snop  }
0x3c: {  	p2 =	seq.s32 s10, $0x1;
	s10 =	sld [smem:$0x3FBA]  }
0x3d: {  	_ =	shalt  }
0x3e: {  	_ =	shalt  }
0x3f: {  	_ =	shalt  }
0x40: {  	_ =	shalt  }
0x41: {  	_ =	shalt  }
0x42: {  	_ =	shalt  }
0x43: {  	_ =	shalt  }
0x44: {  	_ =	shalt  }
0x45: {  	_ =	shalt  }
0x46: {  	_ =	shalt  }
0x47: {  	_ =	shalt  }
0x48: {  	_ =	shalt  }
0x49: {  	_ =	shalt  }
0x4a: {  	_ =	shalt  }
0x4b: {  	_ =	shalt  }
0x4c: {  	_ =	shalt  }
0x4d: {  	_ =	shalt  }
0x4e: {  	_ =	shalt  }
0x4f: {  	_ =	shalt  }
0x50: {  	_ =	shalt  }
0x51: {  	_ =	shalt  }
0x52: {  	_ =	shalt  }
0x53: {  	_ =	shalt  }
0x54: {  	_ =	shalt  }
0x55: {  	_ =	shalt  }
0x56: {  	_ =	shalt  }
0x57: {  	_ =	shalt  }
0x58: {  	_ =	shalt  }
0x59: {  	_ =	shalt  }
0x5a: {  	_ =	shalt  }
0x5b: {  	_ =	shalt  }
0x5c: {  	_ =	shalt  }
0x5d: {  	_ =	shalt  }
0x5e: {  	_ =	shalt  }
0x5f: {  	_ =	shalt  }
0x60: {  	_ =	shalt  }
0x61: {  	_ =	shalt  }
0x62: {  	_ =	shalt  }
0x63: {  	_ =	shalt  }
0x64: {  	_ =	shalt  }
0x65: {  	_ =	shalt  }
0x66: {  	_ =	shalt  }
0x67: {  	_ =	shalt  }
0x68: {  	_ =	shalt  }
0x69: {  	_ =	shalt  }
0x6a: {  	_ =	shalt  }
0x6b: {  	_ =	shalt  }
0x6c: {  	_ =	shalt  }
0x6d: {  	_ =	shalt  }
0x6e: {  	_ =	shalt  }
0x6f: {  	_ =	shalt  }
0x70: {  	_ =	shalt  }
0x71: {  	_ =	shalt  }
0x72: {  	_ =	shalt  }
0x73: {  	_ =	shalt  }
0x74: {  	_ =	shalt  }
0x75: {  	_ =	shalt  }
0x76: {  	_ =	shalt  }
0x77: {  	_ =	shalt  }
0x78: {  	_ =	shalt  }
0x79: {  	_ =	shalt  }
0x7a: {  	_ =	shalt  }
0x7b: {  	_ =	shalt  }
0x7c: {  	_ =	shalt  }
0x7d: {  	_ =	shalt  }
0x7e: {  	_ =	shalt  }
0x7f: {  	_ =	shalt  }
0x80: {  	_ =	shalt  }
0x81: {  	_ =	shalt  }
0x82: {  	_ =	shalt  }
0x83: {  	_ =	shalt  }
0x84: {  	_ =	shalt  }
0x85: {  	_ =	shalt  }
0x86: {  	_ =	shalt  }
0x87: {  	_ =	shalt  }
.Lfunc_end0:
.L_simem_size_0:
called_computation_lowered:
.L_overlay_start_0:
0x88: {  	s2 =	sld [smem:$0x3FD9]  }
0x89: {  	s3 =	sld [smem:$0x3FFE];
	_ =	sdelay $0x1  }
0x8a: {  	s1 =	srdreg.scid  }
0x8b: {  	s0 =	sand.u32 $0x1, s1  }
0x8c: {  	s17 =	sshll.u32 s0, $0xA;
	s2 =	sadd.s32 s3, s2  }
0x8d: {  	s2 =	sadd.s32 s2, s17  }
0x8e: {  	[smem:$0x3FC6] =	sst s2  }
0x8f: {  	_ = 	snop  }
0x90: {  	s2 =	sld [smem:$0x3FD0];
	(tm) =	ssettm $0x1  }
0x91: {  	s18 =	sld [smem:$0x3FFB];
	_ =	sdelay $0x3  }
0x92: {  	_ =	strace s18  }
0x93: {  	s3 =	sld [smem:$0x3FFC];
	_ =	sdelay $0x3  }
0x94: {  	_ =	strace s3  }
0x95: {  	s3 =	sld [smem:$0x3FFD];
	_ =	sdelay $0x3  }
0x96: {  	_ =	strace s3  }
0x97: {  	_ =	strace $0x8FFFFFFF  }
0x98: {  	s19 =	sld [smem:$0x3FDB];
	_ =	sdelay $0x1  }
0x99: {  	s4 =	simm.s32 $_scs_section_size  }
0x9a: {  	s5 =	simm.s32 $_size__tile_overlayer_lowered;
	s6 =	simm.s32 $_tile_overlayer_lowered  }
0x9b: {  	s22 =	simm.s32 $0x1BFF;
	s21 =	sshll.u32 s6, $0x1;
	s3 =	sadd.s32 s4, s19  }
0x9c: {  	s7 =	simm.s32 $0x0;
	s20 =	sshll.u32 s5, $0x1;
	s5 =	sadd.s32 s21, s3  }
0x9d: {  	[timem:s7], [sflag:s22] =	dma.local [hbm:s5], s20  }
0x9e: {  	_ =	swait.ge [sflag:s22], s20  }
0x9f: {  	s4 =	ssub.s32 $0x0, s20;
	[sflag:s22] =	ssyncset.done $0x0  }
0xa0: {  	[sflag:s22] =	ssyncadd.s32 s4;
	_ =	sdelay $0x1  }
0xa1: {  	s23 =	simm.s32 $0x1B8B  }
0xa2: {  	_ =	swait.ge [sflag:s23], $0x1  }
0xa3: {  	[sflag:s23] =	ssyncset.done $0x0  }
0xa4: {  	s25 =	simm.s32 $0x1B8E;
	s24 =	sld [smem:$0x3FFE];
	[sflag:s23] =	ssyncadd.s32 $0xFFFFFFFF  }
0xa5: {  	s26 =	simm.s32 $execute0_lowered;
	[smem:$0x3FD2] =	sst s25  }
0xa6: {  	s5 =	sshll.u32 s26, $0x1;
	_ =	strace $0x80000046;
	[dreg:$0x1] =	wrdreg $0xFFFFFFFF  }
0xa7: {  	s28 =	simm.s32 $_size_execute0_lowered;
	s3 =	sadd.s32 s3, s5;
	[dreg:$0x0] =	wrdreg $0x0  }
0xa8: {  	s5 =	sshll.u32 s28, $0x1;
	[dreg:$0x2] =	wrdreg s3  }
0xa9: {  	[dreg:$0x3] =	wrdreg s5  }
0xaa: {  	[dreg:$0x4] =	wrdreg $0xC0  }
0xab: {  	_ =	task [dreg:s7], $0x5FFFF  }
0xac: {  	[dreg:$0x1] =	wrdreg $0xFFFFFFFF  }
0xad: {  	[dreg:$0x0] =	wrdreg $0x60  }
0xae: {  	[dreg:$0x2] =	wrdreg s24  }
0xaf: {  	[dreg:$0x3] =	wrdreg s2  }
0xb0: {  	[dreg:$0x4] =	wrdreg $0x9  }
0xb1: {  	_ =	task.clear_ibuf [dreg:s7], $0x5FFFF;
	_ =	strace $0x90000046  }
0xb2: {  	s29 =	simm.s32 $0x9;
	_ =	strace $0x80000048  }
0xb3: {  	_ =	swait.ge [sflag:s29], $0x1  }
0xb4: {  	[sflag:s29] =	ssyncadd.s32 $0xFFFFFFFF  }
0xb5: {  	_ =	strace $0x90000048  }
0xb6: {  	_ =	sfence  }
0xb7: {  	s30 =	sld [smem:$0x0];
	_ =	sdelay $0x2  }
0xb8: {  	s31 =	sshll.u32 s1, $0xD;
	s1 =	sshrl.u32 s1, $0x2  }
0xb9: {  	s3 =	sand.u32 $0x4000, s31;
	s1 =	sadd.s32 s1, s30  }
0xba: {  	s0 =	sor.u32 s3, s0;
	s1 =	sshll.u32 s1, $0x11  }
0xbb: {  	s0 =	sor.u32 s1, s0  }
0xbc: {  	s0 =	sadd.s32 $0x8F2B, s0  }
0xbd: {  	[sflag:s0] =	ssyncadd.remote.s32 $0x1  }
0xbe: {  	_ =	sfence.sel $0xFFFF  }
0xbf: {  	[dreg:$0x0] =	wrdreg $0xFFFFFFFF;
	(pc) =	sbr.abs _section_cstart, $3  }
0xc0: {  	[dreg:$0x1] =	wrdreg $0xFFFFFFFF  }
0xc1: {  	_ =	task.clear_ibuf [dreg:s7], $0x2FFFF;
	_ =	strace $0x9FFFFFFF  }
0xc2: {  	(tm) =	ssettm $0x7FFFFFFF  }
0xc3: {  	_ =	shalt  }
tec
execute0_lowered:
.L_overlay_start_1:
0x0: {  	(tag) =	ssettag $0x1  }
0x1: {  	v0 =	vimm.s32 $0x18F8;
	vm14 =	vcmask $0x300  }
0x2: {  	v1 =	vimm.s32 $0x4378;
	vm13 =	vcmask $0x704;
	vm12 =	vcmask $0xB08  }
0x3: {  	vm11 =	vcmask $0xF0C;
	vm10 =	vcmask $0x1310;
	vm9 =	vcmask $0x1714  }
0x4: {  	vm8 =	vcmask $0x1B18;
	vm7 =	vcmask $0x1F1C;
	vm6 =	vcmask $0x2320  }
0x5: {  	vm5 =	vcmask $0x2724;
	vm4 =	vcmask $0x2B28;
	vm3 =	vcmask $0x2F2C  }
0x6: {  	vm2 =	vcmask $0x3330;
	vm1 =	vcmask $0x3734;
	vm0 =	vcmask $0x3B38  }
0x7: {  	v2 =	vimm.s32 $0x1D38;
	v3 =	vimm.s32 $0x47B8;
	v4 =	vimm.s32 $0x2178  }
0x8: {  	v5 =	vimm.s32 $0x4BF8;
	v6 =	vimm.s32 $0x25B8;
	v7 =	vimm.s32 $0x5038  }
0x9: {  	v0 =	vsel vm14, $0x0, v0;
	v1 =	vsel vm14, $0x2A80, v1;
	v2 =	vsel vm14, $0x440, v2  }
0xa: {  	v3 =	vsel vm14, $0x2EC0, v3;
	v4 =	vsel vm14, $0x880, v4;
	v5 =	vsel vm14, $0x3300, v5  }
0xb: {  	v6 =	vsel vm14, $0xCC0, v6;
	v7 =	vsel vm14, $0x3740, v7;
	v0 =	vsel vm13, $0x88, v0  }
0xc: {  	v1 =	vsel vm13, $0x2B08, v1;
	v2 =	vsel vm13, $0x4C8, v2;
	v3 =	vsel vm13, $0x2F48, v3  }
0xd: {  	v4 =	vsel vm13, $0x908, v4;
	v5 =	vsel vm13, $0x3388, v5;
	v6 =	vsel vm13, $0xD48, v6  }
0xe: {  	v7 =	vsel vm13, $0x37C8, v7;
	v0 =	vsel vm12, $0x110, v0;
	v1 =	vsel vm12, $0x2B90, v1  }
0xf: {  	v2 =	vsel vm12, $0x550, v2;
	v3 =	vsel vm12, $0x2FD0, v3;
	v4 =	vsel vm12, $0x990, v4  }
0x10: {  	v5 =	vsel vm12, $0x3410, v5;
	v6 =	vsel vm12, $0xDD0, v6;
	v7 =	vsel vm12, $0x3850, v7  }
0x11: {  	v0 =	vsel vm11, $0x198, v0;
	v1 =	vsel vm11, $0x2C18, v1;
	v2 =	vsel vm11, $0x5D8, v2  }
0x12: {  	v3 =	vsel vm11, $0x3058, v3;
	v4 =	vsel vm11, $0xA18, v4;
	v5 =	vsel vm11, $0x3498, v5  }
0x13: {  	v6 =	vsel vm11, $0xE58, v6;
	v7 =	vsel vm11, $0x38D8, v7;
	v0 =	vsel vm10, $0x220, v0  }
0x14: {  	v1 =	vsel vm10, $0x2CA0, v1;
	v2 =	vsel vm10, $0x660, v2;
	v3 =	vsel vm10, $0x30E0, v3  }
0x15: {  	v4 =	vsel vm10, $0xAA0, v4;
	v5 =	vsel vm10, $0x3520, v5;
	v6 =	vsel vm10, $0xEE0, v6  }
0x16: {  	v7 =	vsel vm10, $0x3960, v7;
	v0 =	vsel vm9, $0x2A8, v0;
	v1 =	vsel vm9, $0x2D28, v1  }
0x17: {  	v2 =	vsel vm9, $0x6E8, v2;
	v3 =	vsel vm9, $0x3168, v3;
	v4 =	vsel vm9, $0xB28, v4  }
0x18: {  	v5 =	vsel vm9, $0x35A8, v5;
	v6 =	vsel vm9, $0xF68, v6;
	v7 =	vsel vm9, $0x39E8, v7  }
0x19: {  	v0 =	vsel vm8, $0x330, v0;
	v1 =	vsel vm8, $0x2DB0, v1;
	v2 =	vsel vm8, $0x770, v2  }
0x1a: {  	v3 =	vsel vm8, $0x31F0, v3;
	v4 =	vsel vm8, $0xBB0, v4;
	v5 =	vsel vm8, $0x3630, v5  }
0x1b: {  	v6 =	vsel vm8, $0xFF0, v6;
	v7 =	vsel vm8, $0x3A70, v7;
	v0 =	vsel vm7, $0x3B8, v0  }
0x1c: {  	v1 =	vsel vm7, $0x2E38, v1;
	v2 =	vsel vm7, $0x7F8, v2;
	v3 =	vsel vm7, $0x3278, v3  }
0x1d: {  	v4 =	vsel vm7, $0xC38, v4;
	v5 =	vsel vm7, $0x36B8, v5;
	v6 =	vsel vm7, $0x1078, v6  }
0x1e: {  	v7 =	vsel vm7, $0x3AF8, v7;
	v0 =	vsel vm6, $0x1540, v0;
	v1 =	vsel vm6, $0x3FC0, v1  }
0x1f: {  	v2 =	vsel vm6, $0x1980, v2;
	v3 =	vsel vm6, $0x4400, v3;
	v4 =	vsel vm6, $0x1DC0, v4  }
0x20: {  	v5 =	vsel vm6, $0x4840, v5;
	v6 =	vsel vm6, $0x2200, v6;
	v7 =	vsel vm6, $0x4C80, v7  }
0x21: {  	v0 =	vsel vm5, $0x15C8, v0;
	v1 =	vsel vm5, $0x4048, v1;
	v2 =	vsel vm5, $0x1A08, v2  }
0x22: {  	s0 =	srdreg.scid;
	s6 =	rddreg [dreg:$0x0];
	v3 =	vsel vm5, $0x4488, v3;
	v4 =	vsel vm5, $0x1E48, v4;
	v5 =	vsel vm5, $0x48C8, v5  }
0x23: {  	s1 =	stileid.u32;
	s2 =	rddreg [dreg:$0x1];
	s15 =	simm.s32 $0x80;
	v6 =	vsel vm5, $0x2288, v6;
	v7 =	vsel vm5, $0x4D08, v7;
	v0 =	vsel vm4, $0x1650, v0  }
0x24: {  	s31 =	simm.s32 $0x400;
	s11 =	simm.s32 $0x15D00;
	s14 =	simm.s32 $0x2;
	v1 =	vsel vm4, $0x40D0, v1;
	v2 =	vsel vm4, $0x1A90, v2;
	v3 =	vsel vm4, $0x4510, v3  }
0x25: {  	s16 =	simm.s32 $0x4;
	s18 =	simm.s32 $0x0;
	s0 =	sand.u32 $0x1, s0;
	v4 =	vsel vm4, $0x1ED0, v4;
	v5 =	vsel vm4, $0x4950, v5;
	v6 =	vsel vm4, $0x2310, v6  }
0x26: {  	s1 =	sshll.u32 s1, $0x1;
	s8 =	sadd.s32 $0x4000, s2;
	s9 =	sadd.s32 $0x8000, s2;
	v7 =	vsel vm4, $0x4D90, v7;
	v0 =	vsel vm3, $0x16D8, v0;
	v1 =	vsel vm3, $0x4158, v1  }
0x27: {  	s10 =	sadd.s32 $0xC000, s2;
	s12 =	sadd.s32 $0x700, s6;
	s1 =	sor.u32 s0, s1;
	v2 =	vsel vm3, $0x1B18, v2;
	v3 =	vsel vm3, $0x4598, v3;
	v4 =	vsel vm3, $0x1F58, v4  }
0x28: {  	s0 =	ssub.s32 $0x2, s0;
	s3 =	smul.u32 $0x19000, s1;
	s4 =	sshll.u32 s1, $0xC;
	v5 =	vsel vm3, $0x49D8, v5;
	v6 =	vsel vm3, $0x2398, v6;
	v7 =	vsel vm3, $0x4E18, v7  }
0x29: {  	s13 =	sadd.s32 $0x780, s6;
	s28 =	sshrl.u32 s0, $0x1;
	s4 =	sand.u32 $0x3000, s4;
	v0 =	vsel vm2, $0x1760, v0;
	v1 =	vsel vm2, $0x41E0, v1;
	v2 =	vsel vm2, $0x1BA0, v2  }
0x2a: {  	s0 =	ssub.s32 s0, s28;
	s5 =	sand.u32 $0x3FC000, s3;
	s3 =	simm.s32 $0x0;
	v3 =	vsel vm2, $0x4620, v3;
	v4 =	vsel vm2, $0x1FE0, v4;
	v5 =	vsel vm2, $0x4A60, v5  }
0x2b: {  	s0 =	smax.u32 s0, $0x1;
	s4 =	sor.u32 s4, s5;
	s5 =	smul.u32 $0x64, s1;
	v6 =	vsel vm2, $0x2420, v6;
	v7 =	vsel vm2, $0x4EA0, v7;
	v0 =	vsel vm1, $0x17E8, v0  }
.Ltmp0:
0x2c: {  	[smem:$0x7FF] =	sst s3;
	s4 =	sshrl.u32 s4, $0x3;
	v1 =	vsel vm1, $0x4268, v1;
	v2 =	vsel vm1, $0x1C28, v2;
	v3 =	vsel vm1, $0x46A8, v3;
	(pc) =	sbr.rel .LBB2_1-.Ltmp0, $4  }
0x2d: {  	s1 =	simm.s32 $0x6;
	_ =	strace $0x80000047;
	s7 =	sadd.s32 s4, s6;
	v4 =	vsel vm1, $0x2068, v4;
	v5 =	vsel vm1, $0x4AE8, v5;
	v6 =	vsel vm1, $0x24A8, v6  }
0x2e: {  	[dreg:$0x5] =	wrdreg s0;
	s0 =	simm.s32 $0x3;
	s29 =	sadd.s32 $0x600, s7;
	v7 =	vsel vm1, $0x4F28, v7;
	v0 =	vsel vm0, $0x1870, v0;
	v1 =	vsel vm0, $0x42F0, v1  }
0x2f: {  	s4 =	sadd.s32 $0xF42A00, s6;
	s30 =	sadd.s32 $0x680, s7;
	[dreg:$0x3] =	wrdreg s29;
	v2 =	vsel vm0, $0x1CB0, v2;
	v3 =	vsel vm0, $0x4730, v3;
	v4 =	vsel vm0, $0x20F0, v4  }
0x30: {  	s6 =	simm.s32 $0x1;
	s7 =	simm.s32 $0x10800;
	[dreg:$0x4] =	wrdreg s30;
	v5 =	vsel vm0, $0x4B70, v5;
	v6 =	vsel vm0, $0x2530, v6;
	v7 =	vsel vm0, $0x4FB0, v7  }
.LBB2_99:
0x31: {  	_ =	swait.ge [sflag:s0], $0x1000  }
0x32: {  	[sflag:s0] =	ssyncset.done $0x0  }
0x33: {  	[sflag:s0] =	ssyncadd.s32 $0xFFFFF000  }
0x34: {  	_ =	swait.ge [sflag:s0], $0x1000  }
0x35: {  	[sflag:s0] =	ssyncset.done $0x0  }
0x36: {  	[sflag:s0] =	ssyncadd.s32 $0xFFFFF000  }
0x37: {  	_ =	swait.ge [sflag:s0], $0x1000  }
0x38: {  	[sflag:s0] =	ssyncset.done $0x0  }
0x39: {  	[sflag:s0] =	ssyncadd.s32 $0xFFFFF000  }
0x3a: {  	_ =	swait.ge [sflag:s0], $0x1000  }
0x3b: {  	[sflag:s0] =	ssyncset.done $0x0  }
0x3c: {  	[sflag:s0] =	ssyncadd.s32 $0xFFFFF000  }
0x3d: {  	_ =	swait.ge [sflag:s16], $0x1000  }
0x3e: {  	[sflag:s16] =	ssyncset.done $0x0  }
0x3f: {  	[sflag:s16] =	ssyncadd.s32 $0xFFFFF000  }
0x40: {  	_ =	swait.ge [sflag:s16], $0x1000  }
0x41: {  	[sflag:s16] =	ssyncset.done $0x0  }
0x42: {  	[sflag:s16] =	ssyncadd.s32 $0xFFFFF000  }
0x43: {  	_ =	swait.ge [sflag:s16], $0x1000  }
0x44: {  	[sflag:s16] =	ssyncset.done $0x0  }
0x45: {  	[sflag:s16] =	ssyncadd.s32 $0xFFFFF000  }
0x46: {  	_ =	swait.ge [sflag:s16], $0x1000  }
0x47: {  	s18 =	rddreg [dreg:$0x6]  }
0x48: {  	s17 =	rddreg [dreg:$0x5];
	s18 =	sadd.s32 $0x1, s18  }
0x49: {  	p0 =	sne.s32 s18, s17  }
.Ltmp1:
0x4a: {  	_ = 	snop;
	(pc) =	sbr.rel @!p0 .LBB2_100-.Ltmp1, $3  }
0x4b: {  	_ =	sdelay $0x1  }
0x4c: {  	[sflag:s16] =	ssyncset.done $0x0  }
0x4d: {  	[sflag:s16] =	ssyncadd.s32 $0xFFFFF000  }
.LBB2_1:
0x4e: {  	[dreg:$0x6] =	wrdreg s18  }
0x4f: {  	s17 =	rddreg [dreg:$0x3];
	s25 =	simm.s32 $0x5  }
0x50: {  	[tilespmem:s3], [sflag:$0x5] =	stream.linear.gather [hbm4b:s17+s3], $0x400, $0x38;
	[tilespmem:$0x1B200] =	vst v63  }
0x51: {  	_ =	swait.ge [sflag:s25], $0x400  }
0x52: {  	[sflag:s25] =	ssyncset.done $0x0  }
0x53: {  	s26 =	simm.s32 $0x800;
	[sflag:s25] =	ssyncadd.s32 $0xFFFFFC00  }
0x54: {  	[tilespmem:s26], [sflag:$0x1] =	stream.indirect.gather [hbm4b:s4+s15], $0x20, s3, s15, $0xb8;
	[tilespmem:$0x1B200] =	vst v63  }
0x55: {  	s28 =	simm.s32 $0x1800  }
0x56: {  	[tilespmem:s28], [sflag:$0x1] =	stream.indirect.gather [hbm4b:s4+s15], $0x20, s15, s15, $0xb8;
	[tilespmem:$0x1B200] =	vst v63  }
0x57: {  	s29 =	simm.s32 $0x100;
	s30 =	simm.s32 $0x2800  }
0x58: {  	[tilespmem:s30], [sflag:$0x1] =	stream.indirect.gather [hbm4b:s4+s15], $0x20, s29, s15, $0xb8;
	[tilespmem:$0x1B200] =	vst v63  }
0x59: {  	s19 =	simm.s32 $0x180;
	s20 =	simm.s32 $0x3800  }
0x5a: {  	[tilespmem:s20], [sflag:$0x1] =	stream.indirect.gather [hbm4b:s4+s15], $0x20, s19, s15, $0xb8;
	[tilespmem:$0x1B200] =	vst v63  }
0x5b: {  	s21 =	simm.s32 $0x200;
	s22 =	simm.s32 $0x4800  }
0x5c: {  	[tilespmem:s22], [sflag:$0x1] =	stream.indirect.gather [hbm4b:s4+s15], $0x20, s21, s15, $0xb8;
	[tilespmem:$0x1B200] =	vst v63  }
0x5d: {  	s23 =	simm.s32 $0x280;
	s24 =	simm.s32 $0x5800  }
0x5e: {  	[tilespmem:s24], [sflag:$0x1] =	stream.indirect.gather [hbm4b:s4+s15], $0x20, s23, s15, $0xb8;
	[tilespmem:$0x1B200] =	vst v63  }
0x5f: {  	s25 =	simm.s32 $0x300;
	s26 =	simm.s32 $0x6800  }
0x60: {  	[tilespmem:s26], [sflag:$0x1] =	stream.indirect.gather [hbm4b:s4+s15], $0x20, s25, s15, $0xb8;
	[tilespmem:$0x1B200] =	vst v63  }
0x61: {  	s28 =	simm.s32 $0x380;
	s29 =	simm.s32 $0x7800  }
0x62: {  	[tilespmem:s29], [sflag:$0x1] =	stream.indirect.gather [hbm4b:s4+s15], $0x20, s28, s15, $0xb8;
	[tilespmem:$0x1B200] =	vst v63  }
0x63: {  	s17 =	simm.s32 $0x0;
	s30 =	rddreg [dreg:$0x4]  }
0x64: {  	[tilespmem:s31], [sflag:$0x6] =	stream.linear.gather [hbm4b:s30+s3], $0x400, $0x38;
	[tilespmem:$0x1B200] =	vst v63  }
.LBB2_3:
0x65: {  	_ =	swait.ge [sflag:s1], $0x400  }
0x66: {  	[sflag:s1] =	ssyncset.done $0x0  }
0x67: {  	s18 =	simm.s32 $0x8800;
	[sflag:s1] =	ssyncadd.s32 $0xFFFFFC00  }
0x68: {  	[tilespmem:s18], [sflag:$0x2] =	stream.indirect.gather [hbm4b:s4+s15], $0x20, s31, s15, $0xb8;
	[tilespmem:$0x1B200] =	vst v63  }
0x69: {  	s28 =	simm.s32 $0x480;
	s19 =	simm.s32 $0x9800  }
0x6a: {  	[tilespmem:s19], [sflag:$0x2] =	stream.indirect.gather [hbm4b:s4+s15], $0x20, s28, s15, $0xb8;
	[tilespmem:$0x1B200] =	vst v63  }
0x6b: {  	s29 =	simm.s32 $0x500;
	s30 =	simm.s32 $0xA800  }
0x6c: {  	[tilespmem:s30], [sflag:$0x2] =	stream.indirect.gather [hbm4b:s4+s15], $0x20, s29, s15, $0xb8;
	[tilespmem:$0x1B200] =	vst v63  }
0x6d: {  	s20 =	simm.s32 $0xB800;
	s19 =	simm.s32 $0x580  }
0x6e: {  	[tilespmem:s20], [sflag:$0x2] =	stream.indirect.gather [hbm4b:s4+s15], $0x20, s19, s15, $0xb8;
	[tilespmem:$0x1B200] =	vst v63  }
0x6f: {  	s21 =	simm.s32 $0x600;
	s22 =	simm.s32 $0xC800  }
0x70: {  	[tilespmem:s22], [sflag:$0x2] =	stream.indirect.gather [hbm4b:s4+s15], $0x20, s21, s15, $0xb8;
	[tilespmem:$0x1B200] =	vst v63  }
0x71: {  	s23 =	simm.s32 $0x680;
	s24 =	simm.s32 $0xD800  }
0x72: {  	[tilespmem:s24], [sflag:$0x2] =	stream.indirect.gather [hbm4b:s4+s15], $0x20, s23, s15, $0xb8;
	[tilespmem:$0x1B200] =	vst v63  }
0x73: {  	s25 =	simm.s32 $0x700;
	s26 =	simm.s32 $0xE800  }
0x74: {  	[tilespmem:s26], [sflag:$0x2] =	stream.indirect.gather [hbm4b:s4+s15], $0x20, s25, s15, $0xb8;
	[tilespmem:$0x1B200] =	vst v63  }
0x75: {  	s28 =	simm.s32 $0x780;
	s29 =	simm.s32 $0xF800  }
0x76: {  	[tilespmem:s29], [sflag:$0x2] =	stream.indirect.gather [hbm4b:s4+s15], $0x20, s28, s15, $0xb8;
	[tilespmem:$0x1B200] =	vst v63  }
0x77: {  	_ =	swait.ge [sflag:s6], $0x1000  }
0x78: {  	[sflag:s6] =	ssyncset.done $0x0  }
0x79: {  	[sflag:s6] =	ssyncadd.s32 $0xFFFFF000  }
0x7a: {  	_ =	swait.ge [sflag:s6], $0x1000  }
0x7b: {  	[sflag:s6] =	ssyncset.done $0x0  }
0x7c: {  	[sflag:s6] =	ssyncadd.s32 $0xFFFFF000  }
0x7d: {  	_ =	swait.ge [sflag:s6], $0x1000  }
0x7e: {  	[sflag:s6] =	ssyncset.done $0x0  }
0x7f: {  	[sflag:s6] =	ssyncadd.s32 $0xFFFFF000  }
0x80: {  	_ =	swait.ge [sflag:s6], $0x1000  }
0x81: {  	[sflag:s6] =	ssyncset.done $0x0  }
0x82: {  	[sflag:s6] =	ssyncadd.s32 $0xFFFFF000  }
0x83: {  	_ =	swait.ge [sflag:s6], $0x1000  }
0x84: {  	[sflag:s6] =	ssyncset.done $0x0  }
0x85: {  	[sflag:s6] =	ssyncadd.s32 $0xFFFFF000  }
0x86: {  	_ =	swait.ge [sflag:s6], $0x1000  }
0x87: {  	[sflag:s6] =	ssyncset.done $0x0  }
0x88: {  	p0 =	seq.s32 s17, $0x31;
	[sflag:s6] =	ssyncadd.s32 $0xFFFFF000  }
0x89: {  	p1 =	seq.s32 @!p0 s17, $0x0;
	_ =	swait.ge [sflag:s6], $0x1000  }
0x8a: {  	p1 =	por p0, !p1;
	[sflag:s6] =	ssyncset.done $0x0  }
.Ltmp2:
0x8b: {  	s30 =	sshll.u32 s17, $0x1;
	[sflag:s6] =	ssyncadd.s32 $0xFFFFF000;
	(pc) =	sbr.rel @!p1 .LBB2_4-.Ltmp2, $4  }
0x8c: {  	s18 =	sadd.s32 s5, s30;
	_ =	swait.ge [sflag:s6], $0x1000  }
0x8d: {  	s19 =	sshll.u32 @!p0 s18, $0x7;
	[sflag:s6] =	ssyncset.done $0x0  }
0x8e: {  	s20 =	sadd.s32 @!p0 s12, s19;
	s21 =	simm.s32 @!p0 $0x0;
	[sflag:s6] =	ssyncadd.s32 $0xFFFFF000  }
0x8f: {  	[tilespmem:s21], [sflag:$0x5] =	stream.linear.gather @!p0 [hbm4b:s20+s21], $0x400, $0x38;
	[tilespmem:$0x1B200] =	vst v63  }
0x90: {  	_ =	swait.ge [sflag:s0], $0x1000  }
0x91: {  	[sflag:s0] =	ssyncset.done $0x0  }
0x92: {  	[sflag:s0] =	ssyncadd.s32 $0xFFFFF000  }
0x93: {  	_ =	swait.ge [sflag:s0], $0x1000  }
0x94: {  	[sflag:s0] =	ssyncset.done $0x0  }
0x95: {  	[sflag:s0] =	ssyncadd.s32 $0xFFFFF000  }
0x96: {  	_ =	swait.ge [sflag:s0], $0x1000  }
.Ltmp3:
0x97: {  	[sflag:s0] =	ssyncset.done $0x0;
	(pc) =	sbr.rel .LBB2_6-.Ltmp3, $4  }
0x98: {  	[sflag:s0] =	ssyncadd.s32 $0xFFFFF000  }
0x99: {  	_ =	swait.ge [sflag:s0], $0x1000  }
0x9a: {  	[sflag:s0] =	ssyncset.done $0x0  }
0x9b: {  	p1 =	por $0x0, $0x0;
	[sflag:s0] =	ssyncadd.s32 $0xFFFFF000  }
.LBB2_4:
0x9c: {  	p1 =	por @!p0 $0x1, $0x1  }
.LBB2_6:
0x9d: {  	s21 =	simm.s32 $0x840;
	s20 =	simm.s32 $0x3  }
0x9e: {  	v8 =	vmov s20;
	v11 =	vld [tilespmem:s21+$0x20]  }
0x9f: {  	s28 =	simm.s32 $0x0;
	v18 =	vld [tilespmem:s21+$0x30];
	v8 =	vand.u32 $0x7F, v8  }
0xa0: {  	v9 =	vmov s28;
	v19 =	vld [tilespmem:s21+$0xFFFFFFC0];
	v20 =	vadd.s32 v0, v8  }
0xa1: {  	s29 =	simm.s32 $0x1;
	v21 =	vld [tilespmem:s21+$0xFFFFFFD0];
	v9 =	vand.u32 $0x7C, v9;
	v26 =	vadd.s32 v1, v8  }
0xa2: {  	v10 =	vmov s29;
	v17 =	vld [tilespmem:s21+$0xFFFFFFE0];
	v15 =	vadd.s32 v0, v9  }
0xa3: {  	s30 =	simm.s32 $0x2;
	v13 =	vld [tilespmem:s21+$0xFFFFFFF0];
	v10 =	vand.u32 $0x7D, v10;
	v12 =	vadd.s32 v1, v9;
	v24 =	vmul.f32 $5.656854150e+00, v11  }
0xa4: {  	s17 =	sadd.s32 $0x1, s17;
	s22 =	sshll.u32 s18, $0xD;
	v16 =	vld [tilespmem:s21+$0x0];
	v14 =	vadd.s32 v0, v10;
	v11 =	vmov s30;
	v27 =	vmul.f32 $5.656854150e+00, v18  }
0xa5: {  	s23 =	simm.s32 $0x8C0;
	s20 =	sand.u32 $0x1C000, s22;
	s22 =	simm.s32 $0x7;
	v22 =	vmul.f32 $5.656854150e+00, v19;
	v18 =	vadd.s32 v1, v10;
	v19 =	vld [tilespmem:s21+$0x10];
	v23 =	vand.u32 $0x7E, v11;
	[tilespmem:v20+s7+$0x0] =	vst.idx.msk $0xffff, v24  }
0xa6: {  	s25 =	simm.s32 $0x8;
	s24 =	simm.s32 $0x4;
	v25 =	vmov s22;
	s21 =	simm.s32 $0x4;
	v20 =	vld [tilespmem:s23+$0x20];
	v24 =	vmul.f32 $5.656854150e+00, v21;
	v21 =	vadd.s32 v0, v23;
	[tilespmem:v26+s7+$0x0] =	vst.idx.msk $0xffff, v27  }
.LBB2_7:
0xa7: {  	p2 =	slt.u32 s25, $0x7C;
	v26 =	vld [tilespmem:s23+$0x30];
	v25 =	vand.u32 $0x7F, v25;
	[tilespmem:v15+s7+$0x0] =	vst.idx.msk $0xffff, v22;
	v15 =	vmul.f32 $5.656854150e+00, v17;
	v22 =	vadd.s32 v1, v23  }
0xa8: {  	v17 =	vmov s24;
	v23 =	vld [tilespmem:s23+$0xFFFFFFC0];
	v27 =	vadd.s32 v0, v25;
	[tilespmem:v12+s7+$0x0] =	vst.idx.msk $0xffff, v24;
	v12 =	vmul.f32 $5.656854150e+00, v13  }
0xa9: {  	s26 =	sadd.s32 $0x1, s24;
	v13 =	vand.u32 $0x7C, v17;
	v28 =	vadd.s32 v1, v25;
	v24 =	vld [tilespmem:s23+$0xFFFFFFD0];
	[tilespmem:v14+s7+$0x0] =	vst.idx.msk $0xffff, v15;
	v14 =	vmul.f32 $5.656854150e+00, v16  }
.Ltmp4:
0xaa: {  	v15 =	vadd.s32 v0, v13;
	v16 =	vmov s26;
	v17 =	vld [tilespmem:s23+$0xFFFFFFE0];
	[tilespmem:v18+s7+$0x0] =	vst.idx.msk $0xffff, v12;
	v18 =	vmul.f32 $5.656854150e+00, v19;
	(pc) =	sbr.rel @p2 .LBB2_7-.Ltmp4, $4  }
0xab: {  	s26 =	sadd.s32 $0x2, s24;
	s24 =	smov.u32 s25;
	v12 =	vadd.s32 v1, v13;
	v19 =	vand.u32 $0x7D, v16;
	v13 =	vld [tilespmem:s23+$0xFFFFFFF0];
	v20 =	vmul.f32 $5.656854150e+00, v20;
	[tilespmem:v21+s7+$0x0] =	vst.idx.msk $0xffff, v14  }
0xac: {  	v14 =	vadd.s32 v0, v19;
	v21 =	vmov s26;
	v16 =	vld [tilespmem:s23+$0x0];
	v26 =	vmul.f32 $5.656854150e+00, v26;
	[tilespmem:v22+s7+$0x0] =	vst.idx.msk $0xffff, v18  }
0xad: {  	s26 =	sadd.s32 $0x3, s25;
	v18 =	vadd.s32 v1, v19;
	v22 =	vmul.f32 $5.656854150e+00, v23;
	v19 =	vld [tilespmem:s23+$0x10];
	v23 =	vand.u32 $0x7E, v21;
	[tilespmem:v27+s7+$0x0] =	vst.idx.msk $0xffff, v20;
	s23 =	sadd.s32 $0x80, s23  }
0xae: {  	s25 =	sadd.s32 $0x4, s25;
	v25 =	vmov s26;
	v20 =	vld [tilespmem:s23+$0x20];
	v24 =	vmul.f32 $5.656854150e+00, v24;
	v21 =	vadd.s32 v0, v23;
	[tilespmem:v28+s7+$0x0] =	vst.idx.msk $0xffff, v26  }
0xaf: {  	_ =	sdelay $0x3  }
0xb0: {  	v26 =	vld [tilespmem:s23+$0x30];
	v25 =	vand.u32 $0x7F, v25;
	[tilespmem:v15+s7+$0x0] =	vst.idx.msk $0xffff, v22;
	v15 =	vmul.f32 $5.656854150e+00, v17;
	v17 =	vadd.s32 v1, v23  }
0xb1: {  	v22 =	vmov s24;
	v23 =	vld [tilespmem:s23+$0xFFFFFFC0];
	v27 =	vadd.s32 v0, v25;
	[tilespmem:v12+s7+$0x0] =	vst.idx.msk $0xffff, v24;
	v12 =	vmul.f32 $5.656854150e+00, v13  }
0xb2: {  	s25 =	sadd.s32 $0x1, s24;
	v13 =	vld [tilespmem:s23+$0xFFFFFFD0];
	v22 =	vand.u32 $0x7C, v22;
	v61 =	vadd.s32 v1, v25;
	[tilespmem:v14+s7+$0x0] =	vst.idx.msk $0xffff, v15;
	v14 =	vmul.f32 $5.656854150e+00, v16  }
0xb3: {  	v62 =	vld [tilespmem:s23+$0xFFFFFFE0];
	v15 =	vadd.s32 v0, v22;
	v16 =	vmov s25;
	[tilespmem:v18+s7+$0x0] =	vst.idx.msk $0xffff, v12;
	v12 =	vmul.f32 $5.656854150e+00, v19  }
0xb4: {  	s29 =	sadd.s32 $0x2, s24;
	v18 =	vadd.s32 v1, v22;
	v19 =	vld [tilespmem:s23+$0xFFFFFFF0];
	v16 =	vand.u32 $0x7D, v16;
	v20 =	vmul.f32 $5.656854150e+00, v20;
	[tilespmem:v21+s7+$0x0] =	vst.idx.msk $0xffff, v14  }
0xb5: {  	v22 =	vld [tilespmem:s23+$0x0];
	v14 =	vadd.s32 v0, v16;
	v21 =	vmov s29;
	v26 =	vmul.f32 $5.656854150e+00, v26;
	[tilespmem:v17+s7+$0x0] =	vst.idx.msk $0xffff, v12  }
0xb6: {  	v16 =	vadd.s32 v1, v16;
	v12 =	vmul.f32 $5.656854150e+00, v23;
	v17 =	vld [tilespmem:s23+$0x10];
	v21 =	vand.u32 $0x7E, v21;
	[tilespmem:v27+s7+$0x0] =	vst.idx.msk $0xffff, v20  }
0xb7: {  	v13 =	vmul.f32 $5.656854150e+00, v13;
	v20 =	vadd.s32 v0, v21;
	[tilespmem:v61+s7+$0x0] =	vst.idx.msk $0xffff, v26  }
0xb8: {  	[tilespmem:v15+s7+$0x0] =	vst.idx.msk $0xffff, v12;
	v12 =	vmul.f32 $5.656854150e+00, v62;
	v15 =	vadd.s32 v1, v21  }
0xb9: {  	[tilespmem:v18+s7+$0x0] =	vst.idx.msk $0xffff, v13;
	v13 =	vmul.f32 $5.656854150e+00, v19  }
0xba: {  	[tilespmem:v14+s7+$0x0] =	vst.idx.msk $0xffff, v12;
	v12 =	vmul.f32 $5.656854150e+00, v22  }
0xbb: {  	[tilespmem:v16+s7+$0x0] =	vst.idx.msk $0xffff, v13;
	v13 =	vmul.f32 $5.656854150e+00, v17  }
0xbc: {  	[tilespmem:v20+s7+$0x0] =	vst.idx.msk $0xffff, v12  }
0xbd: {  	s30 =	simm.s32 $0x1870;
	[tilespmem:v15+s7+$0x0] =	vst.idx.msk $0xffff, v13  }
0xbe: {  	v13 =	vld [tilespmem:s30+$0xFFFFFFF0]  }
0xbf: {  	v15 =	vld [tilespmem:s30+$0x0]  }
0xc0: {  	v20 =	vadd.s32 v2, v8;
	v18 =	vld [tilespmem:s30+$0xFFFFFF90]  }
0xc1: {  	v23 =	vadd.s32 v3, v8;
	v22 =	vld [tilespmem:s30+$0xFFFFFFA0]  }
0xc2: {  	v17 =	vadd.s32 v2, v9;
	v16 =	vld [tilespmem:s30+$0xFFFFFFB0]  }
0xc3: {  	v14 =	vadd.s32 v3, v9;
	v12 =	vld [tilespmem:s30+$0xFFFFFFC0];
	v21 =	vmul.f32 $5.656854150e+00, v13  }
0xc4: {  	v8 =	vadd.s32 v2, v10;
	v9 =	vld [tilespmem:s30+$0xFFFFFFD0];
	v63 =	vmul.f32 $5.656854150e+00, v15  }
0xc5: {  	s23 =	simm.s32 $0x18F0;
	v19 =	vand.u32 $0x7E, v11;
	v10 =	vadd.s32 v3, v10;
	v18 =	vmul.f32 $5.656854150e+00, v18;
	v13 =	vld [tilespmem:s30+$0xFFFFFFE0];
	[tilespmem:v20+s7+$0x0] =	vst.idx.msk $0xffff, v21  }
0xc6: {  	v11 =	vld [tilespmem:s23+$0xFFFFFFF0];
	v15 =	vadd.s32 v2, v19;
	v21 =	vmov s22;
	s22 =	simm.s32 $0x8;
	v20 =	vmul.f32 $5.656854150e+00, v22;
	[tilespmem:v23+s7+$0x0] =	vst.idx.msk $0xffff, v63  }
.LBB2_9:
0xc7: {  	p2 =	slt.u32 s22, $0x7C;
	v22 =	vld [tilespmem:s23+$0x0];
	v21 =	vand.u32 $0x7F, v21;
	[tilespmem:v17+s7+$0x0] =	vst.idx.msk $0xffff, v18;
	v16 =	vmul.f32 $5.656854150e+00, v16;
	v18 =	vadd.s32 v3, v19  }
0xc8: {  	v17 =	vmov s21;
	v19 =	vld [tilespmem:s23+$0xFFFFFF90];
	v23 =	vadd.s32 v2, v21;
	[tilespmem:v14+s7+$0x0] =	vst.idx.msk $0xffff, v20;
	v12 =	vmul.f32 $5.656854150e+00, v12  }
0xc9: {  	s24 =	sadd.s32 $0x1, s21;
	v14 =	vand.u32 $0x7C, v17;
	v24 =	vadd.s32 v3, v21;
	v20 =	vld [tilespmem:s23+$0xFFFFFFA0];
	[tilespmem:v8+s7+$0x0] =	vst.idx.msk $0xffff, v16;
	v8 =	vmul.f32 $5.656854150e+00, v9  }
.Ltmp5:
0xca: {  	v17 =	vadd.s32 v2, v14;
	v9 =	vmov s24;
	v16 =	vld [tilespmem:s23+$0xFFFFFFB0];
	[tilespmem:v10+s7+$0x0] =	vst.idx.msk $0xffff, v12;
	v10 =	vmul.f32 $5.656854150e+00, v13;
	(pc) =	sbr.rel @p2 .LBB2_9-.Ltmp5, $4  }
0xcb: {  	v14 =	vadd.s32 v3, v14;
	s24 =	sadd.s32 $0x2, s21;
	s21 =	smov.u32 s22;
	v13 =	vand.u32 $0x7D, v9;
	v12 =	vld [tilespmem:s23+$0xFFFFFFC0];
	v11 =	vmul.f32 $5.656854150e+00, v11;
	[tilespmem:v15+s7+$0x0] =	vst.idx.msk $0xffff, v8  }
0xcc: {  	v8 =	vadd.s32 v2, v13;
	v15 =	vmov s24;
	v9 =	vld [tilespmem:s23+$0xFFFFFFD0];
	v22 =	vmul.f32 $5.656854150e+00, v22;
	[tilespmem:v18+s7+$0x0] =	vst.idx.msk $0xffff, v10  }
0xcd: {  	s24 =	sadd.s32 $0x3, s22;
	v10 =	vadd.s32 v3, v13;
	v18 =	vmul.f32 $5.656854150e+00, v19;
	v13 =	vld [tilespmem:s23+$0xFFFFFFE0];
	v19 =	vand.u32 $0x7E, v15;
	[tilespmem:v23+s7+$0x0] =	vst.idx.msk $0xffff, v11;
	s23 =	sadd.s32 $0x80, s23  }
0xce: {  	s22 =	sadd.s32 $0x4, s22;
	v21 =	vmov s24;
	v11 =	vld [tilespmem:s23+$0xFFFFFFF0];
	v20 =	vmul.f32 $5.656854150e+00, v20;
	v15 =	vadd.s32 v2, v19;
	[tilespmem:v24+s7+$0x0] =	vst.idx.msk $0xffff, v22  }
0xcf: {  	_ =	sdelay $0x3  }
0xd0: {  	v22 =	vld [tilespmem:s23+$0x0];
	v21 =	vand.u32 $0x7F, v21;
	[tilespmem:v17+s7+$0x0] =	vst.idx.msk $0xffff, v18;
	v16 =	vmul.f32 $5.656854150e+00, v16;
	v51 =	vadd.s32 v3, v19  }
0xd1: {  	v52 =	vmov s21;
	v53 =	vld [tilespmem:s23+$0xFFFFFF90];
	v23 =	vadd.s32 v2, v21;
	[tilespmem:v14+s7+$0x0] =	vst.idx.msk $0xffff, v20;
	v12 =	vmul.f32 $5.656854150e+00, v12  }
0xd2: {  	v54 =	vld [tilespmem:s23+$0xFFFFFFA0];
	s22 =	sadd.s32 $0x1, s21;
	v18 =	vand.u32 $0x7C, v52;
	v55 =	vadd.s32 v3, v21;
	[tilespmem:v8+s7+$0x0] =	vst.idx.msk $0xffff, v16;
	v8 =	vmul.f32 $5.656854150e+00, v9  }
0xd3: {  	v57 =	vld [tilespmem:s23+$0xFFFFFFB0];
	v56 =	vmov s22;
	v9 =	vadd.s32 v2, v18;
	[tilespmem:v10+s7+$0x0] =	vst.idx.msk $0xffff, v12;
	v10 =	vmul.f32 $5.656854150e+00, v13  }
0xd4: {  	v59 =	vld [tilespmem:s23+$0xFFFFFFC0];
	s29 =	sadd.s32 $0x2, s21;
	v58 =	vadd.s32 v3, v18;
	v16 =	vand.u32 $0x7D, v56;
	v11 =	vmul.f32 $5.656854150e+00, v11;
	[tilespmem:v15+s7+$0x0] =	vst.idx.msk $0xffff, v8  }
0xd5: {  	v61 =	vld [tilespmem:s23+$0xFFFFFFD0];
	v60 =	vmov s29;
	v8 =	vadd.s32 v2, v16;
	v22 =	vmul.f32 $5.656854150e+00, v22;
	[tilespmem:v51+s7+$0x0] =	vst.idx.msk $0xffff, v10  }
0xd6: {  	v62 =	vld [tilespmem:s23+$0xFFFFFFE0];
	v16 =	vadd.s32 v3, v16;
	v15 =	vand.u32 $0x7E, v60;
	v10 =	vmul.f32 $5.656854150e+00, v53;
	[tilespmem:v23+s7+$0x0] =	vst.idx.msk $0xffff, v11  }
0xd7: {  	v63 =	vadd.s32 v2, v15;
	v11 =	vmul.f32 $5.656854150e+00, v54;
	[tilespmem:v55+s7+$0x0] =	vst.idx.msk $0xffff, v22  }
0xd8: {  	[tilespmem:v9+s7+$0x0] =	vst.idx.msk $0xffff, v10;
	v9 =	vmul.f32 $5.656854150e+00, v57;
	v10 =	vadd.s32 v3, v15  }
0xd9: {  	p3 =	por $0x1, $0x1;
	[tilespmem:v58+s7+$0x0] =	vst.idx.msk $0xffff, v11;
	v11 =	vmul.f32 $5.656854150e+00, v59  }
.Ltmp6:
0xda: {  	[tilespmem:v8+s7+$0x0] =	vst.idx.msk $0xffff, v9;
	v8 =	vmul.f32 $5.656854150e+00, v61;
	(pc) =	sbr.rel @!p3 .LBB2_11-.Ltmp6, $4  }
0xdb: {  	v9 =	vmul.f32 $5.656854150e+00, v62;
	[tilespmem:v16+s7+$0x0] =	vst.idx.msk $0xffff, v11  }
0xdc: {  	[tilespmem:v63+s7+$0x0] =	vst.idx.msk $0xffff, v8  }
0xdd: {  	s23 =	simm.s32 $0x2870;
	s30 =	simm.s32 $0x3;
	[tilespmem:v10+s7+$0x0] =	vst.idx.msk $0xffff, v9  }
0xde: {  	s21 =	simm.s32 $0x4;
	p2 =	por $0x0, $0x0;
	s22 =	simm.s32 $0x0;
	v8 =	vmov s30;
	v9 =	vld [tilespmem:s23+$0xFFFFFFF0]  }
0xdf: {  	v16 =	vld [tilespmem:s23+$0x0];
	v10 =	vand.u32 $0x7F, v8  }
0xe0: {  	v17 =	vld [tilespmem:s23+$0xFFFFFF90];
	v11 =	vmov s22;
	v18 =	vadd.s32 v4, v10  }
0xe1: {  	v21 =	vld [tilespmem:s23+$0xFFFFFFA0];
	s24 =	simm.s32 $0x1;
	p5 =	por $0x1, $0x1;
	v13 =	vand.u32 $0x7C, v11;
	v23 =	vadd.s32 v5, v10  }
.Ltmp7:
0xe2: {  	v11 =	vld [tilespmem:s23+$0xFFFFFFB0];
	v14 =	vmov s24;
	v10 =	vadd.s32 v4, v13;
	(pc) =	sbr.rel @!p5 .LBB2_13-.Ltmp7, $4  }
0xe3: {  	v12 =	vld [tilespmem:s23+$0xFFFFFFC0];
	s29 =	simm.s32 $0x2;
	v13 =	vadd.s32 v5, v13;
	v20 =	vand.u32 $0x7D, v14;
	v9 =	vmul.f32 $5.656854150e+00, v9  }
0xe4: {  	v15 =	vld [tilespmem:s23+$0xFFFFFFD0];
	v22 =	vmov s29;
	v14 =	vadd.s32 v4, v20;
	v24 =	vmul.f32 $5.656854150e+00, v16  }
0xe5: {  	s30 =	simm.s32 $0x7;
	v16 =	vld [tilespmem:s23+$0xFFFFFFE0];
	v19 =	vmul.f32 $5.656854150e+00, v17;
	v17 =	vadd.s32 v5, v20;
	v20 =	vand.u32 $0x7E, v22;
	s23 =	simm.s32 $0x28F0;
	[tilespmem:v18+s7+$0x0] =	vst.idx.msk $0xffff, v9  }
0xe6: {  	s25 =	simm.s32 $0x8;
	p4 =	por $0x1, $0x1;
	s24 =	simm.s32 $0x4;
	v22 =	vmov s30;
	v21 =	vmul.f32 $5.656854150e+00, v21;
	v9 =	vld [tilespmem:s23+$0xFFFFFFF0];
	v18 =	vadd.s32 v4, v20;
	[tilespmem:v23+s7+$0x0] =	vst.idx.msk $0xffff, v24  }
.LBB2_14:
0xe7: {  	p5 =	slt.u32 s25, $0x7C;
	v23 =	vld [tilespmem:s23+$0x0];
	v22 =	vand.u32 $0x7F, v22;
	[tilespmem:v10+s7+$0x0] =	vst.idx.msk $0xffff, v19;
	v10 =	vmul.f32 $5.656854150e+00, v11;
	v19 =	vadd.s32 v5, v20  }
0xe8: {  	v11 =	vmov s24;
	v20 =	vld [tilespmem:s23+$0xFFFFFF90];
	v24 =	vadd.s32 v4, v22;
	[tilespmem:v13+s7+$0x0] =	vst.idx.msk $0xffff, v21;
	v12 =	vmul.f32 $5.656854150e+00, v12  }
0xe9: {  	s26 =	sadd.s32 $0x1, s24;
	v13 =	vand.u32 $0x7C, v11;
	v25 =	vadd.s32 v5, v22;
	v21 =	vld [tilespmem:s23+$0xFFFFFFA0];
	[tilespmem:v14+s7+$0x0] =	vst.idx.msk $0xffff, v10;
	v14 =	vmul.f32 $5.656854150e+00, v15  }
.Ltmp8:
0xea: {  	v10 =	vadd.s32 v4, v13;
	v15 =	vmov s26;
	v11 =	vld [tilespmem:s23+$0xFFFFFFB0];
	[tilespmem:v17+s7+$0x0] =	vst.idx.msk $0xffff, v12;
	v16 =	vmul.f32 $5.656854150e+00, v16;
	(pc) =	sbr.rel @p5 .LBB2_14-.Ltmp8, $4  }
0xeb: {  	v13 =	vadd.s32 v5, v13;
	s26 =	sadd.s32 $0x2, s24;
	s24 =	smov.u32 s25;
	v17 =	vand.u32 $0x7D, v15;
	v12 =	vld [tilespmem:s23+$0xFFFFFFC0];
	v9 =	vmul.f32 $5.656854150e+00, v9;
	[tilespmem:v18+s7+$0x0] =	vst.idx.msk $0xffff, v14  }
0xec: {  	v14 =	vadd.s32 v4, v17;
	v18 =	vmov s26;
	v15 =	vld [tilespmem:s23+$0xFFFFFFD0];
	v23 =	vmul.f32 $5.656854150e+00, v23;
	[tilespmem:v19+s7+$0x0] =	vst.idx.msk $0xffff, v16  }
0xed: {  	s26 =	sadd.s32 $0x3, s25;
	v17 =	vadd.s32 v5, v17;
	v19 =	vmul.f32 $5.656854150e+00, v20;
	v16 =	vld [tilespmem:s23+$0xFFFFFFE0];
	v20 =	vand.u32 $0x7E, v18;
	[tilespmem:v24+s7+$0x0] =	vst.idx.msk $0xffff, v9;
	s23 =	sadd.s32 $0x80, s23  }
0xee: {  	s25 =	sadd.s32 $0x4, s25;
	v22 =	vmov s26;
	v9 =	vld [tilespmem:s23+$0xFFFFFFF0];
	v21 =	vmul.f32 $5.656854150e+00, v21;
	v18 =	vadd.s32 v4, v20;
	[tilespmem:v25+s7+$0x0] =	vst.idx.msk $0xffff, v23  }
.LBB2_15:
0xef: {  	_ =	sdelay $0x3  }
0xf0: {  	v23 =	vld [tilespmem:s23+$0x0];
	v22 =	vand.u32 $0x7F, v22;
	[tilespmem:v10+s7+$0x0] =	vst.idx.msk @p4 $0xffff, v19;
	v10 =	vmul.f32 @p4 $5.656854150e+00, v11;
	v11 =	vadd.s32 @p4 v5, v20  }
0xf1: {  	v49 =	vmov s24;
	v50 =	vld [tilespmem:s23+$0xFFFFFF90];
	v24 =	vadd.s32 v4, v22;
	[tilespmem:v13+s7+$0x0] =	vst.idx.msk @p4 $0xffff, v21;
	v12 =	vmul.f32 @p4 $5.656854150e+00, v12  }
0xf2: {  	v51 =	vld [tilespmem:s23+$0xFFFFFFA0];
	s25 =	sadd.s32 $0x1, s24;
	v19 =	vand.u32 $0x7C, v49;
	v52 =	vadd.s32 v5, v22;
	[tilespmem:v14+s7+$0x0] =	vst.idx.msk @p4 $0xffff, v10;
	v10 =	vmul.f32 @p4 $5.656854150e+00, v15  }
0xf3: {  	v55 =	vld [tilespmem:s23+$0xFFFFFFB0];
	v54 =	vmov s25;
	v53 =	vadd.s32 v4, v19;
	[tilespmem:v17+s7+$0x0] =	vst.idx.msk @p4 $0xffff, v12;
	v12 =	vmul.f32 @p4 $5.656854150e+00, v16  }
0xf4: {  	v57 =	vld [tilespmem:s23+$0xFFFFFFC0];
	s30 =	sadd.s32 $0x2, s24;
	v56 =	vadd.s32 v5, v19;
	v15 =	vand.u32 $0x7D, v54;
	v9 =	vmul.f32 $5.656854150e+00, v9;
	[tilespmem:v18+s7+$0x0] =	vst.idx.msk @p4 $0xffff, v10  }
0xf5: {  	v59 =	vld [tilespmem:s23+$0xFFFFFFD0];
	v58 =	vmov s30;
	v10 =	vadd.s32 v4, v15;
	v23 =	vmul.f32 $5.656854150e+00, v23;
	[tilespmem:v11+s7+$0x0] =	vst.idx.msk @p4 $0xffff, v12  }
0xf6: {  	v61 =	vld [tilespmem:s23+$0xFFFFFFE0];
	v60 =	vadd.s32 v5, v15;
	v18 =	vand.u32 $0x7E, v58;
	v11 =	vmul.f32 $5.656854150e+00, v50;
	[tilespmem:v24+s7+$0x0] =	vst.idx.msk $0xffff, v9  }
0xf7: {  	v62 =	vadd.s32 v4, v18;
	v9 =	vmul.f32 $5.656854150e+00, v51;
	[tilespmem:v52+s7+$0x0] =	vst.idx.msk $0xffff, v23  }
0xf8: {  	v63 =	vadd.s32 v5, v18;
	[tilespmem:v53+s7+$0x0] =	vst.idx.msk $0xffff, v11;
	v11 =	vmul.f32 $5.656854150e+00, v55  }
0xf9: {  	[tilespmem:v56+s7+$0x0] =	vst.idx.msk $0xffff, v9;
	v9 =	vmul.f32 $5.656854150e+00, v57  }
.Ltmp9:
0xfa: {  	[tilespmem:v10+s7+$0x0] =	vst.idx.msk $0xffff, v11;
	v10 =	vmul.f32 $5.656854150e+00, v59;
	(pc) =	sbr.rel @!p3 .LBB2_16-.Ltmp9, $4  }
0xfb: {  	[tilespmem:v60+s7+$0x0] =	vst.idx.msk $0xffff, v9;
	v9 =	vmul.f32 $5.656854150e+00, v61  }
0xfc: {  	[tilespmem:v62+s7+$0x0] =	vst.idx.msk $0xffff, v10  }
0xfd: {  	s23 =	simm.s32 $0x3870;
	[tilespmem:v63+s7+$0x0] =	vst.idx.msk $0xffff, v9  }
0xfe: {  	v9 =	vld [tilespmem:s23+$0xFFFFFFF0]  }
0xff: {  	v16 =	vld [tilespmem:s23+$0x0];
	v8 =	vand.u32 $0x7F, v8  }
0x100: {  	v17 =	vld [tilespmem:s23+$0xFFFFFF90];
	v10 =	vmov s22;
	v18 =	vadd.s32 v6, v8  }
0x101: {  	v21 =	vld [tilespmem:s23+$0xFFFFFFA0];
	s28 =	simm.s32 $0x1;
	p3 =	por $0x1, $0x1;
	v13 =	vand.u32 $0x7C, v10;
	v22 =	vadd.s32 v7, v8  }
.Ltmp10:
0x102: {  	v12 =	vld [tilespmem:s23+$0xFFFFFFB0];
	v8 =	vmov s28;
	v11 =	vadd.s32 v6, v13;
	(pc) =	sbr.rel @!p3 .LBB2_18-.Ltmp10, $4  }
0x103: {  	s29 =	simm.s32 $0x2;
	v10 =	vld [tilespmem:s23+$0xFFFFFFC0];
	v13 =	vadd.s32 v7, v13;
	v8 =	vand.u32 $0x7D, v8;
	v9 =	vmul.f32 $5.656854150e+00, v9  }
0x104: {  	v15 =	vld [tilespmem:s23+$0xFFFFFFD0];
	v20 =	vmov s29;
	v14 =	vadd.s32 v6, v8;
	v23 =	vmul.f32 $5.656854150e+00, v16  }
0x105: {  	s30 =	simm.s32 $0x7;
	v20 =	vand.u32 $0x7E, v20;
	v16 =	vld [tilespmem:s23+$0xFFFFFFE0];
	v19 =	vmul.f32 $5.656854150e+00, v17;
	v17 =	vadd.s32 v7, v8;
	s23 =	simm.s32 $0x38F0;
	[tilespmem:v18+s7+$0x0] =	vst.idx.msk $0xffff, v9  }
0x106: {  	s22 =	simm.s32 $0x8;
	p2 =	por $0x1, $0x1;
	v8 =	vmov s30;
	v21 =	vmul.f32 $5.656854150e+00, v21;
	v9 =	vld [tilespmem:s23+$0xFFFFFFF0];
	v18 =	vadd.s32 v6, v20;
	[tilespmem:v22+s7+$0x0] =	vst.idx.msk $0xffff, v23  }
.LBB2_19:
0x107: {  	p3 =	slt.u32 s22, $0x7C;
	v22 =	vld [tilespmem:s23+$0x0];
	v8 =	vand.u32 $0x7F, v8;
	[tilespmem:v11+s7+$0x0] =	vst.idx.msk $0xffff, v19;
	v11 =	vmul.f32 $5.656854150e+00, v12;
	v19 =	vadd.s32 v7, v20  }
0x108: {  	v12 =	vmov s21;
	v20 =	vld [tilespmem:s23+$0xFFFFFF90];
	v23 =	vadd.s32 v6, v8;
	[tilespmem:v13+s7+$0x0] =	vst.idx.msk $0xffff, v21;
	v10 =	vmul.f32 $5.656854150e+00, v10  }
0x109: {  	s24 =	sadd.s32 $0x1, s21;
	v13 =	vand.u32 $0x7C, v12;
	v24 =	vadd.s32 v7, v8;
	v21 =	vld [tilespmem:s23+$0xFFFFFFA0];
	[tilespmem:v14+s7+$0x0] =	vst.idx.msk $0xffff, v11;
	v8 =	vmul.f32 $5.656854150e+00, v15  }
.Ltmp11:
0x10a: {  	v11 =	vadd.s32 v6, v13;
	v14 =	vmov s24;
	v12 =	vld [tilespmem:s23+$0xFFFFFFB0];
	[tilespmem:v17+s7+$0x0] =	vst.idx.msk $0xffff, v10;
	v16 =	vmul.f32 $5.656854150e+00, v16;
	(pc) =	sbr.rel @p3 .LBB2_19-.Ltmp11, $4  }
0x10b: {  	v13 =	vadd.s32 v7, v13;
	s24 =	sadd.s32 $0x2, s21;
	s21 =	smov.u32 s22;
	v17 =	vand.u32 $0x7D, v14;
	v10 =	vld [tilespmem:s23+$0xFFFFFFC0];
	v9 =	vmul.f32 $5.656854150e+00, v9;
	[tilespmem:v18+s7+$0x0] =	vst.idx.msk $0xffff, v8  }
0x10c: {  	v14 =	vadd.s32 v6, v17;
	v8 =	vmov s24;
	v15 =	vld [tilespmem:s23+$0xFFFFFFD0];
	v22 =	vmul.f32 $5.656854150e+00, v22;
	[tilespmem:v19+s7+$0x0] =	vst.idx.msk $0xffff, v16  }
0x10d: {  	s24 =	sadd.s32 $0x3, s22;
	v17 =	vadd.s32 v7, v17;
	v19 =	vmul.f32 $5.656854150e+00, v20;
	v16 =	vld [tilespmem:s23+$0xFFFFFFE0];
	v20 =	vand.u32 $0x7E, v8;
	[tilespmem:v23+s7+$0x0] =	vst.idx.msk $0xffff, v9;
	s23 =	sadd.s32 $0x80, s23  }
0x10e: {  	s22 =	sadd.s32 $0x4, s22;
	v8 =	vmov s24;
	v9 =	vld [tilespmem:s23+$0xFFFFFFF0];
	v21 =	vmul.f32 $5.656854150e+00, v21;
	v18 =	vadd.s32 v6, v20;
	[tilespmem:v24+s7+$0x0] =	vst.idx.msk $0xffff, v22  }
0x10f: {  	s22 =	smov.u32 s21  }
.LBB2_21:
0x110: {  	_ =	sdelay $0x3  }
0x111: {  	v22 =	vld [tilespmem:s23+$0x0];
	v8 =	vand.u32 $0x7F, v8;
	[tilespmem:v11+s7+$0x0] =	vst.idx.msk @p2 $0xffff, v19;
	v11 =	vmul.f32 @p2 $5.656854150e+00, v12;
	v12 =	vadd.s32 @p2 v7, v20  }
0x112: {  	v45 =	vmov s22;
	v46 =	vld [tilespmem:s23+$0xFFFFFF90];
	v10 =	vmul.f32 @p2 $5.656854150e+00, v10;
	v23 =	vadd.s32 v6, v8;
	[tilespmem:v13+s7+$0x0] =	vst.idx.msk @p2 $0xffff, v21  }
0x113: {  	v47 =	vld [tilespmem:s23+$0xFFFFFFA0];
	s21 =	sadd.s32 $0x1, s22;
	v19 =	vand.u32 $0x7C, v45;
	v8 =	vadd.s32 v7, v8;
	[tilespmem:v14+s7+$0x0] =	vst.idx.msk @p2 $0xffff, v11;
	v11 =	vmul.f32 @p2 $5.656854150e+00, v15  }
0x114: {  	v50 =	vld [tilespmem:s23+$0xFFFFFFB0];
	v49 =	vmov s21;
	v48 =	vadd.s32 v6, v19;
	[tilespmem:v17+s7+$0x0] =	vst.idx.msk @p2 $0xffff, v10;
	v10 =	vmul.f32 @p2 $5.656854150e+00, v16  }
0x115: {  	v52 =	vld [tilespmem:s23+$0xFFFFFFC0];
	s30 =	sadd.s32 $0x2, s22;
	v51 =	vadd.s32 v7, v19;
	v15 =	vand.u32 $0x7D, v49;
	v9 =	vmul.f32 $5.656854150e+00, v9;
	[tilespmem:v18+s7+$0x0] =	vst.idx.msk @p2 $0xffff, v11  }
0x116: {  	v55 =	vld [tilespmem:s23+$0xFFFFFFD0];
	v54 =	vmov s30;
	v53 =	vadd.s32 v6, v15;
	v22 =	vmul.f32 $5.656854150e+00, v22;
	[tilespmem:v12+s7+$0x0] =	vst.idx.msk @p2 $0xffff, v10  }
0x117: {  	v58 =	vld [tilespmem:s23+$0xFFFFFFE0];
	v57 =	vadd.s32 v7, v15;
	v18 =	vand.u32 $0x7E, v54;
	v56 =	vmul.f32 $5.656854150e+00, v46;
	[tilespmem:v23+s7+$0x0] =	vst.idx.msk $0xffff, v9  }
0x118: {  	v59 =	vmul.f32 $5.656854150e+00, v47;
	v60 =	vadd.s32 v6, v18;
	[tilespmem:v8+s7+$0x0] =	vst.idx.msk $0xffff, v22  }
0x119: {  	s18 =	sshll.u32 s18, $0xF;
	v61 =	vadd.s32 v7, v18;
	[tilespmem:v48+s7+$0x0] =	vst.idx.msk $0xffff, v56;
	v8 =	vmul.f32 $5.656854150e+00, v50  }
0x11a: {  	s18 =	sand.u32 $0x7FF80000, s18;
	v62 =	vmul.f32 $5.656854150e+00, v52;
	[tilespmem:v51+s7+$0x0] =	vst.idx.msk $0xffff, v59  }
0x11b: {  	s18 =	sor.u32 s20, s18;
	[tilespmem:v53+s7+$0x0] =	vst.idx.msk $0xffff, v8;
	v8 =	vmul.f32 $5.656854150e+00, v55  }
0x11c: {  	s18 =	sshrl.u32 s18, $0x3;
	v63 =	vmul.f32 $5.656854150e+00, v58;
	[tilespmem:v57+s7+$0x0] =	vst.idx.msk $0xffff, v62  }
0x11d: {  	s22 =	simm.s32 $0x10;
	s20 =	sadd.s32 s2, s18;
	[tilespmem:v60+s7+$0x0] =	vst.idx.msk $0xffff, v8  }
0x11e: {  	s23 =	simm.s32 $0x10888;
	s21 =	simm.s32 $0x10800;
	s24 =	sadd.s32 $0x0, s20;
	[tilespmem:v61+s7+$0x0] =	vst.idx.msk $0xffff, v63  }
.LBB2_22:
0x11f: {  	[hbm4b:s24+s3] =	stream.linear.scatter [tilespmem:s21], [sflag:$0x3], $0x80, $0x38;
	[tilespmem:$0x1B200] =	vst v63  }
0x120: {  	s24 =	smov.u32 s22;
	s21 =	smov.u32 s23;
	p2 =	sne.s32 s22, $0x1F0  }
.Ltmp12:
0x121: {  	s22 =	sadd.s32 $0x10, s22;
	(pc) =	sbr.rel @p2 .LBB2_22-.Ltmp12, $2  }
0x122: {  	_ =	sdelay $0x2  }
0x123: {  	s23 =	sadd.s32 $0x88, s23;
	s24 =	sadd.s32 s24, s20  }
0x124: {  	[hbm4b:s24+s3] =	stream.linear.scatter [tilespmem:s21], [sflag:$0x3], $0x80, $0x38;
	[tilespmem:$0x1B200] =	vst v63  }
0x125: {  	s20 =	sadd.s32 s18, s8;
	s21 =	simm.s32 $0x11D40  }
0x126: {  	s22 =	simm.s32 $0x10;
	s23 =	simm.s32 $0x11DC8;
	s24 =	sadd.s32 $0x0, s20  }
.LBB2_24:
0x127: {  	[hbm4b:s24+s3] =	stream.linear.scatter [tilespmem:s21], [sflag:$0x3], $0x80, $0x38;
	[tilespmem:$0x1B200] =	vst v63  }
0x128: {  	s24 =	smov.u32 s22;
	s21 =	smov.u32 s23;
	p2 =	sne.s32 s22, $0x1F0  }
.Ltmp13:
0x129: {  	s22 =	sadd.s32 $0x10, s22;
	(pc) =	sbr.rel @p2 .LBB2_24-.Ltmp13, $2  }
0x12a: {  	_ =	sdelay $0x2  }
0x12b: {  	s23 =	sadd.s32 $0x88, s23;
	s24 =	sadd.s32 s24, s20  }
0x12c: {  	[hbm4b:s24+s3] =	stream.linear.scatter [tilespmem:s21], [sflag:$0x3], $0x80, $0x38;
	[tilespmem:$0x1B200] =	vst v63  }
0x12d: {  	s20 =	sadd.s32 s18, s9;
	s21 =	simm.s32 $0x13280  }
0x12e: {  	s22 =	simm.s32 $0x10;
	s23 =	simm.s32 $0x13308;
	s24 =	sadd.s32 $0x0, s20  }
.LBB2_26:
0x12f: {  	[hbm4b:s24+s3] =	stream.linear.scatter [tilespmem:s21], [sflag:$0x3], $0x80, $0x38;
	[tilespmem:$0x1B200] =	vst v63  }
0x130: {  	s24 =	smov.u32 s22;
	s21 =	smov.u32 s23;
	p2 =	sne.s32 s22, $0x1F0  }
.Ltmp14:
0x131: {  	s22 =	sadd.s32 $0x10, s22;
	(pc) =	sbr.rel @p2 .LBB2_26-.Ltmp14, $2  }
0x132: {  	_ =	sdelay $0x2  }
0x133: {  	s23 =	sadd.s32 $0x88, s23;
	s24 =	sadd.s32 s24, s20  }
0x134: {  	[hbm4b:s24+s3] =	stream.linear.scatter [tilespmem:s21], [sflag:$0x3], $0x80, $0x38;
	[tilespmem:$0x1B200] =	vst v63  }
0x135: {  	s20 =	sadd.s32 s18, s10;
	s21 =	simm.s32 $0x147C0  }
0x136: {  	s22 =	simm.s32 $0x10;
	s23 =	simm.s32 $0x14848;
	s24 =	sadd.s32 $0x0, s20  }
.LBB2_28:
0x137: {  	[hbm4b:s24+s3] =	stream.linear.scatter [tilespmem:s21], [sflag:$0x3], $0x80, $0x38;
	[tilespmem:$0x1B200] =	vst v63  }
0x138: {  	s24 =	smov.u32 s22;
	s21 =	smov.u32 s23;
	p2 =	sne.s32 s22, $0x1F0  }
.Ltmp15:
0x139: {  	s22 =	sadd.s32 $0x10, s22;
	(pc) =	sbr.rel @p2 .LBB2_28-.Ltmp15, $2  }
0x13a: {  	_ =	sdelay $0x2  }
0x13b: {  	s23 =	sadd.s32 $0x88, s23;
	s24 =	sadd.s32 s24, s20  }
0x13c: {  	[hbm4b:s24+s3] =	stream.linear.scatter [tilespmem:s21], [sflag:$0x3], $0x80, $0x38;
	[tilespmem:$0x1B200] =	vst v63  }
0x13d: {  	s20 =	simm.s32 @!p1 $0x4  }
0x13e: {  	_ =	swait.ge @!p1 [sflag:s20], $0x1000  }
0x13f: {  	[sflag:s20] =	ssyncset.done @!p1 $0x0  }
0x140: {  	[sflag:s20] =	ssyncadd.s32 @!p1 $0xFFFFF000  }
0x141: {  	_ =	swait.ge @!p1 [sflag:s20], $0x1000  }
0x142: {  	[sflag:s20] =	ssyncset.done @!p1 $0x0  }
0x143: {  	[sflag:s20] =	ssyncadd.s32 @!p1 $0xFFFFF000  }
0x144: {  	_ =	swait.ge @!p1 [sflag:s20], $0x1000  }
0x145: {  	[sflag:s20] =	ssyncset.done @!p1 $0x0  }
0x146: {  	[sflag:s20] =	ssyncadd.s32 @!p1 $0xFFFFF000  }
0x147: {  	_ =	swait.ge @!p1 [sflag:s20], $0x1000  }
0x148: {  	[sflag:s20] =	ssyncset.done @!p1 $0x0  }
0x149: {  	s25 =	simm.s32 $0x4800;
	s26 =	simm.s32 $0x3;
	[sflag:s20] =	ssyncadd.s32 @!p1 $0xFFFFF000  }
0x14a: {  	v8 =	vmov s26;
	v11 =	vld [tilespmem:s25+$0x60]  }
0x14b: {  	s28 =	simm.s32 $0x0;
	v8 =	vand.u32 $0x7F, v8;
	v16 =	vld [tilespmem:s25+$0x70]  }
0x14c: {  	v9 =	vmov s28;
	v19 =	vadd.s32 v0, v8;
	v17 =	vld [tilespmem:s25+$0x0]  }
0x14d: {  	s29 =	simm.s32 $0x1;
	v9 =	vand.u32 $0x7C, v9;
	v26 =	vadd.s32 v1, v8;
	v21 =	vld [tilespmem:s25+$0x10]  }
0x14e: {  	v10 =	vmov s29;
	v18 =	vadd.s32 v0, v9;
	v20 =	vld [tilespmem:s25+$0x20]  }
0x14f: {  	s30 =	simm.s32 $0x2;
	v10 =	vand.u32 $0x7D, v10;
	v12 =	vadd.s32 v1, v9;
	v13 =	vld [tilespmem:s25+$0x30];
	v24 =	vmul.f32 $5.656854150e+00, v11  }
0x150: {  	v14 =	vadd.s32 v0, v10;
	v15 =	vld [tilespmem:s25+$0x40];
	v11 =	vmov s30;
	v27 =	vmul.f32 $5.656854150e+00, v16  }
0x151: {  	s21 =	simm.s32 $0x7;
	s22 =	simm.s32 $0x4880;
	v22 =	vmul.f32 $5.656854150e+00, v17;
	v16 =	vadd.s32 v1, v10;
	v17 =	vld [tilespmem:s25+$0x50];
	v23 =	vand.u32 $0x7E, v11;
	[tilespmem:v19+s11+$0x0] =	vst.idx.msk $0xffff, v24  }
0x152: {  	s24 =	simm.s32 $0x8;
	s23 =	simm.s32 $0x4;
	v25 =	vmov s21;
	s20 =	simm.s32 $0x4;
	v19 =	vld [tilespmem:s22+$0x60];
	v24 =	vmul.f32 $5.656854150e+00, v21;
	v21 =	vadd.s32 v0, v23;
	[tilespmem:v26+s11+$0x0] =	vst.idx.msk $0xffff, v27  }
.LBB2_30:
0x153: {  	p1 =	slt.u32 s24, $0x7C;
	v26 =	vld [tilespmem:s22+$0x70];
	v25 =	vand.u32 $0x7F, v25;
	[tilespmem:v18+s11+$0x0] =	vst.idx.msk $0xffff, v22;
	v18 =	vmul.f32 $5.656854150e+00, v20;
	v22 =	vadd.s32 v1, v23  }
0x154: {  	v20 =	vmov s23;
	v23 =	vld [tilespmem:s22+$0x0];
	v27 =	vadd.s32 v0, v25;
	[tilespmem:v12+s11+$0x0] =	vst.idx.msk $0xffff, v24;
	v12 =	vmul.f32 $5.656854150e+00, v13  }
0x155: {  	s25 =	sadd.s32 $0x1, s23;
	v13 =	vand.u32 $0x7C, v20;
	v28 =	vadd.s32 v1, v25;
	v24 =	vld [tilespmem:s22+$0x10];
	[tilespmem:v14+s11+$0x0] =	vst.idx.msk $0xffff, v18;
	v14 =	vmul.f32 $5.656854150e+00, v15  }
.Ltmp16:
0x156: {  	v18 =	vadd.s32 v0, v13;
	v15 =	vmov s25;
	v20 =	vld [tilespmem:s22+$0x20];
	[tilespmem:v16+s11+$0x0] =	vst.idx.msk $0xffff, v12;
	v16 =	vmul.f32 $5.656854150e+00, v17;
	(pc) =	sbr.rel @p1 .LBB2_30-.Ltmp16, $4  }
0x157: {  	s25 =	sadd.s32 $0x2, s23;
	s23 =	smov.u32 s24;
	v12 =	vadd.s32 v1, v13;
	v17 =	vand.u32 $0x7D, v15;
	v13 =	vld [tilespmem:s22+$0x30];
	v19 =	vmul.f32 $5.656854150e+00, v19;
	[tilespmem:v21+s11+$0x0] =	vst.idx.msk $0xffff, v14  }
0x158: {  	v14 =	vadd.s32 v0, v17;
	v21 =	vmov s25;
	v15 =	vld [tilespmem:s22+$0x40];
	v26 =	vmul.f32 $5.656854150e+00, v26;
	[tilespmem:v22+s11+$0x0] =	vst.idx.msk $0xffff, v16  }
0x159: {  	s25 =	sadd.s32 $0x3, s24;
	v16 =	vadd.s32 v1, v17;
	v22 =	vmul.f32 $5.656854150e+00, v23;
	v17 =	vld [tilespmem:s22+$0x50];
	v23 =	vand.u32 $0x7E, v21;
	[tilespmem:v27+s11+$0x0] =	vst.idx.msk $0xffff, v19;
	s22 =	sadd.s32 $0x80, s22  }
0x15a: {  	s24 =	sadd.s32 $0x4, s24;
	v25 =	vmov s25;
	v19 =	vld [tilespmem:s22+$0x60];
	v24 =	vmul.f32 $5.656854150e+00, v24;
	v21 =	vadd.s32 v0, v23;
	[tilespmem:v28+s11+$0x0] =	vst.idx.msk $0xffff, v26  }
0x15b: {  	_ =	sdelay $0x3  }
0x15c: {  	v26 =	vld [tilespmem:s22+$0x70];
	v25 =	vand.u32 $0x7F, v25;
	[tilespmem:v18+s11+$0x0] =	vst.idx.msk $0xffff, v22;
	v18 =	vmul.f32 $5.656854150e+00, v20;
	v20 =	vadd.s32 v1, v23  }
0x15d: {  	v22 =	vmov s23;
	v23 =	vld [tilespmem:s22+$0x0];
	v27 =	vadd.s32 v0, v25;
	[tilespmem:v12+s11+$0x0] =	vst.idx.msk $0xffff, v24;
	v12 =	vmul.f32 $5.656854150e+00, v13  }
0x15e: {  	s24 =	sadd.s32 $0x1, s23;
	v13 =	vld [tilespmem:s22+$0x10];
	v22 =	vand.u32 $0x7C, v22;
	v61 =	vadd.s32 v1, v25;
	[tilespmem:v14+s11+$0x0] =	vst.idx.msk $0xffff, v18;
	v14 =	vmul.f32 $5.656854150e+00, v15  }
0x15f: {  	v62 =	vld [tilespmem:s22+$0x20];
	v15 =	vadd.s32 v0, v22;
	v18 =	vmov s24;
	[tilespmem:v16+s11+$0x0] =	vst.idx.msk $0xffff, v12;
	v12 =	vmul.f32 $5.656854150e+00, v17  }
0x160: {  	s29 =	sadd.s32 $0x2, s23;
	v16 =	vadd.s32 v1, v22;
	v17 =	vld [tilespmem:s22+$0x30];
	v18 =	vand.u32 $0x7D, v18;
	v19 =	vmul.f32 $5.656854150e+00, v19;
	[tilespmem:v21+s11+$0x0] =	vst.idx.msk $0xffff, v14  }
0x161: {  	v22 =	vld [tilespmem:s22+$0x40];
	v14 =	vadd.s32 v0, v18;
	v21 =	vmov s29;
	v26 =	vmul.f32 $5.656854150e+00, v26;
	[tilespmem:v20+s11+$0x0] =	vst.idx.msk $0xffff, v12  }
0x162: {  	v18 =	vadd.s32 v1, v18;
	v12 =	vmul.f32 $5.656854150e+00, v23;
	v20 =	vld [tilespmem:s22+$0x50];
	v21 =	vand.u32 $0x7E, v21;
	[tilespmem:v27+s11+$0x0] =	vst.idx.msk $0xffff, v19  }
0x163: {  	v13 =	vmul.f32 $5.656854150e+00, v13;
	v19 =	vadd.s32 v0, v21;
	[tilespmem:v61+s11+$0x0] =	vst.idx.msk $0xffff, v26  }
0x164: {  	[tilespmem:v15+s11+$0x0] =	vst.idx.msk $0xffff, v12;
	v12 =	vmul.f32 $5.656854150e+00, v62;
	v15 =	vadd.s32 v1, v21  }
0x165: {  	[tilespmem:v16+s11+$0x0] =	vst.idx.msk $0xffff, v13;
	v13 =	vmul.f32 $5.656854150e+00, v17  }
0x166: {  	[tilespmem:v14+s11+$0x0] =	vst.idx.msk $0xffff, v12;
	v12 =	vmul.f32 $5.656854150e+00, v22  }
0x167: {  	[tilespmem:v18+s11+$0x0] =	vst.idx.msk $0xffff, v13;
	v13 =	vmul.f32 $5.656854150e+00, v20  }
0x168: {  	[tilespmem:v19+s11+$0x0] =	vst.idx.msk $0xffff, v12  }
0x169: {  	s30 =	simm.s32 $0x5800;
	[tilespmem:v15+s11+$0x0] =	vst.idx.msk $0xffff, v13  }
0x16a: {  	v13 =	vld [tilespmem:s30+$0x60]  }
0x16b: {  	v15 =	vld [tilespmem:s30+$0x70]  }
0x16c: {  	v20 =	vadd.s32 v2, v8;
	v18 =	vld [tilespmem:s30+$0x0]  }
0x16d: {  	v23 =	vadd.s32 v3, v8;
	v22 =	vld [tilespmem:s30+$0x10]  }
0x16e: {  	v17 =	vadd.s32 v2, v9;
	v16 =	vld [tilespmem:s30+$0x20]  }
0x16f: {  	v14 =	vadd.s32 v3, v9;
	v12 =	vld [tilespmem:s30+$0x30];
	v21 =	vmul.f32 $5.656854150e+00, v13  }
0x170: {  	v8 =	vadd.s32 v2, v10;
	v9 =	vld [tilespmem:s30+$0x40];
	v63 =	vmul.f32 $5.656854150e+00, v15  }
0x171: {  	s22 =	simm.s32 $0x5880;
	v10 =	vadd.s32 v3, v10;
	v19 =	vand.u32 $0x7E, v11;
	v18 =	vmul.f32 $5.656854150e+00, v18;
	v13 =	vld [tilespmem:s30+$0x50];
	[tilespmem:v20+s11+$0x0] =	vst.idx.msk $0xffff, v21  }
0x172: {  	v11 =	vld [tilespmem:s22+$0x60];
	v15 =	vadd.s32 v2, v19;
	v21 =	vmov s21;
	s21 =	simm.s32 $0x8;
	v20 =	vmul.f32 $5.656854150e+00, v22;
	[tilespmem:v23+s11+$0x0] =	vst.idx.msk $0xffff, v63  }
.LBB2_32:
0x173: {  	p1 =	slt.u32 s21, $0x7C;
	v22 =	vld [tilespmem:s22+$0x70];
	v21 =	vand.u32 $0x7F, v21;
	[tilespmem:v17+s11+$0x0] =	vst.idx.msk $0xffff, v18;
	v16 =	vmul.f32 $5.656854150e+00, v16;
	v18 =	vadd.s32 v3, v19  }
0x174: {  	v17 =	vmov s20;
	v19 =	vld [tilespmem:s22+$0x0];
	v23 =	vadd.s32 v2, v21;
	[tilespmem:v14+s11+$0x0] =	vst.idx.msk $0xffff, v20;
	v12 =	vmul.f32 $5.656854150e+00, v12  }
0x175: {  	s23 =	sadd.s32 $0x1, s20;
	v14 =	vand.u32 $0x7C, v17;
	v24 =	vadd.s32 v3, v21;
	v20 =	vld [tilespmem:s22+$0x10];
	[tilespmem:v8+s11+$0x0] =	vst.idx.msk $0xffff, v16;
	v8 =	vmul.f32 $5.656854150e+00, v9  }
.Ltmp17:
0x176: {  	v17 =	vadd.s32 v2, v14;
	v9 =	vmov s23;
	v16 =	vld [tilespmem:s22+$0x20];
	[tilespmem:v10+s11+$0x0] =	vst.idx.msk $0xffff, v12;
	v10 =	vmul.f32 $5.656854150e+00, v13;
	(pc) =	sbr.rel @p1 .LBB2_32-.Ltmp17, $4  }
0x177: {  	v14 =	vadd.s32 v3, v14;
	s23 =	sadd.s32 $0x2, s20;
	s20 =	smov.u32 s21;
	v13 =	vand.u32 $0x7D, v9;
	v12 =	vld [tilespmem:s22+$0x30];
	v11 =	vmul.f32 $5.656854150e+00, v11;
	[tilespmem:v15+s11+$0x0] =	vst.idx.msk $0xffff, v8  }
0x178: {  	v8 =	vadd.s32 v2, v13;
	v15 =	vmov s23;
	v9 =	vld [tilespmem:s22+$0x40];
	v22 =	vmul.f32 $5.656854150e+00, v22;
	[tilespmem:v18+s11+$0x0] =	vst.idx.msk $0xffff, v10  }
0x179: {  	s23 =	sadd.s32 $0x3, s21;
	v10 =	vadd.s32 v3, v13;
	v18 =	vmul.f32 $5.656854150e+00, v19;
	v13 =	vld [tilespmem:s22+$0x50];
	v19 =	vand.u32 $0x7E, v15;
	[tilespmem:v23+s11+$0x0] =	vst.idx.msk $0xffff, v11;
	s22 =	sadd.s32 $0x80, s22  }
0x17a: {  	s21 =	sadd.s32 $0x4, s21;
	v21 =	vmov s23;
	v11 =	vld [tilespmem:s22+$0x60];
	v20 =	vmul.f32 $5.656854150e+00, v20;
	v15 =	vadd.s32 v2, v19;
	[tilespmem:v24+s11+$0x0] =	vst.idx.msk $0xffff, v22  }
0x17b: {  	_ =	sdelay $0x3  }
0x17c: {  	v22 =	vld [tilespmem:s22+$0x70];
	v21 =	vand.u32 $0x7F, v21;
	[tilespmem:v17+s11+$0x0] =	vst.idx.msk $0xffff, v18;
	v16 =	vmul.f32 $5.656854150e+00, v16;
	v51 =	vadd.s32 v3, v19  }
0x17d: {  	v52 =	vmov s20;
	v53 =	vld [tilespmem:s22+$0x0];
	v23 =	vadd.s32 v2, v21;
	[tilespmem:v14+s11+$0x0] =	vst.idx.msk $0xffff, v20;
	v12 =	vmul.f32 $5.656854150e+00, v12  }
0x17e: {  	v54 =	vld [tilespmem:s22+$0x10];
	s21 =	sadd.s32 $0x1, s20;
	v18 =	vand.u32 $0x7C, v52;
	v55 =	vadd.s32 v3, v21;
	[tilespmem:v8+s11+$0x0] =	vst.idx.msk $0xffff, v16;
	v8 =	vmul.f32 $5.656854150e+00, v9  }
0x17f: {  	v57 =	vld [tilespmem:s22+$0x20];
	v56 =	vmov s21;
	v9 =	vadd.s32 v2, v18;
	[tilespmem:v10+s11+$0x0] =	vst.idx.msk $0xffff, v12;
	v10 =	vmul.f32 $5.656854150e+00, v13  }
0x180: {  	v59 =	vld [tilespmem:s22+$0x30];
	s29 =	sadd.s32 $0x2, s20;
	v58 =	vadd.s32 v3, v18;
	v16 =	vand.u32 $0x7D, v56;
	v11 =	vmul.f32 $5.656854150e+00, v11;
	[tilespmem:v15+s11+$0x0] =	vst.idx.msk $0xffff, v8  }
0x181: {  	v61 =	vld [tilespmem:s22+$0x40];
	v60 =	vmov s29;
	v8 =	vadd.s32 v2, v16;
	v22 =	vmul.f32 $5.656854150e+00, v22;
	[tilespmem:v51+s11+$0x0] =	vst.idx.msk $0xffff, v10  }
0x182: {  	v62 =	vld [tilespmem:s22+$0x50];
	v16 =	vadd.s32 v3, v16;
	v15 =	vand.u32 $0x7E, v60;
	v10 =	vmul.f32 $5.656854150e+00, v53;
	[tilespmem:v23+s11+$0x0] =	vst.idx.msk $0xffff, v11  }
0x183: {  	v63 =	vadd.s32 v2, v15;
	v11 =	vmul.f32 $5.656854150e+00, v54;
	[tilespmem:v55+s11+$0x0] =	vst.idx.msk $0xffff, v22  }
0x184: {  	[tilespmem:v9+s11+$0x0] =	vst.idx.msk $0xffff, v10;
	v9 =	vmul.f32 $5.656854150e+00, v57;
	v10 =	vadd.s32 v3, v15  }
0x185: {  	p2 =	por $0x1, $0x1;
	[tilespmem:v58+s11+$0x0] =	vst.idx.msk $0xffff, v11;
	v11 =	vmul.f32 $5.656854150e+00, v59  }
.Ltmp18:
0x186: {  	[tilespmem:v8+s11+$0x0] =	vst.idx.msk $0xffff, v9;
	v8 =	vmul.f32 $5.656854150e+00, v61;
	(pc) =	sbr.rel @!p2 .LBB2_34-.Ltmp18, $4  }
0x187: {  	v9 =	vmul.f32 $5.656854150e+00, v62;
	[tilespmem:v16+s11+$0x0] =	vst.idx.msk $0xffff, v11  }
0x188: {  	[tilespmem:v63+s11+$0x0] =	vst.idx.msk $0xffff, v8  }
0x189: {  	s22 =	simm.s32 $0x6800;
	s30 =	simm.s32 $0x3;
	[tilespmem:v10+s11+$0x0] =	vst.idx.msk $0xffff, v9  }
0x18a: {  	s20 =	simm.s32 $0x4;
	p1 =	por $0x0, $0x0;
	s21 =	simm.s32 $0x0;
	v8 =	vmov s30;
	v9 =	vld [tilespmem:s22+$0x60]  }
0x18b: {  	v16 =	vld [tilespmem:s22+$0x70];
	v10 =	vand.u32 $0x7F, v8  }
0x18c: {  	v17 =	vld [tilespmem:s22+$0x0];
	v11 =	vmov s21;
	v18 =	vadd.s32 v4, v10  }
0x18d: {  	v21 =	vld [tilespmem:s22+$0x10];
	s23 =	simm.s32 $0x1;
	p4 =	por $0x1, $0x1;
	v13 =	vand.u32 $0x7C, v11;
	v23 =	vadd.s32 v5, v10  }
.Ltmp19:
0x18e: {  	v11 =	vld [tilespmem:s22+$0x20];
	v14 =	vmov s23;
	v10 =	vadd.s32 v4, v13;
	(pc) =	sbr.rel @!p4 .LBB2_36-.Ltmp19, $4  }
0x18f: {  	v12 =	vld [tilespmem:s22+$0x30];
	s29 =	simm.s32 $0x2;
	v13 =	vadd.s32 v5, v13;
	v20 =	vand.u32 $0x7D, v14;
	v9 =	vmul.f32 $5.656854150e+00, v9  }
0x190: {  	v15 =	vld [tilespmem:s22+$0x40];
	v22 =	vmov s29;
	v14 =	vadd.s32 v4, v20;
	v24 =	vmul.f32 $5.656854150e+00, v16  }
0x191: {  	s30 =	simm.s32 $0x7;
	v16 =	vld [tilespmem:s22+$0x50];
	v19 =	vmul.f32 $5.656854150e+00, v17;
	v17 =	vadd.s32 v5, v20;
	v20 =	vand.u32 $0x7E, v22;
	s22 =	simm.s32 $0x6880;
	[tilespmem:v18+s11+$0x0] =	vst.idx.msk $0xffff, v9  }
0x192: {  	s24 =	simm.s32 $0x8;
	p3 =	por $0x1, $0x1;
	s23 =	simm.s32 $0x4;
	v22 =	vmov s30;
	v21 =	vmul.f32 $5.656854150e+00, v21;
	v9 =	vld [tilespmem:s22+$0x60];
	v18 =	vadd.s32 v4, v20;
	[tilespmem:v23+s11+$0x0] =	vst.idx.msk $0xffff, v24  }
.LBB2_37:
0x193: {  	p4 =	slt.u32 s24, $0x7C;
	v23 =	vld [tilespmem:s22+$0x70];
	v22 =	vand.u32 $0x7F, v22;
	[tilespmem:v10+s11+$0x0] =	vst.idx.msk $0xffff, v19;
	v10 =	vmul.f32 $5.656854150e+00, v11;
	v19 =	vadd.s32 v5, v20  }
0x194: {  	v11 =	vmov s23;
	v20 =	vld [tilespmem:s22+$0x0];
	v24 =	vadd.s32 v4, v22;
	[tilespmem:v13+s11+$0x0] =	vst.idx.msk $0xffff, v21;
	v12 =	vmul.f32 $5.656854150e+00, v12  }
0x195: {  	s25 =	sadd.s32 $0x1, s23;
	v13 =	vand.u32 $0x7C, v11;
	v25 =	vadd.s32 v5, v22;
	v21 =	vld [tilespmem:s22+$0x10];
	[tilespmem:v14+s11+$0x0] =	vst.idx.msk $0xffff, v10;
	v14 =	vmul.f32 $5.656854150e+00, v15  }
.Ltmp20:
0x196: {  	v10 =	vadd.s32 v4, v13;
	v15 =	vmov s25;
	v11 =	vld [tilespmem:s22+$0x20];
	[tilespmem:v17+s11+$0x0] =	vst.idx.msk $0xffff, v12;
	v16 =	vmul.f32 $5.656854150e+00, v16;
	(pc) =	sbr.rel @p4 .LBB2_37-.Ltmp20, $4  }
0x197: {  	v13 =	vadd.s32 v5, v13;
	s25 =	sadd.s32 $0x2, s23;
	s23 =	smov.u32 s24;
	v17 =	vand.u32 $0x7D, v15;
	v12 =	vld [tilespmem:s22+$0x30];
	v9 =	vmul.f32 $5.656854150e+00, v9;
	[tilespmem:v18+s11+$0x0] =	vst.idx.msk $0xffff, v14  }
0x198: {  	v14 =	vadd.s32 v4, v17;
	v18 =	vmov s25;
	v15 =	vld [tilespmem:s22+$0x40];
	v23 =	vmul.f32 $5.656854150e+00, v23;
	[tilespmem:v19+s11+$0x0] =	vst.idx.msk $0xffff, v16  }
0x199: {  	s25 =	sadd.s32 $0x3, s24;
	v17 =	vadd.s32 v5, v17;
	v19 =	vmul.f32 $5.656854150e+00, v20;
	v16 =	vld [tilespmem:s22+$0x50];
	v20 =	vand.u32 $0x7E, v18;
	[tilespmem:v24+s11+$0x0] =	vst.idx.msk $0xffff, v9;
	s22 =	sadd.s32 $0x80, s22  }
0x19a: {  	s24 =	sadd.s32 $0x4, s24;
	v22 =	vmov s25;
	v9 =	vld [tilespmem:s22+$0x60];
	v21 =	vmul.f32 $5.656854150e+00, v21;
	v18 =	vadd.s32 v4, v20;
	[tilespmem:v25+s11+$0x0] =	vst.idx.msk $0xffff, v23  }
.LBB2_38:
0x19b: {  	_ =	sdelay $0x3  }
0x19c: {  	v23 =	vld [tilespmem:s22+$0x70];
	v22 =	vand.u32 $0x7F, v22;
	[tilespmem:v10+s11+$0x0] =	vst.idx.msk @p3 $0xffff, v19;
	v10 =	vmul.f32 @p3 $5.656854150e+00, v11;
	v11 =	vadd.s32 @p3 v5, v20  }
0x19d: {  	v49 =	vmov s23;
	v50 =	vld [tilespmem:s22+$0x0];
	v24 =	vadd.s32 v4, v22;
	[tilespmem:v13+s11+$0x0] =	vst.idx.msk @p3 $0xffff, v21;
	v12 =	vmul.f32 @p3 $5.656854150e+00, v12  }
0x19e: {  	v51 =	vld [tilespmem:s22+$0x10];
	s24 =	sadd.s32 $0x1, s23;
	v19 =	vand.u32 $0x7C, v49;
	v52 =	vadd.s32 v5, v22;
	[tilespmem:v14+s11+$0x0] =	vst.idx.msk @p3 $0xffff, v10;
	v10 =	vmul.f32 @p3 $5.656854150e+00, v15  }
0x19f: {  	v55 =	vld [tilespmem:s22+$0x20];
	v54 =	vmov s24;
	v53 =	vadd.s32 v4, v19;
	[tilespmem:v17+s11+$0x0] =	vst.idx.msk @p3 $0xffff, v12;
	v12 =	vmul.f32 @p3 $5.656854150e+00, v16  }
0x1a0: {  	v57 =	vld [tilespmem:s22+$0x30];
	s30 =	sadd.s32 $0x2, s23;
	v56 =	vadd.s32 v5, v19;
	v15 =	vand.u32 $0x7D, v54;
	v9 =	vmul.f32 $5.656854150e+00, v9;
	[tilespmem:v18+s11+$0x0] =	vst.idx.msk @p3 $0xffff, v10  }
0x1a1: {  	v59 =	vld [tilespmem:s22+$0x40];
	v58 =	vmov s30;
	v10 =	vadd.s32 v4, v15;
	v23 =	vmul.f32 $5.656854150e+00, v23;
	[tilespmem:v11+s11+$0x0] =	vst.idx.msk @p3 $0xffff, v12  }
0x1a2: {  	v61 =	vld [tilespmem:s22+$0x50];
	v60 =	vadd.s32 v5, v15;
	v18 =	vand.u32 $0x7E, v58;
	v11 =	vmul.f32 $5.656854150e+00, v50;
	[tilespmem:v24+s11+$0x0] =	vst.idx.msk $0xffff, v9  }
0x1a3: {  	v62 =	vadd.s32 v4, v18;
	v9 =	vmul.f32 $5.656854150e+00, v51;
	[tilespmem:v52+s11+$0x0] =	vst.idx.msk $0xffff, v23  }
0x1a4: {  	v63 =	vadd.s32 v5, v18;
	[tilespmem:v53+s11+$0x0] =	vst.idx.msk $0xffff, v11;
	v11 =	vmul.f32 $5.656854150e+00, v55  }
0x1a5: {  	[tilespmem:v56+s11+$0x0] =	vst.idx.msk $0xffff, v9;
	v9 =	vmul.f32 $5.656854150e+00, v57  }
.Ltmp21:
0x1a6: {  	[tilespmem:v10+s11+$0x0] =	vst.idx.msk $0xffff, v11;
	v10 =	vmul.f32 $5.656854150e+00, v59;
	(pc) =	sbr.rel @!p2 .LBB2_39-.Ltmp21, $4  }
0x1a7: {  	[tilespmem:v60+s11+$0x0] =	vst.idx.msk $0xffff, v9;
	v9 =	vmul.f32 $5.656854150e+00, v61  }
0x1a8: {  	[tilespmem:v62+s11+$0x0] =	vst.idx.msk $0xffff, v10  }
0x1a9: {  	s22 =	simm.s32 $0x7800;
	[tilespmem:v63+s11+$0x0] =	vst.idx.msk $0xffff, v9  }
0x1aa: {  	v9 =	vld [tilespmem:s22+$0x60]  }
0x1ab: {  	v16 =	vld [tilespmem:s22+$0x70];
	v8 =	vand.u32 $0x7F, v8  }
0x1ac: {  	v17 =	vld [tilespmem:s22+$0x0];
	v10 =	vmov s21;
	v18 =	vadd.s32 v6, v8  }
0x1ad: {  	v21 =	vld [tilespmem:s22+$0x10];
	s28 =	simm.s32 $0x1;
	p2 =	por $0x1, $0x1;
	v13 =	vand.u32 $0x7C, v10;
	v22 =	vadd.s32 v7, v8  }
.Ltmp22:
0x1ae: {  	v12 =	vld [tilespmem:s22+$0x20];
	v8 =	vmov s28;
	v11 =	vadd.s32 v6, v13;
	(pc) =	sbr.rel @!p2 .LBB2_41-.Ltmp22, $4  }
0x1af: {  	s29 =	simm.s32 $0x2;
	v10 =	vld [tilespmem:s22+$0x30];
	v13 =	vadd.s32 v7, v13;
	v8 =	vand.u32 $0x7D, v8;
	v9 =	vmul.f32 $5.656854150e+00, v9  }
0x1b0: {  	v15 =	vld [tilespmem:s22+$0x40];
	v20 =	vmov s29;
	v14 =	vadd.s32 v6, v8;
	v23 =	vmul.f32 $5.656854150e+00, v16  }
0x1b1: {  	s30 =	simm.s32 $0x7;
	v20 =	vand.u32 $0x7E, v20;
	v16 =	vld [tilespmem:s22+$0x50];
	v19 =	vmul.f32 $5.656854150e+00, v17;
	v17 =	vadd.s32 v7, v8;
	s22 =	simm.s32 $0x7880;
	[tilespmem:v18+s11+$0x0] =	vst.idx.msk $0xffff, v9  }
0x1b2: {  	s21 =	simm.s32 $0x8;
	p1 =	por $0x1, $0x1;
	v8 =	vmov s30;
	v21 =	vmul.f32 $5.656854150e+00, v21;
	v9 =	vld [tilespmem:s22+$0x60];
	v18 =	vadd.s32 v6, v20;
	[tilespmem:v22+s11+$0x0] =	vst.idx.msk $0xffff, v23  }
.LBB2_42:
0x1b3: {  	p2 =	slt.u32 s21, $0x7C;
	v22 =	vld [tilespmem:s22+$0x70];
	v8 =	vand.u32 $0x7F, v8;
	[tilespmem:v11+s11+$0x0] =	vst.idx.msk $0xffff, v19;
	v11 =	vmul.f32 $5.656854150e+00, v12;
	v19 =	vadd.s32 v7, v20  }
0x1b4: {  	v12 =	vmov s20;
	v20 =	vld [tilespmem:s22+$0x0];
	v23 =	vadd.s32 v6, v8;
	[tilespmem:v13+s11+$0x0] =	vst.idx.msk $0xffff, v21;
	v10 =	vmul.f32 $5.656854150e+00, v10  }
0x1b5: {  	s23 =	sadd.s32 $0x1, s20;
	v13 =	vand.u32 $0x7C, v12;
	v24 =	vadd.s32 v7, v8;
	v21 =	vld [tilespmem:s22+$0x10];
	[tilespmem:v14+s11+$0x0] =	vst.idx.msk $0xffff, v11;
	v8 =	vmul.f32 $5.656854150e+00, v15  }
.Ltmp23:
0x1b6: {  	v11 =	vadd.s32 v6, v13;
	v14 =	vmov s23;
	v12 =	vld [tilespmem:s22+$0x20];
	[tilespmem:v17+s11+$0x0] =	vst.idx.msk $0xffff, v10;
	v16 =	vmul.f32 $5.656854150e+00, v16;
	(pc) =	sbr.rel @p2 .LBB2_42-.Ltmp23, $4  }
0x1b7: {  	v13 =	vadd.s32 v7, v13;
	s23 =	sadd.s32 $0x2, s20;
	s20 =	smov.u32 s21;
	v17 =	vand.u32 $0x7D, v14;
	v10 =	vld [tilespmem:s22+$0x30];
	v9 =	vmul.f32 $5.656854150e+00, v9;
	[tilespmem:v18+s11+$0x0] =	vst.idx.msk $0xffff, v8  }
0x1b8: {  	v14 =	vadd.s32 v6, v17;
	v8 =	vmov s23;
	v15 =	vld [tilespmem:s22+$0x40];
	v22 =	vmul.f32 $5.656854150e+00, v22;
	[tilespmem:v19+s11+$0x0] =	vst.idx.msk $0xffff, v16  }
0x1b9: {  	s23 =	sadd.s32 $0x3, s21;
	v17 =	vadd.s32 v7, v17;
	v19 =	vmul.f32 $5.656854150e+00, v20;
	v16 =	vld [tilespmem:s22+$0x50];
	v20 =	vand.u32 $0x7E, v8;
	[tilespmem:v23+s11+$0x0] =	vst.idx.msk $0xffff, v9;
	s22 =	sadd.s32 $0x80, s22  }
0x1ba: {  	s21 =	sadd.s32 $0x4, s21;
	v8 =	vmov s23;
	v9 =	vld [tilespmem:s22+$0x60];
	v21 =	vmul.f32 $5.656854150e+00, v21;
	v18 =	vadd.s32 v6, v20;
	[tilespmem:v24+s11+$0x0] =	vst.idx.msk $0xffff, v22  }
0x1bb: {  	s21 =	smov.u32 s20  }
.LBB2_44:
0x1bc: {  	_ =	sdelay $0x3  }
0x1bd: {  	v22 =	vld [tilespmem:s22+$0x70];
	v8 =	vand.u32 $0x7F, v8;
	[tilespmem:v11+s11+$0x0] =	vst.idx.msk @p1 $0xffff, v19;
	v11 =	vmul.f32 @p1 $5.656854150e+00, v12;
	v12 =	vadd.s32 @p1 v7, v20  }
0x1be: {  	v45 =	vmov s21;
	v46 =	vld [tilespmem:s22+$0x0];
	v10 =	vmul.f32 @p1 $5.656854150e+00, v10;
	v23 =	vadd.s32 v6, v8;
	[tilespmem:v13+s11+$0x0] =	vst.idx.msk @p1 $0xffff, v21  }
0x1bf: {  	v47 =	vld [tilespmem:s22+$0x10];
	s20 =	sadd.s32 $0x1, s21;
	v19 =	vand.u32 $0x7C, v45;
	v8 =	vadd.s32 v7, v8;
	[tilespmem:v14+s11+$0x0] =	vst.idx.msk @p1 $0xffff, v11;
	v11 =	vmul.f32 @p1 $5.656854150e+00, v15  }
0x1c0: {  	v50 =	vld [tilespmem:s22+$0x20];
	v49 =	vmov s20;
	v48 =	vadd.s32 v6, v19;
	[tilespmem:v17+s11+$0x0] =	vst.idx.msk @p1 $0xffff, v10;
	v10 =	vmul.f32 @p1 $5.656854150e+00, v16  }
0x1c1: {  	v52 =	vld [tilespmem:s22+$0x30];
	s30 =	sadd.s32 $0x2, s21;
	v51 =	vadd.s32 v7, v19;
	v15 =	vand.u32 $0x7D, v49;
	v9 =	vmul.f32 $5.656854150e+00, v9;
	[tilespmem:v18+s11+$0x0] =	vst.idx.msk @p1 $0xffff, v11  }
0x1c2: {  	v55 =	vld [tilespmem:s22+$0x40];
	v54 =	vmov s30;
	v53 =	vadd.s32 v6, v15;
	v22 =	vmul.f32 $5.656854150e+00, v22;
	[tilespmem:v12+s11+$0x0] =	vst.idx.msk @p1 $0xffff, v10  }
0x1c3: {  	v58 =	vld [tilespmem:s22+$0x50];
	v57 =	vadd.s32 v7, v15;
	v18 =	vand.u32 $0x7E, v54;
	v56 =	vmul.f32 $5.656854150e+00, v46;
	[tilespmem:v23+s11+$0x0] =	vst.idx.msk $0xffff, v9  }
0x1c4: {  	v59 =	vmul.f32 $5.656854150e+00, v47;
	v60 =	vadd.s32 v6, v18;
	[tilespmem:v8+s11+$0x0] =	vst.idx.msk $0xffff, v22  }
0x1c5: {  	v61 =	vadd.s32 v7, v18;
	[tilespmem:v48+s11+$0x0] =	vst.idx.msk $0xffff, v56;
	v8 =	vmul.f32 $5.656854150e+00, v50  }
0x1c6: {  	v62 =	vmul.f32 $5.656854150e+00, v52;
	[tilespmem:v51+s11+$0x0] =	vst.idx.msk $0xffff, v59  }
0x1c7: {  	[tilespmem:v53+s11+$0x0] =	vst.idx.msk $0xffff, v8;
	v8 =	vmul.f32 $5.656854150e+00, v55  }
0x1c8: {  	s20 =	sor.u32 $0x200, s18;
	v63 =	vmul.f32 $5.656854150e+00, v58;
	[tilespmem:v57+s11+$0x0] =	vst.idx.msk $0xffff, v62  }
0x1c9: {  	s22 =	simm.s32 $0x15D00;
	s21 =	sadd.s32 s2, s20;
	[tilespmem:v60+s11+$0x0] =	vst.idx.msk $0xffff, v8  }
0x1ca: {  	s23 =	simm.s32 $0x10;
	s24 =	simm.s32 $0x15D88;
	s25 =	sadd.s32 $0x0, s21;
	[tilespmem:v61+s11+$0x0] =	vst.idx.msk $0xffff, v63  }
.LBB2_45:
0x1cb: {  	[hbm4b:s25+s3] =	stream.linear.scatter [tilespmem:s22], [sflag:$0x4], $0x80, $0x38;
	[tilespmem:$0x1B200] =	vst v63  }
0x1cc: {  	s25 =	smov.u32 s23;
	s22 =	smov.u32 s24;
	p1 =	sne.s32 s23, $0x1F0  }
.Ltmp24:
0x1cd: {  	s23 =	sadd.s32 $0x10, s23;
	(pc) =	sbr.rel @p1 .LBB2_45-.Ltmp24, $2  }
0x1ce: {  	_ =	sdelay $0x2  }
0x1cf: {  	s24 =	sadd.s32 $0x88, s24;
	s25 =	sadd.s32 s25, s21  }
0x1d0: {  	[hbm4b:s25+s3] =	stream.linear.scatter [tilespmem:s22], [sflag:$0x4], $0x80, $0x38;
	[tilespmem:$0x1B200] =	vst v63  }
0x1d1: {  	s21 =	sadd.s32 s20, s8;
	s22 =	simm.s32 $0x17240  }
0x1d2: {  	s23 =	simm.s32 $0x10;
	s24 =	simm.s32 $0x172C8;
	s25 =	sadd.s32 $0x0, s21  }
.LBB2_47:
0x1d3: {  	[hbm4b:s25+s3] =	stream.linear.scatter [tilespmem:s22], [sflag:$0x4], $0x80, $0x38;
	[tilespmem:$0x1B200] =	vst v63  }
0x1d4: {  	s25 =	smov.u32 s23;
	s22 =	smov.u32 s24;
	p1 =	sne.s32 s23, $0x1F0  }
.Ltmp25:
0x1d5: {  	s23 =	sadd.s32 $0x10, s23;
	(pc) =	sbr.rel @p1 .LBB2_47-.Ltmp25, $2  }
0x1d6: {  	_ =	sdelay $0x2  }
0x1d7: {  	s24 =	sadd.s32 $0x88, s24;
	s25 =	sadd.s32 s25, s21  }
0x1d8: {  	[hbm4b:s25+s3] =	stream.linear.scatter [tilespmem:s22], [sflag:$0x4], $0x80, $0x38;
	[tilespmem:$0x1B200] =	vst v63  }
0x1d9: {  	s21 =	sadd.s32 s20, s9;
	s22 =	simm.s32 $0x18780  }
0x1da: {  	s23 =	simm.s32 $0x10;
	s24 =	simm.s32 $0x18808;
	s25 =	sadd.s32 $0x0, s21  }
.LBB2_49:
0x1db: {  	[hbm4b:s25+s3] =	stream.linear.scatter [tilespmem:s22], [sflag:$0x4], $0x80, $0x38;
	[tilespmem:$0x1B200] =	vst v63  }
0x1dc: {  	s25 =	smov.u32 s23;
	s22 =	smov.u32 s24;
	p1 =	sne.s32 s23, $0x1F0  }
.Ltmp26:
0x1dd: {  	s23 =	sadd.s32 $0x10, s23;
	(pc) =	sbr.rel @p1 .LBB2_49-.Ltmp26, $2  }
0x1de: {  	_ =	sdelay $0x2  }
0x1df: {  	s24 =	sadd.s32 $0x88, s24;
	s25 =	sadd.s32 s25, s21  }
0x1e0: {  	[hbm4b:s25+s3] =	stream.linear.scatter [tilespmem:s22], [sflag:$0x4], $0x80, $0x38;
	[tilespmem:$0x1B200] =	vst v63  }
0x1e1: {  	s20 =	sadd.s32 s20, s10;
	s21 =	simm.s32 $0x19CC0  }
0x1e2: {  	s22 =	simm.s32 $0x10;
	s23 =	simm.s32 $0x19D48;
	s24 =	sadd.s32 $0x0, s20  }
.LBB2_51:
0x1e3: {  	[hbm4b:s24+s3] =	stream.linear.scatter [tilespmem:s21], [sflag:$0x4], $0x80, $0x38;
	[tilespmem:$0x1B200] =	vst v63  }
0x1e4: {  	s24 =	smov.u32 s22;
	s21 =	smov.u32 s23;
	p1 =	sne.s32 s22, $0x1F0  }
.Ltmp27:
0x1e5: {  	s22 =	sadd.s32 $0x10, s22;
	(pc) =	sbr.rel @p1 .LBB2_51-.Ltmp27, $2  }
0x1e6: {  	_ =	sdelay $0x2  }
0x1e7: {  	s23 =	sadd.s32 $0x88, s23;
	s24 =	sadd.s32 s24, s20  }
0x1e8: {  	[hbm4b:s24+s3] =	stream.linear.scatter [tilespmem:s21], [sflag:$0x4], $0x80, $0x38;
	[tilespmem:$0x1B200] =	vst v63  }
0x1e9: {  	s20 =	simm.s32 @!p0 $0x5  }
0x1ea: {  	_ =	swait.ge @!p0 [sflag:s20], $0x400  }
0x1eb: {  	s21 =	simm.s32 @!p0 $0x0;
	[sflag:s20] =	ssyncset.done @!p0 $0x0  }
0x1ec: {  	s22 =	simm.s32 @!p0 $0x800;
	[sflag:s20] =	ssyncadd.s32 @!p0 $0xFFFFFC00;
	s20 =	simm.s32 @!p0 $0x80  }
0x1ed: {  	[tilespmem:s22], [sflag:$0x1] =	stream.indirect.gather @!p0 [hbm4b:s4+s20], $0x20, s21, s20, $0xb8;
	[tilespmem:$0x1B200] =	vst v63  }
0x1ee: {  	s22 =	simm.s32 @!p0 $0x1800  }
0x1ef: {  	[tilespmem:s22], [sflag:$0x1] =	stream.indirect.gather @!p0 [hbm4b:s4+s20], $0x20, s20, s20, $0xb8;
	[tilespmem:$0x1B200] =	vst v63  }
0x1f0: {  	s23 =	simm.s32 @!p0 $0x2800;
	s22 =	simm.s32 @!p0 $0x100  }
0x1f1: {  	[tilespmem:s23], [sflag:$0x1] =	stream.indirect.gather @!p0 [hbm4b:s4+s20], $0x20, s22, s20, $0xb8;
	[tilespmem:$0x1B200] =	vst v63  }
0x1f2: {  	s22 =	simm.s32 @!p0 $0x180;
	s23 =	simm.s32 @!p0 $0x3800  }
0x1f3: {  	[tilespmem:s23], [sflag:$0x1] =	stream.indirect.gather @!p0 [hbm4b:s4+s20], $0x20, s22, s20, $0xb8;
	[tilespmem:$0x1B200] =	vst v63  }
0x1f4: {  	s22 =	simm.s32 @!p0 $0x200;
	s23 =	simm.s32 @!p0 $0x4800  }
0x1f5: {  	[tilespmem:s23], [sflag:$0x1] =	stream.indirect.gather @!p0 [hbm4b:s4+s20], $0x20, s22, s20, $0xb8;
	[tilespmem:$0x1B200] =	vst v63  }
0x1f6: {  	s22 =	simm.s32 @!p0 $0x280;
	s23 =	simm.s32 @!p0 $0x5800  }
0x1f7: {  	[tilespmem:s23], [sflag:$0x1] =	stream.indirect.gather @!p0 [hbm4b:s4+s20], $0x20, s22, s20, $0xb8;
	[tilespmem:$0x1B200] =	vst v63  }
0x1f8: {  	s22 =	simm.s32 @!p0 $0x300;
	s23 =	simm.s32 @!p0 $0x6800  }
0x1f9: {  	[tilespmem:s23], [sflag:$0x1] =	stream.indirect.gather @!p0 [hbm4b:s4+s20], $0x20, s22, s20, $0xb8;
	[tilespmem:$0x1B200] =	vst v63  }
0x1fa: {  	s22 =	simm.s32 @!p0 $0x380;
	s23 =	simm.s32 @!p0 $0x7800  }
0x1fb: {  	[tilespmem:s23], [sflag:$0x1] =	stream.indirect.gather @!p0 [hbm4b:s4+s20], $0x20, s22, s20, $0xb8;
	[tilespmem:$0x1B200] =	vst v63  }
0x1fc: {  	_ =	swait.ge [sflag:s14], $0x1000  }
0x1fd: {  	[sflag:s14] =	ssyncset.done $0x0  }
0x1fe: {  	[sflag:s14] =	ssyncadd.s32 $0xFFFFF000  }
0x1ff: {  	_ =	swait.ge [sflag:s14], $0x1000  }
0x200: {  	[sflag:s14] =	ssyncset.done $0x0  }
0x201: {  	[sflag:s14] =	ssyncadd.s32 $0xFFFFF000  }
0x202: {  	_ =	swait.ge [sflag:s14], $0x1000  }
0x203: {  	[sflag:s14] =	ssyncset.done $0x0  }
0x204: {  	[sflag:s14] =	ssyncadd.s32 $0xFFFFF000  }
0x205: {  	_ =	swait.ge [sflag:s14], $0x1000  }
0x206: {  	[sflag:s14] =	ssyncset.done $0x0  }
0x207: {  	[sflag:s14] =	ssyncadd.s32 $0xFFFFF000  }
0x208: {  	_ =	swait.ge [sflag:s14], $0x1000  }
0x209: {  	[sflag:s14] =	ssyncset.done $0x0  }
0x20a: {  	[sflag:s14] =	ssyncadd.s32 $0xFFFFF000  }
0x20b: {  	_ =	swait.ge [sflag:s14], $0x1000  }
0x20c: {  	[sflag:s14] =	ssyncset.done $0x0  }
0x20d: {  	[sflag:s14] =	ssyncadd.s32 $0xFFFFF000  }
0x20e: {  	_ =	swait.ge [sflag:s14], $0x1000  }
0x20f: {  	[sflag:s14] =	ssyncset.done $0x0  }
0x210: {  	[sflag:s14] =	ssyncadd.s32 $0xFFFFF000  }
0x211: {  	_ =	swait.ge [sflag:s14], $0x1000  }
0x212: {  	[sflag:s14] =	ssyncset.done $0x0  }
0x213: {  	s19 =	sadd.s32 @!p0 s13, s19;
	s20 =	simm.s32 @!p0 $0x400;
	[sflag:s14] =	ssyncadd.s32 $0xFFFFF000  }
0x214: {  	[tilespmem:s20], [sflag:$0x6] =	stream.linear.gather @!p0 [hbm4b:s19+s21], $0x400, $0x38;
	[tilespmem:$0x1B200] =	vst v63  }
0x215: {  	_ =	swait.ge [sflag:s0], $0x1000  }
0x216: {  	[sflag:s0] =	ssyncset.done $0x0  }
0x217: {  	[sflag:s0] =	ssyncadd.s32 $0xFFFFF000  }
0x218: {  	_ =	swait.ge [sflag:s0], $0x1000  }
0x219: {  	[sflag:s0] =	ssyncset.done $0x0  }
0x21a: {  	[sflag:s0] =	ssyncadd.s32 $0xFFFFF000  }
0x21b: {  	_ =	swait.ge [sflag:s0], $0x1000  }
0x21c: {  	[sflag:s0] =	ssyncset.done $0x0  }
0x21d: {  	[sflag:s0] =	ssyncadd.s32 $0xFFFFF000  }
0x21e: {  	_ =	swait.ge [sflag:s0], $0x1000  }
0x21f: {  	[sflag:s0] =	ssyncset.done $0x0  }
0x220: {  	s24 =	simm.s32 $0x3;
	s23 =	simm.s32 $0x8840;
	[sflag:s0] =	ssyncadd.s32 $0xFFFFF000  }
0x221: {  	v8 =	vmov s24;
	v11 =	vld [tilespmem:s23+$0x20]  }
0x222: {  	s25 =	simm.s32 $0x0;
	v8 =	vand.u32 $0x7F, v8;
	v18 =	vld [tilespmem:s23+$0x30]  }
0x223: {  	v9 =	vmov s25;
	v20 =	vadd.s32 v0, v8;
	v19 =	vld [tilespmem:s23+$0xFFFFFFC0]  }
0x224: {  	s26 =	simm.s32 $0x1;
	v9 =	vand.u32 $0x7C, v9;
	v26 =	vadd.s32 v1, v8;
	v21 =	vld [tilespmem:s23+$0xFFFFFFD0]  }
0x225: {  	v10 =	vmov s26;
	v14 =	vadd.s32 v0, v9;
	v16 =	vld [tilespmem:s23+$0xFFFFFFE0]  }
0x226: {  	s29 =	sor.u32 $0x400, s18;
	s30 =	simm.s32 $0x2;
	v10 =	vand.u32 $0x7D, v10;
	v12 =	vadd.s32 v1, v9;
	v13 =	vld [tilespmem:s23+$0xFFFFFFF0];
	v24 =	vmul.f32 $5.656854150e+00, v11  }
0x227: {  	s28 =	simm.s32 $0x8;
	s24 =	simm.s32 $0x7;
	s25 =	simm.s32 $0x88C0;
	v15 =	vadd.s32 v0, v10;
	v17 =	vld [tilespmem:s23+$0x0];
	v11 =	vmov s30;
	v27 =	vmul.f32 $5.656854150e+00, v18  }
0x228: {  	s26 =	simm.s32 $0x4;
	s22 =	sadd.s32 s2, s29;
	s21 =	sadd.s32 s29, s8;
	v22 =	vmul.f32 $5.656854150e+00, v19;
	v18 =	vadd.s32 v1, v10;
	v19 =	vld [tilespmem:s23+$0x10];
	v23 =	vand.u32 $0x7E, v11;
	[tilespmem:v20+s7+$0x0] =	vst.idx.msk $0xffff, v24  }
0x229: {  	v25 =	vmov s24;
	s20 =	sadd.s32 s29, s9;
	s19 =	sadd.s32 s29, s10;
	s23 =	simm.s32 $0x4;
	v20 =	vld [tilespmem:s25+$0x20];
	v24 =	vmul.f32 $5.656854150e+00, v21;
	v21 =	vadd.s32 v0, v23;
	[tilespmem:v26+s7+$0x0] =	vst.idx.msk $0xffff, v27  }
.LBB2_53:
0x22a: {  	p0 =	slt.u32 s28, $0x7C;
	v26 =	vld [tilespmem:s25+$0x30];
	v25 =	vand.u32 $0x7F, v25;
	[tilespmem:v14+s7+$0x0] =	vst.idx.msk $0xffff, v22;
	v14 =	vmul.f32 $5.656854150e+00, v16;
	v22 =	vadd.s32 v1, v23  }
0x22b: {  	v16 =	vmov s26;
	v23 =	vld [tilespmem:s25+$0xFFFFFFC0];
	v27 =	vadd.s32 v0, v25;
	[tilespmem:v12+s7+$0x0] =	vst.idx.msk $0xffff, v24;
	v12 =	vmul.f32 $5.656854150e+00, v13  }
0x22c: {  	s29 =	sadd.s32 $0x1, s26;
	v13 =	vand.u32 $0x7C, v16;
	v28 =	vadd.s32 v1, v25;
	v24 =	vld [tilespmem:s25+$0xFFFFFFD0];
	[tilespmem:v15+s7+$0x0] =	vst.idx.msk $0xffff, v14;
	v15 =	vmul.f32 $5.656854150e+00, v17  }
.Ltmp28:
0x22d: {  	v14 =	vadd.s32 v0, v13;
	v17 =	vmov s29;
	v16 =	vld [tilespmem:s25+$0xFFFFFFE0];
	[tilespmem:v18+s7+$0x0] =	vst.idx.msk $0xffff, v12;
	v18 =	vmul.f32 $5.656854150e+00, v19;
	(pc) =	sbr.rel @p0 .LBB2_53-.Ltmp28, $4  }
0x22e: {  	s29 =	sadd.s32 $0x2, s26;
	s26 =	smov.u32 s28;
	v12 =	vadd.s32 v1, v13;
	v19 =	vand.u32 $0x7D, v17;
	v13 =	vld [tilespmem:s25+$0xFFFFFFF0];
	v20 =	vmul.f32 $5.656854150e+00, v20;
	[tilespmem:v21+s7+$0x0] =	vst.idx.msk $0xffff, v15  }
0x22f: {  	v15 =	vadd.s32 v0, v19;
	v21 =	vmov s29;
	v17 =	vld [tilespmem:s25+$0x0];
	v26 =	vmul.f32 $5.656854150e+00, v26;
	[tilespmem:v22+s7+$0x0] =	vst.idx.msk $0xffff, v18  }
0x230: {  	s29 =	sadd.s32 $0x3, s28;
	v18 =	vadd.s32 v1, v19;
	v22 =	vmul.f32 $5.656854150e+00, v23;
	v19 =	vld [tilespmem:s25+$0x10];
	v23 =	vand.u32 $0x7E, v21;
	[tilespmem:v27+s7+$0x0] =	vst.idx.msk $0xffff, v20;
	s25 =	sadd.s32 $0x80, s25  }
0x231: {  	s28 =	sadd.s32 $0x4, s28;
	v25 =	vmov s29;
	v20 =	vld [tilespmem:s25+$0x20];
	v24 =	vmul.f32 $5.656854150e+00, v24;
	v21 =	vadd.s32 v0, v23;
	[tilespmem:v28+s7+$0x0] =	vst.idx.msk $0xffff, v26  }
0x232: {  	_ =	sdelay $0x3  }
0x233: {  	v26 =	vld [tilespmem:s25+$0x30];
	v25 =	vand.u32 $0x7F, v25;
	[tilespmem:v14+s7+$0x0] =	vst.idx.msk $0xffff, v22;
	v14 =	vmul.f32 $5.656854150e+00, v16;
	v16 =	vadd.s32 v1, v23  }
0x234: {  	v22 =	vmov s26;
	v23 =	vld [tilespmem:s25+$0xFFFFFFC0];
	v27 =	vadd.s32 v0, v25;
	[tilespmem:v12+s7+$0x0] =	vst.idx.msk $0xffff, v24;
	v12 =	vmul.f32 $5.656854150e+00, v13  }
0x235: {  	s28 =	sadd.s32 $0x1, s26;
	v13 =	vld [tilespmem:s25+$0xFFFFFFD0];
	v22 =	vand.u32 $0x7C, v22;
	v61 =	vadd.s32 v1, v25;
	[tilespmem:v15+s7+$0x0] =	vst.idx.msk $0xffff, v14;
	v14 =	vmul.f32 $5.656854150e+00, v17  }
0x236: {  	v62 =	vld [tilespmem:s25+$0xFFFFFFE0];
	v15 =	vadd.s32 v0, v22;
	v17 =	vmov s28;
	[tilespmem:v18+s7+$0x0] =	vst.idx.msk $0xffff, v12;
	v12 =	vmul.f32 $5.656854150e+00, v19  }
0x237: {  	s29 =	sadd.s32 $0x2, s26;
	v18 =	vadd.s32 v1, v22;
	v19 =	vld [tilespmem:s25+$0xFFFFFFF0];
	v17 =	vand.u32 $0x7D, v17;
	v20 =	vmul.f32 $5.656854150e+00, v20;
	[tilespmem:v21+s7+$0x0] =	vst.idx.msk $0xffff, v14  }
0x238: {  	v22 =	vld [tilespmem:s25+$0x0];
	v14 =	vadd.s32 v0, v17;
	v21 =	vmov s29;
	v26 =	vmul.f32 $5.656854150e+00, v26;
	[tilespmem:v16+s7+$0x0] =	vst.idx.msk $0xffff, v12  }
0x239: {  	v12 =	vmul.f32 $5.656854150e+00, v23;
	v16 =	vadd.s32 v1, v17;
	v17 =	vld [tilespmem:s25+$0x10];
	v21 =	vand.u32 $0x7E, v21;
	[tilespmem:v27+s7+$0x0] =	vst.idx.msk $0xffff, v20  }
0x23a: {  	v13 =	vmul.f32 $5.656854150e+00, v13;
	v20 =	vadd.s32 v0, v21;
	[tilespmem:v61+s7+$0x0] =	vst.idx.msk $0xffff, v26  }
0x23b: {  	[tilespmem:v15+s7+$0x0] =	vst.idx.msk $0xffff, v12;
	v12 =	vmul.f32 $5.656854150e+00, v62;
	v15 =	vadd.s32 v1, v21  }
0x23c: {  	[tilespmem:v18+s7+$0x0] =	vst.idx.msk $0xffff, v13;
	v13 =	vmul.f32 $5.656854150e+00, v19  }
0x23d: {  	[tilespmem:v14+s7+$0x0] =	vst.idx.msk $0xffff, v12;
	v12 =	vmul.f32 $5.656854150e+00, v22  }
0x23e: {  	[tilespmem:v16+s7+$0x0] =	vst.idx.msk $0xffff, v13;
	v13 =	vmul.f32 $5.656854150e+00, v17  }
0x23f: {  	[tilespmem:v20+s7+$0x0] =	vst.idx.msk $0xffff, v12  }
0x240: {  	s30 =	simm.s32 $0x9870;
	[tilespmem:v15+s7+$0x0] =	vst.idx.msk $0xffff, v13  }
0x241: {  	v13 =	vld [tilespmem:s30+$0xFFFFFFF0]  }
0x242: {  	v15 =	vld [tilespmem:s30+$0x0]  }
0x243: {  	v20 =	vadd.s32 v2, v8;
	v18 =	vld [tilespmem:s30+$0xFFFFFF90]  }
0x244: {  	v23 =	vadd.s32 v3, v8;
	v22 =	vld [tilespmem:s30+$0xFFFFFFA0]  }
0x245: {  	v17 =	vadd.s32 v2, v9;
	v16 =	vld [tilespmem:s30+$0xFFFFFFB0]  }
0x246: {  	v14 =	vadd.s32 v3, v9;
	v12 =	vld [tilespmem:s30+$0xFFFFFFC0];
	v21 =	vmul.f32 $5.656854150e+00, v13  }
0x247: {  	v8 =	vadd.s32 v2, v10;
	v9 =	vld [tilespmem:s30+$0xFFFFFFD0];
	v63 =	vmul.f32 $5.656854150e+00, v15  }
0x248: {  	s25 =	simm.s32 $0x98F0;
	v19 =	vand.u32 $0x7E, v11;
	v10 =	vadd.s32 v3, v10;
	v18 =	vmul.f32 $5.656854150e+00, v18;
	v13 =	vld [tilespmem:s30+$0xFFFFFFE0];
	[tilespmem:v20+s7+$0x0] =	vst.idx.msk $0xffff, v21  }
0x249: {  	v11 =	vld [tilespmem:s25+$0xFFFFFFF0];
	v15 =	vadd.s32 v2, v19;
	v21 =	vmov s24;
	s24 =	simm.s32 $0x8;
	v20 =	vmul.f32 $5.656854150e+00, v22;
	[tilespmem:v23+s7+$0x0] =	vst.idx.msk $0xffff, v63  }
.LBB2_55:
0x24a: {  	p0 =	slt.u32 s24, $0x7C;
	v22 =	vld [tilespmem:s25+$0x0];
	v21 =	vand.u32 $0x7F, v21;
	[tilespmem:v17+s7+$0x0] =	vst.idx.msk $0xffff, v18;
	v16 =	vmul.f32 $5.656854150e+00, v16;
	v18 =	vadd.s32 v3, v19  }
0x24b: {  	v17 =	vmov s23;
	v19 =	vld [tilespmem:s25+$0xFFFFFF90];
	v23 =	vadd.s32 v2, v21;
	[tilespmem:v14+s7+$0x0] =	vst.idx.msk $0xffff, v20;
	v12 =	vmul.f32 $5.656854150e+00, v12  }
0x24c: {  	s26 =	sadd.s32 $0x1, s23;
	v14 =	vand.u32 $0x7C, v17;
	v24 =	vadd.s32 v3, v21;
	v20 =	vld [tilespmem:s25+$0xFFFFFFA0];
	[tilespmem:v8+s7+$0x0] =	vst.idx.msk $0xffff, v16;
	v8 =	vmul.f32 $5.656854150e+00, v9  }
.Ltmp29:
0x24d: {  	v17 =	vadd.s32 v2, v14;
	v9 =	vmov s26;
	v16 =	vld [tilespmem:s25+$0xFFFFFFB0];
	[tilespmem:v10+s7+$0x0] =	vst.idx.msk $0xffff, v12;
	v10 =	vmul.f32 $5.656854150e+00, v13;
	(pc) =	sbr.rel @p0 .LBB2_55-.Ltmp29, $4  }
0x24e: {  	v14 =	vadd.s32 v3, v14;
	s26 =	sadd.s32 $0x2, s23;
	s23 =	smov.u32 s24;
	v13 =	vand.u32 $0x7D, v9;
	v12 =	vld [tilespmem:s25+$0xFFFFFFC0];
	v11 =	vmul.f32 $5.656854150e+00, v11;
	[tilespmem:v15+s7+$0x0] =	vst.idx.msk $0xffff, v8  }
0x24f: {  	v8 =	vadd.s32 v2, v13;
	v15 =	vmov s26;
	v9 =	vld [tilespmem:s25+$0xFFFFFFD0];
	v22 =	vmul.f32 $5.656854150e+00, v22;
	[tilespmem:v18+s7+$0x0] =	vst.idx.msk $0xffff, v10  }
0x250: {  	s26 =	sadd.s32 $0x3, s24;
	v10 =	vadd.s32 v3, v13;
	v18 =	vmul.f32 $5.656854150e+00, v19;
	v13 =	vld [tilespmem:s25+$0xFFFFFFE0];
	v19 =	vand.u32 $0x7E, v15;
	[tilespmem:v23+s7+$0x0] =	vst.idx.msk $0xffff, v11;
	s25 =	sadd.s32 $0x80, s25  }
0x251: {  	s24 =	sadd.s32 $0x4, s24;
	v21 =	vmov s26;
	v11 =	vld [tilespmem:s25+$0xFFFFFFF0];
	v20 =	vmul.f32 $5.656854150e+00, v20;
	v15 =	vadd.s32 v2, v19;
	[tilespmem:v24+s7+$0x0] =	vst.idx.msk $0xffff, v22  }
0x252: {  	_ =	sdelay $0x3  }
0x253: {  	v22 =	vld [tilespmem:s25+$0x0];
	v21 =	vand.u32 $0x7F, v21;
	[tilespmem:v17+s7+$0x0] =	vst.idx.msk $0xffff, v18;
	v16 =	vmul.f32 $5.656854150e+00, v16;
	v56 =	vadd.s32 v3, v19  }
0x254: {  	v18 =	vmov s23;
	v19 =	vld [tilespmem:s25+$0xFFFFFF90];
	v23 =	vadd.s32 v2, v21;
	[tilespmem:v14+s7+$0x0] =	vst.idx.msk $0xffff, v20;
	v12 =	vmul.f32 $5.656854150e+00, v12  }
0x255: {  	v57 =	vld [tilespmem:s25+$0xFFFFFFA0];
	s24 =	sadd.s32 $0x1, s23;
	v18 =	vand.u32 $0x7C, v18;
	v20 =	vadd.s32 v3, v21;
	[tilespmem:v8+s7+$0x0] =	vst.idx.msk $0xffff, v16;
	v8 =	vmul.f32 $5.656854150e+00, v9  }
0x256: {  	v58 =	vmov s24;
	v21 =	vld [tilespmem:s25+$0xFFFFFFB0];
	v9 =	vadd.s32 v2, v18;
	[tilespmem:v10+s7+$0x0] =	vst.idx.msk $0xffff, v12;
	v10 =	vmul.f32 $5.656854150e+00, v13  }
0x257: {  	v60 =	vld [tilespmem:s25+$0xFFFFFFC0];
	s30 =	sadd.s32 $0x2, s23;
	v59 =	vadd.s32 v3, v18;
	v16 =	vand.u32 $0x7D, v58;
	v11 =	vmul.f32 $5.656854150e+00, v11;
	[tilespmem:v15+s7+$0x0] =	vst.idx.msk $0xffff, v8  }
0x258: {  	v61 =	vmov s30;
	v18 =	vld [tilespmem:s25+$0xFFFFFFD0];
	v8 =	vadd.s32 v2, v16;
	v22 =	vmul.f32 $5.656854150e+00, v22;
	[tilespmem:v56+s7+$0x0] =	vst.idx.msk $0xffff, v10  }
0x259: {  	v62 =	vld [tilespmem:s25+$0xFFFFFFE0];
	v16 =	vadd.s32 v3, v16;
	v15 =	vand.u32 $0x7E, v61;
	v10 =	vmul.f32 $5.656854150e+00, v19;
	[tilespmem:v23+s7+$0x0] =	vst.idx.msk $0xffff, v11  }
0x25a: {  	v63 =	vadd.s32 v2, v15;
	v11 =	vmul.f32 $5.656854150e+00, v57;
	[tilespmem:v20+s7+$0x0] =	vst.idx.msk $0xffff, v22  }
0x25b: {  	[tilespmem:v9+s7+$0x0] =	vst.idx.msk $0xffff, v10;
	v9 =	vmul.f32 $5.656854150e+00, v21;
	v10 =	vadd.s32 v3, v15  }
0x25c: {  	p0 =	por $0x1, $0x1;
	[tilespmem:v59+s7+$0x0] =	vst.idx.msk $0xffff, v11;
	v11 =	vmul.f32 $5.656854150e+00, v60  }
.Ltmp30:
0x25d: {  	[tilespmem:v8+s7+$0x0] =	vst.idx.msk $0xffff, v9;
	v8 =	vmul.f32 $5.656854150e+00, v18;
	(pc) =	sbr.rel @!p0 .LBB2_57-.Ltmp30, $4  }
0x25e: {  	v9 =	vmul.f32 $5.656854150e+00, v62;
	[tilespmem:v16+s7+$0x0] =	vst.idx.msk $0xffff, v11  }
0x25f: {  	[tilespmem:v63+s7+$0x0] =	vst.idx.msk $0xffff, v8  }
0x260: {  	s26 =	simm.s32 $0xA870;
	s25 =	simm.s32 $0x3;
	[tilespmem:v10+s7+$0x0] =	vst.idx.msk $0xffff, v9  }
0x261: {  	s23 =	simm.s32 $0x4;
	p1 =	por $0x0, $0x0;
	s24 =	simm.s32 $0x0;
	v20 =	vmov s25;
	v8 =	vld [tilespmem:s26+$0xFFFFFFF0]  }
0x262: {  	v15 =	vld [tilespmem:s26+$0x0];
	v9 =	vand.u32 $0x7F, v20  }
0x263: {  	v16 =	vld [tilespmem:s26+$0xFFFFFF90];
	v10 =	vmov s24;
	v17 =	vadd.s32 v4, v9  }
0x264: {  	v21 =	vld [tilespmem:s26+$0xFFFFFFA0];
	s28 =	simm.s32 $0x1;
	p2 =	por $0x1, $0x1;
	v12 =	vand.u32 $0x7C, v10;
	v22 =	vadd.s32 v5, v9  }
.Ltmp31:
0x265: {  	v10 =	vld [tilespmem:s26+$0xFFFFFFB0];
	v13 =	vmov s28;
	v9 =	vadd.s32 v4, v12;
	(pc) =	sbr.rel @!p2 .LBB2_59-.Ltmp31, $4  }
0x266: {  	v11 =	vld [tilespmem:s26+$0xFFFFFFC0];
	s28 =	simm.s32 $0x2;
	v12 =	vadd.s32 v5, v12;
	v19 =	vand.u32 $0x7D, v13;
	v8 =	vmul.f32 $5.656854150e+00, v8  }
0x267: {  	v14 =	vld [tilespmem:s26+$0xFFFFFFD0];
	v20 =	vmov s28;
	v13 =	vadd.s32 v4, v19;
	v23 =	vmul.f32 $5.656854150e+00, v15  }
0x268: {  	s28 =	simm.s32 $0x7;
	v15 =	vld [tilespmem:s26+$0xFFFFFFE0];
	v18 =	vmul.f32 $5.656854150e+00, v16;
	v16 =	vadd.s32 v5, v19;
	v19 =	vand.u32 $0x7E, v20;
	s26 =	simm.s32 $0xA8F0;
	[tilespmem:v17+s7+$0x0] =	vst.idx.msk $0xffff, v8  }
0x269: {  	s29 =	simm.s32 $0x8;
	p1 =	por $0x1, $0x1;
	v20 =	vmov s28;
	v21 =	vmul.f32 $5.656854150e+00, v21;
	s28 =	simm.s32 $0x4;
	v8 =	vld [tilespmem:s26+$0xFFFFFFF0];
	v17 =	vadd.s32 v4, v19;
	[tilespmem:v22+s7+$0x0] =	vst.idx.msk $0xffff, v23  }
.LBB2_60:
0x26a: {  	p2 =	slt.u32 s29, $0x7C;
	v22 =	vld [tilespmem:s26+$0x0];
	v20 =	vand.u32 $0x7F, v20;
	[tilespmem:v9+s7+$0x0] =	vst.idx.msk $0xffff, v18;
	v9 =	vmul.f32 $5.656854150e+00, v10;
	v18 =	vadd.s32 v5, v19  }
0x26b: {  	v10 =	vmov s28;
	v19 =	vld [tilespmem:s26+$0xFFFFFF90];
	v23 =	vadd.s32 v4, v20;
	[tilespmem:v12+s7+$0x0] =	vst.idx.msk $0xffff, v21;
	v11 =	vmul.f32 $5.656854150e+00, v11  }
0x26c: {  	s30 =	sadd.s32 $0x1, s28;
	v12 =	vand.u32 $0x7C, v10;
	v24 =	vadd.s32 v5, v20;
	v21 =	vld [tilespmem:s26+$0xFFFFFFA0];
	[tilespmem:v13+s7+$0x0] =	vst.idx.msk $0xffff, v9;
	v13 =	vmul.f32 $5.656854150e+00, v14  }
.Ltmp32:
0x26d: {  	v9 =	vadd.s32 v4, v12;
	v14 =	vmov s30;
	v10 =	vld [tilespmem:s26+$0xFFFFFFB0];
	[tilespmem:v16+s7+$0x0] =	vst.idx.msk $0xffff, v11;
	v15 =	vmul.f32 $5.656854150e+00, v15;
	(pc) =	sbr.rel @p2 .LBB2_60-.Ltmp32, $4  }
0x26e: {  	v12 =	vadd.s32 v5, v12;
	s30 =	sadd.s32 $0x2, s28;
	s28 =	smov.u32 s29;
	v16 =	vand.u32 $0x7D, v14;
	v11 =	vld [tilespmem:s26+$0xFFFFFFC0];
	v8 =	vmul.f32 $5.656854150e+00, v8;
	[tilespmem:v17+s7+$0x0] =	vst.idx.msk $0xffff, v13  }
0x26f: {  	v13 =	vadd.s32 v4, v16;
	v17 =	vmov s30;
	v14 =	vld [tilespmem:s26+$0xFFFFFFD0];
	v22 =	vmul.f32 $5.656854150e+00, v22;
	[tilespmem:v18+s7+$0x0] =	vst.idx.msk $0xffff, v15  }
0x270: {  	s30 =	sadd.s32 $0x3, s29;
	v16 =	vadd.s32 v5, v16;
	v18 =	vmul.f32 $5.656854150e+00, v19;
	v15 =	vld [tilespmem:s26+$0xFFFFFFE0];
	v19 =	vand.u32 $0x7E, v17;
	[tilespmem:v23+s7+$0x0] =	vst.idx.msk $0xffff, v8;
	s26 =	sadd.s32 $0x80, s26  }
0x271: {  	s29 =	sadd.s32 $0x4, s29;
	v20 =	vmov s30;
	v8 =	vld [tilespmem:s26+$0xFFFFFFF0];
	v21 =	vmul.f32 $5.656854150e+00, v21;
	v17 =	vadd.s32 v4, v19;
	[tilespmem:v24+s7+$0x0] =	vst.idx.msk $0xffff, v22  }
.LBB2_61:
0x272: {  	_ =	sdelay $0x3  }
0x273: {  	v22 =	vld [tilespmem:s26+$0x0];
	v20 =	vand.u32 $0x7F, v20;
	[tilespmem:v9+s7+$0x0] =	vst.idx.msk @p1 $0xffff, v18;
	v9 =	vmul.f32 @p1 $5.656854150e+00, v10;
	v10 =	vadd.s32 @p1 v5, v19  }
0x274: {  	v18 =	vmov s28;
	v19 =	vld [tilespmem:s26+$0xFFFFFF90];
	v23 =	vadd.s32 v4, v20;
	[tilespmem:v12+s7+$0x0] =	vst.idx.msk @p1 $0xffff, v21;
	v11 =	vmul.f32 @p1 $5.656854150e+00, v11  }
0x275: {  	v55 =	vld [tilespmem:s26+$0xFFFFFFA0];
	s29 =	sadd.s32 $0x1, s28;
	v18 =	vand.u32 $0x7C, v18;
	v20 =	vadd.s32 v5, v20;
	[tilespmem:v13+s7+$0x0] =	vst.idx.msk @p1 $0xffff, v9;
	v9 =	vmul.f32 @p1 $5.656854150e+00, v14  }
0x276: {  	v57 =	vmov s29;
	v21 =	vld [tilespmem:s26+$0xFFFFFFB0];
	v56 =	vadd.s32 v4, v18;
	[tilespmem:v16+s7+$0x0] =	vst.idx.msk @p1 $0xffff, v11;
	v11 =	vmul.f32 @p1 $5.656854150e+00, v15  }
0x277: {  	v59 =	vld [tilespmem:s26+$0xFFFFFFC0];
	s30 =	sadd.s32 $0x2, s28;
	v58 =	vadd.s32 v5, v18;
	v14 =	vand.u32 $0x7D, v57;
	v8 =	vmul.f32 $5.656854150e+00, v8;
	[tilespmem:v17+s7+$0x0] =	vst.idx.msk @p1 $0xffff, v9  }
0x278: {  	v60 =	vmov s30;
	v18 =	vld [tilespmem:s26+$0xFFFFFFD0];
	v9 =	vadd.s32 v4, v14;
	v22 =	vmul.f32 $5.656854150e+00, v22;
	[tilespmem:v10+s7+$0x0] =	vst.idx.msk @p1 $0xffff, v11  }
0x279: {  	v61 =	vld [tilespmem:s26+$0xFFFFFFE0];
	v17 =	vand.u32 $0x7E, v60;
	v10 =	vmul.f32 $5.656854150e+00, v19;
	v11 =	vadd.s32 v5, v14;
	[tilespmem:v23+s7+$0x0] =	vst.idx.msk $0xffff, v8  }
0x27a: {  	v62 =	vadd.s32 v4, v17;
	v8 =	vmul.f32 $5.656854150e+00, v55;
	[tilespmem:v20+s7+$0x0] =	vst.idx.msk $0xffff, v22  }
0x27b: {  	v63 =	vadd.s32 v5, v17;
	[tilespmem:v56+s7+$0x0] =	vst.idx.msk $0xffff, v10;
	v10 =	vmul.f32 $5.656854150e+00, v21  }
0x27c: {  	[tilespmem:v58+s7+$0x0] =	vst.idx.msk $0xffff, v8;
	v8 =	vmul.f32 $5.656854150e+00, v59  }
.Ltmp33:
0x27d: {  	[tilespmem:v9+s7+$0x0] =	vst.idx.msk $0xffff, v10;
	v9 =	vmul.f32 $5.656854150e+00, v18;
	(pc) =	sbr.rel @!p0 .LBB2_62-.Ltmp33, $4  }
0x27e: {  	[tilespmem:v11+s7+$0x0] =	vst.idx.msk $0xffff, v8;
	v8 =	vmul.f32 $5.656854150e+00, v61  }
0x27f: {  	[tilespmem:v62+s7+$0x0] =	vst.idx.msk $0xffff, v9  }
0x280: {  	s26 =	simm.s32 $0xB870;
	[tilespmem:v63+s7+$0x0] =	vst.idx.msk $0xffff, v8  }
0x281: {  	p1 =	por $0x0, $0x0;
	v20 =	vmov s25;
	v8 =	vld [tilespmem:s26+$0xFFFFFFF0]  }
0x282: {  	v15 =	vld [tilespmem:s26+$0x0];
	v9 =	vand.u32 $0x7F, v20  }
0x283: {  	v16 =	vld [tilespmem:s26+$0xFFFFFF90];
	v10 =	vmov s24;
	v17 =	vadd.s32 v6, v9  }
0x284: {  	v21 =	vld [tilespmem:s26+$0xFFFFFFA0];
	s28 =	simm.s32 $0x1;
	p0 =	por $0x1, $0x1;
	v12 =	vand.u32 $0x7C, v10;
	v22 =	vadd.s32 v7, v9  }
.Ltmp34:
0x285: {  	v11 =	vld [tilespmem:s26+$0xFFFFFFB0];
	v13 =	vmov s28;
	v10 =	vadd.s32 v6, v12;
	(pc) =	sbr.rel @!p0 .LBB2_64-.Ltmp34, $4  }
0x286: {  	s29 =	simm.s32 $0x2;
	v9 =	vld [tilespmem:s26+$0xFFFFFFC0];
	v12 =	vadd.s32 v7, v12;
	v19 =	vand.u32 $0x7D, v13;
	v8 =	vmul.f32 $5.656854150e+00, v8  }
0x287: {  	v14 =	vld [tilespmem:s26+$0xFFFFFFD0];
	v20 =	vmov s29;
	v13 =	vadd.s32 v6, v19;
	v23 =	vmul.f32 $5.656854150e+00, v15  }
0x288: {  	s30 =	simm.s32 $0x7;
	v15 =	vld [tilespmem:s26+$0xFFFFFFE0];
	v18 =	vmul.f32 $5.656854150e+00, v16;
	v16 =	vadd.s32 v7, v19;
	v19 =	vand.u32 $0x7E, v20;
	s26 =	simm.s32 $0xB8F0;
	[tilespmem:v17+s7+$0x0] =	vst.idx.msk $0xffff, v8  }
0x289: {  	s24 =	simm.s32 $0x8;
	p1 =	por $0x1, $0x1;
	v20 =	vmov s30;
	v21 =	vmul.f32 $5.656854150e+00, v21;
	v8 =	vld [tilespmem:s26+$0xFFFFFFF0];
	v17 =	vadd.s32 v6, v19;
	[tilespmem:v22+s7+$0x0] =	vst.idx.msk $0xffff, v23  }
.LBB2_65:
0x28a: {  	p0 =	slt.u32 s24, $0x7C;
	v22 =	vld [tilespmem:s26+$0x0];
	v20 =	vand.u32 $0x7F, v20;
	[tilespmem:v10+s7+$0x0] =	vst.idx.msk $0xffff, v18;
	v10 =	vmul.f32 $5.656854150e+00, v11;
	v18 =	vadd.s32 v7, v19  }
0x28b: {  	v11 =	vmov s23;
	v19 =	vld [tilespmem:s26+$0xFFFFFF90];
	v23 =	vadd.s32 v6, v20;
	[tilespmem:v12+s7+$0x0] =	vst.idx.msk $0xffff, v21;
	v9 =	vmul.f32 $5.656854150e+00, v9  }
0x28c: {  	s25 =	sadd.s32 $0x1, s23;
	v12 =	vand.u32 $0x7C, v11;
	v24 =	vadd.s32 v7, v20;
	v21 =	vld [tilespmem:s26+$0xFFFFFFA0];
	[tilespmem:v13+s7+$0x0] =	vst.idx.msk $0xffff, v10;
	v13 =	vmul.f32 $5.656854150e+00, v14  }
.Ltmp35:
0x28d: {  	v10 =	vadd.s32 v6, v12;
	v14 =	vmov s25;
	v11 =	vld [tilespmem:s26+$0xFFFFFFB0];
	[tilespmem:v16+s7+$0x0] =	vst.idx.msk $0xffff, v9;
	v15 =	vmul.f32 $5.656854150e+00, v15;
	(pc) =	sbr.rel @p0 .LBB2_65-.Ltmp35, $4  }
0x28e: {  	v12 =	vadd.s32 v7, v12;
	s25 =	sadd.s32 $0x2, s23;
	s23 =	smov.u32 s24;
	v16 =	vand.u32 $0x7D, v14;
	v9 =	vld [tilespmem:s26+$0xFFFFFFC0];
	v8 =	vmul.f32 $5.656854150e+00, v8;
	[tilespmem:v17+s7+$0x0] =	vst.idx.msk $0xffff, v13  }
0x28f: {  	v13 =	vadd.s32 v6, v16;
	v17 =	vmov s25;
	v14 =	vld [tilespmem:s26+$0xFFFFFFD0];
	v22 =	vmul.f32 $5.656854150e+00, v22;
	[tilespmem:v18+s7+$0x0] =	vst.idx.msk $0xffff, v15  }
0x290: {  	s25 =	sadd.s32 $0x3, s24;
	v16 =	vadd.s32 v7, v16;
	v18 =	vmul.f32 $5.656854150e+00, v19;
	v15 =	vld [tilespmem:s26+$0xFFFFFFE0];
	v19 =	vand.u32 $0x7E, v17;
	[tilespmem:v23+s7+$0x0] =	vst.idx.msk $0xffff, v8;
	s26 =	sadd.s32 $0x80, s26  }
0x291: {  	s24 =	sadd.s32 $0x4, s24;
	v20 =	vmov s25;
	v8 =	vld [tilespmem:s26+$0xFFFFFFF0];
	v21 =	vmul.f32 $5.656854150e+00, v21;
	v17 =	vadd.s32 v6, v19;
	[tilespmem:v24+s7+$0x0] =	vst.idx.msk $0xffff, v22  }
0x292: {  	s24 =	smov.u32 s23  }
.LBB2_67:
0x293: {  	_ =	sdelay $0x3  }
0x294: {  	v22 =	vld [tilespmem:s26+$0x0];
	v20 =	vand.u32 $0x7F, v20;
	[tilespmem:v10+s7+$0x0] =	vst.idx.msk @p1 $0xffff, v18;
	v10 =	vmul.f32 @p1 $5.656854150e+00, v11;
	v11 =	vadd.s32 @p1 v7, v19  }
0x295: {  	v46 =	vmov s24;
	v47 =	vld [tilespmem:s26+$0xFFFFFF90];
	v9 =	vmul.f32 @p1 $5.656854150e+00, v9;
	v23 =	vadd.s32 v6, v20;
	[tilespmem:v12+s7+$0x0] =	vst.idx.msk @p1 $0xffff, v21  }
0x296: {  	v48 =	vld [tilespmem:s26+$0xFFFFFFA0];
	s23 =	sadd.s32 $0x1, s24;
	v18 =	vand.u32 $0x7C, v46;
	v20 =	vadd.s32 v7, v20;
	[tilespmem:v13+s7+$0x0] =	vst.idx.msk @p1 $0xffff, v10;
	v10 =	vmul.f32 @p1 $5.656854150e+00, v14  }
0x297: {  	v51 =	vld [tilespmem:s26+$0xFFFFFFB0];
	v50 =	vmov s23;
	v49 =	vadd.s32 v6, v18;
	[tilespmem:v16+s7+$0x0] =	vst.idx.msk @p1 $0xffff, v9;
	v9 =	vmul.f32 @p1 $5.656854150e+00, v15  }
0x298: {  	v53 =	vld [tilespmem:s26+$0xFFFFFFC0];
	s30 =	sadd.s32 $0x2, s24;
	v52 =	vadd.s32 v7, v18;
	v14 =	vand.u32 $0x7D, v50;
	v8 =	vmul.f32 $5.656854150e+00, v8;
	[tilespmem:v17+s7+$0x0] =	vst.idx.msk @p1 $0xffff, v10  }
0x299: {  	v56 =	vld [tilespmem:s26+$0xFFFFFFD0];
	v55 =	vmov s30;
	v54 =	vadd.s32 v6, v14;
	v22 =	vmul.f32 $5.656854150e+00, v22;
	[tilespmem:v11+s7+$0x0] =	vst.idx.msk @p1 $0xffff, v9  }
0x29a: {  	v59 =	vld [tilespmem:s26+$0xFFFFFFE0];
	v58 =	vadd.s32 v7, v14;
	v17 =	vand.u32 $0x7E, v55;
	v57 =	vmul.f32 $5.656854150e+00, v47;
	[tilespmem:v23+s7+$0x0] =	vst.idx.msk $0xffff, v8  }
0x29b: {  	v60 =	vadd.s32 v6, v17;
	v8 =	vmul.f32 $5.656854150e+00, v48;
	[tilespmem:v20+s7+$0x0] =	vst.idx.msk $0xffff, v22  }
0x29c: {  	v61 =	vmul.f32 $5.656854150e+00, v51;
	v62 =	vadd.s32 v7, v17;
	[tilespmem:v49+s7+$0x0] =	vst.idx.msk $0xffff, v57  }
0x29d: {  	[tilespmem:v52+s7+$0x0] =	vst.idx.msk $0xffff, v8;
	v8 =	vmul.f32 $5.656854150e+00, v53  }
0x29e: {  	v63 =	vmul.f32 $5.656854150e+00, v56;
	[tilespmem:v54+s7+$0x0] =	vst.idx.msk $0xffff, v61  }
0x29f: {  	[tilespmem:v58+s7+$0x0] =	vst.idx.msk $0xffff, v8;
	v8 =	vmul.f32 $5.656854150e+00, v59  }
0x2a0: {  	s24 =	simm.s32 $0x10;
	[tilespmem:v60+s7+$0x0] =	vst.idx.msk $0xffff, v63  }
0x2a1: {  	s26 =	sadd.s32 $0x0, s22;
	s25 =	simm.s32 $0x10888;
	s23 =	simm.s32 $0x10800;
	[tilespmem:v62+s7+$0x0] =	vst.idx.msk $0xffff, v8  }
.LBB2_68:
0x2a2: {  	[hbm4b:s26+s3] =	stream.linear.scatter [tilespmem:s23], [sflag:$0x3], $0x80, $0x38;
	[tilespmem:$0x1B200] =	vst v63  }
0x2a3: {  	s26 =	smov.u32 s24;
	s23 =	smov.u32 s25;
	p0 =	seq.s32 s24, $0x1F0  }
.Ltmp36:
0x2a4: {  	s24 =	sadd.s32 $0x10, s24;
	(pc) =	sbr.rel @!p0 .LBB2_68-.Ltmp36, $2  }
0x2a5: {  	_ =	sdelay $0x2  }
0x2a6: {  	s25 =	sadd.s32 $0x88, s25;
	s26 =	sadd.s32 s26, s22  }
0x2a7: {  	[hbm4b:s26+s3] =	stream.linear.scatter [tilespmem:s23], [sflag:$0x3], $0x80, $0x38;
	[tilespmem:$0x1B200] =	vst v63  }
0x2a8: {  	s22 =	simm.s32 $0x11D40  }
0x2a9: {  	s23 =	simm.s32 $0x10;
	s25 =	sadd.s32 $0x0, s21;
	s24 =	simm.s32 $0x11DC8  }
.LBB2_70:
0x2aa: {  	[hbm4b:s25+s3] =	stream.linear.scatter [tilespmem:s22], [sflag:$0x3], $0x80, $0x38;
	[tilespmem:$0x1B200] =	vst v63  }
0x2ab: {  	s25 =	smov.u32 s23;
	s22 =	smov.u32 s24;
	p0 =	seq.s32 s23, $0x1F0  }
.Ltmp37:
0x2ac: {  	s23 =	sadd.s32 $0x10, s23;
	(pc) =	sbr.rel @!p0 .LBB2_70-.Ltmp37, $2  }
0x2ad: {  	_ =	sdelay $0x2  }
0x2ae: {  	s24 =	sadd.s32 $0x88, s24;
	s25 =	sadd.s32 s25, s21  }
0x2af: {  	[hbm4b:s25+s3] =	stream.linear.scatter [tilespmem:s22], [sflag:$0x3], $0x80, $0x38;
	[tilespmem:$0x1B200] =	vst v63  }
0x2b0: {  	s21 =	simm.s32 $0x13280  }
0x2b1: {  	s22 =	simm.s32 $0x10;
	s24 =	sadd.s32 $0x0, s20;
	s23 =	simm.s32 $0x13308  }
.LBB2_72:
0x2b2: {  	[hbm4b:s24+s3] =	stream.linear.scatter [tilespmem:s21], [sflag:$0x3], $0x80, $0x38;
	[tilespmem:$0x1B200] =	vst v63  }
0x2b3: {  	s24 =	smov.u32 s22;
	s21 =	smov.u32 s23;
	p0 =	seq.s32 s22, $0x1F0  }
.Ltmp38:
0x2b4: {  	s22 =	sadd.s32 $0x10, s22;
	(pc) =	sbr.rel @!p0 .LBB2_72-.Ltmp38, $2  }
0x2b5: {  	_ =	sdelay $0x2  }
0x2b6: {  	s23 =	sadd.s32 $0x88, s23;
	s24 =	sadd.s32 s24, s20  }
0x2b7: {  	[hbm4b:s24+s3] =	stream.linear.scatter [tilespmem:s21], [sflag:$0x3], $0x80, $0x38;
	[tilespmem:$0x1B200] =	vst v63  }
0x2b8: {  	s20 =	simm.s32 $0x147C0  }
0x2b9: {  	s21 =	simm.s32 $0x10;
	s23 =	sadd.s32 $0x0, s19;
	s22 =	simm.s32 $0x14848  }
.LBB2_74:
0x2ba: {  	[hbm4b:s23+s3] =	stream.linear.scatter [tilespmem:s20], [sflag:$0x3], $0x80, $0x38;
	[tilespmem:$0x1B200] =	vst v63  }
0x2bb: {  	s23 =	smov.u32 s21;
	s20 =	smov.u32 s22;
	p0 =	sne.s32 s21, $0x1F0  }
.Ltmp39:
0x2bc: {  	s21 =	sadd.s32 $0x10, s21;
	(pc) =	sbr.rel @p0 .LBB2_74-.Ltmp39, $2  }
0x2bd: {  	_ =	sdelay $0x2  }
0x2be: {  	s22 =	sadd.s32 $0x88, s22;
	s23 =	sadd.s32 s23, s19  }
0x2bf: {  	[hbm4b:s23+s3] =	stream.linear.scatter [tilespmem:s20], [sflag:$0x3], $0x80, $0x38;
	[tilespmem:$0x1B200] =	vst v63  }
0x2c0: {  	_ =	swait.ge [sflag:s16], $0x1000  }
0x2c1: {  	[sflag:s16] =	ssyncset.done $0x0  }
0x2c2: {  	[sflag:s16] =	ssyncadd.s32 $0xFFFFF000  }
0x2c3: {  	_ =	swait.ge [sflag:s16], $0x1000  }
0x2c4: {  	[sflag:s16] =	ssyncset.done $0x0  }
0x2c5: {  	[sflag:s16] =	ssyncadd.s32 $0xFFFFF000  }
0x2c6: {  	_ =	swait.ge [sflag:s16], $0x1000  }
0x2c7: {  	[sflag:s16] =	ssyncset.done $0x0  }
0x2c8: {  	[sflag:s16] =	ssyncadd.s32 $0xFFFFF000  }
0x2c9: {  	_ =	swait.ge [sflag:s16], $0x1000  }
0x2ca: {  	[sflag:s16] =	ssyncset.done $0x0  }
0x2cb: {  	s22 =	simm.s32 $0xC800;
	s19 =	simm.s32 $0x3;
	[sflag:s16] =	ssyncadd.s32 $0xFFFFF000  }
0x2cc: {  	v8 =	vmov s19;
	v11 =	vld [tilespmem:s22+$0x60]  }
0x2cd: {  	s28 =	simm.s32 $0x0;
	v8 =	vand.u32 $0x7F, v8;
	v18 =	vld [tilespmem:s22+$0x70]  }
0x2ce: {  	v9 =	vmov s28;
	v20 =	vadd.s32 v0, v8;
	v19 =	vld [tilespmem:s22+$0x0]  }
0x2cf: {  	s29 =	simm.s32 $0x1;
	v9 =	vand.u32 $0x7C, v9;
	v26 =	vadd.s32 v1, v8;
	v21 =	vld [tilespmem:s22+$0x10]  }
0x2d0: {  	v10 =	vmov s29;
	v14 =	vadd.s32 v0, v9;
	v16 =	vld [tilespmem:s22+$0x20]  }
0x2d1: {  	s18 =	sor.u32 $0x600, s18;
	s30 =	simm.s32 $0x2;
	v10 =	vand.u32 $0x7D, v10;
	v12 =	vadd.s32 v1, v9;
	v13 =	vld [tilespmem:s22+$0x30];
	v24 =	vmul.f32 $5.656854150e+00, v11  }
0x2d2: {  	s23 =	simm.s32 $0x7;
	s24 =	simm.s32 $0xC880;
	s26 =	simm.s32 $0x8;
	v15 =	vadd.s32 v0, v10;
	v17 =	vld [tilespmem:s22+$0x40];
	v11 =	vmov s30;
	v27 =	vmul.f32 $5.656854150e+00, v18  }
0x2d3: {  	s25 =	simm.s32 $0x4;
	s21 =	sadd.s32 s2, s18;
	s20 =	sadd.s32 s18, s8;
	v22 =	vmul.f32 $5.656854150e+00, v19;
	v18 =	vadd.s32 v1, v10;
	v19 =	vld [tilespmem:s22+$0x50];
	v23 =	vand.u32 $0x7E, v11;
	[tilespmem:v20+s11+$0x0] =	vst.idx.msk $0xffff, v24  }
0x2d4: {  	s19 =	sadd.s32 s18, s9;
	s18 =	sadd.s32 s18, s10;
	v25 =	vmov s23;
	s22 =	simm.s32 $0x4;
	v20 =	vld [tilespmem:s24+$0x60];
	v24 =	vmul.f32 $5.656854150e+00, v21;
	v21 =	vadd.s32 v0, v23;
	[tilespmem:v26+s11+$0x0] =	vst.idx.msk $0xffff, v27  }
.LBB2_76:
0x2d5: {  	p0 =	slt.u32 s26, $0x7C;
	v26 =	vld [tilespmem:s24+$0x70];
	v25 =	vand.u32 $0x7F, v25;
	[tilespmem:v14+s11+$0x0] =	vst.idx.msk $0xffff, v22;
	v14 =	vmul.f32 $5.656854150e+00, v16;
	v22 =	vadd.s32 v1, v23  }
0x2d6: {  	v16 =	vmov s25;
	v23 =	vld [tilespmem:s24+$0x0];
	v27 =	vadd.s32 v0, v25;
	[tilespmem:v12+s11+$0x0] =	vst.idx.msk $0xffff, v24;
	v12 =	vmul.f32 $5.656854150e+00, v13  }
0x2d7: {  	s28 =	sadd.s32 $0x1, s25;
	v13 =	vand.u32 $0x7C, v16;
	v28 =	vadd.s32 v1, v25;
	v24 =	vld [tilespmem:s24+$0x10];
	[tilespmem:v15+s11+$0x0] =	vst.idx.msk $0xffff, v14;
	v15 =	vmul.f32 $5.656854150e+00, v17  }
.Ltmp40:
0x2d8: {  	v14 =	vadd.s32 v0, v13;
	v17 =	vmov s28;
	v16 =	vld [tilespmem:s24+$0x20];
	[tilespmem:v18+s11+$0x0] =	vst.idx.msk $0xffff, v12;
	v18 =	vmul.f32 $5.656854150e+00, v19;
	(pc) =	sbr.rel @p0 .LBB2_76-.Ltmp40, $4  }
0x2d9: {  	s28 =	sadd.s32 $0x2, s25;
	s25 =	smov.u32 s26;
	v12 =	vadd.s32 v1, v13;
	v19 =	vand.u32 $0x7D, v17;
	v13 =	vld [tilespmem:s24+$0x30];
	v20 =	vmul.f32 $5.656854150e+00, v20;
	[tilespmem:v21+s11+$0x0] =	vst.idx.msk $0xffff, v15  }
0x2da: {  	v15 =	vadd.s32 v0, v19;
	v21 =	vmov s28;
	v17 =	vld [tilespmem:s24+$0x40];
	v26 =	vmul.f32 $5.656854150e+00, v26;
	[tilespmem:v22+s11+$0x0] =	vst.idx.msk $0xffff, v18  }
0x2db: {  	s28 =	sadd.s32 $0x3, s26;
	v18 =	vadd.s32 v1, v19;
	v22 =	vmul.f32 $5.656854150e+00, v23;
	v19 =	vld [tilespmem:s24+$0x50];
	v23 =	vand.u32 $0x7E, v21;
	[tilespmem:v27+s11+$0x0] =	vst.idx.msk $0xffff, v20;
	s24 =	sadd.s32 $0x80, s24  }
0x2dc: {  	s26 =	sadd.s32 $0x4, s26;
	v25 =	vmov s28;
	v20 =	vld [tilespmem:s24+$0x60];
	v24 =	vmul.f32 $5.656854150e+00, v24;
	v21 =	vadd.s32 v0, v23;
	[tilespmem:v28+s11+$0x0] =	vst.idx.msk $0xffff, v26  }
0x2dd: {  	_ =	sdelay $0x3  }
0x2de: {  	v26 =	vld [tilespmem:s24+$0x70];
	v25 =	vand.u32 $0x7F, v25;
	[tilespmem:v14+s11+$0x0] =	vst.idx.msk $0xffff, v22;
	v14 =	vmul.f32 $5.656854150e+00, v16;
	v16 =	vadd.s32 v1, v23  }
0x2df: {  	v22 =	vmov s25;
	v23 =	vld [tilespmem:s24+$0x0];
	v27 =	vadd.s32 v0, v25;
	[tilespmem:v12+s11+$0x0] =	vst.idx.msk $0xffff, v24;
	v12 =	vmul.f32 $5.656854150e+00, v13  }
0x2e0: {  	s26 =	sadd.s32 $0x1, s25;
	v13 =	vld [tilespmem:s24+$0x10];
	v22 =	vand.u32 $0x7C, v22;
	v61 =	vadd.s32 v1, v25;
	[tilespmem:v15+s11+$0x0] =	vst.idx.msk $0xffff, v14;
	v14 =	vmul.f32 $5.656854150e+00, v17  }
0x2e1: {  	v62 =	vld [tilespmem:s24+$0x20];
	v15 =	vadd.s32 v0, v22;
	v17 =	vmov s26;
	[tilespmem:v18+s11+$0x0] =	vst.idx.msk $0xffff, v12;
	v12 =	vmul.f32 $5.656854150e+00, v19  }
0x2e2: {  	s29 =	sadd.s32 $0x2, s25;
	v18 =	vadd.s32 v1, v22;
	v19 =	vld [tilespmem:s24+$0x30];
	v17 =	vand.u32 $0x7D, v17;
	v20 =	vmul.f32 $5.656854150e+00, v20;
	[tilespmem:v21+s11+$0x0] =	vst.idx.msk $0xffff, v14  }
0x2e3: {  	v22 =	vld [tilespmem:s24+$0x40];
	v14 =	vadd.s32 v0, v17;
	v21 =	vmov s29;
	v26 =	vmul.f32 $5.656854150e+00, v26;
	[tilespmem:v16+s11+$0x0] =	vst.idx.msk $0xffff, v12  }
0x2e4: {  	v12 =	vmul.f32 $5.656854150e+00, v23;
	v16 =	vadd.s32 v1, v17;
	v17 =	vld [tilespmem:s24+$0x50];
	v21 =	vand.u32 $0x7E, v21;
	[tilespmem:v27+s11+$0x0] =	vst.idx.msk $0xffff, v20  }
0x2e5: {  	v13 =	vmul.f32 $5.656854150e+00, v13;
	v20 =	vadd.s32 v0, v21;
	[tilespmem:v61+s11+$0x0] =	vst.idx.msk $0xffff, v26  }
0x2e6: {  	[tilespmem:v15+s11+$0x0] =	vst.idx.msk $0xffff, v12;
	v12 =	vmul.f32 $5.656854150e+00, v62;
	v15 =	vadd.s32 v1, v21  }
0x2e7: {  	[tilespmem:v18+s11+$0x0] =	vst.idx.msk $0xffff, v13;
	v13 =	vmul.f32 $5.656854150e+00, v19  }
0x2e8: {  	[tilespmem:v14+s11+$0x0] =	vst.idx.msk $0xffff, v12;
	v12 =	vmul.f32 $5.656854150e+00, v22  }
0x2e9: {  	[tilespmem:v16+s11+$0x0] =	vst.idx.msk $0xffff, v13;
	v13 =	vmul.f32 $5.656854150e+00, v17  }
0x2ea: {  	[tilespmem:v20+s11+$0x0] =	vst.idx.msk $0xffff, v12  }
0x2eb: {  	s30 =	simm.s32 $0xD800;
	[tilespmem:v15+s11+$0x0] =	vst.idx.msk $0xffff, v13  }
0x2ec: {  	v13 =	vld [tilespmem:s30+$0x60]  }
0x2ed: {  	v15 =	vld [tilespmem:s30+$0x70]  }
0x2ee: {  	v20 =	vadd.s32 v2, v8;
	v18 =	vld [tilespmem:s30+$0x0]  }
0x2ef: {  	v23 =	vadd.s32 v3, v8;
	v22 =	vld [tilespmem:s30+$0x10]  }
0x2f0: {  	v17 =	vadd.s32 v2, v9;
	v16 =	vld [tilespmem:s30+$0x20]  }
0x2f1: {  	v14 =	vadd.s32 v3, v9;
	v12 =	vld [tilespmem:s30+$0x30];
	v21 =	vmul.f32 $5.656854150e+00, v13  }
0x2f2: {  	v8 =	vadd.s32 v2, v10;
	v9 =	vld [tilespmem:s30+$0x40];
	v63 =	vmul.f32 $5.656854150e+00, v15  }
0x2f3: {  	s24 =	simm.s32 $0xD880;
	v19 =	vand.u32 $0x7E, v11;
	v10 =	vadd.s32 v3, v10;
	v18 =	vmul.f32 $5.656854150e+00, v18;
	v13 =	vld [tilespmem:s30+$0x50];
	[tilespmem:v20+s11+$0x0] =	vst.idx.msk $0xffff, v21  }
0x2f4: {  	v11 =	vld [tilespmem:s24+$0x60];
	v15 =	vadd.s32 v2, v19;
	v21 =	vmov s23;
	s23 =	simm.s32 $0x8;
	v20 =	vmul.f32 $5.656854150e+00, v22;
	[tilespmem:v23+s11+$0x0] =	vst.idx.msk $0xffff, v63  }
.LBB2_78:
0x2f5: {  	p0 =	slt.u32 s23, $0x7C;
	v22 =	vld [tilespmem:s24+$0x70];
	v21 =	vand.u32 $0x7F, v21;
	[tilespmem:v17+s11+$0x0] =	vst.idx.msk $0xffff, v18;
	v16 =	vmul.f32 $5.656854150e+00, v16;
	v18 =	vadd.s32 v3, v19  }
0x2f6: {  	v17 =	vmov s22;
	v19 =	vld [tilespmem:s24+$0x0];
	v23 =	vadd.s32 v2, v21;
	[tilespmem:v14+s11+$0x0] =	vst.idx.msk $0xffff, v20;
	v12 =	vmul.f32 $5.656854150e+00, v12  }
0x2f7: {  	s25 =	sadd.s32 $0x1, s22;
	v14 =	vand.u32 $0x7C, v17;
	v24 =	vadd.s32 v3, v21;
	v20 =	vld [tilespmem:s24+$0x10];
	[tilespmem:v8+s11+$0x0] =	vst.idx.msk $0xffff, v16;
	v8 =	vmul.f32 $5.656854150e+00, v9  }
.Ltmp41:
0x2f8: {  	v17 =	vadd.s32 v2, v14;
	v9 =	vmov s25;
	v16 =	vld [tilespmem:s24+$0x20];
	[tilespmem:v10+s11+$0x0] =	vst.idx.msk $0xffff, v12;
	v10 =	vmul.f32 $5.656854150e+00, v13;
	(pc) =	sbr.rel @p0 .LBB2_78-.Ltmp41, $4  }
0x2f9: {  	v14 =	vadd.s32 v3, v14;
	s25 =	sadd.s32 $0x2, s22;
	s22 =	smov.u32 s23;
	v13 =	vand.u32 $0x7D, v9;
	v12 =	vld [tilespmem:s24+$0x30];
	v11 =	vmul.f32 $5.656854150e+00, v11;
	[tilespmem:v15+s11+$0x0] =	vst.idx.msk $0xffff, v8  }
0x2fa: {  	v8 =	vadd.s32 v2, v13;
	v15 =	vmov s25;
	v9 =	vld [tilespmem:s24+$0x40];
	v22 =	vmul.f32 $5.656854150e+00, v22;
	[tilespmem:v18+s11+$0x0] =	vst.idx.msk $0xffff, v10  }
0x2fb: {  	s25 =	sadd.s32 $0x3, s23;
	v10 =	vadd.s32 v3, v13;
	v18 =	vmul.f32 $5.656854150e+00, v19;
	v13 =	vld [tilespmem:s24+$0x50];
	v19 =	vand.u32 $0x7E, v15;
	[tilespmem:v23+s11+$0x0] =	vst.idx.msk $0xffff, v11;
	s24 =	sadd.s32 $0x80, s24  }
0x2fc: {  	s23 =	sadd.s32 $0x4, s23;
	v21 =	vmov s25;
	v11 =	vld [tilespmem:s24+$0x60];
	v20 =	vmul.f32 $5.656854150e+00, v20;
	v15 =	vadd.s32 v2, v19;
	[tilespmem:v24+s11+$0x0] =	vst.idx.msk $0xffff, v22  }
0x2fd: {  	_ =	sdelay $0x3  }
0x2fe: {  	v22 =	vld [tilespmem:s24+$0x70];
	v21 =	vand.u32 $0x7F, v21;
	[tilespmem:v17+s11+$0x0] =	vst.idx.msk $0xffff, v18;
	v16 =	vmul.f32 $5.656854150e+00, v16;
	v56 =	vadd.s32 v3, v19  }
0x2ff: {  	v18 =	vmov s22;
	v19 =	vld [tilespmem:s24+$0x0];
	v23 =	vadd.s32 v2, v21;
	[tilespmem:v14+s11+$0x0] =	vst.idx.msk $0xffff, v20;
	v12 =	vmul.f32 $5.656854150e+00, v12  }
0x300: {  	v57 =	vld [tilespmem:s24+$0x10];
	s23 =	sadd.s32 $0x1, s22;
	v18 =	vand.u32 $0x7C, v18;
	v20 =	vadd.s32 v3, v21;
	[tilespmem:v8+s11+$0x0] =	vst.idx.msk $0xffff, v16;
	v8 =	vmul.f32 $5.656854150e+00, v9  }
0x301: {  	v58 =	vmov s23;
	v21 =	vld [tilespmem:s24+$0x20];
	v9 =	vadd.s32 v2, v18;
	[tilespmem:v10+s11+$0x0] =	vst.idx.msk $0xffff, v12;
	v10 =	vmul.f32 $5.656854150e+00, v13  }
0x302: {  	v60 =	vld [tilespmem:s24+$0x30];
	s30 =	sadd.s32 $0x2, s22;
	v59 =	vadd.s32 v3, v18;
	v16 =	vand.u32 $0x7D, v58;
	v11 =	vmul.f32 $5.656854150e+00, v11;
	[tilespmem:v15+s11+$0x0] =	vst.idx.msk $0xffff, v8  }
0x303: {  	v61 =	vmov s30;
	v18 =	vld [tilespmem:s24+$0x40];
	v8 =	vadd.s32 v2, v16;
	v22 =	vmul.f32 $5.656854150e+00, v22;
	[tilespmem:v56+s11+$0x0] =	vst.idx.msk $0xffff, v10  }
0x304: {  	v62 =	vld [tilespmem:s24+$0x50];
	v16 =	vadd.s32 v3, v16;
	v15 =	vand.u32 $0x7E, v61;
	v10 =	vmul.f32 $5.656854150e+00, v19;
	[tilespmem:v23+s11+$0x0] =	vst.idx.msk $0xffff, v11  }
0x305: {  	v63 =	vadd.s32 v2, v15;
	v11 =	vmul.f32 $5.656854150e+00, v57;
	[tilespmem:v20+s11+$0x0] =	vst.idx.msk $0xffff, v22  }
0x306: {  	[tilespmem:v9+s11+$0x0] =	vst.idx.msk $0xffff, v10;
	v9 =	vmul.f32 $5.656854150e+00, v21;
	v10 =	vadd.s32 v3, v15  }
0x307: {  	p0 =	por $0x1, $0x1;
	[tilespmem:v59+s11+$0x0] =	vst.idx.msk $0xffff, v11;
	v11 =	vmul.f32 $5.656854150e+00, v60  }
.Ltmp42:
0x308: {  	[tilespmem:v8+s11+$0x0] =	vst.idx.msk $0xffff, v9;
	v8 =	vmul.f32 $5.656854150e+00, v18;
	(pc) =	sbr.rel @!p0 .LBB2_80-.Ltmp42, $4  }
0x309: {  	v9 =	vmul.f32 $5.656854150e+00, v62;
	[tilespmem:v16+s11+$0x0] =	vst.idx.msk $0xffff, v11  }
0x30a: {  	[tilespmem:v63+s11+$0x0] =	vst.idx.msk $0xffff, v8  }
0x30b: {  	s25 =	simm.s32 $0xE800;
	s24 =	simm.s32 $0x3;
	[tilespmem:v10+s11+$0x0] =	vst.idx.msk $0xffff, v9  }
0x30c: {  	s22 =	simm.s32 $0x4;
	p1 =	por $0x0, $0x0;
	s23 =	simm.s32 $0x0;
	v20 =	vmov s24;
	v8 =	vld [tilespmem:s25+$0x60]  }
0x30d: {  	v15 =	vld [tilespmem:s25+$0x70];
	v9 =	vand.u32 $0x7F, v20  }
0x30e: {  	v16 =	vld [tilespmem:s25+$0x0];
	v10 =	vmov s23;
	v17 =	vadd.s32 v4, v9  }
0x30f: {  	v21 =	vld [tilespmem:s25+$0x10];
	s26 =	simm.s32 $0x1;
	p2 =	por $0x1, $0x1;
	v12 =	vand.u32 $0x7C, v10;
	v22 =	vadd.s32 v5, v9  }
.Ltmp43:
0x310: {  	v10 =	vld [tilespmem:s25+$0x20];
	v13 =	vmov s26;
	v9 =	vadd.s32 v4, v12;
	(pc) =	sbr.rel @!p2 .LBB2_82-.Ltmp43, $4  }
0x311: {  	v11 =	vld [tilespmem:s25+$0x30];
	s29 =	simm.s32 $0x2;
	v12 =	vadd.s32 v5, v12;
	v19 =	vand.u32 $0x7D, v13;
	v8 =	vmul.f32 $5.656854150e+00, v8  }
0x312: {  	v14 =	vld [tilespmem:s25+$0x40];
	v20 =	vmov s29;
	v13 =	vadd.s32 v4, v19;
	v23 =	vmul.f32 $5.656854150e+00, v15  }
0x313: {  	s30 =	simm.s32 $0x7;
	v15 =	vld [tilespmem:s25+$0x50];
	v18 =	vmul.f32 $5.656854150e+00, v16;
	v16 =	vadd.s32 v5, v19;
	v19 =	vand.u32 $0x7E, v20;
	s25 =	simm.s32 $0xE880;
	[tilespmem:v17+s11+$0x0] =	vst.idx.msk $0xffff, v8  }
0x314: {  	s28 =	simm.s32 $0x8;
	p1 =	por $0x1, $0x1;
	s26 =	simm.s32 $0x4;
	v20 =	vmov s30;
	v21 =	vmul.f32 $5.656854150e+00, v21;
	v8 =	vld [tilespmem:s25+$0x60];
	v17 =	vadd.s32 v4, v19;
	[tilespmem:v22+s11+$0x0] =	vst.idx.msk $0xffff, v23  }
.LBB2_83:
0x315: {  	p2 =	slt.u32 s28, $0x7C;
	v22 =	vld [tilespmem:s25+$0x70];
	v20 =	vand.u32 $0x7F, v20;
	[tilespmem:v9+s11+$0x0] =	vst.idx.msk $0xffff, v18;
	v9 =	vmul.f32 $5.656854150e+00, v10;
	v18 =	vadd.s32 v5, v19  }
0x316: {  	v10 =	vmov s26;
	v19 =	vld [tilespmem:s25+$0x0];
	v23 =	vadd.s32 v4, v20;
	[tilespmem:v12+s11+$0x0] =	vst.idx.msk $0xffff, v21;
	v11 =	vmul.f32 $5.656854150e+00, v11  }
0x317: {  	s29 =	sadd.s32 $0x1, s26;
	v12 =	vand.u32 $0x7C, v10;
	v24 =	vadd.s32 v5, v20;
	v21 =	vld [tilespmem:s25+$0x10];
	[tilespmem:v13+s11+$0x0] =	vst.idx.msk $0xffff, v9;
	v13 =	vmul.f32 $5.656854150e+00, v14  }
.Ltmp44:
0x318: {  	v9 =	vadd.s32 v4, v12;
	v14 =	vmov s29;
	v10 =	vld [tilespmem:s25+$0x20];
	[tilespmem:v16+s11+$0x0] =	vst.idx.msk $0xffff, v11;
	v15 =	vmul.f32 $5.656854150e+00, v15;
	(pc) =	sbr.rel @p2 .LBB2_83-.Ltmp44, $4  }
0x319: {  	v12 =	vadd.s32 v5, v12;
	s29 =	sadd.s32 $0x2, s26;
	s26 =	smov.u32 s28;
	v16 =	vand.u32 $0x7D, v14;
	v11 =	vld [tilespmem:s25+$0x30];
	v8 =	vmul.f32 $5.656854150e+00, v8;
	[tilespmem:v17+s11+$0x0] =	vst.idx.msk $0xffff, v13  }
0x31a: {  	v13 =	vadd.s32 v4, v16;
	v17 =	vmov s29;
	v14 =	vld [tilespmem:s25+$0x40];
	v22 =	vmul.f32 $5.656854150e+00, v22;
	[tilespmem:v18+s11+$0x0] =	vst.idx.msk $0xffff, v15  }
0x31b: {  	s29 =	sadd.s32 $0x3, s28;
	v16 =	vadd.s32 v5, v16;
	v18 =	vmul.f32 $5.656854150e+00, v19;
	v15 =	vld [tilespmem:s25+$0x50];
	v19 =	vand.u32 $0x7E, v17;
	[tilespmem:v23+s11+$0x0] =	vst.idx.msk $0xffff, v8;
	s25 =	sadd.s32 $0x80, s25  }
0x31c: {  	s28 =	sadd.s32 $0x4, s28;
	v20 =	vmov s29;
	v8 =	vld [tilespmem:s25+$0x60];
	v21 =	vmul.f32 $5.656854150e+00, v21;
	v17 =	vadd.s32 v4, v19;
	[tilespmem:v24+s11+$0x0] =	vst.idx.msk $0xffff, v22  }
.LBB2_84:
0x31d: {  	_ =	sdelay $0x3  }
0x31e: {  	v22 =	vld [tilespmem:s25+$0x70];
	v20 =	vand.u32 $0x7F, v20;
	[tilespmem:v9+s11+$0x0] =	vst.idx.msk @p1 $0xffff, v18;
	v9 =	vmul.f32 @p1 $5.656854150e+00, v10;
	v10 =	vadd.s32 @p1 v5, v19  }
0x31f: {  	v18 =	vmov s26;
	v19 =	vld [tilespmem:s25+$0x0];
	v23 =	vadd.s32 v4, v20;
	[tilespmem:v12+s11+$0x0] =	vst.idx.msk @p1 $0xffff, v21;
	v11 =	vmul.f32 @p1 $5.656854150e+00, v11  }
0x320: {  	v55 =	vld [tilespmem:s25+$0x10];
	s28 =	sadd.s32 $0x1, s26;
	v18 =	vand.u32 $0x7C, v18;
	v20 =	vadd.s32 v5, v20;
	[tilespmem:v13+s11+$0x0] =	vst.idx.msk @p1 $0xffff, v9;
	v9 =	vmul.f32 @p1 $5.656854150e+00, v14  }
0x321: {  	v57 =	vmov s28;
	v21 =	vld [tilespmem:s25+$0x20];
	v56 =	vadd.s32 v4, v18;
	[tilespmem:v16+s11+$0x0] =	vst.idx.msk @p1 $0xffff, v11;
	v11 =	vmul.f32 @p1 $5.656854150e+00, v15  }
0x322: {  	v59 =	vld [tilespmem:s25+$0x30];
	s30 =	sadd.s32 $0x2, s26;
	v58 =	vadd.s32 v5, v18;
	v14 =	vand.u32 $0x7D, v57;
	v8 =	vmul.f32 $5.656854150e+00, v8;
	[tilespmem:v17+s11+$0x0] =	vst.idx.msk @p1 $0xffff, v9  }
0x323: {  	v60 =	vmov s30;
	v18 =	vld [tilespmem:s25+$0x40];
	v9 =	vadd.s32 v4, v14;
	v22 =	vmul.f32 $5.656854150e+00, v22;
	[tilespmem:v10+s11+$0x0] =	vst.idx.msk @p1 $0xffff, v11  }
0x324: {  	v61 =	vld [tilespmem:s25+$0x50];
	v17 =	vand.u32 $0x7E, v60;
	v10 =	vmul.f32 $5.656854150e+00, v19;
	v11 =	vadd.s32 v5, v14;
	[tilespmem:v23+s11+$0x0] =	vst.idx.msk $0xffff, v8  }
0x325: {  	v62 =	vadd.s32 v4, v17;
	v8 =	vmul.f32 $5.656854150e+00, v55;
	[tilespmem:v20+s11+$0x0] =	vst.idx.msk $0xffff, v22  }
0x326: {  	v63 =	vadd.s32 v5, v17;
	[tilespmem:v56+s11+$0x0] =	vst.idx.msk $0xffff, v10;
	v10 =	vmul.f32 $5.656854150e+00, v21  }
0x327: {  	[tilespmem:v58+s11+$0x0] =	vst.idx.msk $0xffff, v8;
	v8 =	vmul.f32 $5.656854150e+00, v59  }
.Ltmp45:
0x328: {  	[tilespmem:v9+s11+$0x0] =	vst.idx.msk $0xffff, v10;
	v9 =	vmul.f32 $5.656854150e+00, v18;
	(pc) =	sbr.rel @!p0 .LBB2_85-.Ltmp45, $4  }
0x329: {  	[tilespmem:v11+s11+$0x0] =	vst.idx.msk $0xffff, v8;
	v8 =	vmul.f32 $5.656854150e+00, v61  }
0x32a: {  	[tilespmem:v62+s11+$0x0] =	vst.idx.msk $0xffff, v9  }
0x32b: {  	s25 =	simm.s32 $0xF800;
	[tilespmem:v63+s11+$0x0] =	vst.idx.msk $0xffff, v8  }
0x32c: {  	p1 =	por $0x0, $0x0;
	v20 =	vmov s24;
	v8 =	vld [tilespmem:s25+$0x60]  }
0x32d: {  	v15 =	vld [tilespmem:s25+$0x70];
	v9 =	vand.u32 $0x7F, v20  }
0x32e: {  	v16 =	vld [tilespmem:s25+$0x0];
	v10 =	vmov s23;
	v17 =	vadd.s32 v6, v9  }
0x32f: {  	v21 =	vld [tilespmem:s25+$0x10];
	s28 =	simm.s32 $0x1;
	p0 =	por $0x1, $0x1;
	v12 =	vand.u32 $0x7C, v10;
	v22 =	vadd.s32 v7, v9  }
.Ltmp46:
0x330: {  	v11 =	vld [tilespmem:s25+$0x20];
	v13 =	vmov s28;
	v10 =	vadd.s32 v6, v12;
	(pc) =	sbr.rel @!p0 .LBB2_87-.Ltmp46, $4  }
0x331: {  	s29 =	simm.s32 $0x2;
	v9 =	vld [tilespmem:s25+$0x30];
	v12 =	vadd.s32 v7, v12;
	v19 =	vand.u32 $0x7D, v13;
	v8 =	vmul.f32 $5.656854150e+00, v8  }
0x332: {  	v14 =	vld [tilespmem:s25+$0x40];
	v20 =	vmov s29;
	v13 =	vadd.s32 v6, v19;
	v23 =	vmul.f32 $5.656854150e+00, v15  }
0x333: {  	s30 =	simm.s32 $0x7;
	v15 =	vld [tilespmem:s25+$0x50];
	v18 =	vmul.f32 $5.656854150e+00, v16;
	v16 =	vadd.s32 v7, v19;
	v19 =	vand.u32 $0x7E, v20;
	s25 =	simm.s32 $0xF880;
	[tilespmem:v17+s11+$0x0] =	vst.idx.msk $0xffff, v8  }
0x334: {  	s23 =	simm.s32 $0x8;
	p1 =	por $0x1, $0x1;
	v20 =	vmov s30;
	v21 =	vmul.f32 $5.656854150e+00, v21;
	v8 =	vld [tilespmem:s25+$0x60];
	v17 =	vadd.s32 v6, v19;
	[tilespmem:v22+s11+$0x0] =	vst.idx.msk $0xffff, v23  }
.LBB2_88:
0x335: {  	p0 =	slt.u32 s23, $0x7C;
	v22 =	vld [tilespmem:s25+$0x70];
	v20 =	vand.u32 $0x7F, v20;
	[tilespmem:v10+s11+$0x0] =	vst.idx.msk $0xffff, v18;
	v10 =	vmul.f32 $5.656854150e+00, v11;
	v18 =	vadd.s32 v7, v19  }
0x336: {  	v11 =	vmov s22;
	v19 =	vld [tilespmem:s25+$0x0];
	v23 =	vadd.s32 v6, v20;
	[tilespmem:v12+s11+$0x0] =	vst.idx.msk $0xffff, v21;
	v9 =	vmul.f32 $5.656854150e+00, v9  }
0x337: {  	s24 =	sadd.s32 $0x1, s22;
	v12 =	vand.u32 $0x7C, v11;
	v24 =	vadd.s32 v7, v20;
	v21 =	vld [tilespmem:s25+$0x10];
	[tilespmem:v13+s11+$0x0] =	vst.idx.msk $0xffff, v10;
	v13 =	vmul.f32 $5.656854150e+00, v14  }
.Ltmp47:
0x338: {  	v10 =	vadd.s32 v6, v12;
	v14 =	vmov s24;
	v11 =	vld [tilespmem:s25+$0x20];
	[tilespmem:v16+s11+$0x0] =	vst.idx.msk $0xffff, v9;
	v15 =	vmul.f32 $5.656854150e+00, v15;
	(pc) =	sbr.rel @p0 .LBB2_88-.Ltmp47, $4  }
0x339: {  	v12 =	vadd.s32 v7, v12;
	s24 =	sadd.s32 $0x2, s22;
	s22 =	smov.u32 s23;
	v16 =	vand.u32 $0x7D, v14;
	v9 =	vld [tilespmem:s25+$0x30];
	v8 =	vmul.f32 $5.656854150e+00, v8;
	[tilespmem:v17+s11+$0x0] =	vst.idx.msk $0xffff, v13  }
0x33a: {  	v13 =	vadd.s32 v6, v16;
	v17 =	vmov s24;
	v14 =	vld [tilespmem:s25+$0x40];
	v22 =	vmul.f32 $5.656854150e+00, v22;
	[tilespmem:v18+s11+$0x0] =	vst.idx.msk $0xffff, v15  }
0x33b: {  	s24 =	sadd.s32 $0x3, s23;
	v16 =	vadd.s32 v7, v16;
	v18 =	vmul.f32 $5.656854150e+00, v19;
	v15 =	vld [tilespmem:s25+$0x50];
	v19 =	vand.u32 $0x7E, v17;
	[tilespmem:v23+s11+$0x0] =	vst.idx.msk $0xffff, v8;
	s25 =	sadd.s32 $0x80, s25  }
0x33c: {  	s23 =	sadd.s32 $0x4, s23;
	v20 =	vmov s24;
	v8 =	vld [tilespmem:s25+$0x60];
	v21 =	vmul.f32 $5.656854150e+00, v21;
	v17 =	vadd.s32 v6, v19;
	[tilespmem:v24+s11+$0x0] =	vst.idx.msk $0xffff, v22  }
0x33d: {  	s23 =	smov.u32 s22  }
.LBB2_90:
0x33e: {  	_ =	sdelay $0x3  }
0x33f: {  	v22 =	vld [tilespmem:s25+$0x70];
	v20 =	vand.u32 $0x7F, v20;
	[tilespmem:v10+s11+$0x0] =	vst.idx.msk @p1 $0xffff, v18;
	v10 =	vmul.f32 @p1 $5.656854150e+00, v11;
	v11 =	vadd.s32 @p1 v7, v19  }
0x340: {  	v46 =	vmov s23;
	v47 =	vld [tilespmem:s25+$0x0];
	v9 =	vmul.f32 @p1 $5.656854150e+00, v9;
	v23 =	vadd.s32 v6, v20;
	[tilespmem:v12+s11+$0x0] =	vst.idx.msk @p1 $0xffff, v21  }
0x341: {  	v48 =	vld [tilespmem:s25+$0x10];
	s22 =	sadd.s32 $0x1, s23;
	v18 =	vand.u32 $0x7C, v46;
	v20 =	vadd.s32 v7, v20;
	[tilespmem:v13+s11+$0x0] =	vst.idx.msk @p1 $0xffff, v10;
	v10 =	vmul.f32 @p1 $5.656854150e+00, v14  }
0x342: {  	v51 =	vld [tilespmem:s25+$0x20];
	v50 =	vmov s22;
	v49 =	vadd.s32 v6, v18;
	[tilespmem:v16+s11+$0x0] =	vst.idx.msk @p1 $0xffff, v9;
	v9 =	vmul.f32 @p1 $5.656854150e+00, v15  }
0x343: {  	v53 =	vld [tilespmem:s25+$0x30];
	s30 =	sadd.s32 $0x2, s23;
	v52 =	vadd.s32 v7, v18;
	v14 =	vand.u32 $0x7D, v50;
	v8 =	vmul.f32 $5.656854150e+00, v8;
	[tilespmem:v17+s11+$0x0] =	vst.idx.msk @p1 $0xffff, v10  }
0x344: {  	v56 =	vld [tilespmem:s25+$0x40];
	v55 =	vmov s30;
	v54 =	vadd.s32 v6, v14;
	v22 =	vmul.f32 $5.656854150e+00, v22;
	[tilespmem:v11+s11+$0x0] =	vst.idx.msk @p1 $0xffff, v9  }
0x345: {  	v59 =	vld [tilespmem:s25+$0x50];
	v58 =	vadd.s32 v7, v14;
	v17 =	vand.u32 $0x7E, v55;
	v57 =	vmul.f32 $5.656854150e+00, v47;
	[tilespmem:v23+s11+$0x0] =	vst.idx.msk $0xffff, v8  }
0x346: {  	v60 =	vadd.s32 v6, v17;
	v8 =	vmul.f32 $5.656854150e+00, v48;
	[tilespmem:v20+s11+$0x0] =	vst.idx.msk $0xffff, v22  }
0x347: {  	v61 =	vmul.f32 $5.656854150e+00, v51;
	v62 =	vadd.s32 v7, v17;
	[tilespmem:v49+s11+$0x0] =	vst.idx.msk $0xffff, v57  }
0x348: {  	[tilespmem:v52+s11+$0x0] =	vst.idx.msk $0xffff, v8;
	v8 =	vmul.f32 $5.656854150e+00, v53  }
0x349: {  	v63 =	vmul.f32 $5.656854150e+00, v56;
	[tilespmem:v54+s11+$0x0] =	vst.idx.msk $0xffff, v61  }
0x34a: {  	[tilespmem:v58+s11+$0x0] =	vst.idx.msk $0xffff, v8;
	v8 =	vmul.f32 $5.656854150e+00, v59  }
0x34b: {  	s23 =	simm.s32 $0x10;
	[tilespmem:v60+s11+$0x0] =	vst.idx.msk $0xffff, v63  }
0x34c: {  	s25 =	sadd.s32 $0x0, s21;
	s24 =	simm.s32 $0x15D88;
	s22 =	simm.s32 $0x15D00;
	[tilespmem:v62+s11+$0x0] =	vst.idx.msk $0xffff, v8  }
.LBB2_91:
0x34d: {  	[hbm4b:s25+s3] =	stream.linear.scatter [tilespmem:s22], [sflag:$0x4], $0x80, $0x38;
	[tilespmem:$0x1B200] =	vst v63  }
0x34e: {  	s25 =	smov.u32 s23;
	s22 =	smov.u32 s24;
	p0 =	seq.s32 s23, $0x1F0  }
.Ltmp48:
0x34f: {  	s23 =	sadd.s32 $0x10, s23;
	(pc) =	sbr.rel @!p0 .LBB2_91-.Ltmp48, $2  }
0x350: {  	_ =	sdelay $0x2  }
0x351: {  	s24 =	sadd.s32 $0x88, s24;
	s25 =	sadd.s32 s25, s21  }
0x352: {  	[hbm4b:s25+s3] =	stream.linear.scatter [tilespmem:s22], [sflag:$0x4], $0x80, $0x38;
	[tilespmem:$0x1B200] =	vst v63  }
0x353: {  	s21 =	simm.s32 $0x17240  }
0x354: {  	s22 =	simm.s32 $0x10;
	s24 =	sadd.s32 $0x0, s20;
	s23 =	simm.s32 $0x172C8  }
.LBB2_93:
0x355: {  	[hbm4b:s24+s3] =	stream.linear.scatter [tilespmem:s21], [sflag:$0x4], $0x80, $0x38;
	[tilespmem:$0x1B200] =	vst v63  }
0x356: {  	s24 =	smov.u32 s22;
	s21 =	smov.u32 s23;
	p0 =	seq.s32 s22, $0x1F0  }
.Ltmp49:
0x357: {  	s22 =	sadd.s32 $0x10, s22;
	(pc) =	sbr.rel @!p0 .LBB2_93-.Ltmp49, $2  }
0x358: {  	_ =	sdelay $0x2  }
0x359: {  	s23 =	sadd.s32 $0x88, s23;
	s24 =	sadd.s32 s24, s20  }
0x35a: {  	[hbm4b:s24+s3] =	stream.linear.scatter [tilespmem:s21], [sflag:$0x4], $0x80, $0x38;
	[tilespmem:$0x1B200] =	vst v63  }
0x35b: {  	s20 =	simm.s32 $0x18780  }
0x35c: {  	s21 =	simm.s32 $0x10;
	s23 =	sadd.s32 $0x0, s19;
	s22 =	simm.s32 $0x18808  }
.LBB2_95:
0x35d: {  	[hbm4b:s23+s3] =	stream.linear.scatter [tilespmem:s20], [sflag:$0x4], $0x80, $0x38;
	[tilespmem:$0x1B200] =	vst v63  }
0x35e: {  	s23 =	smov.u32 s21;
	s20 =	smov.u32 s22;
	p0 =	seq.s32 s21, $0x1F0  }
.Ltmp50:
0x35f: {  	s21 =	sadd.s32 $0x10, s21;
	(pc) =	sbr.rel @!p0 .LBB2_95-.Ltmp50, $2  }
0x360: {  	_ =	sdelay $0x2  }
0x361: {  	s22 =	sadd.s32 $0x88, s22;
	s23 =	sadd.s32 s23, s19  }
0x362: {  	[hbm4b:s23+s3] =	stream.linear.scatter [tilespmem:s20], [sflag:$0x4], $0x80, $0x38;
	[tilespmem:$0x1B200] =	vst v63  }
0x363: {  	s19 =	simm.s32 $0x19CC0  }
0x364: {  	s20 =	simm.s32 $0x10;
	s22 =	sadd.s32 $0x0, s18;
	s21 =	simm.s32 $0x19D48  }
.LBB2_97:
0x365: {  	[hbm4b:s22+s3] =	stream.linear.scatter [tilespmem:s19], [sflag:$0x4], $0x80, $0x38;
	[tilespmem:$0x1B200] =	vst v63  }
0x366: {  	s22 =	smov.u32 s20;
	s19 =	smov.u32 s21;
	p0 =	seq.s32 s20, $0x1F0  }
.Ltmp51:
0x367: {  	s20 =	sadd.s32 $0x10, s20;
	(pc) =	sbr.rel @!p0 .LBB2_97-.Ltmp51, $2  }
0x368: {  	_ =	sdelay $0x2  }
0x369: {  	s21 =	sadd.s32 $0x88, s21;
	s22 =	sadd.s32 s22, s18  }
0x36a: {  	[hbm4b:s22+s3] =	stream.linear.scatter [tilespmem:s19], [sflag:$0x4], $0x80, $0x38;
	[tilespmem:$0x1B200] =	vst v63  }
0x36b: {  	p0 =	seq.s32 s17, $0x32  }
.Ltmp52:
0x36c: {  	_ = 	snop;
	(pc) =	sbr.rel @!p0 .LBB2_3-.Ltmp52, $4  }
.Ltmp53:
0x36d: {  	_ = 	snop;
	(pc) =	sbr.rel @p0 .LBB2_99-.Ltmp53, $4  }
0x36e: {  	_ = 	snop  }
0x36f: {  	_ = 	snop  }
0x370: {  	_ = 	snop  }
0x371: {  	_ = 	snop  }
.LBB2_11:
.Ltmp54:
0x372: {  	(pc) =	sbr.rel .LBB2_15-.Ltmp54, $2  }
0x373: {  	_ =	sdelay $0x2  }
0x374: {  	v22 =	vmov v8;
	s24 =	simm.s32 $0x0;
	p4 =	por $0x0, $0x0  }
.LBB2_16:
.Ltmp55:
0x375: {  	(pc) =	sbr.rel .LBB2_21-.Ltmp55, $2  }
0x376: {  	_ =	sdelay $0x2  }
0x377: {  	_ = 	snop  }
.LBB2_34:
.Ltmp56:
0x378: {  	(pc) =	sbr.rel .LBB2_38-.Ltmp56, $2  }
0x379: {  	_ =	sdelay $0x2  }
0x37a: {  	v22 =	vmov v8;
	s23 =	simm.s32 $0x0;
	p3 =	por $0x0, $0x0  }
.LBB2_39:
.Ltmp57:
0x37b: {  	(pc) =	sbr.rel .LBB2_44-.Ltmp57, $2  }
0x37c: {  	_ =	sdelay $0x2  }
0x37d: {  	_ = 	snop  }
.LBB2_57:
.Ltmp58:
0x37e: {  	(pc) =	sbr.rel .LBB2_61-.Ltmp58, $2  }
0x37f: {  	_ =	sdelay $0x2  }
0x380: {  	s28 =	simm.s32 $0x0  }
.LBB2_62:
.Ltmp59:
0x381: {  	(pc) =	sbr.rel .LBB2_67-.Ltmp59, $2  }
0x382: {  	_ =	sdelay $0x2  }
0x383: {  	_ = 	snop  }
.LBB2_80:
.Ltmp60:
0x384: {  	(pc) =	sbr.rel .LBB2_84-.Ltmp60, $2  }
0x385: {  	_ =	sdelay $0x2  }
0x386: {  	s26 =	simm.s32 $0x0  }
.LBB2_85:
.Ltmp61:
0x387: {  	(pc) =	sbr.rel .LBB2_90-.Ltmp61, $2  }
0x388: {  	_ =	sdelay $0x2  }
0x389: {  	_ = 	snop  }
.LBB2_13:
.Ltmp62:
0x38a: {  	(pc) =	sbr.rel .LBB2_15-.Ltmp62, $2  }
0x38b: {  	_ =	sdelay $0x2  }
0x38c: {  	s24 =	simm.s32 $0x4  }
.LBB2_18:
.Ltmp63:
0x38d: {  	(pc) =	sbr.rel .LBB2_21-.Ltmp63, $2  }
0x38e: {  	_ =	sdelay $0x2  }
0x38f: {  	s22 =	simm.s32 $0x4  }
.LBB2_36:
.Ltmp64:
0x390: {  	(pc) =	sbr.rel .LBB2_38-.Ltmp64, $2  }
0x391: {  	_ =	sdelay $0x2  }
0x392: {  	s23 =	simm.s32 $0x4  }
.LBB2_41:
.Ltmp65:
0x393: {  	(pc) =	sbr.rel .LBB2_44-.Ltmp65, $2  }
0x394: {  	_ =	sdelay $0x2  }
0x395: {  	s21 =	simm.s32 $0x4  }
.LBB2_59:
.Ltmp66:
0x396: {  	(pc) =	sbr.rel .LBB2_61-.Ltmp66, $2  }
0x397: {  	_ =	sdelay $0x2  }
0x398: {  	s28 =	simm.s32 $0x4  }
.LBB2_64:
.Ltmp67:
0x399: {  	(pc) =	sbr.rel .LBB2_67-.Ltmp67, $2  }
0x39a: {  	_ =	sdelay $0x2  }
0x39b: {  	s24 =	simm.s32 $0x4  }
.LBB2_82:
.Ltmp68:
0x39c: {  	(pc) =	sbr.rel .LBB2_84-.Ltmp68, $2  }
0x39d: {  	_ =	sdelay $0x2  }
0x39e: {  	s26 =	simm.s32 $0x4  }
.LBB2_87:
.Ltmp69:
0x39f: {  	(pc) =	sbr.rel .LBB2_90-.Ltmp69, $2  }
0x3a0: {  	_ =	sdelay $0x2  }
0x3a1: {  	s23 =	simm.s32 $0x4  }
.LBB2_100:
0x3a2: {  	_ =	sfence.sel $0x180000  }
0x3a3: {  	[bflag:$0x0] =	sbarrier.arrive $0xFFFF  }
0x3a4: {  	_ =	strace $0x90000047  }
0x3a5: {  	s0 =	stileid.u32;
	[bflag:$0x2] =	sbarrier.arrive $0xFFFF  }
0x3a6: {  	p0 =	sne.s32 s0, $0x0;
	s0 =	rddreg [dreg:$0x2]  }
0x3a7: {  	s0 =	sadd.s32 @!p0 $0x100000, s0  }
0x3a8: {  	[sflag:s0] =	ssyncadd.tile.s32 @!p0 $0x1;
	_ =	shalt  }
.Lfunc_end2:
_tile_overlayer_lowered:
.L_overlay_start_2:
0x3a9: {  	(tag) =	ssettag $0x2  }
0x3aa: {  	s0 =	rddreg [dreg:$0x0];
	s2 =	stileid.u32  }
0x3ab: {  	s1 =	rddreg [dreg:$0x1];
	p0 =	sne.s32 s2, $0x0  }
0x3ac: {  	s3 =	rddreg [dreg:$0x2];
	[bflag:$0x3] =	sbarrier.arrive $0xFFFF;
	s2 =	simm.s32 @!p0 $0x1C07  }
0x3ad: {  	[timem:s3], [sflag:s2] =	dma.local @!p0 [hbm:s0], s1  }
0x3ae: {  	s0 =	simm.s32 @!p0 $0x7  }
0x3af: {  	_ =	swait.ge @!p0 [sflag:s0], s1  }
0x3b0: {  	s1 =	ssub.s32 @!p0 $0x0, s1;
	[sflag:s0] =	ssyncset.done @!p0 $0x0  }
0x3b1: {  	[sflag:s0] =	ssyncadd.s32 @!p0 s1  }
0x3b2: {  	[bflag:$0x3] =	sbarrier.arrive $0xFFFF  }
0x3b3: {  	_ =	shalt  }

</sc_bundles>
